<compile_context>
chip_gen: v7x
topology: tpu7x:2x2x1
jax: 0.10.2.dev20260603
libtpu: 0.0.44.dev20260713+nightly
codegen_flags: <defaults>
</compile_context>

<pallas_src>
import functools

import jax
import jax.numpy as jnp
from jax import lax
from jax.experimental import pallas as pl
from jax.experimental.pallas import tpu as pltpu
from jax.experimental.pallas import tpu_sc as plsc

N = 10000
E = 320000
D = 128
G = 64

NC = 2
NS = 16
NW = NC * NS

K = 128
EPT = E // NS
CH = 160
RES = 40
NSTAGE = CH // RES
EPT_PAD = CH * K
N_ACC = 10112
RPT = N_ACC // NS
DH = D // 2



@functools.partial(
    pl.kernel,
    out_type=jax.ShapeDtypeStruct((NC, N_ACC, DH), jnp.float32),
    mesh=plsc.VectorSubcoreMesh(core_axis_name="c", subcore_axis_name="s"),
    scratch_types=[
        pltpu.VMEM_SHARED((N_ACC, DH), jnp.float32),
        pltpu.VMEM_SHARED((N_ACC, DH), jnp.float32),
        pltpu.VMEM((RES, K), jnp.int32),
        pltpu.VMEM((RES, K), jnp.int32),
        pltpu.VMEM((K, DH), jnp.float32),
        pltpu.VMEM((K, DH), jnp.float32),
        pltpu.SemaphoreType.DMA,
        pltpu.SemaphoreType.DMA,
        pltpu.SemaphoreType.DMA,
        pltpu.SemaphoreType.DMA,
    ],
)
def _sc_agg(xsplit_hbm, srcs_hbm, dsts_hbm, out_hbm,
            x_sp, acc, src_v, dst_v, b0, b1,
            sem_g0, sem_g1, sem_s0, sem_s1):
    c = lax.axis_index("c")
    s = lax.axis_index("s")
    stripe = pl.ds(s * RPT, RPT)

    pltpu.sync_copy(xsplit_hbm.at[c].at[stripe], x_sp.at[stripe])
    pltpu.sync_copy(xsplit_hbm.at[c].at[stripe], acc.at[stripe])
    plsc.subcore_barrier()

    for q in range(NSTAGE):
        pltpu.sync_copy(srcs_hbm.at[s].at[pl.ds(q * RES, RES)], src_v)
        pltpu.sync_copy(dsts_hbm.at[s].at[pl.ds(q * RES, RES)], dst_v)

        def pair(t, carry):
            j = 2 * t
            g0 = pltpu.async_copy(x_sp.at[src_v.at[j]], b0, sem_g0)
            g1 = pltpu.async_copy(x_sp.at[src_v.at[j + 1]], b1, sem_g1)
            g0.wait()
            s0 = pltpu.async_copy(b0, acc.at[dst_v.at[j]], sem_s0,
                                  add=True)
            g1.wait()
            s1 = pltpu.async_copy(b1, acc.at[dst_v.at[j + 1]], sem_s1,
                                  add=True)
            s0.wait()
            s1.wait()
            return carry

        lax.fori_loop(0, RES // 2, pair, 0)
    plsc.subcore_barrier()

    pltpu.sync_copy(acc.at[stripe], out_hbm.at[c].at[stripe])



def _mlp_block(parts, w1, b1, gamma, beta, w2, b2):
    h = jnp.concatenate([parts[0, :N], parts[1, :N]], axis=1)
    y = jnp.dot(h, w1, preferred_element_type=jnp.float32) + b1
    mu = jnp.mean(y, axis=0, keepdims=True)
    var = jnp.mean(y * y, axis=0, keepdims=True) - mu * mu
    yn = gamma * (y - mu) * lax.rsqrt(var + 1e-5) + beta
    y2 = jnp.dot(jnp.maximum(yn, 0.0), w2,
                 preferred_element_type=jnp.float32) + b2
    return jnp.maximum(y2, 0.0)


def _tc_layer_body(p_ref, w1_ref, b1_ref, g_ref, be_ref, w2_ref,
                   b2_ref, out_ref):
    h = _mlp_block(p_ref[...], w1_ref[...], b1_ref[...],
                   g_ref[...], be_ref[...], w2_ref[...], b2_ref[...])
    hpad = jnp.concatenate(
        [h, jnp.zeros((N_ACC - N, D), jnp.float32)], axis=0)
    out_ref[0] = hpad[:, :DH]
    out_ref[1] = hpad[:, DH:]


def _tc_layer3_body(p_ref, w1_ref, b1_ref, g_ref, be_ref, w2_ref,
                    b2_ref, batch_ref, fw1_ref, fb1_ref, fw2_ref, fb2_ref,
                    out_ref):
    h = _mlp_block(p_ref[...], w1_ref[...], b1_ref[...], g_ref[...],
                   be_ref[...], w2_ref[...], b2_ref[...])
    onehot = (lax.broadcasted_iota(jnp.int32, (G, N), 0)
              == batch_ref[...]).astype(jnp.float32)
    pooled = jnp.dot(onehot, h, preferred_element_type=jnp.float32)
    gact = jnp.maximum(
        jnp.dot(pooled, fw1_ref[...], preferred_element_type=jnp.float32)
        + fb1_ref[...], 0.0)
    out_ref[...] = (jnp.dot(gact, fw2_ref[...],
                            preferred_element_type=jnp.float32)
                    + fb2_ref[...])


def _tc_layer(parts, layer):
    return pl.pallas_call(
        _tc_layer_body,
        out_shape=jax.ShapeDtypeStruct((NC, N_ACC, DH), jnp.float32),
    )(parts,
      layer["W1"], layer["b1"].reshape(1, -1),
      layer["gamma"].reshape(1, -1), layer["beta"].reshape(1, -1),
      layer["W2"], layer["b2"].reshape(1, -1))


def _tc_layer3(parts, layer, batch_i32, final):
    return pl.pallas_call(
        _tc_layer3_body,
        out_shape=jax.ShapeDtypeStruct((G, D), jnp.float32),
    )(parts,
      layer["W1"], layer["b1"].reshape(1, -1),
      layer["gamma"].reshape(1, -1), layer["beta"].reshape(1, -1),
      layer["W2"], layer["b2"].reshape(1, -1),
      batch_i32.reshape(1, -1),
      final["W1"], final["b1"].reshape(1, -1),
      final["W2"], final["b2"].reshape(1, -1))



def kernel(x, edge_index, batch, params):
    src = edge_index[0].astype(jnp.int32)
    dst = edge_index[1].astype(jnp.int32)
    pad = NS * EPT_PAD - E
    srcs = jnp.concatenate([src, jnp.zeros((pad,), jnp.int32)])
    dsts = jnp.concatenate([dst, jnp.full((pad,), N, jnp.int32)])
    srcs = srcs.reshape(NS, CH, K)
    dsts = dsts.reshape(NS, CH, K)
    batch_i32 = batch.astype(jnp.int32)

    xpad = jnp.concatenate(
        [x, jnp.zeros((N_ACC - N, D), jnp.float32)], axis=0)
    parts = jnp.stack([xpad[:, :DH], xpad[:, DH:]])

    for i, layer in enumerate(params["convs"]):
        parts = _sc_agg(parts, srcs, dsts)
        if i < len(params["convs"]) - 1:
            parts = _tc_layer(parts, layer)
        else:
            out = _tc_layer3(parts, layer, batch_i32, params["final"])
    return out

# --- scband reference (transcript-rebuilt; emitter-appended) ---
"""Pipeline reference for scband-gin-26912265077021 (READ-ONLY COPY).

The authoritative reference and input builder live on the scoring server;
editing this copy changes nothing except your own understanding.
"""

import jax, jax.numpy as jnp
import numpy as np

N = 10000
E = 320000
D = 128
H = 128
OUT = 128
G = 64
NUM_LAYERS = 3


def setup_inputs(seed: int = 0) -> dict:
    key = jax.random.key(seed)
    ks = jax.random.split(key, 40)
    x = jax.random.normal(ks[0], (N, D), dtype=jnp.float32)
    edge_index = jax.random.randint(ks[1], (2, E), 0, N, dtype=jnp.int64)
    batch = jnp.sort(jax.random.randint(ks[2], (N,), 0, G, dtype=jnp.int64))
    params = {"convs": [], "final": {}}
    kidx = 3
    in_c = D
    for _ in range(NUM_LAYERS):
        layer = {
            "W1": jax.random.normal(ks[kidx], (in_c, H), dtype=jnp.float32) * 0.05,
            "b1": jnp.zeros((H,), dtype=jnp.float32),
            "gamma": jnp.ones((H,), dtype=jnp.float32),
            "beta": jnp.zeros((H,), dtype=jnp.float32),
            "W2": jax.random.normal(ks[kidx + 1], (H, H), dtype=jnp.float32) * 0.05,
            "b2": jnp.zeros((H,), dtype=jnp.float32),
        }
        params["convs"].append(layer)
        kidx += 2
        in_c = H
    params["final"] = {
        "W1": jax.random.normal(ks[kidx], (H, H), dtype=jnp.float32) * 0.05,
        "b1": jnp.zeros((H,), dtype=jnp.float32),
        "W2": jax.random.normal(ks[kidx + 1], (H, OUT), dtype=jnp.float32) * 0.05,
        "b2": jnp.zeros((OUT,), dtype=jnp.float32),
    }
    return {"x": x, "edge_index": edge_index, "batch": batch, "params": params}


def _batch_norm(h, gamma, beta):
    mu = jnp.mean(h, axis=0)
    var = jnp.var(h, axis=0)
    return gamma * (h - mu) / jnp.sqrt(var + 1e-5) + beta


def _gin_conv(x, edge_index, p):
    # GINConv with eps=0: mlp((1+eps)*x + sum_{j in N(i)} x_j)
    src = edge_index[0]
    dst = edge_index[1]
    msgs = x[src]  # gather
    agg = jax.ops.segment_sum(msgs, dst, num_segments=N)  # scatter-add
    h = x + agg
    # PyG MLP([in, hidden, hidden]): lin -> batch_norm -> relu -> lin
    h = h @ p["W1"] + p["b1"]
    h = _batch_norm(h, p["gamma"], p["beta"])
    h = jax.nn.relu(h)
    h = h @ p["W2"] + p["b2"]
    return h


def reference(x, edge_index, batch, params):
    h = x
    for layer in params["convs"]:
        h = jax.nn.relu(_gin_conv(h, edge_index, layer))
    # global_add_pool
    pooled = jax.ops.segment_sum(h, batch, num_segments=G)
    # final MLP([hidden, hidden, out], norm=None, dropout=0.5); dropout is identity in eval
    fp = params["final"]
    g = pooled @ fp["W1"] + fp["b1"]
    g = jax.nn.relu(g)
    out = g @ fp["W2"] + fp["b2"]
    return out

if __name__ == "__main__":
    import jax
    _d = setup_inputs()
    print(jax.jit(kernel)(*tuple(_d.values())))

</pallas_src>

<mosaic_0001>
#map = affine_map<(d0, d1) -> (0, 0, 0)>
module attributes {stable_mosaic.version = 14 : i64} {
  func.func @_sc_agg(%arg0: i32, %arg1: i32, %arg2: memref<2x10112x64xf32, #tpu.memory_space<hbm>>, %arg3: memref<16x160x128xi32, #tpu.memory_space<hbm>>, %arg4: memref<16x160x128xi32, #tpu.memory_space<hbm>>, %arg5: memref<2x10112x64xf32, #tpu.memory_space<hbm>>, %arg6: memref<10112x64xf32, #tpu.memory_space<vmem_shared>>, %arg7: memref<10112x64xf32, #tpu.memory_space<vmem_shared>>, %arg8: memref<40x128xi32, #tpu.memory_space<vmem>>, %arg9: memref<40x128xi32, #tpu.memory_space<vmem>>, %arg10: memref<128x64xf32, #tpu.memory_space<vmem>>, %arg11: memref<128x64xf32, #tpu.memory_space<vmem>>, %arg12: memref<!tpu.dma_semaphore, #tpu.memory_space<semaphore_mem>>, %arg13: memref<!tpu.dma_semaphore, #tpu.memory_space<semaphore_mem>>, %arg14: memref<!tpu.dma_semaphore, #tpu.memory_space<semaphore_mem>>, %arg15: memref<!tpu.dma_semaphore, #tpu.memory_space<semaphore_mem>>) attributes {dimension_semantics = [#tpu.dimension_semantics<core_parallel>, #tpu.dimension_semantics<subcore_parallel>], iteration_bounds = array<i64: 2, 16>, scalar_prefetch = 0 : i64, scratch_operands = 10 : i64, tpu.core_type = #tpu.core_type<sc_vector_subcore>, window_params = [{transform_indices = #map}, {transform_indices = #map}, {transform_indices = #map}, {transform_indices = #map}]} {
    %mul3A = arith.constant 632 : i32
    %mul3A_0 = arith.muli %arg1, %mul3A : i32
    "tpu.region"() ({
      %run_scoped3A = tpu.sem_alloc : memref<!tpu.dma_semaphore, #tpu.memory_space<semaphore_mem>>
      %dma_start3A = arith.constant 0 : i32
      %dma_start3A_25 = tpu.memref_slice %arg6[%mul3A_0, %dma_start3A] : memref<10112x64xf32, #tpu.memory_space<vmem_shared>> -> memref<632x64xf32, #tpu.memory_space<vmem_shared>>
      %dma_start3A_26 = arith.constant 0 : i32
      %dma_start3A_27 = arith.constant 0 : i32
      %dma_start3A_28 = tpu.memref_slice %arg2[%arg0, %dma_start3A_26, %dma_start3A_27] : memref<2x10112x64xf32, #tpu.memory_space<hbm>> -> memref<1x10112x64xf32, #tpu.memory_space<hbm>>
      %dma_start3A_29 = tpu.memref_squeeze %dma_start3A_28 : memref<1x10112x64xf32, #tpu.memory_space<hbm>> -> memref<10112x64xf32, #tpu.memory_space<hbm>>
      %dma_start3A_30 = arith.constant 0 : i32
      %dma_start3A_31 = tpu.memref_slice %dma_start3A_29[%mul3A_0, %dma_start3A_30] : memref<10112x64xf32, #tpu.memory_space<hbm>> -> memref<632x64xf32, #tpu.memory_space<hbm>>
      tpu.enqueue_dma source(%dma_start3A_31 : memref<632x64xf32, #tpu.memory_space<hbm>>) target(%dma_start3A_25 : memref<632x64xf32, #tpu.memory_space<vmem_shared>>) target_semaphore(%run_scoped3A : memref<!tpu.dma_semaphore, #tpu.memory_space<semaphore_mem>>)
      %dma_wait3A = arith.constant 0 : i32
      %dma_wait3A_32 = tpu.memref_slice %arg6[%mul3A_0, %dma_wait3A] : memref<10112x64xf32, #tpu.memory_space<vmem_shared>> -> memref<632x64xf32, #tpu.memory_space<vmem_shared>>
      %dma_wait3A_33 = arith.constant 0 : i32
      %dma_wait3A_34 = arith.constant 0 : i32
      %dma_wait3A_35 = tpu.memref_slice %arg2[%arg0, %dma_wait3A_33, %dma_wait3A_34] : memref<2x10112x64xf32, #tpu.memory_space<hbm>> -> memref<1x10112x64xf32, #tpu.memory_space<hbm>>
      %dma_wait3A_36 = tpu.memref_squeeze %dma_wait3A_35 : memref<1x10112x64xf32, #tpu.memory_space<hbm>> -> memref<10112x64xf32, #tpu.memory_space<hbm>>
      %dma_wait3A_37 = arith.constant 0 : i32
      %dma_wait3A_38 = tpu.memref_slice %dma_wait3A_36[%mul3A_0, %dma_wait3A_37] : memref<10112x64xf32, #tpu.memory_space<hbm>> -> memref<632x64xf32, #tpu.memory_space<hbm>>
      tpu.wait_dma2 semaphore(%run_scoped3A : memref<!tpu.dma_semaphore, #tpu.memory_space<semaphore_mem>>) src(%dma_wait3A_38 : memref<632x64xf32, #tpu.memory_space<hbm>>) dst(%dma_wait3A_32 : memref<632x64xf32, #tpu.memory_space<vmem_shared>>)
      tpu.yield
    }) : () -> ()
    "tpu.region"() ({
      %run_scoped3A = tpu.sem_alloc : memref<!tpu.dma_semaphore, #tpu.memory_space<semaphore_mem>>
      %dma_start3A = arith.constant 0 : i32
      %dma_start3A_25 = tpu.memref_slice %arg7[%mul3A_0, %dma_start3A] : memref<10112x64xf32, #tpu.memory_space<vmem_shared>> -> memref<632x64xf32, #tpu.memory_space<vmem_shared>>
      %dma_start3A_26 = arith.constant 0 : i32
      %dma_start3A_27 = arith.constant 0 : i32
      %dma_start3A_28 = tpu.memref_slice %arg2[%arg0, %dma_start3A_26, %dma_start3A_27] : memref<2x10112x64xf32, #tpu.memory_space<hbm>> -> memref<1x10112x64xf32, #tpu.memory_space<hbm>>
      %dma_start3A_29 = tpu.memref_squeeze %dma_start3A_28 : memref<1x10112x64xf32, #tpu.memory_space<hbm>> -> memref<10112x64xf32, #tpu.memory_space<hbm>>
      %dma_start3A_30 = arith.constant 0 : i32
      %dma_start3A_31 = tpu.memref_slice %dma_start3A_29[%mul3A_0, %dma_start3A_30] : memref<10112x64xf32, #tpu.memory_space<hbm>> -> memref<632x64xf32, #tpu.memory_space<hbm>>
      tpu.enqueue_dma source(%dma_start3A_31 : memref<632x64xf32, #tpu.memory_space<hbm>>) target(%dma_start3A_25 : memref<632x64xf32, #tpu.memory_space<vmem_shared>>) target_semaphore(%run_scoped3A : memref<!tpu.dma_semaphore, #tpu.memory_space<semaphore_mem>>)
      %dma_wait3A = arith.constant 0 : i32
      %dma_wait3A_32 = tpu.memref_slice %arg7[%mul3A_0, %dma_wait3A] : memref<10112x64xf32, #tpu.memory_space<vmem_shared>> -> memref<632x64xf32, #tpu.memory_space<vmem_shared>>
      %dma_wait3A_33 = arith.constant 0 : i32
      %dma_wait3A_34 = arith.constant 0 : i32
      %dma_wait3A_35 = tpu.memref_slice %arg2[%arg0, %dma_wait3A_33, %dma_wait3A_34] : memref<2x10112x64xf32, #tpu.memory_space<hbm>> -> memref<1x10112x64xf32, #tpu.memory_space<hbm>>
      %dma_wait3A_36 = tpu.memref_squeeze %dma_wait3A_35 : memref<1x10112x64xf32, #tpu.memory_space<hbm>> -> memref<10112x64xf32, #tpu.memory_space<hbm>>
      %dma_wait3A_37 = arith.constant 0 : i32
      %dma_wait3A_38 = tpu.memref_slice %dma_wait3A_36[%mul3A_0, %dma_wait3A_37] : memref<10112x64xf32, #tpu.memory_space<hbm>> -> memref<632x64xf32, #tpu.memory_space<hbm>>
      tpu.wait_dma2 semaphore(%run_scoped3A : memref<!tpu.dma_semaphore, #tpu.memory_space<semaphore_mem>>) src(%dma_wait3A_38 : memref<632x64xf32, #tpu.memory_space<hbm>>) dst(%dma_wait3A_32 : memref<632x64xf32, #tpu.memory_space<vmem_shared>>)
      tpu.yield
    }) : () -> ()
    %barrier3A = arith.constant 0 : index
    tpu.barrier barrier_id(%barrier3A)
    "tpu.region"() ({
      %run_scoped3A = tpu.sem_alloc : memref<!tpu.dma_semaphore, #tpu.memory_space<semaphore_mem>>
      %dma_start3A = arith.constant 0 : i32
      %dma_start3A_25 = arith.constant 0 : i32
      %dma_start3A_26 = tpu.memref_slice %arg3[%arg1, %dma_start3A, %dma_start3A_25] : memref<16x160x128xi32, #tpu.memory_space<hbm>> -> memref<1x160x128xi32, #tpu.memory_space<hbm>>
      %dma_start3A_27 = tpu.memref_squeeze %dma_start3A_26 : memref<1x160x128xi32, #tpu.memory_space<hbm>> -> memref<160x128xi32, #tpu.memory_space<hbm>>
      %dma_start3A_28 = arith.constant 0 : i32
      %dma_start3A_29 = arith.constant 0 : i32
      %dma_start3A_30 = tpu.memref_slice %dma_start3A_27[%dma_start3A_28, %dma_start3A_29] : memref<160x128xi32, #tpu.memory_space<hbm>> -> memref<40x128xi32, #tpu.memory_space<hbm>>
      %dma_start3A_31 = arith.constant 0 : i32
      %dma_start3A_32 = arith.constant 0 : i32
      %dma_start3A_33 = tpu.memref_slice %arg3[%arg1, %dma_start3A_31, %dma_start3A_32] : memref<16x160x128xi32, #tpu.memory_space<hbm>> -> memref<1x160x128xi32, #tpu.memory_space<hbm>>
      %dma_start3A_34 = tpu.memref_squeeze %dma_start3A_33 : memref<1x160x128xi32, #tpu.memory_space<hbm>> -> memref<160x128xi32, #tpu.memory_space<hbm>>
      %dma_start3A_35 = arith.constant 0 : i32
      %dma_start3A_36 = arith.constant 0 : i32
      %dma_start3A_37 = tpu.memref_slice %dma_start3A_34[%dma_start3A_35, %dma_start3A_36] : memref<160x128xi32, #tpu.memory_space<hbm>> -> memref<40x128xi32, #tpu.memory_space<hbm>>
      tpu.enqueue_dma source(%dma_start3A_37 : memref<40x128xi32, #tpu.memory_space<hbm>>) target(%arg8 : memref<40x128xi32, #tpu.memory_space<vmem>>) target_semaphore(%run_scoped3A : memref<!tpu.dma_semaphore, #tpu.memory_space<semaphore_mem>>)
      %dma_wait3A = arith.constant 0 : i32
      %dma_wait3A_38 = arith.constant 0 : i32
      %dma_wait3A_39 = tpu.memref_slice %arg3[%arg1, %dma_wait3A, %dma_wait3A_38] : memref<16x160x128xi32, #tpu.memory_space<hbm>> -> memref<1x160x128xi32, #tpu.memory_space<hbm>>
      %dma_wait3A_40 = tpu.memref_squeeze %dma_wait3A_39 : memref<1x160x128xi32, #tpu.memory_space<hbm>> -> memref<160x128xi32, #tpu.memory_space<hbm>>
      %dma_wait3A_41 = arith.constant 0 : i32
      %dma_wait3A_42 = arith.constant 0 : i32
      %dma_wait3A_43 = tpu.memref_slice %dma_wait3A_40[%dma_wait3A_41, %dma_wait3A_42] : memref<160x128xi32, #tpu.memory_space<hbm>> -> memref<40x128xi32, #tpu.memory_space<hbm>>
      %dma_wait3A_44 = arith.constant 0 : i32
      %dma_wait3A_45 = arith.constant 0 : i32
      %dma_wait3A_46 = tpu.memref_slice %arg3[%arg1, %dma_wait3A_44, %dma_wait3A_45] : memref<16x160x128xi32, #tpu.memory_space<hbm>> -> memref<1x160x128xi32, #tpu.memory_space<hbm>>
      %dma_wait3A_47 = tpu.memref_squeeze %dma_wait3A_46 : memref<1x160x128xi32, #tpu.memory_space<hbm>> -> memref<160x128xi32, #tpu.memory_space<hbm>>
      %dma_wait3A_48 = arith.constant 0 : i32
      %dma_wait3A_49 = arith.constant 0 : i32
      %dma_wait3A_50 = tpu.memref_slice %dma_wait3A_47[%dma_wait3A_48, %dma_wait3A_49] : memref<160x128xi32, #tpu.memory_space<hbm>> -> memref<40x128xi32, #tpu.memory_space<hbm>>
      tpu.wait_dma2 semaphore(%run_scoped3A : memref<!tpu.dma_semaphore, #tpu.memory_space<semaphore_mem>>) src(%dma_wait3A_50 : memref<40x128xi32, #tpu.memory_space<hbm>>) dst(%arg8 : memref<40x128xi32, #tpu.memory_space<vmem>>)
      tpu.yield
    }) : () -> ()
    "tpu.region"() ({
      %run_scoped3A = tpu.sem_alloc : memref<!tpu.dma_semaphore, #tpu.memory_space<semaphore_mem>>
      %dma_start3A = arith.constant 0 : i32
      %dma_start3A_25 = arith.constant 0 : i32
      %dma_start3A_26 = tpu.memref_slice %arg4[%arg1, %dma_start3A, %dma_start3A_25] : memref<16x160x128xi32, #tpu.memory_space<hbm>> -> memref<1x160x128xi32, #tpu.memory_space<hbm>>
      %dma_start3A_27 = tpu.memref_squeeze %dma_start3A_26 : memref<1x160x128xi32, #tpu.memory_space<hbm>> -> memref<160x128xi32, #tpu.memory_space<hbm>>
      %dma_start3A_28 = arith.constant 0 : i32
      %dma_start3A_29 = arith.constant 0 : i32
      %dma_start3A_30 = tpu.memref_slice %dma_start3A_27[%dma_start3A_28, %dma_start3A_29] : memref<160x128xi32, #tpu.memory_space<hbm>> -> memref<40x128xi32, #tpu.memory_space<hbm>>
      %dma_start3A_31 = arith.constant 0 : i32
      %dma_start3A_32 = arith.constant 0 : i32
      %dma_start3A_33 = tpu.memref_slice %arg4[%arg1, %dma_start3A_31, %dma_start3A_32] : memref<16x160x128xi32, #tpu.memory_space<hbm>> -> memref<1x160x128xi32, #tpu.memory_space<hbm>>
      %dma_start3A_34 = tpu.memref_squeeze %dma_start3A_33 : memref<1x160x128xi32, #tpu.memory_space<hbm>> -> memref<160x128xi32, #tpu.memory_space<hbm>>
      %dma_start3A_35 = arith.constant 0 : i32
      %dma_start3A_36 = arith.constant 0 : i32
      %dma_start3A_37 = tpu.memref_slice %dma_start3A_34[%dma_start3A_35, %dma_start3A_36] : memref<160x128xi32, #tpu.memory_space<hbm>> -> memref<40x128xi32, #tpu.memory_space<hbm>>
      tpu.enqueue_dma source(%dma_start3A_37 : memref<40x128xi32, #tpu.memory_space<hbm>>) target(%arg9 : memref<40x128xi32, #tpu.memory_space<vmem>>) target_semaphore(%run_scoped3A : memref<!tpu.dma_semaphore, #tpu.memory_space<semaphore_mem>>)
      %dma_wait3A = arith.constant 0 : i32
      %dma_wait3A_38 = arith.constant 0 : i32
      %dma_wait3A_39 = tpu.memref_slice %arg4[%arg1, %dma_wait3A, %dma_wait3A_38] : memref<16x160x128xi32, #tpu.memory_space<hbm>> -> memref<1x160x128xi32, #tpu.memory_space<hbm>>
      %dma_wait3A_40 = tpu.memref_squeeze %dma_wait3A_39 : memref<1x160x128xi32, #tpu.memory_space<hbm>> -> memref<160x128xi32, #tpu.memory_space<hbm>>
      %dma_wait3A_41 = arith.constant 0 : i32
      %dma_wait3A_42 = arith.constant 0 : i32
      %dma_wait3A_43 = tpu.memref_slice %dma_wait3A_40[%dma_wait3A_41, %dma_wait3A_42] : memref<160x128xi32, #tpu.memory_space<hbm>> -> memref<40x128xi32, #tpu.memory_space<hbm>>
      %dma_wait3A_44 = arith.constant 0 : i32
      %dma_wait3A_45 = arith.constant 0 : i32
      %dma_wait3A_46 = tpu.memref_slice %arg4[%arg1, %dma_wait3A_44, %dma_wait3A_45] : memref<16x160x128xi32, #tpu.memory_space<hbm>> -> memref<1x160x128xi32, #tpu.memory_space<hbm>>
      %dma_wait3A_47 = tpu.memref_squeeze %dma_wait3A_46 : memref<1x160x128xi32, #tpu.memory_space<hbm>> -> memref<160x128xi32, #tpu.memory_space<hbm>>
      %dma_wait3A_48 = arith.constant 0 : i32
      %dma_wait3A_49 = arith.constant 0 : i32
      %dma_wait3A_50 = tpu.memref_slice %dma_wait3A_47[%dma_wait3A_48, %dma_wait3A_49] : memref<160x128xi32, #tpu.memory_space<hbm>> -> memref<40x128xi32, #tpu.memory_space<hbm>>
      tpu.wait_dma2 semaphore(%run_scoped3A : memref<!tpu.dma_semaphore, #tpu.memory_space<semaphore_mem>>) src(%dma_wait3A_50 : memref<40x128xi32, #tpu.memory_space<hbm>>) dst(%arg9 : memref<40x128xi32, #tpu.memory_space<vmem>>)
      tpu.yield
    }) : () -> ()
    %scan3A = arith.constant 0 : i32
    %scan3A_1 = arith.constant 0 : i32
    %scan3A_2 = arith.constant 20 : i32
    %scan3A_3 = arith.addi %scan3A_1, %scan3A_2 : i32
    %scan3A_4 = arith.constant 1 : i32
    scf.for %scan3A_25 = %scan3A_1 to %scan3A_3 step %scan3A_4  : i32 {
      %mul3A_26 = arith.constant 2 : i32
      %mul3A_27 = arith.muli %mul3A_26, %scan3A_25 : i32
      %dma_start3A = arith.constant 0 : i32
      %dma_start3A_28 = tpu.memref_slice %arg8[%mul3A_27, %dma_start3A] : memref<40x128xi32, #tpu.memory_space<vmem>> -> memref<1x128xi32, #tpu.memory_space<vmem>>
      %dma_start3A_29 = tpu.memref_squeeze %dma_start3A_28 : memref<1x128xi32, #tpu.memory_space<vmem>> -> memref<128xi32, #tpu.memory_space<vmem>>
      %dma_start3A_30 = arith.constant 0 : i32
      %dma_start3A_31 = arith.constant 0 : i32
      %dma_start3A_32 = tpu.memref_slice %arg6[%dma_start3A_30, %dma_start3A_31] : memref<10112x64xf32, #tpu.memory_space<vmem_shared>> -> memref<10112x64xf32, #tpu.memory_space<vmem_shared>>
      tpu.enqueue_indirect_dma source(%dma_start3A_32 : memref<10112x64xf32, #tpu.memory_space<vmem_shared>>) target(%arg10 : memref<128x64xf32, #tpu.memory_space<vmem>>) offsets(%dma_start3A_29 : memref<128xi32, #tpu.memory_space<vmem>>) semaphore(%arg12 : memref<!tpu.dma_semaphore, #tpu.memory_space<semaphore_mem>>)
      %add3A = arith.constant 1 : i32
      %add3A_33 = arith.addi %mul3A_27, %add3A : i32
      %dma_start3A_34 = arith.constant 0 : i32
      %dma_start3A_35 = tpu.memref_slice %arg8[%add3A_33, %dma_start3A_34] : memref<40x128xi32, #tpu.memory_space<vmem>> -> memref<1x128xi32, #tpu.memory_space<vmem>>
      %dma_start3A_36 = tpu.memref_squeeze %dma_start3A_35 : memref<1x128xi32, #tpu.memory_space<vmem>> -> memref<128xi32, #tpu.memory_space<vmem>>
      %dma_start3A_37 = arith.constant 0 : i32
      %dma_start3A_38 = arith.constant 0 : i32
      %dma_start3A_39 = tpu.memref_slice %arg6[%dma_start3A_37, %dma_start3A_38] : memref<10112x64xf32, #tpu.memory_space<vmem_shared>> -> memref<10112x64xf32, #tpu.memory_space<vmem_shared>>
      tpu.enqueue_indirect_dma source(%dma_start3A_39 : memref<10112x64xf32, #tpu.memory_space<vmem_shared>>) target(%arg11 : memref<128x64xf32, #tpu.memory_space<vmem>>) offsets(%dma_start3A_36 : memref<128xi32, #tpu.memory_space<vmem>>) semaphore(%arg13 : memref<!tpu.dma_semaphore, #tpu.memory_space<semaphore_mem>>)
      %dma_wait3A = arith.constant 0 : i32
      %dma_wait3A_40 = tpu.memref_slice %arg8[%mul3A_27, %dma_wait3A] : memref<40x128xi32, #tpu.memory_space<vmem>> -> memref<1x128xi32, #tpu.memory_space<vmem>>
      %dma_wait3A_41 = tpu.memref_squeeze %dma_wait3A_40 : memref<1x128xi32, #tpu.memory_space<vmem>> -> memref<128xi32, #tpu.memory_space<vmem>>
      %dma_wait3A_42 = arith.constant 0 : i32
      %dma_wait3A_43 = arith.constant 0 : i32
      %dma_wait3A_44 = tpu.memref_slice %arg6[%dma_wait3A_42, %dma_wait3A_43] : memref<10112x64xf32, #tpu.memory_space<vmem_shared>> -> memref<10112x64xf32, #tpu.memory_space<vmem_shared>>
      tpu.wait_indirect_dma semaphore(%arg12 : memref<!tpu.dma_semaphore, #tpu.memory_space<semaphore_mem>>) src(%dma_wait3A_44 : memref<10112x64xf32, #tpu.memory_space<vmem_shared>>) dst(%arg10 : memref<128x64xf32, #tpu.memory_space<vmem>>)
      %dma_start3A_45 = arith.constant 0 : i32
      %dma_start3A_46 = tpu.memref_slice %arg9[%mul3A_27, %dma_start3A_45] : memref<40x128xi32, #tpu.memory_space<vmem>> -> memref<1x128xi32, #tpu.memory_space<vmem>>
      %dma_start3A_47 = tpu.memref_squeeze %dma_start3A_46 : memref<1x128xi32, #tpu.memory_space<vmem>> -> memref<128xi32, #tpu.memory_space<vmem>>
      %dma_start3A_48 = arith.constant 0 : i32
      %dma_start3A_49 = arith.constant 0 : i32
      %dma_start3A_50 = tpu.memref_slice %arg7[%dma_start3A_48, %dma_start3A_49] : memref<10112x64xf32, #tpu.memory_space<vmem_shared>> -> memref<10112x64xf32, #tpu.memory_space<vmem_shared>>
      tpu.enqueue_indirect_dma source(%arg10 : memref<128x64xf32, #tpu.memory_space<vmem>>) target(%dma_start3A_50 : memref<10112x64xf32, #tpu.memory_space<vmem_shared>>) offsets(%dma_start3A_47 : memref<128xi32, #tpu.memory_space<vmem>>) semaphore(%arg14 : memref<!tpu.dma_semaphore, #tpu.memory_space<semaphore_mem>>) {add = true}
      %dma_wait3A_51 = arith.constant 0 : i32
      %dma_wait3A_52 = tpu.memref_slice %arg8[%add3A_33, %dma_wait3A_51] : memref<40x128xi32, #tpu.memory_space<vmem>> -> memref<1x128xi32, #tpu.memory_space<vmem>>
      %dma_wait3A_53 = tpu.memref_squeeze %dma_wait3A_52 : memref<1x128xi32, #tpu.memory_space<vmem>> -> memref<128xi32, #tpu.memory_space<vmem>>
      %dma_wait3A_54 = arith.constant 0 : i32
      %dma_wait3A_55 = arith.constant 0 : i32
      %dma_wait3A_56 = tpu.memref_slice %arg6[%dma_wait3A_54, %dma_wait3A_55] : memref<10112x64xf32, #tpu.memory_space<vmem_shared>> -> memref<10112x64xf32, #tpu.memory_space<vmem_shared>>
      tpu.wait_indirect_dma semaphore(%arg13 : memref<!tpu.dma_semaphore, #tpu.memory_space<semaphore_mem>>) src(%dma_wait3A_56 : memref<10112x64xf32, #tpu.memory_space<vmem_shared>>) dst(%arg11 : memref<128x64xf32, #tpu.memory_space<vmem>>)
      %add3A_57 = arith.constant 1 : i32
      %add3A_58 = arith.addi %mul3A_27, %add3A_57 : i32
      %dma_start3A_59 = arith.constant 0 : i32
      %dma_start3A_60 = tpu.memref_slice %arg9[%add3A_58, %dma_start3A_59] : memref<40x128xi32, #tpu.memory_space<vmem>> -> memref<1x128xi32, #tpu.memory_space<vmem>>
      %dma_start3A_61 = tpu.memref_squeeze %dma_start3A_60 : memref<1x128xi32, #tpu.memory_space<vmem>> -> memref<128xi32, #tpu.memory_space<vmem>>
      %dma_start3A_62 = arith.constant 0 : i32
      %dma_start3A_63 = arith.constant 0 : i32
      %dma_start3A_64 = tpu.memref_slice %arg7[%dma_start3A_62, %dma_start3A_63] : memref<10112x64xf32, #tpu.memory_space<vmem_shared>> -> memref<10112x64xf32, #tpu.memory_space<vmem_shared>>
      tpu.enqueue_indirect_dma source(%arg11 : memref<128x64xf32, #tpu.memory_space<vmem>>) target(%dma_start3A_64 : memref<10112x64xf32, #tpu.memory_space<vmem_shared>>) offsets(%dma_start3A_61 : memref<128xi32, #tpu.memory_space<vmem>>) semaphore(%arg15 : memref<!tpu.dma_semaphore, #tpu.memory_space<semaphore_mem>>) {add = true}
      %dma_wait3A_65 = arith.constant 0 : i32
      %dma_wait3A_66 = tpu.memref_slice %arg9[%mul3A_27, %dma_wait3A_65] : memref<40x128xi32, #tpu.memory_space<vmem>> -> memref<1x128xi32, #tpu.memory_space<vmem>>
      %dma_wait3A_67 = tpu.memref_squeeze %dma_wait3A_66 : memref<1x128xi32, #tpu.memory_space<vmem>> -> memref<128xi32, #tpu.memory_space<vmem>>
      %dma_wait3A_68 = arith.constant 0 : i32
      %dma_wait3A_69 = arith.constant 0 : i32
      %dma_wait3A_70 = tpu.memref_slice %arg7[%dma_wait3A_68, %dma_wait3A_69] : memref<10112x64xf32, #tpu.memory_space<vmem_shared>> -> memref<10112x64xf32, #tpu.memory_space<vmem_shared>>
      tpu.wait_indirect_dma semaphore(%arg14 : memref<!tpu.dma_semaphore, #tpu.memory_space<semaphore_mem>>) src(%arg10 : memref<128x64xf32, #tpu.memory_space<vmem>>) dst(%dma_wait3A_70 : memref<10112x64xf32, #tpu.memory_space<vmem_shared>>)
      %dma_wait3A_71 = arith.constant 0 : i32
      %dma_wait3A_72 = tpu.memref_slice %arg9[%add3A_58, %dma_wait3A_71] : memref<40x128xi32, #tpu.memory_space<vmem>> -> memref<1x128xi32, #tpu.memory_space<vmem>>
      %dma_wait3A_73 = tpu.memref_squeeze %dma_wait3A_72 : memref<1x128xi32, #tpu.memory_space<vmem>> -> memref<128xi32, #tpu.memory_space<vmem>>
      %dma_wait3A_74 = arith.constant 0 : i32
      %dma_wait3A_75 = arith.constant 0 : i32
      %dma_wait3A_76 = tpu.memref_slice %arg7[%dma_wait3A_74, %dma_wait3A_75] : memref<10112x64xf32, #tpu.memory_space<vmem_shared>> -> memref<10112x64xf32, #tpu.memory_space<vmem_shared>>
      tpu.wait_indirect_dma semaphore(%arg15 : memref<!tpu.dma_semaphore, #tpu.memory_space<semaphore_mem>>) src(%arg11 : memref<128x64xf32, #tpu.memory_space<vmem>>) dst(%dma_wait3A_76 : memref<10112x64xf32, #tpu.memory_space<vmem_shared>>)
    }
    %scan3A_5 = arith.constant 20 : i32
    "tpu.region"() ({
      %run_scoped3A = tpu.sem_alloc : memref<!tpu.dma_semaphore, #tpu.memory_space<semaphore_mem>>
      %dma_start3A = arith.constant 0 : i32
      %dma_start3A_25 = arith.constant 0 : i32
      %dma_start3A_26 = tpu.memref_slice %arg3[%arg1, %dma_start3A, %dma_start3A_25] : memref<16x160x128xi32, #tpu.memory_space<hbm>> -> memref<1x160x128xi32, #tpu.memory_space<hbm>>
      %dma_start3A_27 = tpu.memref_squeeze %dma_start3A_26 : memref<1x160x128xi32, #tpu.memory_space<hbm>> -> memref<160x128xi32, #tpu.memory_space<hbm>>
      %dma_start3A_28 = arith.constant 40 : i32
      %dma_start3A_29 = arith.constant 0 : i32
      %dma_start3A_30 = tpu.memref_slice %dma_start3A_27[%dma_start3A_28, %dma_start3A_29] : memref<160x128xi32, #tpu.memory_space<hbm>> -> memref<40x128xi32, #tpu.memory_space<hbm>>
      %dma_start3A_31 = arith.constant 0 : i32
      %dma_start3A_32 = arith.constant 0 : i32
      %dma_start3A_33 = tpu.memref_slice %arg3[%arg1, %dma_start3A_31, %dma_start3A_32] : memref<16x160x128xi32, #tpu.memory_space<hbm>> -> memref<1x160x128xi32, #tpu.memory_space<hbm>>
      %dma_start3A_34 = tpu.memref_squeeze %dma_start3A_33 : memref<1x160x128xi32, #tpu.memory_space<hbm>> -> memref<160x128xi32, #tpu.memory_space<hbm>>
      %dma_start3A_35 = arith.constant 40 : i32
      %dma_start3A_36 = arith.constant 0 : i32
      %dma_start3A_37 = tpu.memref_slice %dma_start3A_34[%dma_start3A_35, %dma_start3A_36] : memref<160x128xi32, #tpu.memory_space<hbm>> -> memref<40x128xi32, #tpu.memory_space<hbm>>
      tpu.enqueue_dma source(%dma_start3A_37 : memref<40x128xi32, #tpu.memory_space<hbm>>) target(%arg8 : memref<40x128xi32, #tpu.memory_space<vmem>>) target_semaphore(%run_scoped3A : memref<!tpu.dma_semaphore, #tpu.memory_space<semaphore_mem>>)
      %dma_wait3A = arith.constant 0 : i32
      %dma_wait3A_38 = arith.constant 0 : i32
      %dma_wait3A_39 = tpu.memref_slice %arg3[%arg1, %dma_wait3A, %dma_wait3A_38] : memref<16x160x128xi32, #tpu.memory_space<hbm>> -> memref<1x160x128xi32, #tpu.memory_space<hbm>>
      %dma_wait3A_40 = tpu.memref_squeeze %dma_wait3A_39 : memref<1x160x128xi32, #tpu.memory_space<hbm>> -> memref<160x128xi32, #tpu.memory_space<hbm>>
      %dma_wait3A_41 = arith.constant 40 : i32
      %dma_wait3A_42 = arith.constant 0 : i32
      %dma_wait3A_43 = tpu.memref_slice %dma_wait3A_40[%dma_wait3A_41, %dma_wait3A_42] : memref<160x128xi32, #tpu.memory_space<hbm>> -> memref<40x128xi32, #tpu.memory_space<hbm>>
      %dma_wait3A_44 = arith.constant 0 : i32
      %dma_wait3A_45 = arith.constant 0 : i32
      %dma_wait3A_46 = tpu.memref_slice %arg3[%arg1, %dma_wait3A_44, %dma_wait3A_45] : memref<16x160x128xi32, #tpu.memory_space<hbm>> -> memref<1x160x128xi32, #tpu.memory_space<hbm>>
      %dma_wait3A_47 = tpu.memref_squeeze %dma_wait3A_46 : memref<1x160x128xi32, #tpu.memory_space<hbm>> -> memref<160x128xi32, #tpu.memory_space<hbm>>
      %dma_wait3A_48 = arith.constant 40 : i32
      %dma_wait3A_49 = arith.constant 0 : i32
      %dma_wait3A_50 = tpu.memref_slice %dma_wait3A_47[%dma_wait3A_48, %dma_wait3A_49] : memref<160x128xi32, #tpu.memory_space<hbm>> -> memref<40x128xi32, #tpu.memory_space<hbm>>
      tpu.wait_dma2 semaphore(%run_scoped3A : memref<!tpu.dma_semaphore, #tpu.memory_space<semaphore_mem>>) src(%dma_wait3A_50 : memref<40x128xi32, #tpu.memory_space<hbm>>) dst(%arg8 : memref<40x128xi32, #tpu.memory_space<vmem>>)
      tpu.yield
    }) : () -> ()
    "tpu.region"() ({
      %run_scoped3A = tpu.sem_alloc : memref<!tpu.dma_semaphore, #tpu.memory_space<semaphore_mem>>
      %dma_start3A = arith.constant 0 : i32
      %dma_start3A_25 = arith.constant 0 : i32
      %dma_start3A_26 = tpu.memref_slice %arg4[%arg1, %dma_start3A, %dma_start3A_25] : memref<16x160x128xi32, #tpu.memory_space<hbm>> -> memref<1x160x128xi32, #tpu.memory_space<hbm>>
      %dma_start3A_27 = tpu.memref_squeeze %dma_start3A_26 : memref<1x160x128xi32, #tpu.memory_space<hbm>> -> memref<160x128xi32, #tpu.memory_space<hbm>>
      %dma_start3A_28 = arith.constant 40 : i32
      %dma_start3A_29 = arith.constant 0 : i32
      %dma_start3A_30 = tpu.memref_slice %dma_start3A_27[%dma_start3A_28, %dma_start3A_29] : memref<160x128xi32, #tpu.memory_space<hbm>> -> memref<40x128xi32, #tpu.memory_space<hbm>>
      %dma_start3A_31 = arith.constant 0 : i32
      %dma_start3A_32 = arith.constant 0 : i32
      %dma_start3A_33 = tpu.memref_slice %arg4[%arg1, %dma_start3A_31, %dma_start3A_32] : memref<16x160x128xi32, #tpu.memory_space<hbm>> -> memref<1x160x128xi32, #tpu.memory_space<hbm>>
      %dma_start3A_34 = tpu.memref_squeeze %dma_start3A_33 : memref<1x160x128xi32, #tpu.memory_space<hbm>> -> memref<160x128xi32, #tpu.memory_space<hbm>>
      %dma_start3A_35 = arith.constant 40 : i32
      %dma_start3A_36 = arith.constant 0 : i32
      %dma_start3A_37 = tpu.memref_slice %dma_start3A_34[%dma_start3A_35, %dma_start3A_36] : memref<160x128xi32, #tpu.memory_space<hbm>> -> memref<40x128xi32, #tpu.memory_space<hbm>>
      tpu.enqueue_dma source(%dma_start3A_37 : memref<40x128xi32, #tpu.memory_space<hbm>>) target(%arg9 : memref<40x128xi32, #tpu.memory_space<vmem>>) target_semaphore(%run_scoped3A : memref<!tpu.dma_semaphore, #tpu.memory_space<semaphore_mem>>)
      %dma_wait3A = arith.constant 0 : i32
      %dma_wait3A_38 = arith.constant 0 : i32
      %dma_wait3A_39 = tpu.memref_slice %arg4[%arg1, %dma_wait3A, %dma_wait3A_38] : memref<16x160x128xi32, #tpu.memory_space<hbm>> -> memref<1x160x128xi32, #tpu.memory_space<hbm>>
      %dma_wait3A_40 = tpu.memref_squeeze %dma_wait3A_39 : memref<1x160x128xi32, #tpu.memory_space<hbm>> -> memref<160x128xi32, #tpu.memory_space<hbm>>
      %dma_wait3A_41 = arith.constant 40 : i32
      %dma_wait3A_42 = arith.constant 0 : i32
      %dma_wait3A_43 = tpu.memref_slice %dma_wait3A_40[%dma_wait3A_41, %dma_wait3A_42] : memref<160x128xi32, #tpu.memory_space<hbm>> -> memref<40x128xi32, #tpu.memory_space<hbm>>
      %dma_wait3A_44 = arith.constant 0 : i32
      %dma_wait3A_45 = arith.constant 0 : i32
      %dma_wait3A_46 = tpu.memref_slice %arg4[%arg1, %dma_wait3A_44, %dma_wait3A_45] : memref<16x160x128xi32, #tpu.memory_space<hbm>> -> memref<1x160x128xi32, #tpu.memory_space<hbm>>
      %dma_wait3A_47 = tpu.memref_squeeze %dma_wait3A_46 : memref<1x160x128xi32, #tpu.memory_space<hbm>> -> memref<160x128xi32, #tpu.memory_space<hbm>>
      %dma_wait3A_48 = arith.constant 40 : i32
      %dma_wait3A_49 = arith.constant 0 : i32
      %dma_wait3A_50 = tpu.memref_slice %dma_wait3A_47[%dma_wait3A_48, %dma_wait3A_49] : memref<160x128xi32, #tpu.memory_space<hbm>> -> memref<40x128xi32, #tpu.memory_space<hbm>>
      tpu.wait_dma2 semaphore(%run_scoped3A : memref<!tpu.dma_semaphore, #tpu.memory_space<semaphore_mem>>) src(%dma_wait3A_50 : memref<40x128xi32, #tpu.memory_space<hbm>>) dst(%arg9 : memref<40x128xi32, #tpu.memory_space<vmem>>)
      tpu.yield
    }) : () -> ()
    %scan3A_6 = arith.constant 0 : i32
    %scan3A_7 = arith.constant 0 : i32
    %scan3A_8 = arith.constant 20 : i32
    %scan3A_9 = arith.addi %scan3A_7, %scan3A_8 : i32
    %scan3A_10 = arith.constant 1 : i32
    scf.for %scan3A_25 = %scan3A_7 to %scan3A_9 step %scan3A_10  : i32 {
      %mul3A_26 = arith.constant 2 : i32
      %mul3A_27 = arith.muli %mul3A_26, %scan3A_25 : i32
      %dma_start3A = arith.constant 0 : i32
      %dma_start3A_28 = tpu.memref_slice %arg8[%mul3A_27, %dma_start3A] : memref<40x128xi32, #tpu.memory_space<vmem>> -> memref<1x128xi32, #tpu.memory_space<vmem>>
      %dma_start3A_29 = tpu.memref_squeeze %dma_start3A_28 : memref<1x128xi32, #tpu.memory_space<vmem>> -> memref<128xi32, #tpu.memory_space<vmem>>
      %dma_start3A_30 = arith.constant 0 : i32
      %dma_start3A_31 = arith.constant 0 : i32
      %dma_start3A_32 = tpu.memref_slice %arg6[%dma_start3A_30, %dma_start3A_31] : memref<10112x64xf32, #tpu.memory_space<vmem_shared>> -> memref<10112x64xf32, #tpu.memory_space<vmem_shared>>
      tpu.enqueue_indirect_dma source(%dma_start3A_32 : memref<10112x64xf32, #tpu.memory_space<vmem_shared>>) target(%arg10 : memref<128x64xf32, #tpu.memory_space<vmem>>) offsets(%dma_start3A_29 : memref<128xi32, #tpu.memory_space<vmem>>) semaphore(%arg12 : memref<!tpu.dma_semaphore, #tpu.memory_space<semaphore_mem>>)
      %add3A = arith.constant 1 : i32
      %add3A_33 = arith.addi %mul3A_27, %add3A : i32
      %dma_start3A_34 = arith.constant 0 : i32
      %dma_start3A_35 = tpu.memref_slice %arg8[%add3A_33, %dma_start3A_34] : memref<40x128xi32, #tpu.memory_space<vmem>> -> memref<1x128xi32, #tpu.memory_space<vmem>>
      %dma_start3A_36 = tpu.memref_squeeze %dma_start3A_35 : memref<1x128xi32, #tpu.memory_space<vmem>> -> memref<128xi32, #tpu.memory_space<vmem>>
      %dma_start3A_37 = arith.constant 0 : i32
      %dma_start3A_38 = arith.constant 0 : i32
      %dma_start3A_39 = tpu.memref_slice %arg6[%dma_start3A_37, %dma_start3A_38] : memref<10112x64xf32, #tpu.memory_space<vmem_shared>> -> memref<10112x64xf32, #tpu.memory_space<vmem_shared>>
      tpu.enqueue_indirect_dma source(%dma_start3A_39 : memref<10112x64xf32, #tpu.memory_space<vmem_shared>>) target(%arg11 : memref<128x64xf32, #tpu.memory_space<vmem>>) offsets(%dma_start3A_36 : memref<128xi32, #tpu.memory_space<vmem>>) semaphore(%arg13 : memref<!tpu.dma_semaphore, #tpu.memory_space<semaphore_mem>>)
      %dma_wait3A = arith.constant 0 : i32
      %dma_wait3A_40 = tpu.memref_slice %arg8[%mul3A_27, %dma_wait3A] : memref<40x128xi32, #tpu.memory_space<vmem>> -> memref<1x128xi32, #tpu.memory_space<vmem>>
      %dma_wait3A_41 = tpu.memref_squeeze %dma_wait3A_40 : memref<1x128xi32, #tpu.memory_space<vmem>> -> memref<128xi32, #tpu.memory_space<vmem>>
      %dma_wait3A_42 = arith.constant 0 : i32
      %dma_wait3A_43 = arith.constant 0 : i32
      %dma_wait3A_44 = tpu.memref_slice %arg6[%dma_wait3A_42, %dma_wait3A_43] : memref<10112x64xf32, #tpu.memory_space<vmem_shared>> -> memref<10112x64xf32, #tpu.memory_space<vmem_shared>>
      tpu.wait_indirect_dma semaphore(%arg12 : memref<!tpu.dma_semaphore, #tpu.memory_space<semaphore_mem>>) src(%dma_wait3A_44 : memref<10112x64xf32, #tpu.memory_space<vmem_shared>>) dst(%arg10 : memref<128x64xf32, #tpu.memory_space<vmem>>)
      %dma_start3A_45 = arith.constant 0 : i32
      %dma_start3A_46 = tpu.memref_slice %arg9[%mul3A_27, %dma_start3A_45] : memref<40x128xi32, #tpu.memory_space<vmem>> -> memref<1x128xi32, #tpu.memory_space<vmem>>
      %dma_start3A_47 = tpu.memref_squeeze %dma_start3A_46 : memref<1x128xi32, #tpu.memory_space<vmem>> -> memref<128xi32, #tpu.memory_space<vmem>>
      %dma_start3A_48 = arith.constant 0 : i32
      %dma_start3A_49 = arith.constant 0 : i32
      %dma_start3A_50 = tpu.memref_slice %arg7[%dma_start3A_48, %dma_start3A_49] : memref<10112x64xf32, #tpu.memory_space<vmem_shared>> -> memref<10112x64xf32, #tpu.memory_space<vmem_shared>>
      tpu.enqueue_indirect_dma source(%arg10 : memref<128x64xf32, #tpu.memory_space<vmem>>) target(%dma_start3A_50 : memref<10112x64xf32, #tpu.memory_space<vmem_shared>>) offsets(%dma_start3A_47 : memref<128xi32, #tpu.memory_space<vmem>>) semaphore(%arg14 : memref<!tpu.dma_semaphore, #tpu.memory_space<semaphore_mem>>) {add = true}
      %dma_wait3A_51 = arith.constant 0 : i32
      %dma_wait3A_52 = tpu.memref_slice %arg8[%add3A_33, %dma_wait3A_51] : memref<40x128xi32, #tpu.memory_space<vmem>> -> memref<1x128xi32, #tpu.memory_space<vmem>>
      %dma_wait3A_53 = tpu.memref_squeeze %dma_wait3A_52 : memref<1x128xi32, #tpu.memory_space<vmem>> -> memref<128xi32, #tpu.memory_space<vmem>>
      %dma_wait3A_54 = arith.constant 0 : i32
      %dma_wait3A_55 = arith.constant 0 : i32
      %dma_wait3A_56 = tpu.memref_slice %arg6[%dma_wait3A_54, %dma_wait3A_55] : memref<10112x64xf32, #tpu.memory_space<vmem_shared>> -> memref<10112x64xf32, #tpu.memory_space<vmem_shared>>
      tpu.wait_indirect_dma semaphore(%arg13 : memref<!tpu.dma_semaphore, #tpu.memory_space<semaphore_mem>>) src(%dma_wait3A_56 : memref<10112x64xf32, #tpu.memory_space<vmem_shared>>) dst(%arg11 : memref<128x64xf32, #tpu.memory_space<vmem>>)
      %add3A_57 = arith.constant 1 : i32
      %add3A_58 = arith.addi %mul3A_27, %add3A_57 : i32
      %dma_start3A_59 = arith.constant 0 : i32
      %dma_start3A_60 = tpu.memref_slice %arg9[%add3A_58, %dma_start3A_59] : memref<40x128xi32, #tpu.memory_space<vmem>> -> memref<1x128xi32, #tpu.memory_space<vmem>>
      %dma_start3A_61 = tpu.memref_squeeze %dma_start3A_60 : memref<1x128xi32, #tpu.memory_space<vmem>> -> memref<128xi32, #tpu.memory_space<vmem>>
      %dma_start3A_62 = arith.constant 0 : i32
      %dma_start3A_63 = arith.constant 0 : i32
      %dma_start3A_64 = tpu.memref_slice %arg7[%dma_start3A_62, %dma_start3A_63] : memref<10112x64xf32, #tpu.memory_space<vmem_shared>> -> memref<10112x64xf32, #tpu.memory_space<vmem_shared>>
      tpu.enqueue_indirect_dma source(%arg11 : memref<128x64xf32, #tpu.memory_space<vmem>>) target(%dma_start3A_64 : memref<10112x64xf32, #tpu.memory_space<vmem_shared>>) offsets(%dma_start3A_61 : memref<128xi32, #tpu.memory_space<vmem>>) semaphore(%arg15 : memref<!tpu.dma_semaphore, #tpu.memory_space<semaphore_mem>>) {add = true}
      %dma_wait3A_65 = arith.constant 0 : i32
      %dma_wait3A_66 = tpu.memref_slice %arg9[%mul3A_27, %dma_wait3A_65] : memref<40x128xi32, #tpu.memory_space<vmem>> -> memref<1x128xi32, #tpu.memory_space<vmem>>
      %dma_wait3A_67 = tpu.memref_squeeze %dma_wait3A_66 : memref<1x128xi32, #tpu.memory_space<vmem>> -> memref<128xi32, #tpu.memory_space<vmem>>
      %dma_wait3A_68 = arith.constant 0 : i32
      %dma_wait3A_69 = arith.constant 0 : i32
      %dma_wait3A_70 = tpu.memref_slice %arg7[%dma_wait3A_68, %dma_wait3A_69] : memref<10112x64xf32, #tpu.memory_space<vmem_shared>> -> memref<10112x64xf32, #tpu.memory_space<vmem_shared>>
      tpu.wait_indirect_dma semaphore(%arg14 : memref<!tpu.dma_semaphore, #tpu.memory_space<semaphore_mem>>) src(%arg10 : memref<128x64xf32, #tpu.memory_space<vmem>>) dst(%dma_wait3A_70 : memref<10112x64xf32, #tpu.memory_space<vmem_shared>>)
      %dma_wait3A_71 = arith.constant 0 : i32
      %dma_wait3A_72 = tpu.memref_slice %arg9[%add3A_58, %dma_wait3A_71] : memref<40x128xi32, #tpu.memory_space<vmem>> -> memref<1x128xi32, #tpu.memory_space<vmem>>
      %dma_wait3A_73 = tpu.memref_squeeze %dma_wait3A_72 : memref<1x128xi32, #tpu.memory_space<vmem>> -> memref<128xi32, #tpu.memory_space<vmem>>
      %dma_wait3A_74 = arith.constant 0 : i32
      %dma_wait3A_75 = arith.constant 0 : i32
      %dma_wait3A_76 = tpu.memref_slice %arg7[%dma_wait3A_74, %dma_wait3A_75] : memref<10112x64xf32, #tpu.memory_space<vmem_shared>> -> memref<10112x64xf32, #tpu.memory_space<vmem_shared>>
      tpu.wait_indirect_dma semaphore(%arg15 : memref<!tpu.dma_semaphore, #tpu.memory_space<semaphore_mem>>) src(%arg11 : memref<128x64xf32, #tpu.memory_space<vmem>>) dst(%dma_wait3A_76 : memref<10112x64xf32, #tpu.memory_space<vmem_shared>>)
    }
    %scan3A_11 = arith.constant 20 : i32
    "tpu.region"() ({
      %run_scoped3A = tpu.sem_alloc : memref<!tpu.dma_semaphore, #tpu.memory_space<semaphore_mem>>
      %dma_start3A = arith.constant 0 : i32
      %dma_start3A_25 = arith.constant 0 : i32
      %dma_start3A_26 = tpu.memref_slice %arg3[%arg1, %dma_start3A, %dma_start3A_25] : memref<16x160x128xi32, #tpu.memory_space<hbm>> -> memref<1x160x128xi32, #tpu.memory_space<hbm>>
      %dma_start3A_27 = tpu.memref_squeeze %dma_start3A_26 : memref<1x160x128xi32, #tpu.memory_space<hbm>> -> memref<160x128xi32, #tpu.memory_space<hbm>>
      %dma_start3A_28 = arith.constant 80 : i32
      %dma_start3A_29 = arith.constant 0 : i32
      %dma_start3A_30 = tpu.memref_slice %dma_start3A_27[%dma_start3A_28, %dma_start3A_29] : memref<160x128xi32, #tpu.memory_space<hbm>> -> memref<40x128xi32, #tpu.memory_space<hbm>>
      %dma_start3A_31 = arith.constant 0 : i32
      %dma_start3A_32 = arith.constant 0 : i32
      %dma_start3A_33 = tpu.memref_slice %arg3[%arg1, %dma_start3A_31, %dma_start3A_32] : memref<16x160x128xi32, #tpu.memory_space<hbm>> -> memref<1x160x128xi32, #tpu.memory_space<hbm>>
      %dma_start3A_34 = tpu.memref_squeeze %dma_start3A_33 : memref<1x160x128xi32, #tpu.memory_space<hbm>> -> memref<160x128xi32, #tpu.memory_space<hbm>>
      %dma_start3A_35 = arith.constant 80 : i32
      %dma_start3A_36 = arith.constant 0 : i32
      %dma_start3A_37 = tpu.memref_slice %dma_start3A_34[%dma_start3A_35, %dma_start3A_36] : memref<160x128xi32, #tpu.memory_space<hbm>> -> memref<40x128xi32, #tpu.memory_space<hbm>>
      tpu.enqueue_dma source(%dma_start3A_37 : memref<40x128xi32, #tpu.memory_space<hbm>>) target(%arg8 : memref<40x128xi32, #tpu.memory_space<vmem>>) target_semaphore(%run_scoped3A : memref<!tpu.dma_semaphore, #tpu.memory_space<semaphore_mem>>)
      %dma_wait3A = arith.constant 0 : i32
      %dma_wait3A_38 = arith.constant 0 : i32
      %dma_wait3A_39 = tpu.memref_slice %arg3[%arg1, %dma_wait3A, %dma_wait3A_38] : memref<16x160x128xi32, #tpu.memory_space<hbm>> -> memref<1x160x128xi32, #tpu.memory_space<hbm>>
      %dma_wait3A_40 = tpu.memref_squeeze %dma_wait3A_39 : memref<1x160x128xi32, #tpu.memory_space<hbm>> -> memref<160x128xi32, #tpu.memory_space<hbm>>
      %dma_wait3A_41 = arith.constant 80 : i32
      %dma_wait3A_42 = arith.constant 0 : i32
      %dma_wait3A_43 = tpu.memref_slice %dma_wait3A_40[%dma_wait3A_41, %dma_wait3A_42] : memref<160x128xi32, #tpu.memory_space<hbm>> -> memref<40x128xi32, #tpu.memory_space<hbm>>
      %dma_wait3A_44 = arith.constant 0 : i32
      %dma_wait3A_45 = arith.constant 0 : i32
      %dma_wait3A_46 = tpu.memref_slice %arg3[%arg1, %dma_wait3A_44, %dma_wait3A_45] : memref<16x160x128xi32, #tpu.memory_space<hbm>> -> memref<1x160x128xi32, #tpu.memory_space<hbm>>
      %dma_wait3A_47 = tpu.memref_squeeze %dma_wait3A_46 : memref<1x160x128xi32, #tpu.memory_space<hbm>> -> memref<160x128xi32, #tpu.memory_space<hbm>>
      %dma_wait3A_48 = arith.constant 80 : i32
      %dma_wait3A_49 = arith.constant 0 : i32
      %dma_wait3A_50 = tpu.memref_slice %dma_wait3A_47[%dma_wait3A_48, %dma_wait3A_49] : memref<160x128xi32, #tpu.memory_space<hbm>> -> memref<40x128xi32, #tpu.memory_space<hbm>>
      tpu.wait_dma2 semaphore(%run_scoped3A : memref<!tpu.dma_semaphore, #tpu.memory_space<semaphore_mem>>) src(%dma_wait3A_50 : memref<40x128xi32, #tpu.memory_space<hbm>>) dst(%arg8 : memref<40x128xi32, #tpu.memory_space<vmem>>)
      tpu.yield
    }) : () -> ()
    "tpu.region"() ({
      %run_scoped3A = tpu.sem_alloc : memref<!tpu.dma_semaphore, #tpu.memory_space<semaphore_mem>>
      %dma_start3A = arith.constant 0 : i32
      %dma_start3A_25 = arith.constant 0 : i32
      %dma_start3A_26 = tpu.memref_slice %arg4[%arg1, %dma_start3A, %dma_start3A_25] : memref<16x160x128xi32, #tpu.memory_space<hbm>> -> memref<1x160x128xi32, #tpu.memory_space<hbm>>
      %dma_start3A_27 = tpu.memref_squeeze %dma_start3A_26 : memref<1x160x128xi32, #tpu.memory_space<hbm>> -> memref<160x128xi32, #tpu.memory_space<hbm>>
      %dma_start3A_28 = arith.constant 80 : i32
      %dma_start3A_29 = arith.constant 0 : i32
      %dma_start3A_30 = tpu.memref_slice %dma_start3A_27[%dma_start3A_28, %dma_start3A_29] : memref<160x128xi32, #tpu.memory_space<hbm>> -> memref<40x128xi32, #tpu.memory_space<hbm>>
      %dma_start3A_31 = arith.constant 0 : i32
      %dma_start3A_32 = arith.constant 0 : i32
      %dma_start3A_33 = tpu.memref_slice %arg4[%arg1, %dma_start3A_31, %dma_start3A_32] : memref<16x160x128xi32, #tpu.memory_space<hbm>> -> memref<1x160x128xi32, #tpu.memory_space<hbm>>
      %dma_start3A_34 = tpu.memref_squeeze %dma_start3A_33 : memref<1x160x128xi32, #tpu.memory_space<hbm>> -> memref<160x128xi32, #tpu.memory_space<hbm>>
      %dma_start3A_35 = arith.constant 80 : i32
      %dma_start3A_36 = arith.constant 0 : i32
      %dma_start3A_37 = tpu.memref_slice %dma_start3A_34[%dma_start3A_35, %dma_start3A_36] : memref<160x128xi32, #tpu.memory_space<hbm>> -> memref<40x128xi32, #tpu.memory_space<hbm>>
      tpu.enqueue_dma source(%dma_start3A_37 : memref<40x128xi32, #tpu.memory_space<hbm>>) target(%arg9 : memref<40x128xi32, #tpu.memory_space<vmem>>) target_semaphore(%run_scoped3A : memref<!tpu.dma_semaphore, #tpu.memory_space<semaphore_mem>>)
      %dma_wait3A = arith.constant 0 : i32
      %dma_wait3A_38 = arith.constant 0 : i32
      %dma_wait3A_39 = tpu.memref_slice %arg4[%arg1, %dma_wait3A, %dma_wait3A_38] : memref<16x160x128xi32, #tpu.memory_space<hbm>> -> memref<1x160x128xi32, #tpu.memory_space<hbm>>
      %dma_wait3A_40 = tpu.memref_squeeze %dma_wait3A_39 : memref<1x160x128xi32, #tpu.memory_space<hbm>> -> memref<160x128xi32, #tpu.memory_space<hbm>>
      %dma_wait3A_41 = arith.constant 80 : i32
      %dma_wait3A_42 = arith.constant 0 : i32
      %dma_wait3A_43 = tpu.memref_slice %dma_wait3A_40[%dma_wait3A_41, %dma_wait3A_42] : memref<160x128xi32, #tpu.memory_space<hbm>> -> memref<40x128xi32, #tpu.memory_space<hbm>>
      %dma_wait3A_44 = arith.constant 0 : i32
      %dma_wait3A_45 = arith.constant 0 : i32
      %dma_wait3A_46 = tpu.memref_slice %arg4[%arg1, %dma_wait3A_44, %dma_wait3A_45] : memref<16x160x128xi32, #tpu.memory_space<hbm>> -> memref<1x160x128xi32, #tpu.memory_space<hbm>>
      %dma_wait3A_47 = tpu.memref_squeeze %dma_wait3A_46 : memref<1x160x128xi32, #tpu.memory_space<hbm>> -> memref<160x128xi32, #tpu.memory_space<hbm>>
      %dma_wait3A_48 = arith.constant 80 : i32
      %dma_wait3A_49 = arith.constant 0 : i32
      %dma_wait3A_50 = tpu.memref_slice %dma_wait3A_47[%dma_wait3A_48, %dma_wait3A_49] : memref<160x128xi32, #tpu.memory_space<hbm>> -> memref<40x128xi32, #tpu.memory_space<hbm>>
      tpu.wait_dma2 semaphore(%run_scoped3A : memref<!tpu.dma_semaphore, #tpu.memory_space<semaphore_mem>>) src(%dma_wait3A_50 : memref<40x128xi32, #tpu.memory_space<hbm>>) dst(%arg9 : memref<40x128xi32, #tpu.memory_space<vmem>>)
      tpu.yield
    }) : () -> ()
    %scan3A_12 = arith.constant 0 : i32
    %scan3A_13 = arith.constant 0 : i32
    %scan3A_14 = arith.constant 20 : i32
    %scan3A_15 = arith.addi %scan3A_13, %scan3A_14 : i32
    %scan3A_16 = arith.constant 1 : i32
    scf.for %scan3A_25 = %scan3A_13 to %scan3A_15 step %scan3A_16  : i32 {
      %mul3A_26 = arith.constant 2 : i32
      %mul3A_27 = arith.muli %mul3A_26, %scan3A_25 : i32
      %dma_start3A = arith.constant 0 : i32
      %dma_start3A_28 = tpu.memref_slice %arg8[%mul3A_27, %dma_start3A] : memref<40x128xi32, #tpu.memory_space<vmem>> -> memref<1x128xi32, #tpu.memory_space<vmem>>
      %dma_start3A_29 = tpu.memref_squeeze %dma_start3A_28 : memref<1x128xi32, #tpu.memory_space<vmem>> -> memref<128xi32, #tpu.memory_space<vmem>>
      %dma_start3A_30 = arith.constant 0 : i32
      %dma_start3A_31 = arith.constant 0 : i32
      %dma_start3A_32 = tpu.memref_slice %arg6[%dma_start3A_30, %dma_start3A_31] : memref<10112x64xf32, #tpu.memory_space<vmem_shared>> -> memref<10112x64xf32, #tpu.memory_space<vmem_shared>>
      tpu.enqueue_indirect_dma source(%dma_start3A_32 : memref<10112x64xf32, #tpu.memory_space<vmem_shared>>) target(%arg10 : memref<128x64xf32, #tpu.memory_space<vmem>>) offsets(%dma_start3A_29 : memref<128xi32, #tpu.memory_space<vmem>>) semaphore(%arg12 : memref<!tpu.dma_semaphore, #tpu.memory_space<semaphore_mem>>)
      %add3A = arith.constant 1 : i32
      %add3A_33 = arith.addi %mul3A_27, %add3A : i32
      %dma_start3A_34 = arith.constant 0 : i32
      %dma_start3A_35 = tpu.memref_slice %arg8[%add3A_33, %dma_start3A_34] : memref<40x128xi32, #tpu.memory_space<vmem>> -> memref<1x128xi32, #tpu.memory_space<vmem>>
      %dma_start3A_36 = tpu.memref_squeeze %dma_start3A_35 : memref<1x128xi32, #tpu.memory_space<vmem>> -> memref<128xi32, #tpu.memory_space<vmem>>
      %dma_start3A_37 = arith.constant 0 : i32
      %dma_start3A_38 = arith.constant 0 : i32
      %dma_start3A_39 = tpu.memref_slice %arg6[%dma_start3A_37, %dma_start3A_38] : memref<10112x64xf32, #tpu.memory_space<vmem_shared>> -> memref<10112x64xf32, #tpu.memory_space<vmem_shared>>
      tpu.enqueue_indirect_dma source(%dma_start3A_39 : memref<10112x64xf32, #tpu.memory_space<vmem_shared>>) target(%arg11 : memref<128x64xf32, #tpu.memory_space<vmem>>) offsets(%dma_start3A_36 : memref<128xi32, #tpu.memory_space<vmem>>) semaphore(%arg13 : memref<!tpu.dma_semaphore, #tpu.memory_space<semaphore_mem>>)
      %dma_wait3A = arith.constant 0 : i32
      %dma_wait3A_40 = tpu.memref_slice %arg8[%mul3A_27, %dma_wait3A] : memref<40x128xi32, #tpu.memory_space<vmem>> -> memref<1x128xi32, #tpu.memory_space<vmem>>
      %dma_wait3A_41 = tpu.memref_squeeze %dma_wait3A_40 : memref<1x128xi32, #tpu.memory_space<vmem>> -> memref<128xi32, #tpu.memory_space<vmem>>
      %dma_wait3A_42 = arith.constant 0 : i32
      %dma_wait3A_43 = arith.constant 0 : i32
      %dma_wait3A_44 = tpu.memref_slice %arg6[%dma_wait3A_42, %dma_wait3A_43] : memref<10112x64xf32, #tpu.memory_space<vmem_shared>> -> memref<10112x64xf32, #tpu.memory_space<vmem_shared>>
      tpu.wait_indirect_dma semaphore(%arg12 : memref<!tpu.dma_semaphore, #tpu.memory_space<semaphore_mem>>) src(%dma_wait3A_44 : memref<10112x64xf32, #tpu.memory_space<vmem_shared>>) dst(%arg10 : memref<128x64xf32, #tpu.memory_space<vmem>>)
      %dma_start3A_45 = arith.constant 0 : i32
      %dma_start3A_46 = tpu.memref_slice %arg9[%mul3A_27, %dma_start3A_45] : memref<40x128xi32, #tpu.memory_space<vmem>> -> memref<1x128xi32, #tpu.memory_space<vmem>>
      %dma_start3A_47 = tpu.memref_squeeze %dma_start3A_46 : memref<1x128xi32, #tpu.memory_space<vmem>> -> memref<128xi32, #tpu.memory_space<vmem>>
      %dma_start3A_48 = arith.constant 0 : i32
      %dma_start3A_49 = arith.constant 0 : i32
      %dma_start3A_50 = tpu.memref_slice %arg7[%dma_start3A_48, %dma_start3A_49] : memref<10112x64xf32, #tpu.memory_space<vmem_shared>> -> memref<10112x64xf32, #tpu.memory_space<vmem_shared>>
      tpu.enqueue_indirect_dma source(%arg10 : memref<128x64xf32, #tpu.memory_space<vmem>>) target(%dma_start3A_50 : memref<10112x64xf32, #tpu.memory_space<vmem_shared>>) offsets(%dma_start3A_47 : memref<128xi32, #tpu.memory_space<vmem>>) semaphore(%arg14 : memref<!tpu.dma_semaphore, #tpu.memory_space<semaphore_mem>>) {add = true}
      %dma_wait3A_51 = arith.constant 0 : i32
      %dma_wait3A_52 = tpu.memref_slice %arg8[%add3A_33, %dma_wait3A_51] : memref<40x128xi32, #tpu.memory_space<vmem>> -> memref<1x128xi32, #tpu.memory_space<vmem>>
      %dma_wait3A_53 = tpu.memref_squeeze %dma_wait3A_52 : memref<1x128xi32, #tpu.memory_space<vmem>> -> memref<128xi32, #tpu.memory_space<vmem>>
      %dma_wait3A_54 = arith.constant 0 : i32
      %dma_wait3A_55 = arith.constant 0 : i32
      %dma_wait3A_56 = tpu.memref_slice %arg6[%dma_wait3A_54, %dma_wait3A_55] : memref<10112x64xf32, #tpu.memory_space<vmem_shared>> -> memref<10112x64xf32, #tpu.memory_space<vmem_shared>>
      tpu.wait_indirect_dma semaphore(%arg13 : memref<!tpu.dma_semaphore, #tpu.memory_space<semaphore_mem>>) src(%dma_wait3A_56 : memref<10112x64xf32, #tpu.memory_space<vmem_shared>>) dst(%arg11 : memref<128x64xf32, #tpu.memory_space<vmem>>)
      %add3A_57 = arith.constant 1 : i32
      %add3A_58 = arith.addi %mul3A_27, %add3A_57 : i32
      %dma_start3A_59 = arith.constant 0 : i32
      %dma_start3A_60 = tpu.memref_slice %arg9[%add3A_58, %dma_start3A_59] : memref<40x128xi32, #tpu.memory_space<vmem>> -> memref<1x128xi32, #tpu.memory_space<vmem>>
      %dma_start3A_61 = tpu.memref_squeeze %dma_start3A_60 : memref<1x128xi32, #tpu.memory_space<vmem>> -> memref<128xi32, #tpu.memory_space<vmem>>
      %dma_start3A_62 = arith.constant 0 : i32
      %dma_start3A_63 = arith.constant 0 : i32
      %dma_start3A_64 = tpu.memref_slice %arg7[%dma_start3A_62, %dma_start3A_63] : memref<10112x64xf32, #tpu.memory_space<vmem_shared>> -> memref<10112x64xf32, #tpu.memory_space<vmem_shared>>
      tpu.enqueue_indirect_dma source(%arg11 : memref<128x64xf32, #tpu.memory_space<vmem>>) target(%dma_start3A_64 : memref<10112x64xf32, #tpu.memory_space<vmem_shared>>) offsets(%dma_start3A_61 : memref<128xi32, #tpu.memory_space<vmem>>) semaphore(%arg15 : memref<!tpu.dma_semaphore, #tpu.memory_space<semaphore_mem>>) {add = true}
      %dma_wait3A_65 = arith.constant 0 : i32
      %dma_wait3A_66 = tpu.memref_slice %arg9[%mul3A_27, %dma_wait3A_65] : memref<40x128xi32, #tpu.memory_space<vmem>> -> memref<1x128xi32, #tpu.memory_space<vmem>>
      %dma_wait3A_67 = tpu.memref_squeeze %dma_wait3A_66 : memref<1x128xi32, #tpu.memory_space<vmem>> -> memref<128xi32, #tpu.memory_space<vmem>>
      %dma_wait3A_68 = arith.constant 0 : i32
      %dma_wait3A_69 = arith.constant 0 : i32
      %dma_wait3A_70 = tpu.memref_slice %arg7[%dma_wait3A_68, %dma_wait3A_69] : memref<10112x64xf32, #tpu.memory_space<vmem_shared>> -> memref<10112x64xf32, #tpu.memory_space<vmem_shared>>
      tpu.wait_indirect_dma semaphore(%arg14 : memref<!tpu.dma_semaphore, #tpu.memory_space<semaphore_mem>>) src(%arg10 : memref<128x64xf32, #tpu.memory_space<vmem>>) dst(%dma_wait3A_70 : memref<10112x64xf32, #tpu.memory_space<vmem_shared>>)
      %dma_wait3A_71 = arith.constant 0 : i32
      %dma_wait3A_72 = tpu.memref_slice %arg9[%add3A_58, %dma_wait3A_71] : memref<40x128xi32, #tpu.memory_space<vmem>> -> memref<1x128xi32, #tpu.memory_space<vmem>>
      %dma_wait3A_73 = tpu.memref_squeeze %dma_wait3A_72 : memref<1x128xi32, #tpu.memory_space<vmem>> -> memref<128xi32, #tpu.memory_space<vmem>>
      %dma_wait3A_74 = arith.constant 0 : i32
      %dma_wait3A_75 = arith.constant 0 : i32
      %dma_wait3A_76 = tpu.memref_slice %arg7[%dma_wait3A_74, %dma_wait3A_75] : memref<10112x64xf32, #tpu.memory_space<vmem_shared>> -> memref<10112x64xf32, #tpu.memory_space<vmem_shared>>
      tpu.wait_indirect_dma semaphore(%arg15 : memref<!tpu.dma_semaphore, #tpu.memory_space<semaphore_mem>>) src(%arg11 : memref<128x64xf32, #tpu.memory_space<vmem>>) dst(%dma_wait3A_76 : memref<10112x64xf32, #tpu.memory_space<vmem_shared>>)
    }
    %scan3A_17 = arith.constant 20 : i32
    "tpu.region"() ({
      %run_scoped3A = tpu.sem_alloc : memref<!tpu.dma_semaphore, #tpu.memory_space<semaphore_mem>>
      %dma_start3A = arith.constant 0 : i32
      %dma_start3A_25 = arith.constant 0 : i32
      %dma_start3A_26 = tpu.memref_slice %arg3[%arg1, %dma_start3A, %dma_start3A_25] : memref<16x160x128xi32, #tpu.memory_space<hbm>> -> memref<1x160x128xi32, #tpu.memory_space<hbm>>
      %dma_start3A_27 = tpu.memref_squeeze %dma_start3A_26 : memref<1x160x128xi32, #tpu.memory_space<hbm>> -> memref<160x128xi32, #tpu.memory_space<hbm>>
      %dma_start3A_28 = arith.constant 120 : i32
      %dma_start3A_29 = arith.constant 0 : i32
      %dma_start3A_30 = tpu.memref_slice %dma_start3A_27[%dma_start3A_28, %dma_start3A_29] : memref<160x128xi32, #tpu.memory_space<hbm>> -> memref<40x128xi32, #tpu.memory_space<hbm>>
      %dma_start3A_31 = arith.constant 0 : i32
      %dma_start3A_32 = arith.constant 0 : i32
      %dma_start3A_33 = tpu.memref_slice %arg3[%arg1, %dma_start3A_31, %dma_start3A_32] : memref<16x160x128xi32, #tpu.memory_space<hbm>> -> memref<1x160x128xi32, #tpu.memory_space<hbm>>
      %dma_start3A_34 = tpu.memref_squeeze %dma_start3A_33 : memref<1x160x128xi32, #tpu.memory_space<hbm>> -> memref<160x128xi32, #tpu.memory_space<hbm>>
      %dma_start3A_35 = arith.constant 120 : i32
      %dma_start3A_36 = arith.constant 0 : i32
      %dma_start3A_37 = tpu.memref_slice %dma_start3A_34[%dma_start3A_35, %dma_start3A_36] : memref<160x128xi32, #tpu.memory_space<hbm>> -> memref<40x128xi32, #tpu.memory_space<hbm>>
      tpu.enqueue_dma source(%dma_start3A_37 : memref<40x128xi32, #tpu.memory_space<hbm>>) target(%arg8 : memref<40x128xi32, #tpu.memory_space<vmem>>) target_semaphore(%run_scoped3A : memref<!tpu.dma_semaphore, #tpu.memory_space<semaphore_mem>>)
      %dma_wait3A = arith.constant 0 : i32
      %dma_wait3A_38 = arith.constant 0 : i32
      %dma_wait3A_39 = tpu.memref_slice %arg3[%arg1, %dma_wait3A, %dma_wait3A_38] : memref<16x160x128xi32, #tpu.memory_space<hbm>> -> memref<1x160x128xi32, #tpu.memory_space<hbm>>
      %dma_wait3A_40 = tpu.memref_squeeze %dma_wait3A_39 : memref<1x160x128xi32, #tpu.memory_space<hbm>> -> memref<160x128xi32, #tpu.memory_space<hbm>>
      %dma_wait3A_41 = arith.constant 120 : i32
      %dma_wait3A_42 = arith.constant 0 : i32
      %dma_wait3A_43 = tpu.memref_slice %dma_wait3A_40[%dma_wait3A_41, %dma_wait3A_42] : memref<160x128xi32, #tpu.memory_space<hbm>> -> memref<40x128xi32, #tpu.memory_space<hbm>>
      %dma_wait3A_44 = arith.constant 0 : i32
      %dma_wait3A_45 = arith.constant 0 : i32
      %dma_wait3A_46 = tpu.memref_slice %arg3[%arg1, %dma_wait3A_44, %dma_wait3A_45] : memref<16x160x128xi32, #tpu.memory_space<hbm>> -> memref<1x160x128xi32, #tpu.memory_space<hbm>>
      %dma_wait3A_47 = tpu.memref_squeeze %dma_wait3A_46 : memref<1x160x128xi32, #tpu.memory_space<hbm>> -> memref<160x128xi32, #tpu.memory_space<hbm>>
      %dma_wait3A_48 = arith.constant 120 : i32
      %dma_wait3A_49 = arith.constant 0 : i32
      %dma_wait3A_50 = tpu.memref_slice %dma_wait3A_47[%dma_wait3A_48, %dma_wait3A_49] : memref<160x128xi32, #tpu.memory_space<hbm>> -> memref<40x128xi32, #tpu.memory_space<hbm>>
      tpu.wait_dma2 semaphore(%run_scoped3A : memref<!tpu.dma_semaphore, #tpu.memory_space<semaphore_mem>>) src(%dma_wait3A_50 : memref<40x128xi32, #tpu.memory_space<hbm>>) dst(%arg8 : memref<40x128xi32, #tpu.memory_space<vmem>>)
      tpu.yield
    }) : () -> ()
    "tpu.region"() ({
      %run_scoped3A = tpu.sem_alloc : memref<!tpu.dma_semaphore, #tpu.memory_space<semaphore_mem>>
      %dma_start3A = arith.constant 0 : i32
      %dma_start3A_25 = arith.constant 0 : i32
      %dma_start3A_26 = tpu.memref_slice %arg4[%arg1, %dma_start3A, %dma_start3A_25] : memref<16x160x128xi32, #tpu.memory_space<hbm>> -> memref<1x160x128xi32, #tpu.memory_space<hbm>>
      %dma_start3A_27 = tpu.memref_squeeze %dma_start3A_26 : memref<1x160x128xi32, #tpu.memory_space<hbm>> -> memref<160x128xi32, #tpu.memory_space<hbm>>
      %dma_start3A_28 = arith.constant 120 : i32
      %dma_start3A_29 = arith.constant 0 : i32
      %dma_start3A_30 = tpu.memref_slice %dma_start3A_27[%dma_start3A_28, %dma_start3A_29] : memref<160x128xi32, #tpu.memory_space<hbm>> -> memref<40x128xi32, #tpu.memory_space<hbm>>
      %dma_start3A_31 = arith.constant 0 : i32
      %dma_start3A_32 = arith.constant 0 : i32
      %dma_start3A_33 = tpu.memref_slice %arg4[%arg1, %dma_start3A_31, %dma_start3A_32] : memref<16x160x128xi32, #tpu.memory_space<hbm>> -> memref<1x160x128xi32, #tpu.memory_space<hbm>>
      %dma_start3A_34 = tpu.memref_squeeze %dma_start3A_33 : memref<1x160x128xi32, #tpu.memory_space<hbm>> -> memref<160x128xi32, #tpu.memory_space<hbm>>
      %dma_start3A_35 = arith.constant 120 : i32
      %dma_start3A_36 = arith.constant 0 : i32
      %dma_start3A_37 = tpu.memref_slice %dma_start3A_34[%dma_start3A_35, %dma_start3A_36] : memref<160x128xi32, #tpu.memory_space<hbm>> -> memref<40x128xi32, #tpu.memory_space<hbm>>
      tpu.enqueue_dma source(%dma_start3A_37 : memref<40x128xi32, #tpu.memory_space<hbm>>) target(%arg9 : memref<40x128xi32, #tpu.memory_space<vmem>>) target_semaphore(%run_scoped3A : memref<!tpu.dma_semaphore, #tpu.memory_space<semaphore_mem>>)
      %dma_wait3A = arith.constant 0 : i32
      %dma_wait3A_38 = arith.constant 0 : i32
      %dma_wait3A_39 = tpu.memref_slice %arg4[%arg1, %dma_wait3A, %dma_wait3A_38] : memref<16x160x128xi32, #tpu.memory_space<hbm>> -> memref<1x160x128xi32, #tpu.memory_space<hbm>>
      %dma_wait3A_40 = tpu.memref_squeeze %dma_wait3A_39 : memref<1x160x128xi32, #tpu.memory_space<hbm>> -> memref<160x128xi32, #tpu.memory_space<hbm>>
      %dma_wait3A_41 = arith.constant 120 : i32
      %dma_wait3A_42 = arith.constant 0 : i32
      %dma_wait3A_43 = tpu.memref_slice %dma_wait3A_40[%dma_wait3A_41, %dma_wait3A_42] : memref<160x128xi32, #tpu.memory_space<hbm>> -> memref<40x128xi32, #tpu.memory_space<hbm>>
      %dma_wait3A_44 = arith.constant 0 : i32
      %dma_wait3A_45 = arith.constant 0 : i32
      %dma_wait3A_46 = tpu.memref_slice %arg4[%arg1, %dma_wait3A_44, %dma_wait3A_45] : memref<16x160x128xi32, #tpu.memory_space<hbm>> -> memref<1x160x128xi32, #tpu.memory_space<hbm>>
      %dma_wait3A_47 = tpu.memref_squeeze %dma_wait3A_46 : memref<1x160x128xi32, #tpu.memory_space<hbm>> -> memref<160x128xi32, #tpu.memory_space<hbm>>
      %dma_wait3A_48 = arith.constant 120 : i32
      %dma_wait3A_49 = arith.constant 0 : i32
      %dma_wait3A_50 = tpu.memref_slice %dma_wait3A_47[%dma_wait3A_48, %dma_wait3A_49] : memref<160x128xi32, #tpu.memory_space<hbm>> -> memref<40x128xi32, #tpu.memory_space<hbm>>
      tpu.wait_dma2 semaphore(%run_scoped3A : memref<!tpu.dma_semaphore, #tpu.memory_space<semaphore_mem>>) src(%dma_wait3A_50 : memref<40x128xi32, #tpu.memory_space<hbm>>) dst(%arg9 : memref<40x128xi32, #tpu.memory_space<vmem>>)
      tpu.yield
    }) : () -> ()
    %scan3A_18 = arith.constant 0 : i32
    %scan3A_19 = arith.constant 0 : i32
    %scan3A_20 = arith.constant 20 : i32
    %scan3A_21 = arith.addi %scan3A_19, %scan3A_20 : i32
    %scan3A_22 = arith.constant 1 : i32
    scf.for %scan3A_25 = %scan3A_19 to %scan3A_21 step %scan3A_22  : i32 {
      %mul3A_26 = arith.constant 2 : i32
      %mul3A_27 = arith.muli %mul3A_26, %scan3A_25 : i32
      %dma_start3A = arith.constant 0 : i32
      %dma_start3A_28 = tpu.memref_slice %arg8[%mul3A_27, %dma_start3A] : memref<40x128xi32, #tpu.memory_space<vmem>> -> memref<1x128xi32, #tpu.memory_space<vmem>>
      %dma_start3A_29 = tpu.memref_squeeze %dma_start3A_28 : memref<1x128xi32, #tpu.memory_space<vmem>> -> memref<128xi32, #tpu.memory_space<vmem>>
      %dma_start3A_30 = arith.constant 0 : i32
      %dma_start3A_31 = arith.constant 0 : i32
      %dma_start3A_32 = tpu.memref_slice %arg6[%dma_start3A_30, %dma_start3A_31] : memref<10112x64xf32, #tpu.memory_space<vmem_shared>> -> memref<10112x64xf32, #tpu.memory_space<vmem_shared>>
      tpu.enqueue_indirect_dma source(%dma_start3A_32 : memref<10112x64xf32, #tpu.memory_space<vmem_shared>>) target(%arg10 : memref<128x64xf32, #tpu.memory_space<vmem>>) offsets(%dma_start3A_29 : memref<128xi32, #tpu.memory_space<vmem>>) semaphore(%arg12 : memref<!tpu.dma_semaphore, #tpu.memory_space<semaphore_mem>>)
      %add3A = arith.constant 1 : i32
      %add3A_33 = arith.addi %mul3A_27, %add3A : i32
      %dma_start3A_34 = arith.constant 0 : i32
      %dma_start3A_35 = tpu.memref_slice %arg8[%add3A_33, %dma_start3A_34] : memref<40x128xi32, #tpu.memory_space<vmem>> -> memref<1x128xi32, #tpu.memory_space<vmem>>
      %dma_start3A_36 = tpu.memref_squeeze %dma_start3A_35 : memref<1x128xi32, #tpu.memory_space<vmem>> -> memref<128xi32, #tpu.memory_space<vmem>>
      %dma_start3A_37 = arith.constant 0 : i32
      %dma_start3A_38 = arith.constant 0 : i32
      %dma_start3A_39 = tpu.memref_slice %arg6[%dma_start3A_37, %dma_start3A_38] : memref<10112x64xf32, #tpu.memory_space<vmem_shared>> -> memref<10112x64xf32, #tpu.memory_space<vmem_shared>>
      tpu.enqueue_indirect_dma source(%dma_start3A_39 : memref<10112x64xf32, #tpu.memory_space<vmem_shared>>) target(%arg11 : memref<128x64xf32, #tpu.memory_space<vmem>>) offsets(%dma_start3A_36 : memref<128xi32, #tpu.memory_space<vmem>>) semaphore(%arg13 : memref<!tpu.dma_semaphore, #tpu.memory_space<semaphore_mem>>)
      %dma_wait3A = arith.constant 0 : i32
      %dma_wait3A_40 = tpu.memref_slice %arg8[%mul3A_27, %dma_wait3A] : memref<40x128xi32, #tpu.memory_space<vmem>> -> memref<1x128xi32, #tpu.memory_space<vmem>>
      %dma_wait3A_41 = tpu.memref_squeeze %dma_wait3A_40 : memref<1x128xi32, #tpu.memory_space<vmem>> -> memref<128xi32, #tpu.memory_space<vmem>>
      %dma_wait3A_42 = arith.constant 0 : i32
      %dma_wait3A_43 = arith.constant 0 : i32
      %dma_wait3A_44 = tpu.memref_slice %arg6[%dma_wait3A_42, %dma_wait3A_43] : memref<10112x64xf32, #tpu.memory_space<vmem_shared>> -> memref<10112x64xf32, #tpu.memory_space<vmem_shared>>
      tpu.wait_indirect_dma semaphore(%arg12 : memref<!tpu.dma_semaphore, #tpu.memory_space<semaphore_mem>>) src(%dma_wait3A_44 : memref<10112x64xf32, #tpu.memory_space<vmem_shared>>) dst(%arg10 : memref<128x64xf32, #tpu.memory_space<vmem>>)
      %dma_start3A_45 = arith.constant 0 : i32
      %dma_start3A_46 = tpu.memref_slice %arg9[%mul3A_27, %dma_start3A_45] : memref<40x128xi32, #tpu.memory_space<vmem>> -> memref<1x128xi32, #tpu.memory_space<vmem>>
      %dma_start3A_47 = tpu.memref_squeeze %dma_start3A_46 : memref<1x128xi32, #tpu.memory_space<vmem>> -> memref<128xi32, #tpu.memory_space<vmem>>
      %dma_start3A_48 = arith.constant 0 : i32
      %dma_start3A_49 = arith.constant 0 : i32
      %dma_start3A_50 = tpu.memref_slice %arg7[%dma_start3A_48, %dma_start3A_49] : memref<10112x64xf32, #tpu.memory_space<vmem_shared>> -> memref<10112x64xf32, #tpu.memory_space<vmem_shared>>
      tpu.enqueue_indirect_dma source(%arg10 : memref<128x64xf32, #tpu.memory_space<vmem>>) target(%dma_start3A_50 : memref<10112x64xf32, #tpu.memory_space<vmem_shared>>) offsets(%dma_start3A_47 : memref<128xi32, #tpu.memory_space<vmem>>) semaphore(%arg14 : memref<!tpu.dma_semaphore, #tpu.memory_space<semaphore_mem>>) {add = true}
      %dma_wait3A_51 = arith.constant 0 : i32
      %dma_wait3A_52 = tpu.memref_slice %arg8[%add3A_33, %dma_wait3A_51] : memref<40x128xi32, #tpu.memory_space<vmem>> -> memref<1x128xi32, #tpu.memory_space<vmem>>
      %dma_wait3A_53 = tpu.memref_squeeze %dma_wait3A_52 : memref<1x128xi32, #tpu.memory_space<vmem>> -> memref<128xi32, #tpu.memory_space<vmem>>
      %dma_wait3A_54 = arith.constant 0 : i32
      %dma_wait3A_55 = arith.constant 0 : i32
      %dma_wait3A_56 = tpu.memref_slice %arg6[%dma_wait3A_54, %dma_wait3A_55] : memref<10112x64xf32, #tpu.memory_space<vmem_shared>> -> memref<10112x64xf32, #tpu.memory_space<vmem_shared>>
      tpu.wait_indirect_dma semaphore(%arg13 : memref<!tpu.dma_semaphore, #tpu.memory_space<semaphore_mem>>) src(%dma_wait3A_56 : memref<10112x64xf32, #tpu.memory_space<vmem_shared>>) dst(%arg11 : memref<128x64xf32, #tpu.memory_space<vmem>>)
      %add3A_57 = arith.constant 1 : i32
      %add3A_58 = arith.addi %mul3A_27, %add3A_57 : i32
      %dma_start3A_59 = arith.constant 0 : i32
      %dma_start3A_60 = tpu.memref_slice %arg9[%add3A_58, %dma_start3A_59] : memref<40x128xi32, #tpu.memory_space<vmem>> -> memref<1x128xi32, #tpu.memory_space<vmem>>
      %dma_start3A_61 = tpu.memref_squeeze %dma_start3A_60 : memref<1x128xi32, #tpu.memory_space<vmem>> -> memref<128xi32, #tpu.memory_space<vmem>>
      %dma_start3A_62 = arith.constant 0 : i32
      %dma_start3A_63 = arith.constant 0 : i32
      %dma_start3A_64 = tpu.memref_slice %arg7[%dma_start3A_62, %dma_start3A_63] : memref<10112x64xf32, #tpu.memory_space<vmem_shared>> -> memref<10112x64xf32, #tpu.memory_space<vmem_shared>>
      tpu.enqueue_indirect_dma source(%arg11 : memref<128x64xf32, #tpu.memory_space<vmem>>) target(%dma_start3A_64 : memref<10112x64xf32, #tpu.memory_space<vmem_shared>>) offsets(%dma_start3A_61 : memref<128xi32, #tpu.memory_space<vmem>>) semaphore(%arg15 : memref<!tpu.dma_semaphore, #tpu.memory_space<semaphore_mem>>) {add = true}
      %dma_wait3A_65 = arith.constant 0 : i32
      %dma_wait3A_66 = tpu.memref_slice %arg9[%mul3A_27, %dma_wait3A_65] : memref<40x128xi32, #tpu.memory_space<vmem>> -> memref<1x128xi32, #tpu.memory_space<vmem>>
      %dma_wait3A_67 = tpu.memref_squeeze %dma_wait3A_66 : memref<1x128xi32, #tpu.memory_space<vmem>> -> memref<128xi32, #tpu.memory_space<vmem>>
      %dma_wait3A_68 = arith.constant 0 : i32
      %dma_wait3A_69 = arith.constant 0 : i32
      %dma_wait3A_70 = tpu.memref_slice %arg7[%dma_wait3A_68, %dma_wait3A_69] : memref<10112x64xf32, #tpu.memory_space<vmem_shared>> -> memref<10112x64xf32, #tpu.memory_space<vmem_shared>>
      tpu.wait_indirect_dma semaphore(%arg14 : memref<!tpu.dma_semaphore, #tpu.memory_space<semaphore_mem>>) src(%arg10 : memref<128x64xf32, #tpu.memory_space<vmem>>) dst(%dma_wait3A_70 : memref<10112x64xf32, #tpu.memory_space<vmem_shared>>)
      %dma_wait3A_71 = arith.constant 0 : i32
      %dma_wait3A_72 = tpu.memref_slice %arg9[%add3A_58, %dma_wait3A_71] : memref<40x128xi32, #tpu.memory_space<vmem>> -> memref<1x128xi32, #tpu.memory_space<vmem>>
      %dma_wait3A_73 = tpu.memref_squeeze %dma_wait3A_72 : memref<1x128xi32, #tpu.memory_space<vmem>> -> memref<128xi32, #tpu.memory_space<vmem>>
      %dma_wait3A_74 = arith.constant 0 : i32
      %dma_wait3A_75 = arith.constant 0 : i32
      %dma_wait3A_76 = tpu.memref_slice %arg7[%dma_wait3A_74, %dma_wait3A_75] : memref<10112x64xf32, #tpu.memory_space<vmem_shared>> -> memref<10112x64xf32, #tpu.memory_space<vmem_shared>>
      tpu.wait_indirect_dma semaphore(%arg15 : memref<!tpu.dma_semaphore, #tpu.memory_space<semaphore_mem>>) src(%arg11 : memref<128x64xf32, #tpu.memory_space<vmem>>) dst(%dma_wait3A_76 : memref<10112x64xf32, #tpu.memory_space<vmem_shared>>)
    }
    %scan3A_23 = arith.constant 20 : i32
    %barrier3A_24 = arith.constant 0 : index
    tpu.barrier barrier_id(%barrier3A_24)
    "tpu.region"() ({
      %run_scoped3A = tpu.sem_alloc : memref<!tpu.dma_semaphore, #tpu.memory_space<semaphore_mem>>
      %dma_start3A = arith.constant 0 : i32
      %dma_start3A_25 = arith.constant 0 : i32
      %dma_start3A_26 = tpu.memref_slice %arg5[%arg0, %dma_start3A, %dma_start3A_25] : memref<2x10112x64xf32, #tpu.memory_space<hbm>> -> memref<1x10112x64xf32, #tpu.memory_space<hbm>>
      %dma_start3A_27 = tpu.memref_squeeze %dma_start3A_26 : memref<1x10112x64xf32, #tpu.memory_space<hbm>> -> memref<10112x64xf32, #tpu.memory_space<hbm>>
      %dma_start3A_28 = arith.constant 0 : i32
      %dma_start3A_29 = tpu.memref_slice %dma_start3A_27[%mul3A_0, %dma_start3A_28] : memref<10112x64xf32, #tpu.memory_space<hbm>> -> memref<632x64xf32, #tpu.memory_space<hbm>>
      %dma_start3A_30 = arith.constant 0 : i32
      %dma_start3A_31 = tpu.memref_slice %arg7[%mul3A_0, %dma_start3A_30] : memref<10112x64xf32, #tpu.memory_space<vmem_shared>> -> memref<632x64xf32, #tpu.memory_space<vmem_shared>>
      tpu.enqueue_dma source(%dma_start3A_31 : memref<632x64xf32, #tpu.memory_space<vmem_shared>>) target(%dma_start3A_29 : memref<632x64xf32, #tpu.memory_space<hbm>>) target_semaphore(%run_scoped3A : memref<!tpu.dma_semaphore, #tpu.memory_space<semaphore_mem>>)
      %dma_wait3A = arith.constant 0 : i32
      %dma_wait3A_32 = arith.constant 0 : i32
      %dma_wait3A_33 = tpu.memref_slice %arg5[%arg0, %dma_wait3A, %dma_wait3A_32] : memref<2x10112x64xf32, #tpu.memory_space<hbm>> -> memref<1x10112x64xf32, #tpu.memory_space<hbm>>
      %dma_wait3A_34 = tpu.memref_squeeze %dma_wait3A_33 : memref<1x10112x64xf32, #tpu.memory_space<hbm>> -> memref<10112x64xf32, #tpu.memory_space<hbm>>
      %dma_wait3A_35 = arith.constant 0 : i32
      %dma_wait3A_36 = tpu.memref_slice %dma_wait3A_34[%mul3A_0, %dma_wait3A_35] : memref<10112x64xf32, #tpu.memory_space<hbm>> -> memref<632x64xf32, #tpu.memory_space<hbm>>
      %dma_wait3A_37 = arith.constant 0 : i32
      %dma_wait3A_38 = tpu.memref_slice %arg7[%mul3A_0, %dma_wait3A_37] : memref<10112x64xf32, #tpu.memory_space<vmem_shared>> -> memref<632x64xf32, #tpu.memory_space<vmem_shared>>
      tpu.wait_dma2 semaphore(%run_scoped3A : memref<!tpu.dma_semaphore, #tpu.memory_space<semaphore_mem>>) src(%dma_wait3A_38 : memref<632x64xf32, #tpu.memory_space<vmem_shared>>) dst(%dma_wait3A_36 : memref<632x64xf32, #tpu.memory_space<hbm>>)
      tpu.yield
    }) : () -> ()
    return
  }
}

#map = affine_map<(d0, d1) -> (0, 0, 0)>
module attributes {stable_mosaic.version = 14 : i64} {
  func.func @_sc_agg(%arg0: i32, %arg1: i32, %arg2: memref<2x10112x64xf32, #tpu.memory_space<hbm>>, %arg3: memref<16x160x128xi32, #tpu.memory_space<hbm>>, %arg4: memref<16x160x128xi32, #tpu.memory_space<hbm>>, %arg5: memref<2x10112x64xf32, #tpu.memory_space<hbm>>, %arg6: memref<10112x64xf32, #tpu.memory_space<vmem_shared>>, %arg7: memref<10112x64xf32, #tpu.memory_space<vmem_shared>>, %arg8: memref<40x128xi32, #tpu.memory_space<vmem>>, %arg9: memref<40x128xi32, #tpu.memory_space<vmem>>, %arg10: memref<128x64xf32, #tpu.memory_space<vmem>>, %arg11: memref<128x64xf32, #tpu.memory_space<vmem>>, %arg12: memref<!tpu.dma_semaphore, #tpu.memory_space<semaphore_mem>>, %arg13: memref<!tpu.dma_semaphore, #tpu.memory_space<semaphore_mem>>, %arg14: memref<!tpu.dma_semaphore, #tpu.memory_space<semaphore_mem>>, %arg15: memref<!tpu.dma_semaphore, #tpu.memory_space<semaphore_mem>>) attributes {dimension_semantics = [#tpu.dimension_semantics<core_parallel>, #tpu.dimension_semantics<subcore_parallel>], iteration_bounds = array<i64: 2, 16>, scalar_prefetch = 0 : i64, scratch_operands = 10 : i64, tpu.core_type = #tpu.core_type<sc_vector_subcore>, window_params = [{transform_indices = #map}, {transform_indices = #map}, {transform_indices = #map}, {transform_indices = #map}]} {
    %mul3A = arith.constant 632 : i32
    %mul3A_0 = arith.muli %arg1, %mul3A : i32
    "tpu.region"() ({
      %run_scoped3A = tpu.sem_alloc : memref<!tpu.dma_semaphore, #tpu.memory_space<semaphore_mem>>
      %dma_start3A = arith.constant 0 : i32
      %dma_start3A_25 = tpu.memref_slice %arg6[%mul3A_0, %dma_start3A] : memref<10112x64xf32, #tpu.memory_space<vmem_shared>> -> memref<632x64xf32, #tpu.memory_space<vmem_shared>>
      %dma_start3A_26 = arith.constant 0 : i32
      %dma_start3A_27 = arith.constant 0 : i32
      %dma_start3A_28 = tpu.memref_slice %arg2[%arg0, %dma_start3A_26, %dma_start3A_27] : memref<2x10112x64xf32, #tpu.memory_space<hbm>> -> memref<1x10112x64xf32, #tpu.memory_space<hbm>>
      %dma_start3A_29 = tpu.memref_squeeze %dma_start3A_28 : memref<1x10112x64xf32, #tpu.memory_space<hbm>> -> memref<10112x64xf32, #tpu.memory_space<hbm>>
      %dma_start3A_30 = arith.constant 0 : i32
      %dma_start3A_31 = tpu.memref_slice %dma_start3A_29[%mul3A_0, %dma_start3A_30] : memref<10112x64xf32, #tpu.memory_space<hbm>> -> memref<632x64xf32, #tpu.memory_space<hbm>>
      tpu.enqueue_dma source(%dma_start3A_31 : memref<632x64xf32, #tpu.memory_space<hbm>>) target(%dma_start3A_25 : memref<632x64xf32, #tpu.memory_space<vmem_shared>>) target_semaphore(%run_scoped3A : memref<!tpu.dma_semaphore, #tpu.memory_space<semaphore_mem>>)
      %dma_wait3A = arith.constant 0 : i32
      %dma_wait3A_32 = tpu.memref_slice %arg6[%mul3A_0, %dma_wait3A] : memref<10112x64xf32, #tpu.memory_space<vmem_shared>> -> memref<632x64xf32, #tpu.memory_space<vmem_shared>>
      %dma_wait3A_33 = arith.constant 0 : i32
      %dma_wait3A_34 = arith.constant 0 : i32
      %dma_wait3A_35 = tpu.memref_slice %arg2[%arg0, %dma_wait3A_33, %dma_wait3A_34] : memref<2x10112x64xf32, #tpu.memory_space<hbm>> -> memref<1x10112x64xf32, #tpu.memory_space<hbm>>
      %dma_wait3A_36 = tpu.memref_squeeze %dma_wait3A_35 : memref<1x10112x64xf32, #tpu.memory_space<hbm>> -> memref<10112x64xf32, #tpu.memory_space<hbm>>
      %dma_wait3A_37 = arith.constant 0 : i32
      %dma_wait3A_38 = tpu.memref_slice %dma_wait3A_36[%mul3A_0, %dma_wait3A_37] : memref<10112x64xf32, #tpu.memory_space<hbm>> -> memref<632x64xf32, #tpu.memory_space<hbm>>
      tpu.wait_dma2 semaphore(%run_scoped3A : memref<!tpu.dma_semaphore, #tpu.memory_space<semaphore_mem>>) src(%dma_wait3A_38 : memref<632x64xf32, #tpu.memory_space<hbm>>) dst(%dma_wait3A_32 : memref<632x64xf32, #tpu.memory_space<vmem_shared>>)
      tpu.yield
    }) : () -> ()
    "tpu.region"() ({
      %run_scoped3A = tpu.sem_alloc : memref<!tpu.dma_semaphore, #tpu.memory_space<semaphore_mem>>
      %dma_start3A = arith.constant 0 : i32
      %dma_start3A_25 = tpu.memref_slice %arg7[%mul3A_0, %dma_start3A] : memref<10112x64xf32, #tpu.memory_space<vmem_shared>> -> memref<632x64xf32, #tpu.memory_space<vmem_shared>>
      %dma_start3A_26 = arith.constant 0 : i32
      %dma_start3A_27 = arith.constant 0 : i32
      %dma_start3A_28 = tpu.memref_slice %arg2[%arg0, %dma_start3A_26, %dma_start3A_27] : memref<2x10112x64xf32, #tpu.memory_space<hbm>> -> memref<1x10112x64xf32, #tpu.memory_space<hbm>>
      %dma_start3A_29 = tpu.memref_squeeze %dma_start3A_28 : memref<1x10112x64xf32, #tpu.memory_space<hbm>> -> memref<10112x64xf32, #tpu.memory_space<hbm>>
      %dma_start3A_30 = arith.constant 0 : i32
      %dma_start3A_31 = tpu.memref_slice %dma_start3A_29[%mul3A_0, %dma_start3A_30] : memref<10112x64xf32, #tpu.memory_space<hbm>> -> memref<632x64xf32, #tpu.memory_space<hbm>>
      tpu.enqueue_dma source(%dma_start3A_31 : memref<632x64xf32, #tpu.memory_space<hbm>>) target(%dma_start3A_25 : memref<632x64xf32, #tpu.memory_space<vmem_shared>>) target_semaphore(%run_scoped3A : memref<!tpu.dma_semaphore, #tpu.memory_space<semaphore_mem>>)
      %dma_wait3A = arith.constant 0 : i32
      %dma_wait3A_32 = tpu.memref_slice %arg7[%mul3A_0, %dma_wait3A] : memref<10112x64xf32, #tpu.memory_space<vmem_shared>> -> memref<632x64xf32, #tpu.memory_space<vmem_shared>>
      %dma_wait3A_33 = arith.constant 0 : i32
      %dma_wait3A_34 = arith.constant 0 : i32
      %dma_wait3A_35 = tpu.memref_slice %arg2[%arg0, %dma_wait3A_33, %dma_wait3A_34] : memref<2x10112x64xf32, #tpu.memory_space<hbm>> -> memref<1x10112x64xf32, #tpu.memory_space<hbm>>
      %dma_wait3A_36 = tpu.memref_squeeze %dma_wait3A_35 : memref<1x10112x64xf32, #tpu.memory_space<hbm>> -> memref<10112x64xf32, #tpu.memory_space<hbm>>
      %dma_wait3A_37 = arith.constant 0 : i32
      %dma_wait3A_38 = tpu.memref_slice %dma_wait3A_36[%mul3A_0, %dma_wait3A_37] : memref<10112x64xf32, #tpu.memory_space<hbm>> -> memref<632x64xf32, #tpu.memory_space<hbm>>
      tpu.wait_dma2 semaphore(%run_scoped3A : memref<!tpu.dma_semaphore, #tpu.memory_space<semaphore_mem>>) src(%dma_wait3A_38 : memref<632x64xf32, #tpu.memory_space<hbm>>) dst(%dma_wait3A_32 : memref<632x64xf32, #tpu.memory_space<vmem_shared>>)
      tpu.yield
    }) : () -> ()
    %barrier3A = arith.constant 0 : index
    tpu.barrier barrier_id(%barrier3A)
    "tpu.region"() ({
      %run_scoped3A = tpu.sem_alloc : memref<!tpu.dma_semaphore, #tpu.memory_space<semaphore_mem>>
      %dma_start3A = arith.constant 0 : i32
      %dma_start3A_25 = arith.constant 0 : i32
      %dma_start3A_26 = tpu.memref_slice %arg3[%arg1, %dma_start3A, %dma_start3A_25] : memref<16x160x128xi32, #tpu.memory_space<hbm>> -> memref<1x160x128xi32, #tpu.memory_space<hbm>>
      %dma_start3A_27 = tpu.memref_squeeze %dma_start3A_26 : memref<1x160x128xi32, #tpu.memory_space<hbm>> -> memref<160x128xi32, #tpu.memory_space<hbm>>
      %dma_start3A_28 = arith.constant 0 : i32
      %dma_start3A_29 = arith.constant 0 : i32
      %dma_start3A_30 = tpu.memref_slice %dma_start3A_27[%dma_start3A_28, %dma_start3A_29] : memref<160x128xi32, #tpu.memory_space<hbm>> -> memref<40x128xi32, #tpu.memory_space<hbm>>
      %dma_start3A_31 = arith.constant 0 : i32
      %dma_start3A_32 = arith.constant 0 : i32
      %dma_start3A_33 = tpu.memref_slice %arg3[%arg1, %dma_start3A_31, %dma_start3A_32] : memref<16x160x128xi32, #tpu.memory_space<hbm>> -> memref<1x160x128xi32, #tpu.memory_space<hbm>>
      %dma_start3A_34 = tpu.memref_squeeze %dma_start3A_33 : memref<1x160x128xi32, #tpu.memory_space<hbm>> -> memref<160x128xi32, #tpu.memory_space<hbm>>
      %dma_start3A_35 = arith.constant 0 : i32
      %dma_start3A_36 = arith.constant 0 : i32
      %dma_start3A_37 = tpu.memref_slice %dma_start3A_34[%dma_start3A_35, %dma_start3A_36] : memref<160x128xi32, #tpu.memory_space<hbm>> -> memref<40x128xi32, #tpu.memory_space<hbm>>
      tpu.enqueue_dma source(%dma_start3A_37 : memref<40x128xi32, #tpu.memory_space<hbm>>) target(%arg8 : memref<40x128xi32, #tpu.memory_space<vmem>>) target_semaphore(%run_scoped3A : memref<!tpu.dma_semaphore, #tpu.memory_space<semaphore_mem>>)
      %dma_wait3A = arith.constant 0 : i32
      %dma_wait3A_38 = arith.constant 0 : i32
      %dma_wait3A_39 = tpu.memref_slice %arg3[%arg1, %dma_wait3A, %dma_wait3A_38] : memref<16x160x128xi32, #tpu.memory_space<hbm>> -> memref<1x160x128xi32, #tpu.memory_space<hbm>>
      %dma_wait3A_40 = tpu.memref_squeeze %dma_wait3A_39 : memref<1x160x128xi32, #tpu.memory_space<hbm>> -> memref<160x128xi32, #tpu.memory_space<hbm>>
      %dma_wait3A_41 = arith.constant 0 : i32
      %dma_wait3A_42 = arith.constant 0 : i32
      %dma_wait3A_43 = tpu.memref_slice %dma_wait3A_40[%dma_wait3A_41, %dma_wait3A_42] : memref<160x128xi32, #tpu.memory_space<hbm>> -> memref<40x128xi32, #tpu.memory_space<hbm>>
      %dma_wait3A_44 = arith.constant 0 : i32
      %dma_wait3A_45 = arith.constant 0 : i32
      %dma_wait3A_46 = tpu.memref_slice %arg3[%arg1, %dma_wait3A_44, %dma_wait3A_45] : memref<16x160x128xi32, #tpu.memory_space<hbm>> -> memref<1x160x128xi32, #tpu.memory_space<hbm>>
      %dma_wait3A_47 = tpu.memref_squeeze %dma_wait3A_46 : memref<1x160x128xi32, #tpu.memory_space<hbm>> -> memref<160x128xi32, #tpu.memory_space<hbm>>
      %dma_wait3A_48 = arith.constant 0 : i32
      %dma_wait3A_49 = arith.constant 0 : i32
      %dma_wait3A_50 = tpu.memref_slice %dma_wait3A_47[%dma_wait3A_48, %dma_wait3A_49] : memref<160x128xi32, #tpu.memory_space<hbm>> -> memref<40x128xi32, #tpu.memory_space<hbm>>
      tpu.wait_dma2 semaphore(%run_scoped3A : memref<!tpu.dma_semaphore, #tpu.memory_space<semaphore_mem>>) src(%dma_wait3A_50 : memref<40x128xi32, #tpu.memory_space<hbm>>) dst(%arg8 : memref<40x128xi32, #tpu.memory_space<vmem>>)
      tpu.yield
    }) : () -> ()
    "tpu.region"() ({
      %run_scoped3A = tpu.sem_alloc : memref<!tpu.dma_semaphore, #tpu.memory_space<semaphore_mem>>
      %dma_start3A = arith.constant 0 : i32
      %dma_start3A_25 = arith.constant 0 : i32
      %dma_start3A_26 = tpu.memref_slice %arg4[%arg1, %dma_start3A, %dma_start3A_25] : memref<16x160x128xi32, #tpu.memory_space<hbm>> -> memref<1x160x128xi32, #tpu.memory_space<hbm>>
      %dma_start3A_27 = tpu.memref_squeeze %dma_start3A_26 : memref<1x160x128xi32, #tpu.memory_space<hbm>> -> memref<160x128xi32, #tpu.memory_space<hbm>>
      %dma_start3A_28 = arith.constant 0 : i32
      %dma_start3A_29 = arith.constant 0 : i32
      %dma_start3A_30 = tpu.memref_slice %dma_start3A_27[%dma_start3A_28, %dma_start3A_29] : memref<160x128xi32, #tpu.memory_space<hbm>> -> memref<40x128xi32, #tpu.memory_space<hbm>>
      %dma_start3A_31 = arith.constant 0 : i32
      %dma_start3A_32 = arith.constant 0 : i32
      %dma_start3A_33 = tpu.memref_slice %arg4[%arg1, %dma_start3A_31, %dma_start3A_32] : memref<16x160x128xi32, #tpu.memory_space<hbm>> -> memref<1x160x128xi32, #tpu.memory_space<hbm>>
      %dma_start3A_34 = tpu.memref_squeeze %dma_start3A_33 : memref<1x160x128xi32, #tpu.memory_space<hbm>> -> memref<160x128xi32, #tpu.memory_space<hbm>>
      %dma_start3A_35 = arith.constant 0 : i32
      %dma_start3A_36 = arith.constant 0 : i32
      %dma_start3A_37 = tpu.memref_slice %dma_start3A_34[%dma_start3A_35, %dma_start3A_36] : memref<160x128xi32, #tpu.memory_space<hbm>> -> memref<40x128xi32, #tpu.memory_space<hbm>>
      tpu.enqueue_dma source(%dma_start3A_37 : memref<40x128xi32, #tpu.memory_space<hbm>>) target(%arg9 : memref<40x128xi32, #tpu.memory_space<vmem>>) target_semaphore(%run_scoped3A : memref<!tpu.dma_semaphore, #tpu.memory_space<semaphore_mem>>)
      %dma_wait3A = arith.constant 0 : i32
      %dma_wait3A_38 = arith.constant 0 : i32
      %dma_wait3A_39 = tpu.memref_slice %arg4[%arg1, %dma_wait3A, %dma_wait3A_38] : memref<16x160x128xi32, #tpu.memory_space<hbm>> -> memref<1x160x128xi32, #tpu.memory_space<hbm>>
      %dma_wait3A_40 = tpu.memref_squeeze %dma_wait3A_39 : memref<1x160x128xi32, #tpu.memory_space<hbm>> -> memref<160x128xi32, #tpu.memory_space<hbm>>
      %dma_wait3A_41 = arith.constant 0 : i32
      %dma_wait3A_42 = arith.constant 0 : i32
      %dma_wait3A_43 = tpu.memref_slice %dma_wait3A_40[%dma_wait3A_41, %dma_wait3A_42] : memref<160x128xi32, #tpu.memory_space<hbm>> -> memref<40x128xi32, #tpu.memory_space<hbm>>
      %dma_wait3A_44 = arith.constant 0 : i32
      %dma_wait3A_45 = arith.constant 0 : i32
      %dma_wait3A_46 = tpu.memref_slice %arg4[%arg1, %dma_wait3A_44, %dma_wait3A_45] : memref<16x160x128xi32, #tpu.memory_space<hbm>> -> memref<1x160x128xi32, #tpu.memory_space<hbm>>
      %dma_wait3A_47 = tpu.memref_squeeze %dma_wait3A_46 : memref<1x160x128xi32, #tpu.memory_space<hbm>> -> memref<160x128xi32, #tpu.memory_space<hbm>>
      %dma_wait3A_48 = arith.constant 0 : i32
      %dma_wait3A_49 = arith.constant 0 : i32
      %dma_wait3A_50 = tpu.memref_slice %dma_wait3A_47[%dma_wait3A_48, %dma_wait3A_49] : memref<160x128xi32, #tpu.memory_space<hbm>> -> memref<40x128xi32, #tpu.memory_space<hbm>>
      tpu.wait_dma2 semaphore(%run_scoped3A : memref<!tpu.dma_semaphore, #tpu.memory_space<semaphore_mem>>) src(%dma_wait3A_50 : memref<40x128xi32, #tpu.memory_space<hbm>>) dst(%arg9 : memref<40x128xi32, #tpu.memory_space<vmem>>)
      tpu.yield
    }) : () -> ()
    %scan3A = arith.constant 0 : i32
    %scan3A_1 = arith.constant 0 : i32
    %scan3A_2 = arith.constant 20 : i32
    %scan3A_3 = arith.addi %scan3A_1, %scan3A_2 : i32
    %scan3A_4 = arith.constant 1 : i32
    scf.for %scan3A_25 = %scan3A_1 to %scan3A_3 step %scan3A_4  : i32 {
      %mul3A_26 = arith.constant 2 : i32
      %mul3A_27 = arith.muli %mul3A_26, %scan3A_25 : i32
      %dma_start3A = arith.constant 0 : i32
      %dma_start3A_28 = tpu.memref_slice %arg8[%mul3A_27, %dma_start3A] : memref<40x128xi32, #tpu.memory_space<vmem>> -> memref<1x128xi32, #tpu.memory_space<vmem>>
      %dma_start3A_29 = tpu.memref_squeeze %dma_start3A_28 : memref<1x128xi32, #tpu.memory_space<vmem>> -> memref<128xi32, #tpu.memory_space<vmem>>
      %dma_start3A_30 = arith.constant 0 : i32
      %dma_start3A_31 = arith.constant 0 : i32
      %dma_start3A_32 = tpu.memref_slice %arg6[%dma_start3A_30, %dma_start3A_31] : memref<10112x64xf32, #tpu.memory_space<vmem_shared>> -> memref<10112x64xf32, #tpu.memory_space<vmem_shared>>
      tpu.enqueue_indirect_dma source(%dma_start3A_32 : memref<10112x64xf32, #tpu.memory_space<vmem_shared>>) target(%arg10 : memref<128x64xf32, #tpu.memory_space<vmem>>) offsets(%dma_start3A_29 : memref<128xi32, #tpu.memory_space<vmem>>) semaphore(%arg12 : memref<!tpu.dma_semaphore, #tpu.memory_space<semaphore_mem>>)
      %add3A = arith.constant 1 : i32
      %add3A_33 = arith.addi %mul3A_27, %add3A : i32
      %dma_start3A_34 = arith.constant 0 : i32
      %dma_start3A_35 = tpu.memref_slice %arg8[%add3A_33, %dma_start3A_34] : memref<40x128xi32, #tpu.memory_space<vmem>> -> memref<1x128xi32, #tpu.memory_space<vmem>>
      %dma_start3A_36 = tpu.memref_squeeze %dma_start3A_35 : memref<1x128xi32, #tpu.memory_space<vmem>> -> memref<128xi32, #tpu.memory_space<vmem>>
      %dma_start3A_37 = arith.constant 0 : i32
      %dma_start3A_38 = arith.constant 0 : i32
      %dma_start3A_39 = tpu.memref_slice %arg6[%dma_start3A_37, %dma_start3A_38] : memref<10112x64xf32, #tpu.memory_space<vmem_shared>> -> memref<10112x64xf32, #tpu.memory_space<vmem_shared>>
      tpu.enqueue_indirect_dma source(%dma_start3A_39 : memref<10112x64xf32, #tpu.memory_space<vmem_shared>>) target(%arg11 : memref<128x64xf32, #tpu.memory_space<vmem>>) offsets(%dma_start3A_36 : memref<128xi32, #tpu.memory_space<vmem>>) semaphore(%arg13 : memref<!tpu.dma_semaphore, #tpu.memory_space<semaphore_mem>>)
      %dma_wait3A = arith.constant 0 : i32
      %dma_wait3A_40 = tpu.memref_slice %arg8[%mul3A_27, %dma_wait3A] : memref<40x128xi32, #tpu.memory_space<vmem>> -> memref<1x128xi32, #tpu.memory_space<vmem>>
      %dma_wait3A_41 = tpu.memref_squeeze %dma_wait3A_40 : memref<1x128xi32, #tpu.memory_space<vmem>> -> memref<128xi32, #tpu.memory_space<vmem>>
      %dma_wait3A_42 = arith.constant 0 : i32
      %dma_wait3A_43 = arith.constant 0 : i32
      %dma_wait3A_44 = tpu.memref_slice %arg6[%dma_wait3A_42, %dma_wait3A_43] : memref<10112x64xf32, #tpu.memory_space<vmem_shared>> -> memref<10112x64xf32, #tpu.memory_space<vmem_shared>>
      tpu.wait_indirect_dma semaphore(%arg12 : memref<!tpu.dma_semaphore, #tpu.memory_space<semaphore_mem>>) src(%dma_wait3A_44 : memref<10112x64xf32, #tpu.memory_space<vmem_shared>>) dst(%arg10 : memref<128x64xf32, #tpu.memory_space<vmem>>)
      %dma_start3A_45 = arith.constant 0 : i32
      %dma_start3A_46 = tpu.memref_slice %arg9[%mul3A_27, %dma_start3A_45] : memref<40x128xi32, #tpu.memory_space<vmem>> -> memref<1x128xi32, #tpu.memory_space<vmem>>
      %dma_start3A_47 = tpu.memref_squeeze %dma_start3A_46 : memref<1x128xi32, #tpu.memory_space<vmem>> -> memref<128xi32, #tpu.memory_space<vmem>>
      %dma_start3A_48 = arith.constant 0 : i32
      %dma_start3A_49 = arith.constant 0 : i32
      %dma_start3A_50 = tpu.memref_slice %arg7[%dma_start3A_48, %dma_start3A_49] : memref<10112x64xf32, #tpu.memory_space<vmem_shared>> -> memref<10112x64xf32, #tpu.memory_space<vmem_shared>>
      tpu.enqueue_indirect_dma source(%arg10 : memref<128x64xf32, #tpu.memory_space<vmem>>) target(%dma_start3A_50 : memref<10112x64xf32, #tpu.memory_space<vmem_shared>>) offsets(%dma_start3A_47 : memref<128xi32, #tpu.memory_space<vmem>>) semaphore(%arg14 : memref<!tpu.dma_semaphore, #tpu.memory_space<semaphore_mem>>) {add = true}
      %dma_wait3A_51 = arith.constant 0 : i32
      %dma_wait3A_52 = tpu.memref_slice %arg8[%add3A_33, %dma_wait3A_51] : memref<40x128xi32, #tpu.memory_space<vmem>> -> memref<1x128xi32, #tpu.memory_space<vmem>>
      %dma_wait3A_53 = tpu.memref_squeeze %dma_wait3A_52 : memref<1x128xi32, #tpu.memory_space<vmem>> -> memref<128xi32, #tpu.memory_space<vmem>>
      %dma_wait3A_54 = arith.constant 0 : i32
      %dma_wait3A_55 = arith.constant 0 : i32
      %dma_wait3A_56 = tpu.memref_slice %arg6[%dma_wait3A_54, %dma_wait3A_55] : memref<10112x64xf32, #tpu.memory_space<vmem_shared>> -> memref<10112x64xf32, #tpu.memory_space<vmem_shared>>
      tpu.wait_indirect_dma semaphore(%arg13 : memref<!tpu.dma_semaphore, #tpu.memory_space<semaphore_mem>>) src(%dma_wait3A_56 : memref<10112x64xf32, #tpu.memory_space<vmem_shared>>) dst(%arg11 : memref<128x64xf32, #tpu.memory_space<vmem>>)
      %add3A_57 = arith.constant 1 : i32
      %add3A_58 = arith.addi %mul3A_27, %add3A_57 : i32
      %dma_start3A_59 = arith.constant 0 : i32
      %dma_start3A_60 = tpu.memref_slice %arg9[%add3A_58, %dma_start3A_59] : memref<40x128xi32, #tpu.memory_space<vmem>> -> memref<1x128xi32, #tpu.memory_space<vmem>>
      %dma_start3A_61 = tpu.memref_squeeze %dma_start3A_60 : memref<1x128xi32, #tpu.memory_space<vmem>> -> memref<128xi32, #tpu.memory_space<vmem>>
      %dma_start3A_62 = arith.constant 0 : i32
      %dma_start3A_63 = arith.constant 0 : i32
      %dma_start3A_64 = tpu.memref_slice %arg7[%dma_start3A_62, %dma_start3A_63] : memref<10112x64xf32, #tpu.memory_space<vmem_shared>> -> memref<10112x64xf32, #tpu.memory_space<vmem_shared>>
      tpu.enqueue_indirect_dma source(%arg11 : memref<128x64xf32, #tpu.memory_space<vmem>>) target(%dma_start3A_64 : memref<10112x64xf32, #tpu.memory_space<vmem_shared>>) offsets(%dma_start3A_61 : memref<128xi32, #tpu.memory_space<vmem>>) semaphore(%arg15 : memref<!tpu.dma_semaphore, #tpu.memory_space<semaphore_mem>>) {add = true}
      %dma_wait3A_65 = arith.constant 0 : i32
      %dma_wait3A_66 = tpu.memref_slice %arg9[%mul3A_27, %dma_wait3A_65] : memref<40x128xi32, #tpu.memory_space<vmem>> -> memref<1x128xi32, #tpu.memory_space<vmem>>
      %dma_wait3A_67 = tpu.memref_squeeze %dma_wait3A_66 : memref<1x128xi32, #tpu.memory_space<vmem>> -> memref<128xi32, #tpu.memory_space<vmem>>
      %dma_wait3A_68 = arith.constant 0 : i32
      %dma_wait3A_69 = arith.constant 0 : i32
      %dma_wait3A_70 = tpu.memref_slice %arg7[%dma_wait3A_68, %dma_wait3A_69] : memref<10112x64xf32, #tpu.memory_space<vmem_shared>> -> memref<10112x64xf32, #tpu.memory_space<vmem_shared>>
      tpu.wait_indirect_dma semaphore(%arg14 : memref<!tpu.dma_semaphore, #tpu.memory_space<semaphore_mem>>) src(%arg10 : memref<128x64xf32, #tpu.memory_space<vmem>>) dst(%dma_wait3A_70 : memref<10112x64xf32, #tpu.memory_space<vmem_shared>>)
      %dma_wait3A_71 = arith.constant 0 : i32
      %dma_wait3A_72 = tpu.memref_slice %arg9[%add3A_58, %dma_wait3A_71] : memref<40x128xi32, #tpu.memory_space<vmem>> -> memref<1x128xi32, #tpu.memory_space<vmem>>
      %dma_wait3A_73 = tpu.memref_squeeze %dma_wait3A_72 : memref<1x128xi32, #tpu.memory_space<vmem>> -> memref<128xi32, #tpu.memory_space<vmem>>
      %dma_wait3A_74 = arith.constant 0 : i32
      %dma_wait3A_75 = arith.constant 0 : i32
      %dma_wait3A_76 = tpu.memref_slice %arg7[%dma_wait3A_74, %dma_wait3A_75] : memref<10112x64xf32, #tpu.memory_space<vmem_shared>> -> memref<10112x64xf32, #tpu.memory_space<vmem_shared>>
      tpu.wait_indirect_dma semaphore(%arg15 : memref<!tpu.dma_semaphore, #tpu.memory_space<semaphore_mem>>) src(%arg11 : memref<128x64xf32, #tpu.memory_space<vmem>>) dst(%dma_wait3A_76 : memref<10112x64xf32, #tpu.memory_space<vmem_shared>>)
    }
    %scan3A_5 = arith.constant 20 : i32
    "tpu.region"() ({
      %run_scoped3A = tpu.sem_alloc : memref<!tpu.dma_semaphore, #tpu.memory_space<semaphore_mem>>
      %dma_start3A = arith.constant 0 : i32
      %dma_start3A_25 = arith.constant 0 : i32
      %dma_start3A_26 = tpu.memref_slice %arg3[%arg1, %dma_start3A, %dma_start3A_25] : memref<16x160x128xi32, #tpu.memory_space<hbm>> -> memref<1x160x128xi32, #tpu.memory_space<hbm>>
      %dma_start3A_27 = tpu.memref_squeeze %dma_start3A_26 : memref<1x160x128xi32, #tpu.memory_space<hbm>> -> memref<160x128xi32, #tpu.memory_space<hbm>>
      %dma_start3A_28 = arith.constant 40 : i32
      %dma_start3A_29 = arith.constant 0 : i32
      %dma_start3A_30 = tpu.memref_slice %dma_start3A_27[%dma_start3A_28, %dma_start3A_29] : memref<160x128xi32, #tpu.memory_space<hbm>> -> memref<40x128xi32, #tpu.memory_space<hbm>>
      %dma_start3A_31 = arith.constant 0 : i32
      %dma_start3A_32 = arith.constant 0 : i32
      %dma_start3A_33 = tpu.memref_slice %arg3[%arg1, %dma_start3A_31, %dma_start3A_32] : memref<16x160x128xi32, #tpu.memory_space<hbm>> -> memref<1x160x128xi32, #tpu.memory_space<hbm>>
      %dma_start3A_34 = tpu.memref_squeeze %dma_start3A_33 : memref<1x160x128xi32, #tpu.memory_space<hbm>> -> memref<160x128xi32, #tpu.memory_space<hbm>>
      %dma_start3A_35 = arith.constant 40 : i32
      %dma_start3A_36 = arith.constant 0 : i32
      %dma_start3A_37 = tpu.memref_slice %dma_start3A_34[%dma_start3A_35, %dma_start3A_36] : memref<160x128xi32, #tpu.memory_space<hbm>> -> memref<40x128xi32, #tpu.memory_space<hbm>>
      tpu.enqueue_dma source(%dma_start3A_37 : memref<40x128xi32, #tpu.memory_space<hbm>>) target(%arg8 : memref<40x128xi32, #tpu.memory_space<vmem>>) target_semaphore(%run_scoped3A : memref<!tpu.dma_semaphore, #tpu.memory_space<semaphore_mem>>)
      %dma_wait3A = arith.constant 0 : i32
      %dma_wait3A_38 = arith.constant 0 : i32
      %dma_wait3A_39 = tpu.memref_slice %arg3[%arg1, %dma_wait3A, %dma_wait3A_38] : memref<16x160x128xi32, #tpu.memory_space<hbm>> -> memref<1x160x128xi32, #tpu.memory_space<hbm>>
      %dma_wait3A_40 = tpu.memref_squeeze %dma_wait3A_39 : memref<1x160x128xi32, #tpu.memory_space<hbm>> -> memref<160x128xi32, #tpu.memory_space<hbm>>
      %dma_wait3A_41 = arith.constant 40 : i32
      %dma_wait3A_42 = arith.constant 0 : i32
      %dma_wait3A_43 = tpu.memref_slice %dma_wait3A_40[%dma_wait3A_41, %dma_wait3A_42] : memref<160x128xi32, #tpu.memory_space<hbm>> -> memref<40x128xi32, #tpu.memory_space<hbm>>
      %dma_wait3A_44 = arith.constant 0 : i32
      %dma_wait3A_45 = arith.constant 0 : i32
      %dma_wait3A_46 = tpu.memref_slice %arg3[%arg1, %dma_wait3A_44, %dma_wait3A_45] : memref<16x160x128xi32, #tpu.memory_space<hbm>> -> memref<1x160x128xi32, #tpu.memory_space<hbm>>
      %dma_wait3A_47 = tpu.memref_squeeze %dma_wait3A_46 : memref<1x160x128xi32, #tpu.memory_space<hbm>> -> memref<160x128xi32, #tpu.memory_space<hbm>>
      %dma_wait3A_48 = arith.constant 40 : i32
      %dma_wait3A_49 = arith.constant 0 : i32
      %dma_wait3A_50 = tpu.memref_slice %dma_wait3A_47[%dma_wait3A_48, %dma_wait3A_49] : memref<160x128xi32, #tpu.memory_space<hbm>> -> memref<40x128xi32, #tpu.memory_space<hbm>>
      tpu.wait_dma2 semaphore(%run_scoped3A : memref<!tpu.dma_semaphore, #tpu.memory_space<semaphore_mem>>) src(%dma_wait3A_50 : memref<40x128xi32, #tpu.memory_space<hbm>>) dst(%arg8 : memref<40x128xi32, #tpu.memory_space<vmem>>)
      tpu.yield
    }) : () -> ()
    "tpu.region"() ({
      %run_scoped3A = tpu.sem_alloc : memref<!tpu.dma_semaphore, #tpu.memory_space<semaphore_mem>>
      %dma_start3A = arith.constant 0 : i32
      %dma_start3A_25 = arith.constant 0 : i32
      %dma_start3A_26 = tpu.memref_slice %arg4[%arg1, %dma_start3A, %dma_start3A_25] : memref<16x160x128xi32, #tpu.memory_space<hbm>> -> memref<1x160x128xi32, #tpu.memory_space<hbm>>
      %dma_start3A_27 = tpu.memref_squeeze %dma_start3A_26 : memref<1x160x128xi32, #tpu.memory_space<hbm>> -> memref<160x128xi32, #tpu.memory_space<hbm>>
      %dma_start3A_28 = arith.constant 40 : i32
      %dma_start3A_29 = arith.constant 0 : i32
      %dma_start3A_30 = tpu.memref_slice %dma_start3A_27[%dma_start3A_28, %dma_start3A_29] : memref<160x128xi32, #tpu.memory_space<hbm>> -> memref<40x128xi32, #tpu.memory_space<hbm>>
      %dma_start3A_31 = arith.constant 0 : i32
      %dma_start3A_32 = arith.constant 0 : i32
      %dma_start3A_33 = tpu.memref_slice %arg4[%arg1, %dma_start3A_31, %dma_start3A_32] : memref<16x160x128xi32, #tpu.memory_space<hbm>> -> memref<1x160x128xi32, #tpu.memory_space<hbm>>
      %dma_start3A_34 = tpu.memref_squeeze %dma_start3A_33 : memref<1x160x128xi32, #tpu.memory_space<hbm>> -> memref<160x128xi32, #tpu.memory_space<hbm>>
      %dma_start3A_35 = arith.constant 40 : i32
      %dma_start3A_36 = arith.constant 0 : i32
      %dma_start3A_37 = tpu.memref_slice %dma_start3A_34[%dma_start3A_35, %dma_start3A_36] : memref<160x128xi32, #tpu.memory_space<hbm>> -> memref<40x128xi32, #tpu.memory_space<hbm>>
      tpu.enqueue_dma source(%dma_start3A_37 : memref<40x128xi32, #tpu.memory_space<hbm>>) target(%arg9 : memref<40x128xi32, #tpu.memory_space<vmem>>) target_semaphore(%run_scoped3A : memref<!tpu.dma_semaphore, #tpu.memory_space<semaphore_mem>>)
      %dma_wait3A = arith.constant 0 : i32
      %dma_wait3A_38 = arith.constant 0 : i32
      %dma_wait3A_39 = tpu.memref_slice %arg4[%arg1, %dma_wait3A, %dma_wait3A_38] : memref<16x160x128xi32, #tpu.memory_space<hbm>> -> memref<1x160x128xi32, #tpu.memory_space<hbm>>
      %dma_wait3A_40 = tpu.memref_squeeze %dma_wait3A_39 : memref<1x160x128xi32, #tpu.memory_space<hbm>> -> memref<160x128xi32, #tpu.memory_space<hbm>>
      %dma_wait3A_41 = arith.constant 40 : i32
      %dma_wait3A_42 = arith.constant 0 : i32
      %dma_wait3A_43 = tpu.memref_slice %dma_wait3A_40[%dma_wait3A_41, %dma_wait3A_42] : memref<160x128xi32, #tpu.memory_space<hbm>> -> memref<40x128xi32, #tpu.memory_space<hbm>>
      %dma_wait3A_44 = arith.constant 0 : i32
      %dma_wait3A_45 = arith.constant 0 : i32
      %dma_wait3A_46 = tpu.memref_slice %arg4[%arg1, %dma_wait3A_44, %dma_wait3A_45] : memref<16x160x128xi32, #tpu.memory_space<hbm>> -> memref<1x160x128xi32, #tpu.memory_space<hbm>>
      %dma_wait3A_47 = tpu.memref_squeeze %dma_wait3A_46 : memref<1x160x128xi32, #tpu.memory_space<hbm>> -> memref<160x128xi32, #tpu.memory_space<hbm>>
      %dma_wait3A_48 = arith.constant 40 : i32
      %dma_wait3A_49 = arith.constant 0 : i32
      %dma_wait3A_50 = tpu.memref_slice %dma_wait3A_47[%dma_wait3A_48, %dma_wait3A_49] : memref<160x128xi32, #tpu.memory_space<hbm>> -> memref<40x128xi32, #tpu.memory_space<hbm>>
      tpu.wait_dma2 semaphore(%run_scoped3A : memref<!tpu.dma_semaphore, #tpu.memory_space<semaphore_mem>>) src(%dma_wait3A_50 : memref<40x128xi32, #tpu.memory_space<hbm>>) dst(%arg9 : memref<40x128xi32, #tpu.memory_space<vmem>>)
      tpu.yield
    }) : () -> ()
    %scan3A_6 = arith.constant 0 : i32
    %scan3A_7 = arith.constant 0 : i32
    %scan3A_8 = arith.constant 20 : i32
    %scan3A_9 = arith.addi %scan3A_7, %scan3A_8 : i32
    %scan3A_10 = arith.constant 1 : i32
    scf.for %scan3A_25 = %scan3A_7 to %scan3A_9 step %scan3A_10  : i32 {
      %mul3A_26 = arith.constant 2 : i32
      %mul3A_27 = arith.muli %mul3A_26, %scan3A_25 : i32
      %dma_start3A = arith.constant 0 : i32
      %dma_start3A_28 = tpu.memref_slice %arg8[%mul3A_27, %dma_start3A] : memref<40x128xi32, #tpu.memory_space<vmem>> -> memref<1x128xi32, #tpu.memory_space<vmem>>
      %dma_start3A_29 = tpu.memref_squeeze %dma_start3A_28 : memref<1x128xi32, #tpu.memory_space<vmem>> -> memref<128xi32, #tpu.memory_space<vmem>>
      %dma_start3A_30 = arith.constant 0 : i32
      %dma_start3A_31 = arith.constant 0 : i32
      %dma_start3A_32 = tpu.memref_slice %arg6[%dma_start3A_30, %dma_start3A_31] : memref<10112x64xf32, #tpu.memory_space<vmem_shared>> -> memref<10112x64xf32, #tpu.memory_space<vmem_shared>>
      tpu.enqueue_indirect_dma source(%dma_start3A_32 : memref<10112x64xf32, #tpu.memory_space<vmem_shared>>) target(%arg10 : memref<128x64xf32, #tpu.memory_space<vmem>>) offsets(%dma_start3A_29 : memref<128xi32, #tpu.memory_space<vmem>>) semaphore(%arg12 : memref<!tpu.dma_semaphore, #tpu.memory_space<semaphore_mem>>)
      %add3A = arith.constant 1 : i32
      %add3A_33 = arith.addi %mul3A_27, %add3A : i32
      %dma_start3A_34 = arith.constant 0 : i32
      %dma_start3A_35 = tpu.memref_slice %arg8[%add3A_33, %dma_start3A_34] : memref<40x128xi32, #tpu.memory_space<vmem>> -> memref<1x128xi32, #tpu.memory_space<vmem>>
      %dma_start3A_36 = tpu.memref_squeeze %dma_start3A_35 : memref<1x128xi32, #tpu.memory_space<vmem>> -> memref<128xi32, #tpu.memory_space<vmem>>
      %dma_start3A_37 = arith.constant 0 : i32
      %dma_start3A_38 = arith.constant 0 : i32
      %dma_start3A_39 = tpu.memref_slice %arg6[%dma_start3A_37, %dma_start3A_38] : memref<10112x64xf32, #tpu.memory_space<vmem_shared>> -> memref<10112x64xf32, #tpu.memory_space<vmem_shared>>
      tpu.enqueue_indirect_dma source(%dma_start3A_39 : memref<10112x64xf32, #tpu.memory_space<vmem_shared>>) target(%arg11 : memref<128x64xf32, #tpu.memory_space<vmem>>) offsets(%dma_start3A_36 : memref<128xi32, #tpu.memory_space<vmem>>) semaphore(%arg13 : memref<!tpu.dma_semaphore, #tpu.memory_space<semaphore_mem>>)
      %dma_wait3A = arith.constant 0 : i32
      %dma_wait3A_40 = tpu.memref_slice %arg8[%mul3A_27, %dma_wait3A] : memref<40x128xi32, #tpu.memory_space<vmem>> -> memref<1x128xi32, #tpu.memory_space<vmem>>
      %dma_wait3A_41 = tpu.memref_squeeze %dma_wait3A_40 : memref<1x128xi32, #tpu.memory_space<vmem>> -> memref<128xi32, #tpu.memory_space<vmem>>
      %dma_wait3A_42 = arith.constant 0 : i32
      %dma_wait3A_43 = arith.constant 0 : i32
      %dma_wait3A_44 = tpu.memref_slice %arg6[%dma_wait3A_42, %dma_wait3A_43] : memref<10112x64xf32, #tpu.memory_space<vmem_shared>> -> memref<10112x64xf32, #tpu.memory_space<vmem_shared>>
      tpu.wait_indirect_dma semaphore(%arg12 : memref<!tpu.dma_semaphore, #tpu.memory_space<semaphore_mem>>) src(%dma_wait3A_44 : memref<10112x64xf32, #tpu.memory_space<vmem_shared>>) dst(%arg10 : memref<128x64xf32, #tpu.memory_space<vmem>>)
      %dma_start3A_45 = arith.constant 0 : i32
      %dma_start3A_46 = tpu.memref_slice %arg9[%mul3A_27, %dma_start3A_45] : memref<40x128xi32, #tpu.memory_space<vmem>> -> memref<1x128xi32, #tpu.memory_space<vmem>>
      %dma_start3A_47 = tpu.memref_squeeze %dma_start3A_46 : memref<1x128xi32, #tpu.memory_space<vmem>> -> memref<128xi32, #tpu.memory_space<vmem>>
      %dma_start3A_48 = arith.constant 0 : i32
      %dma_start3A_49 = arith.constant 0 : i32
      %dma_start3A_50 = tpu.memref_slice %arg7[%dma_start3A_48, %dma_start3A_49] : memref<10112x64xf32, #tpu.memory_space<vmem_shared>> -> memref<10112x64xf32, #tpu.memory_space<vmem_shared>>
      tpu.enqueue_indirect_dma source(%arg10 : memref<128x64xf32, #tpu.memory_space<vmem>>) target(%dma_start3A_50 : memref<10112x64xf32, #tpu.memory_space<vmem_shared>>) offsets(%dma_start3A_47 : memref<128xi32, #tpu.memory_space<vmem>>) semaphore(%arg14 : memref<!tpu.dma_semaphore, #tpu.memory_space<semaphore_mem>>) {add = true}
      %dma_wait3A_51 = arith.constant 0 : i32
      %dma_wait3A_52 = tpu.memref_slice %arg8[%add3A_33, %dma_wait3A_51] : memref<40x128xi32, #tpu.memory_space<vmem>> -> memref<1x128xi32, #tpu.memory_space<vmem>>
      %dma_wait3A_53 = tpu.memref_squeeze %dma_wait3A_52 : memref<1x128xi32, #tpu.memory_space<vmem>> -> memref<128xi32, #tpu.memory_space<vmem>>
      %dma_wait3A_54 = arith.constant 0 : i32
      %dma_wait3A_55 = arith.constant 0 : i32
      %dma_wait3A_56 = tpu.memref_slice %arg6[%dma_wait3A_54, %dma_wait3A_55] : memref<10112x64xf32, #tpu.memory_space<vmem_shared>> -> memref<10112x64xf32, #tpu.memory_space<vmem_shared>>
      tpu.wait_indirect_dma semaphore(%arg13 : memref<!tpu.dma_semaphore, #tpu.memory_space<semaphore_mem>>) src(%dma_wait3A_56 : memref<10112x64xf32, #tpu.memory_space<vmem_shared>>) dst(%arg11 : memref<128x64xf32, #tpu.memory_space<vmem>>)
      %add3A_57 = arith.constant 1 : i32
      %add3A_58 = arith.addi %mul3A_27, %add3A_57 : i32
      %dma_start3A_59 = arith.constant 0 : i32
      %dma_start3A_60 = tpu.memref_slice %arg9[%add3A_58, %dma_start3A_59] : memref<40x128xi32, #tpu.memory_space<vmem>> -> memref<1x128xi32, #tpu.memory_space<vmem>>
      %dma_start3A_61 = tpu.memref_squeeze %dma_start3A_60 : memref<1x128xi32, #tpu.memory_space<vmem>> -> memref<128xi32, #tpu.memory_space<vmem>>
      %dma_start3A_62 = arith.constant 0 : i32
      %dma_start3A_63 = arith.constant 0 : i32
      %dma_start3A_64 = tpu.memref_slice %arg7[%dma_start3A_62, %dma_start3A_63] : memref<10112x64xf32, #tpu.memory_space<vmem_shared>> -> memref<10112x64xf32, #tpu.memory_space<vmem_shared>>
      tpu.enqueue_indirect_dma source(%arg11 : memref<128x64xf32, #tpu.memory_space<vmem>>) target(%dma_start3A_64 : memref<10112x64xf32, #tpu.memory_space<vmem_shared>>) offsets(%dma_start3A_61 : memref<128xi32, #tpu.memory_space<vmem>>) semaphore(%arg15 : memref<!tpu.dma_semaphore, #tpu.memory_space<semaphore_mem>>) {add = true}
      %dma_wait3A_65 = arith.constant 0 : i32
      %dma_wait3A_66 = tpu.memref_slice %arg9[%mul3A_27, %dma_wait3A_65] : memref<40x128xi32, #tpu.memory_space<vmem>> -> memref<1x128xi32, #tpu.memory_space<vmem>>
      %dma_wait3A_67 = tpu.memref_squeeze %dma_wait3A_66 : memref<1x128xi32, #tpu.memory_space<vmem>> -> memref<128xi32, #tpu.memory_space<vmem>>
      %dma_wait3A_68 = arith.constant 0 : i32
      %dma_wait3A_69 = arith.constant 0 : i32
      %dma_wait3A_70 = tpu.memref_slice %arg7[%dma_wait3A_68, %dma_wait3A_69] : memref<10112x64xf32, #tpu.memory_space<vmem_shared>> -> memref<10112x64xf32, #tpu.memory_space<vmem_shared>>
      tpu.wait_indirect_dma semaphore(%arg14 : memref<!tpu.dma_semaphore, #tpu.memory_space<semaphore_mem>>) src(%arg10 : memref<128x64xf32, #tpu.memory_space<vmem>>) dst(%dma_wait3A_70 : memref<10112x64xf32, #tpu.memory_space<vmem_shared>>)
      %dma_wait3A_71 = arith.constant 0 : i32
      %dma_wait3A_72 = tpu.memref_slice %arg9[%add3A_58, %dma_wait3A_71] : memref<40x128xi32, #tpu.memory_space<vmem>> -> memref<1x128xi32, #tpu.memory_space<vmem>>
      %dma_wait3A_73 = tpu.memref_squeeze %dma_wait3A_72 : memref<1x128xi32, #tpu.memory_space<vmem>> -> memref<128xi32, #tpu.memory_space<vmem>>
      %dma_wait3A_74 = arith.constant 0 : i32
      %dma_wait3A_75 = arith.constant 0 : i32
      %dma_wait3A_76 = tpu.memref_slice %arg7[%dma_wait3A_74, %dma_wait3A_75] : memref<10112x64xf32, #tpu.memory_space<vmem_shared>> -> memref<10112x64xf32, #tpu.memory_space<vmem_shared>>
      tpu.wait_indirect_dma semaphore(%arg15 : memref<!tpu.dma_semaphore, #tpu.memory_space<semaphore_mem>>) src(%arg11 : memref<128x64xf32, #tpu.memory_space<vmem>>) dst(%dma_wait3A_76 : memref<10112x64xf32, #tpu.memory_space<vmem_shared>>)
    }
    %scan3A_11 = arith.constant 20 : i32
    "tpu.region"() ({
      %run_scoped3A = tpu.sem_alloc : memref<!tpu.dma_semaphore, #tpu.memory_space<semaphore_mem>>
      %dma_start3A = arith.constant 0 : i32
      %dma_start3A_25 = arith.constant 0 : i32
      %dma_start3A_26 = tpu.memref_slice %arg3[%arg1, %dma_start3A, %dma_start3A_25] : memref<16x160x128xi32, #tpu.memory_space<hbm>> -> memref<1x160x128xi32, #tpu.memory_space<hbm>>
      %dma_start3A_27 = tpu.memref_squeeze %dma_start3A_26 : memref<1x160x128xi32, #tpu.memory_space<hbm>> -> memref<160x128xi32, #tpu.memory_space<hbm>>
      %dma_start3A_28 = arith.constant 80 : i32
      %dma_start3A_29 = arith.constant 0 : i32
      %dma_start3A_30 = tpu.memref_slice %dma_start3A_27[%dma_start3A_28, %dma_start3A_29] : memref<160x128xi32, #tpu.memory_space<hbm>> -> memref<40x128xi32, #tpu.memory_space<hbm>>
      %dma_start3A_31 = arith.constant 0 : i32
      %dma_start3A_32 = arith.constant 0 : i32
      %dma_start3A_33 = tpu.memref_slice %arg3[%arg1, %dma_start3A_31, %dma_start3A_32] : memref<16x160x128xi32, #tpu.memory_space<hbm>> -> memref<1x160x128xi32, #tpu.memory_space<hbm>>
      %dma_start3A_34 = tpu.memref_squeeze %dma_start3A_33 : memref<1x160x128xi32, #tpu.memory_space<hbm>> -> memref<160x128xi32, #tpu.memory_space<hbm>>
      %dma_start3A_35 = arith.constant 80 : i32
      %dma_start3A_36 = arith.constant 0 : i32
      %dma_start3A_37 = tpu.memref_slice %dma_start3A_34[%dma_start3A_35, %dma_start3A_36] : memref<160x128xi32, #tpu.memory_space<hbm>> -> memref<40x128xi32, #tpu.memory_space<hbm>>
      tpu.enqueue_dma source(%dma_start3A_37 : memref<40x128xi32, #tpu.memory_space<hbm>>) target(%arg8 : memref<40x128xi32, #tpu.memory_space<vmem>>) target_semaphore(%run_scoped3A : memref<!tpu.dma_semaphore, #tpu.memory_space<semaphore_mem>>)
      %dma_wait3A = arith.constant 0 : i32
      %dma_wait3A_38 = arith.constant 0 : i32
      %dma_wait3A_39 = tpu.memref_slice %arg3[%arg1, %dma_wait3A, %dma_wait3A_38] : memref<16x160x128xi32, #tpu.memory_space<hbm>> -> memref<1x160x128xi32, #tpu.memory_space<hbm>>
      %dma_wait3A_40 = tpu.memref_squeeze %dma_wait3A_39 : memref<1x160x128xi32, #tpu.memory_space<hbm>> -> memref<160x128xi32, #tpu.memory_space<hbm>>
      %dma_wait3A_41 = arith.constant 80 : i32
      %dma_wait3A_42 = arith.constant 0 : i32
      %dma_wait3A_43 = tpu.memref_slice %dma_wait3A_40[%dma_wait3A_41, %dma_wait3A_42] : memref<160x128xi32, #tpu.memory_space<hbm>> -> memref<40x128xi32, #tpu.memory_space<hbm>>
      %dma_wait3A_44 = arith.constant 0 : i32
      %dma_wait3A_45 = arith.constant 0 : i32
      %dma_wait3A_46 = tpu.memref_slice %arg3[%arg1, %dma_wait3A_44, %dma_wait3A_45] : memref<16x160x128xi32, #tpu.memory_space<hbm>> -> memref<1x160x128xi32, #tpu.memory_space<hbm>>
      %dma_wait3A_47 = tpu.memref_squeeze %dma_wait3A_46 : memref<1x160x128xi32, #tpu.memory_space<hbm>> -> memref<160x128xi32, #tpu.memory_space<hbm>>
      %dma_wait3A_48 = arith.constant 80 : i32
      %dma_wait3A_49 = arith.constant 0 : i32
      %dma_wait3A_50 = tpu.memref_slice %dma_wait3A_47[%dma_wait3A_48, %dma_wait3A_49] : memref<160x128xi32, #tpu.memory_space<hbm>> -> memref<40x128xi32, #tpu.memory_space<hbm>>
      tpu.wait_dma2 semaphore(%run_scoped3A : memref<!tpu.dma_semaphore, #tpu.memory_space<semaphore_mem>>) src(%dma_wait3A_50 : memref<40x128xi32, #tpu.memory_space<hbm>>) dst(%arg8 : memref<40x128xi32, #tpu.memory_space<vmem>>)
      tpu.yield
    }) : () -> ()
    "tpu.region"() ({
      %run_scoped3A = tpu.sem_alloc : memref<!tpu.dma_semaphore, #tpu.memory_space<semaphore_mem>>
      %dma_start3A = arith.constant 0 : i32
      %dma_start3A_25 = arith.constant 0 : i32
      %dma_start3A_26 = tpu.memref_slice %arg4[%arg1, %dma_start3A, %dma_start3A_25] : memref<16x160x128xi32, #tpu.memory_space<hbm>> -> memref<1x160x128xi32, #tpu.memory_space<hbm>>
      %dma_start3A_27 = tpu.memref_squeeze %dma_start3A_26 : memref<1x160x128xi32, #tpu.memory_space<hbm>> -> memref<160x128xi32, #tpu.memory_space<hbm>>
      %dma_start3A_28 = arith.constant 80 : i32
      %dma_start3A_29 = arith.constant 0 : i32
      %dma_start3A_30 = tpu.memref_slice %dma_start3A_27[%dma_start3A_28, %dma_start3A_29] : memref<160x128xi32, #tpu.memory_space<hbm>> -> memref<40x128xi32, #tpu.memory_space<hbm>>
      %dma_start3A_31 = arith.constant 0 : i32
      %dma_start3A_32 = arith.constant 0 : i32
      %dma_start3A_33 = tpu.memref_slice %arg4[%arg1, %dma_start3A_31, %dma_start3A_32] : memref<16x160x128xi32, #tpu.memory_space<hbm>> -> memref<1x160x128xi32, #tpu.memory_space<hbm>>
      %dma_start3A_34 = tpu.memref_squeeze %dma_start3A_33 : memref<1x160x128xi32, #tpu.memory_space<hbm>> -> memref<160x128xi32, #tpu.memory_space<hbm>>
      %dma_start3A_35 = arith.constant 80 : i32
      %dma_start3A_36 = arith.constant 0 : i32
      %dma_start3A_37 = tpu.memref_slice %dma_start3A_34[%dma_start3A_35, %dma_start3A_36] : memref<160x128xi32, #tpu.memory_space<hbm>> -> memref<40x128xi32, #tpu.memory_space<hbm>>
      tpu.enqueue_dma source(%dma_start3A_37 : memref<40x128xi32, #tpu.memory_space<hbm>>) target(%arg9 : memref<40x128xi32, #tpu.memory_space<vmem>>) target_semaphore(%run_scoped3A : memref<!tpu.dma_semaphore, #tpu.memory_space<semaphore_mem>>)
      %dma_wait3A = arith.constant 0 : i32
      %dma_wait3A_38 = arith.constant 0 : i32
      %dma_wait3A_39 = tpu.memref_slice %arg4[%arg1, %dma_wait3A, %dma_wait3A_38] : memref<16x160x128xi32, #tpu.memory_space<hbm>> -> memref<1x160x128xi32, #tpu.memory_space<hbm>>
      %dma_wait3A_40 = tpu.memref_squeeze %dma_wait3A_39 : memref<1x160x128xi32, #tpu.memory_space<hbm>> -> memref<160x128xi32, #tpu.memory_space<hbm>>
      %dma_wait3A_41 = arith.constant 80 : i32
      %dma_wait3A_42 = arith.constant 0 : i32
      %dma_wait3A_43 = tpu.memref_slice %dma_wait3A_40[%dma_wait3A_41, %dma_wait3A_42] : memref<160x128xi32, #tpu.memory_space<hbm>> -> memref<40x128xi32, #tpu.memory_space<hbm>>
      %dma_wait3A_44 = arith.constant 0 : i32
      %dma_wait3A_45 = arith.constant 0 : i32
      %dma_wait3A_46 = tpu.memref_slice %arg4[%arg1, %dma_wait3A_44, %dma_wait3A_45] : memref<16x160x128xi32, #tpu.memory_space<hbm>> -> memref<1x160x128xi32, #tpu.memory_space<hbm>>
      %dma_wait3A_47 = tpu.memref_squeeze %dma_wait3A_46 : memref<1x160x128xi32, #tpu.memory_space<hbm>> -> memref<160x128xi32, #tpu.memory_space<hbm>>
      %dma_wait3A_48 = arith.constant 80 : i32
      %dma_wait3A_49 = arith.constant 0 : i32
      %dma_wait3A_50 = tpu.memref_slice %dma_wait3A_47[%dma_wait3A_48, %dma_wait3A_49] : memref<160x128xi32, #tpu.memory_space<hbm>> -> memref<40x128xi32, #tpu.memory_space<hbm>>
      tpu.wait_dma2 semaphore(%run_scoped3A : memref<!tpu.dma_semaphore, #tpu.memory_space<semaphore_mem>>) src(%dma_wait3A_50 : memref<40x128xi32, #tpu.memory_space<hbm>>) dst(%arg9 : memref<40x128xi32, #tpu.memory_space<vmem>>)
      tpu.yield
    }) : () -> ()
    %scan3A_12 = arith.constant 0 : i32
    %scan3A_13 = arith.constant 0 : i32
    %scan3A_14 = arith.constant 20 : i32
    %scan3A_15 = arith.addi %scan3A_13, %scan3A_14 : i32
    %scan3A_16 = arith.constant 1 : i32
    scf.for %scan3A_25 = %scan3A_13 to %scan3A_15 step %scan3A_16  : i32 {
      %mul3A_26 = arith.constant 2 : i32
      %mul3A_27 = arith.muli %mul3A_26, %scan3A_25 : i32
      %dma_start3A = arith.constant 0 : i32
      %dma_start3A_28 = tpu.memref_slice %arg8[%mul3A_27, %dma_start3A] : memref<40x128xi32, #tpu.memory_space<vmem>> -> memref<1x128xi32, #tpu.memory_space<vmem>>
      %dma_start3A_29 = tpu.memref_squeeze %dma_start3A_28 : memref<1x128xi32, #tpu.memory_space<vmem>> -> memref<128xi32, #tpu.memory_space<vmem>>
      %dma_start3A_30 = arith.constant 0 : i32
      %dma_start3A_31 = arith.constant 0 : i32
      %dma_start3A_32 = tpu.memref_slice %arg6[%dma_start3A_30, %dma_start3A_31] : memref<10112x64xf32, #tpu.memory_space<vmem_shared>> -> memref<10112x64xf32, #tpu.memory_space<vmem_shared>>
      tpu.enqueue_indirect_dma source(%dma_start3A_32 : memref<10112x64xf32, #tpu.memory_space<vmem_shared>>) target(%arg10 : memref<128x64xf32, #tpu.memory_space<vmem>>) offsets(%dma_start3A_29 : memref<128xi32, #tpu.memory_space<vmem>>) semaphore(%arg12 : memref<!tpu.dma_semaphore, #tpu.memory_space<semaphore_mem>>)
      %add3A = arith.constant 1 : i32
      %add3A_33 = arith.addi %mul3A_27, %add3A : i32
      %dma_start3A_34 = arith.constant 0 : i32
      %dma_start3A_35 = tpu.memref_slice %arg8[%add3A_33, %dma_start3A_34] : memref<40x128xi32, #tpu.memory_space<vmem>> -> memref<1x128xi32, #tpu.memory_space<vmem>>
      %dma_start3A_36 = tpu.memref_squeeze %dma_start3A_35 : memref<1x128xi32, #tpu.memory_space<vmem>> -> memref<128xi32, #tpu.memory_space<vmem>>
      %dma_start3A_37 = arith.constant 0 : i32
      %dma_start3A_38 = arith.constant 0 : i32
      %dma_start3A_39 = tpu.memref_slice %arg6[%dma_start3A_37, %dma_start3A_38] : memref<10112x64xf32, #tpu.memory_space<vmem_shared>> -> memref<10112x64xf32, #tpu.memory_space<vmem_shared>>
      tpu.enqueue_indirect_dma source(%dma_start3A_39 : memref<10112x64xf32, #tpu.memory_space<vmem_shared>>) target(%arg11 : memref<128x64xf32, #tpu.memory_space<vmem>>) offsets(%dma_start3A_36 : memref<128xi32, #tpu.memory_space<vmem>>) semaphore(%arg13 : memref<!tpu.dma_semaphore, #tpu.memory_space<semaphore_mem>>)
      %dma_wait3A = arith.constant 0 : i32
      %dma_wait3A_40 = tpu.memref_slice %arg8[%mul3A_27, %dma_wait3A] : memref<40x128xi32, #tpu.memory_space<vmem>> -> memref<1x128xi32, #tpu.memory_space<vmem>>
      %dma_wait3A_41 = tpu.memref_squeeze %dma_wait3A_40 : memref<1x128xi32, #tpu.memory_space<vmem>> -> memref<128xi32, #tpu.memory_space<vmem>>
      %dma_wait3A_42 = arith.constant 0 : i32
      %dma_wait3A_43 = arith.constant 0 : i32
      %dma_wait3A_44 = tpu.memref_slice %arg6[%dma_wait3A_42, %dma_wait3A_43] : memref<10112x64xf32, #tpu.memory_space<vmem_shared>> -> memref<10112x64xf32, #tpu.memory_space<vmem_shared>>
      tpu.wait_indirect_dma semaphore(%arg12 : memref<!tpu.dma_semaphore, #tpu.memory_space<semaphore_mem>>) src(%dma_wait3A_44 : memref<10112x64xf32, #tpu.memory_space<vmem_shared>>) dst(%arg10 : memref<128x64xf32, #tpu.memory_space<vmem>>)
      %dma_start3A_45 = arith.constant 0 : i32
      %dma_start3A_46 = tpu.memref_slice %arg9[%mul3A_27, %dma_start3A_45] : memref<40x128xi32, #tpu.memory_space<vmem>> -> memref<1x128xi32, #tpu.memory_space<vmem>>
      %dma_start3A_47 = tpu.memref_squeeze %dma_start3A_46 : memref<1x128xi32, #tpu.memory_space<vmem>> -> memref<128xi32, #tpu.memory_space<vmem>>
      %dma_start3A_48 = arith.constant 0 : i32
      %dma_start3A_49 = arith.constant 0 : i32
      %dma_start3A_50 = tpu.memref_slice %arg7[%dma_start3A_48, %dma_start3A_49] : memref<10112x64xf32, #tpu.memory_space<vmem_shared>> -> memref<10112x64xf32, #tpu.memory_space<vmem_shared>>
      tpu.enqueue_indirect_dma source(%arg10 : memref<128x64xf32, #tpu.memory_space<vmem>>) target(%dma_start3A_50 : memref<10112x64xf32, #tpu.memory_space<vmem_shared>>) offsets(%dma_start3A_47 : memref<128xi32, #tpu.memory_space<vmem>>) semaphore(%arg14 : memref<!tpu.dma_semaphore, #tpu.memory_space<semaphore_mem>>) {add = true}
      %dma_wait3A_51 = arith.constant 0 : i32
      %dma_wait3A_52 = tpu.memref_slice %arg8[%add3A_33, %dma_wait3A_51] : memref<40x128xi32, #tpu.memory_space<vmem>> -> memref<1x128xi32, #tpu.memory_space<vmem>>
      %dma_wait3A_53 = tpu.memref_squeeze %dma_wait3A_52 : memref<1x128xi32, #tpu.memory_space<vmem>> -> memref<128xi32, #tpu.memory_space<vmem>>
      %dma_wait3A_54 = arith.constant 0 : i32
      %dma_wait3A_55 = arith.constant 0 : i32
      %dma_wait3A_56 = tpu.memref_slice %arg6[%dma_wait3A_54, %dma_wait3A_55] : memref<10112x64xf32, #tpu.memory_space<vmem_shared>> -> memref<10112x64xf32, #tpu.memory_space<vmem_shared>>
      tpu.wait_indirect_dma semaphore(%arg13 : memref<!tpu.dma_semaphore, #tpu.memory_space<semaphore_mem>>) src(%dma_wait3A_56 : memref<10112x64xf32, #tpu.memory_space<vmem_shared>>) dst(%arg11 : memref<128x64xf32, #tpu.memory_space<vmem>>)
      %add3A_57 = arith.constant 1 : i32
      %add3A_58 = arith.addi %mul3A_27, %add3A_57 : i32
      %dma_start3A_59 = arith.constant 0 : i32
      %dma_start3A_60 = tpu.memref_slice %arg9[%add3A_58, %dma_start3A_59] : memref<40x128xi32, #tpu.memory_space<vmem>> -> memref<1x128xi32, #tpu.memory_space<vmem>>
      %dma_start3A_61 = tpu.memref_squeeze %dma_start3A_60 : memref<1x128xi32, #tpu.memory_space<vmem>> -> memref<128xi32, #tpu.memory_space<vmem>>
      %dma_start3A_62 = arith.constant 0 : i32
      %dma_start3A_63 = arith.constant 0 : i32
      %dma_start3A_64 = tpu.memref_slice %arg7[%dma_start3A_62, %dma_start3A_63] : memref<10112x64xf32, #tpu.memory_space<vmem_shared>> -> memref<10112x64xf32, #tpu.memory_space<vmem_shared>>
      tpu.enqueue_indirect_dma source(%arg11 : memref<128x64xf32, #tpu.memory_space<vmem>>) target(%dma_start3A_64 : memref<10112x64xf32, #tpu.memory_space<vmem_shared>>) offsets(%dma_start3A_61 : memref<128xi32, #tpu.memory_space<vmem>>) semaphore(%arg15 : memref<!tpu.dma_semaphore, #tpu.memory_space<semaphore_mem>>) {add = true}
      %dma_wait3A_65 = arith.constant 0 : i32
      %dma_wait3A_66 = tpu.memref_slice %arg9[%mul3A_27, %dma_wait3A_65] : memref<40x128xi32, #tpu.memory_space<vmem>> -> memref<1x128xi32, #tpu.memory_space<vmem>>
      %dma_wait3A_67 = tpu.memref_squeeze %dma_wait3A_66 : memref<1x128xi32, #tpu.memory_space<vmem>> -> memref<128xi32, #tpu.memory_space<vmem>>
      %dma_wait3A_68 = arith.constant 0 : i32
      %dma_wait3A_69 = arith.constant 0 : i32
      %dma_wait3A_70 = tpu.memref_slice %arg7[%dma_wait3A_68, %dma_wait3A_69] : memref<10112x64xf32, #tpu.memory_space<vmem_shared>> -> memref<10112x64xf32, #tpu.memory_space<vmem_shared>>
      tpu.wait_indirect_dma semaphore(%arg14 : memref<!tpu.dma_semaphore, #tpu.memory_space<semaphore_mem>>) src(%arg10 : memref<128x64xf32, #tpu.memory_space<vmem>>) dst(%dma_wait3A_70 : memref<10112x64xf32, #tpu.memory_space<vmem_shared>>)
      %dma_wait3A_71 = arith.constant 0 : i32
      %dma_wait3A_72 = tpu.memref_slice %arg9[%add3A_58, %dma_wait3A_71] : memref<40x128xi32, #tpu.memory_space<vmem>> -> memref<1x128xi32, #tpu.memory_space<vmem>>
      %dma_wait3A_73 = tpu.memref_squeeze %dma_wait3A_72 : memref<1x128xi32, #tpu.memory_space<vmem>> -> memref<128xi32, #tpu.memory_space<vmem>>
      %dma_wait3A_74 = arith.constant 0 : i32
      %dma_wait3A_75 = arith.constant 0 : i32
      %dma_wait3A_76 = tpu.memref_slice %arg7[%dma_wait3A_74, %dma_wait3A_75] : memref<10112x64xf32, #tpu.memory_space<vmem_shared>> -> memref<10112x64xf32, #tpu.memory_space<vmem_shared>>
      tpu.wait_indirect_dma semaphore(%arg15 : memref<!tpu.dma_semaphore, #tpu.memory_space<semaphore_mem>>) src(%arg11 : memref<128x64xf32, #tpu.memory_space<vmem>>) dst(%dma_wait3A_76 : memref<10112x64xf32, #tpu.memory_space<vmem_shared>>)
    }
    %scan3A_17 = arith.constant 20 : i32
    "tpu.region"() ({
      %run_scoped3A = tpu.sem_alloc : memref<!tpu.dma_semaphore, #tpu.memory_space<semaphore_mem>>
      %dma_start3A = arith.constant 0 : i32
      %dma_start3A_25 = arith.constant 0 : i32
      %dma_start3A_26 = tpu.memref_slice %arg3[%arg1, %dma_start3A, %dma_start3A_25] : memref<16x160x128xi32, #tpu.memory_space<hbm>> -> memref<1x160x128xi32, #tpu.memory_space<hbm>>
      %dma_start3A_27 = tpu.memref_squeeze %dma_start3A_26 : memref<1x160x128xi32, #tpu.memory_space<hbm>> -> memref<160x128xi32, #tpu.memory_space<hbm>>
      %dma_start3A_28 = arith.constant 120 : i32
      %dma_start3A_29 = arith.constant 0 : i32
      %dma_start3A_30 = tpu.memref_slice %dma_start3A_27[%dma_start3A_28, %dma_start3A_29] : memref<160x128xi32, #tpu.memory_space<hbm>> -> memref<40x128xi32, #tpu.memory_space<hbm>>
      %dma_start3A_31 = arith.constant 0 : i32
      %dma_start3A_32 = arith.constant 0 : i32
      %dma_start3A_33 = tpu.memref_slice %arg3[%arg1, %dma_start3A_31, %dma_start3A_32] : memref<16x160x128xi32, #tpu.memory_space<hbm>> -> memref<1x160x128xi32, #tpu.memory_space<hbm>>
      %dma_start3A_34 = tpu.memref_squeeze %dma_start3A_33 : memref<1x160x128xi32, #tpu.memory_space<hbm>> -> memref<160x128xi32, #tpu.memory_space<hbm>>
      %dma_start3A_35 = arith.constant 120 : i32
      %dma_start3A_36 = arith.constant 0 : i32
      %dma_start3A_37 = tpu.memref_slice %dma_start3A_34[%dma_start3A_35, %dma_start3A_36] : memref<160x128xi32, #tpu.memory_space<hbm>> -> memref<40x128xi32, #tpu.memory_space<hbm>>
      tpu.enqueue_dma source(%dma_start3A_37 : memref<40x128xi32, #tpu.memory_space<hbm>>) target(%arg8 : memref<40x128xi32, #tpu.memory_space<vmem>>) target_semaphore(%run_scoped3A : memref<!tpu.dma_semaphore, #tpu.memory_space<semaphore_mem>>)
      %dma_wait3A = arith.constant 0 : i32
      %dma_wait3A_38 = arith.constant 0 : i32
      %dma_wait3A_39 = tpu.memref_slice %arg3[%arg1, %dma_wait3A, %dma_wait3A_38] : memref<16x160x128xi32, #tpu.memory_space<hbm>> -> memref<1x160x128xi32, #tpu.memory_space<hbm>>
      %dma_wait3A_40 = tpu.memref_squeeze %dma_wait3A_39 : memref<1x160x128xi32, #tpu.memory_space<hbm>> -> memref<160x128xi32, #tpu.memory_space<hbm>>
      %dma_wait3A_41 = arith.constant 120 : i32
      %dma_wait3A_42 = arith.constant 0 : i32
      %dma_wait3A_43 = tpu.memref_slice %dma_wait3A_40[%dma_wait3A_41, %dma_wait3A_42] : memref<160x128xi32, #tpu.memory_space<hbm>> -> memref<40x128xi32, #tpu.memory_space<hbm>>
      %dma_wait3A_44 = arith.constant 0 : i32
      %dma_wait3A_45 = arith.constant 0 : i32
      %dma_wait3A_46 = tpu.memref_slice %arg3[%arg1, %dma_wait3A_44, %dma_wait3A_45] : memref<16x160x128xi32, #tpu.memory_space<hbm>> -> memref<1x160x128xi32, #tpu.memory_space<hbm>>
      %dma_wait3A_47 = tpu.memref_squeeze %dma_wait3A_46 : memref<1x160x128xi32, #tpu.memory_space<hbm>> -> memref<160x128xi32, #tpu.memory_space<hbm>>
      %dma_wait3A_48 = arith.constant 120 : i32
      %dma_wait3A_49 = arith.constant 0 : i32
      %dma_wait3A_50 = tpu.memref_slice %dma_wait3A_47[%dma_wait3A_48, %dma_wait3A_49] : memref<160x128xi32, #tpu.memory_space<hbm>> -> memref<40x128xi32, #tpu.memory_space<hbm>>
      tpu.wait_dma2 semaphore(%run_scoped3A : memref<!tpu.dma_semaphore, #tpu.memory_space<semaphore_mem>>) src(%dma_wait3A_50 : memref<40x128xi32, #tpu.memory_space<hbm>>) dst(%arg8 : memref<40x128xi32, #tpu.memory_space<vmem>>)
      tpu.yield
    }) : () -> ()
    "tpu.region"() ({
      %run_scoped3A = tpu.sem_alloc : memref<!tpu.dma_semaphore, #tpu.memory_space<semaphore_mem>>
      %dma_start3A = arith.constant 0 : i32
      %dma_start3A_25 = arith.constant 0 : i32
      %dma_start3A_26 = tpu.memref_slice %arg4[%arg1, %dma_start3A, %dma_start3A_25] : memref<16x160x128xi32, #tpu.memory_space<hbm>> -> memref<1x160x128xi32, #tpu.memory_space<hbm>>
      %dma_start3A_27 = tpu.memref_squeeze %dma_start3A_26 : memref<1x160x128xi32, #tpu.memory_space<hbm>> -> memref<160x128xi32, #tpu.memory_space<hbm>>
      %dma_start3A_28 = arith.constant 120 : i32
      %dma_start3A_29 = arith.constant 0 : i32
      %dma_start3A_30 = tpu.memref_slice %dma_start3A_27[%dma_start3A_28, %dma_start3A_29] : memref<160x128xi32, #tpu.memory_space<hbm>> -> memref<40x128xi32, #tpu.memory_space<hbm>>
      %dma_start3A_31 = arith.constant 0 : i32
      %dma_start3A_32 = arith.constant 0 : i32
      %dma_start3A_33 = tpu.memref_slice %arg4[%arg1, %dma_start3A_31, %dma_start3A_32] : memref<16x160x128xi32, #tpu.memory_space<hbm>> -> memref<1x160x128xi32, #tpu.memory_space<hbm>>
      %dma_start3A_34 = tpu.memref_squeeze %dma_start3A_33 : memref<1x160x128xi32, #tpu.memory_space<hbm>> -> memref<160x128xi32, #tpu.memory_space<hbm>>
      %dma_start3A_35 = arith.constant 120 : i32
      %dma_start3A_36 = arith.constant 0 : i32
      %dma_start3A_37 = tpu.memref_slice %dma_start3A_34[%dma_start3A_35, %dma_start3A_36] : memref<160x128xi32, #tpu.memory_space<hbm>> -> memref<40x128xi32, #tpu.memory_space<hbm>>
      tpu.enqueue_dma source(%dma_start3A_37 : memref<40x128xi32, #tpu.memory_space<hbm>>) target(%arg9 : memref<40x128xi32, #tpu.memory_space<vmem>>) target_semaphore(%run_scoped3A : memref<!tpu.dma_semaphore, #tpu.memory_space<semaphore_mem>>)
      %dma_wait3A = arith.constant 0 : i32
      %dma_wait3A_38 = arith.constant 0 : i32
      %dma_wait3A_39 = tpu.memref_slice %arg4[%arg1, %dma_wait3A, %dma_wait3A_38] : memref<16x160x128xi32, #tpu.memory_space<hbm>> -> memref<1x160x128xi32, #tpu.memory_space<hbm>>
      %dma_wait3A_40 = tpu.memref_squeeze %dma_wait3A_39 : memref<1x160x128xi32, #tpu.memory_space<hbm>> -> memref<160x128xi32, #tpu.memory_space<hbm>>
      %dma_wait3A_41 = arith.constant 120 : i32
      %dma_wait3A_42 = arith.constant 0 : i32
      %dma_wait3A_43 = tpu.memref_slice %dma_wait3A_40[%dma_wait3A_41, %dma_wait3A_42] : memref<160x128xi32, #tpu.memory_space<hbm>> -> memref<40x128xi32, #tpu.memory_space<hbm>>
      %dma_wait3A_44 = arith.constant 0 : i32
      %dma_wait3A_45 = arith.constant 0 : i32
      %dma_wait3A_46 = tpu.memref_slice %arg4[%arg1, %dma_wait3A_44, %dma_wait3A_45] : memref<16x160x128xi32, #tpu.memory_space<hbm>> -> memref<1x160x128xi32, #tpu.memory_space<hbm>>
      %dma_wait3A_47 = tpu.memref_squeeze %dma_wait3A_46 : memref<1x160x128xi32, #tpu.memory_space<hbm>> -> memref<160x128xi32, #tpu.memory_space<hbm>>
      %dma_wait3A_48 = arith.constant 120 : i32
      %dma_wait3A_49 = arith.constant 0 : i32
      %dma_wait3A_50 = tpu.memref_slice %dma_wait3A_47[%dma_wait3A_48, %dma_wait3A_49] : memref<160x128xi32, #tpu.memory_space<hbm>> -> memref<40x128xi32, #tpu.memory_space<hbm>>
      tpu.wait_dma2 semaphore(%run_scoped3A : memref<!tpu.dma_semaphore, #tpu.memory_space<semaphore_mem>>) src(%dma_wait3A_50 : memref<40x128xi32, #tpu.memory_space<hbm>>) dst(%arg9 : memref<40x128xi32, #tpu.memory_space<vmem>>)
      tpu.yield
    }) : () -> ()
    %scan3A_18 = arith.constant 0 : i32
    %scan3A_19 = arith.constant 0 : i32
    %scan3A_20 = arith.constant 20 : i32
    %scan3A_21 = arith.addi %scan3A_19, %scan3A_20 : i32
    %scan3A_22 = arith.constant 1 : i32
    scf.for %scan3A_25 = %scan3A_19 to %scan3A_21 step %scan3A_22  : i32 {
      %mul3A_26 = arith.constant 2 : i32
      %mul3A_27 = arith.muli %mul3A_26, %scan3A_25 : i32
      %dma_start3A = arith.constant 0 : i32
      %dma_start3A_28 = tpu.memref_slice %arg8[%mul3A_27, %dma_start3A] : memref<40x128xi32, #tpu.memory_space<vmem>> -> memref<1x128xi32, #tpu.memory_space<vmem>>
      %dma_start3A_29 = tpu.memref_squeeze %dma_start3A_28 : memref<1x128xi32, #tpu.memory_space<vmem>> -> memref<128xi32, #tpu.memory_space<vmem>>
      %dma_start3A_30 = arith.constant 0 : i32
      %dma_start3A_31 = arith.constant 0 : i32
      %dma_start3A_32 = tpu.memref_slice %arg6[%dma_start3A_30, %dma_start3A_31] : memref<10112x64xf32, #tpu.memory_space<vmem_shared>> -> memref<10112x64xf32, #tpu.memory_space<vmem_shared>>
      tpu.enqueue_indirect_dma source(%dma_start3A_32 : memref<10112x64xf32, #tpu.memory_space<vmem_shared>>) target(%arg10 : memref<128x64xf32, #tpu.memory_space<vmem>>) offsets(%dma_start3A_29 : memref<128xi32, #tpu.memory_space<vmem>>) semaphore(%arg12 : memref<!tpu.dma_semaphore, #tpu.memory_space<semaphore_mem>>)
      %add3A = arith.constant 1 : i32
      %add3A_33 = arith.addi %mul3A_27, %add3A : i32
      %dma_start3A_34 = arith.constant 0 : i32
      %dma_start3A_35 = tpu.memref_slice %arg8[%add3A_33, %dma_start3A_34] : memref<40x128xi32, #tpu.memory_space<vmem>> -> memref<1x128xi32, #tpu.memory_space<vmem>>
      %dma_start3A_36 = tpu.memref_squeeze %dma_start3A_35 : memref<1x128xi32, #tpu.memory_space<vmem>> -> memref<128xi32, #tpu.memory_space<vmem>>
      %dma_start3A_37 = arith.constant 0 : i32
      %dma_start3A_38 = arith.constant 0 : i32
      %dma_start3A_39 = tpu.memref_slice %arg6[%dma_start3A_37, %dma_start3A_38] : memref<10112x64xf32, #tpu.memory_space<vmem_shared>> -> memref<10112x64xf32, #tpu.memory_space<vmem_shared>>
      tpu.enqueue_indirect_dma source(%dma_start3A_39 : memref<10112x64xf32, #tpu.memory_space<vmem_shared>>) target(%arg11 : memref<128x64xf32, #tpu.memory_space<vmem>>) offsets(%dma_start3A_36 : memref<128xi32, #tpu.memory_space<vmem>>) semaphore(%arg13 : memref<!tpu.dma_semaphore, #tpu.memory_space<semaphore_mem>>)
      %dma_wait3A = arith.constant 0 : i32
      %dma_wait3A_40 = tpu.memref_slice %arg8[%mul3A_27, %dma_wait3A] : memref<40x128xi32, #tpu.memory_space<vmem>> -> memref<1x128xi32, #tpu.memory_space<vmem>>
      %dma_wait3A_41 = tpu.memref_squeeze %dma_wait3A_40 : memref<1x128xi32, #tpu.memory_space<vmem>> -> memref<128xi32, #tpu.memory_space<vmem>>
      %dma_wait3A_42 = arith.constant 0 : i32
      %dma_wait3A_43 = arith.constant 0 : i32
      %dma_wait3A_44 = tpu.memref_slice %arg6[%dma_wait3A_42, %dma_wait3A_43] : memref<10112x64xf32, #tpu.memory_space<vmem_shared>> -> memref<10112x64xf32, #tpu.memory_space<vmem_shared>>
      tpu.wait_indirect_dma semaphore(%arg12 : memref<!tpu.dma_semaphore, #tpu.memory_space<semaphore_mem>>) src(%dma_wait3A_44 : memref<10112x64xf32, #tpu.memory_space<vmem_shared>>) dst(%arg10 : memref<128x64xf32, #tpu.memory_space<vmem>>)
      %dma_start3A_45 = arith.constant 0 : i32
      %dma_start3A_46 = tpu.memref_slice %arg9[%mul3A_27, %dma_start3A_45] : memref<40x128xi32, #tpu.memory_space<vmem>> -> memref<1x128xi32, #tpu.memory_space<vmem>>
      %dma_start3A_47 = tpu.memref_squeeze %dma_start3A_46 : memref<1x128xi32, #tpu.memory_space<vmem>> -> memref<128xi32, #tpu.memory_space<vmem>>
      %dma_start3A_48 = arith.constant 0 : i32
      %dma_start3A_49 = arith.constant 0 : i32
      %dma_start3A_50 = tpu.memref_slice %arg7[%dma_start3A_48, %dma_start3A_49] : memref<10112x64xf32, #tpu.memory_space<vmem_shared>> -> memref<10112x64xf32, #tpu.memory_space<vmem_shared>>
      tpu.enqueue_indirect_dma source(%arg10 : memref<128x64xf32, #tpu.memory_space<vmem>>) target(%dma_start3A_50 : memref<10112x64xf32, #tpu.memory_space<vmem_shared>>) offsets(%dma_start3A_47 : memref<128xi32, #tpu.memory_space<vmem>>) semaphore(%arg14 : memref<!tpu.dma_semaphore, #tpu.memory_space<semaphore_mem>>) {add = true}
      %dma_wait3A_51 = arith.constant 0 : i32
      %dma_wait3A_52 = tpu.memref_slice %arg8[%add3A_33, %dma_wait3A_51] : memref<40x128xi32, #tpu.memory_space<vmem>> -> memref<1x128xi32, #tpu.memory_space<vmem>>
      %dma_wait3A_53 = tpu.memref_squeeze %dma_wait3A_52 : memref<1x128xi32, #tpu.memory_space<vmem>> -> memref<128xi32, #tpu.memory_space<vmem>>
      %dma_wait3A_54 = arith.constant 0 : i32
      %dma_wait3A_55 = arith.constant 0 : i32
      %dma_wait3A_56 = tpu.memref_slice %arg6[%dma_wait3A_54, %dma_wait3A_55] : memref<10112x64xf32, #tpu.memory_space<vmem_shared>> -> memref<10112x64xf32, #tpu.memory_space<vmem_shared>>
      tpu.wait_indirect_dma semaphore(%arg13 : memref<!tpu.dma_semaphore, #tpu.memory_space<semaphore_mem>>) src(%dma_wait3A_56 : memref<10112x64xf32, #tpu.memory_space<vmem_shared>>) dst(%arg11 : memref<128x64xf32, #tpu.memory_space<vmem>>)
      %add3A_57 = arith.constant 1 : i32
      %add3A_58 = arith.addi %mul3A_27, %add3A_57 : i32
      %dma_start3A_59 = arith.constant 0 : i32
      %dma_start3A_60 = tpu.memref_slice %arg9[%add3A_58, %dma_start3A_59] : memref<40x128xi32, #tpu.memory_space<vmem>> -> memref<1x128xi32, #tpu.memory_space<vmem>>
      %dma_start3A_61 = tpu.memref_squeeze %dma_start3A_60 : memref<1x128xi32, #tpu.memory_space<vmem>> -> memref<128xi32, #tpu.memory_space<vmem>>
      %dma_start3A_62 = arith.constant 0 : i32
      %dma_start3A_63 = arith.constant 0 : i32
      %dma_start3A_64 = tpu.memref_slice %arg7[%dma_start3A_62, %dma_start3A_63] : memref<10112x64xf32, #tpu.memory_space<vmem_shared>> -> memref<10112x64xf32, #tpu.memory_space<vmem_shared>>
      tpu.enqueue_indirect_dma source(%arg11 : memref<128x64xf32, #tpu.memory_space<vmem>>) target(%dma_start3A_64 : memref<10112x64xf32, #tpu.memory_space<vmem_shared>>) offsets(%dma_start3A_61 : memref<128xi32, #tpu.memory_space<vmem>>) semaphore(%arg15 : memref<!tpu.dma_semaphore, #tpu.memory_space<semaphore_mem>>) {add = true}
      %dma_wait3A_65 = arith.constant 0 : i32
      %dma_wait3A_66 = tpu.memref_slice %arg9[%mul3A_27, %dma_wait3A_65] : memref<40x128xi32, #tpu.memory_space<vmem>> -> memref<1x128xi32, #tpu.memory_space<vmem>>
      %dma_wait3A_67 = tpu.memref_squeeze %dma_wait3A_66 : memref<1x128xi32, #tpu.memory_space<vmem>> -> memref<128xi32, #tpu.memory_space<vmem>>
      %dma_wait3A_68 = arith.constant 0 : i32
      %dma_wait3A_69 = arith.constant 0 : i32
      %dma_wait3A_70 = tpu.memref_slice %arg7[%dma_wait3A_68, %dma_wait3A_69] : memref<10112x64xf32, #tpu.memory_space<vmem_shared>> -> memref<10112x64xf32, #tpu.memory_space<vmem_shared>>
      tpu.wait_indirect_dma semaphore(%arg14 : memref<!tpu.dma_semaphore, #tpu.memory_space<semaphore_mem>>) src(%arg10 : memref<128x64xf32, #tpu.memory_space<vmem>>) dst(%dma_wait3A_70 : memref<10112x64xf32, #tpu.memory_space<vmem_shared>>)
      %dma_wait3A_71 = arith.constant 0 : i32
      %dma_wait3A_72 = tpu.memref_slice %arg9[%add3A_58, %dma_wait3A_71] : memref<40x128xi32, #tpu.memory_space<vmem>> -> memref<1x128xi32, #tpu.memory_space<vmem>>
      %dma_wait3A_73 = tpu.memref_squeeze %dma_wait3A_72 : memref<1x128xi32, #tpu.memory_space<vmem>> -> memref<128xi32, #tpu.memory_space<vmem>>
      %dma_wait3A_74 = arith.constant 0 : i32
      %dma_wait3A_75 = arith.constant 0 : i32
      %dma_wait3A_76 = tpu.memref_slice %arg7[%dma_wait3A_74, %dma_wait3A_75] : memref<10112x64xf32, #tpu.memory_space<vmem_shared>> -> memref<10112x64xf32, #tpu.memory_space<vmem_shared>>
      tpu.wait_indirect_dma semaphore(%arg15 : memref<!tpu.dma_semaphore, #tpu.memory_space<semaphore_mem>>) src(%arg11 : memref<128x64xf32, #tpu.memory_space<vmem>>) dst(%dma_wait3A_76 : memref<10112x64xf32, #tpu.memory_space<vmem_shared>>)
    }
    %scan3A_23 = arith.constant 20 : i32
    %barrier3A_24 = arith.constant 0 : index
    tpu.barrier barrier_id(%barrier3A_24)
    "tpu.region"() ({
      %run_scoped3A = tpu.sem_alloc : memref<!tpu.dma_semaphore, #tpu.memory_space<semaphore_mem>>
      %dma_start3A = arith.constant 0 : i32
      %dma_start3A_25 = arith.constant 0 : i32
      %dma_start3A_26 = tpu.memref_slice %arg5[%arg0, %dma_start3A, %dma_start3A_25] : memref<2x10112x64xf32, #tpu.memory_space<hbm>> -> memref<1x10112x64xf32, #tpu.memory_space<hbm>>
      %dma_start3A_27 = tpu.memref_squeeze %dma_start3A_26 : memref<1x10112x64xf32, #tpu.memory_space<hbm>> -> memref<10112x64xf32, #tpu.memory_space<hbm>>
      %dma_start3A_28 = arith.constant 0 : i32
      %dma_start3A_29 = tpu.memref_slice %dma_start3A_27[%mul3A_0, %dma_start3A_28] : memref<10112x64xf32, #tpu.memory_space<hbm>> -> memref<632x64xf32, #tpu.memory_space<hbm>>
      %dma_start3A_30 = arith.constant 0 : i32
      %dma_start3A_31 = tpu.memref_slice %arg7[%mul3A_0, %dma_start3A_30] : memref<10112x64xf32, #tpu.memory_space<vmem_shared>> -> memref<632x64xf32, #tpu.memory_space<vmem_shared>>
      tpu.enqueue_dma source(%dma_start3A_31 : memref<632x64xf32, #tpu.memory_space<vmem_shared>>) target(%dma_start3A_29 : memref<632x64xf32, #tpu.memory_space<hbm>>) target_semaphore(%run_scoped3A : memref<!tpu.dma_semaphore, #tpu.memory_space<semaphore_mem>>)
      %dma_wait3A = arith.constant 0 : i32
      %dma_wait3A_32 = arith.constant 0 : i32
      %dma_wait3A_33 = tpu.memref_slice %arg5[%arg0, %dma_wait3A, %dma_wait3A_32] : memref<2x10112x64xf32, #tpu.memory_space<hbm>> -> memref<1x10112x64xf32, #tpu.memory_space<hbm>>
      %dma_wait3A_34 = tpu.memref_squeeze %dma_wait3A_33 : memref<1x10112x64xf32, #tpu.memory_space<hbm>> -> memref<10112x64xf32, #tpu.memory_space<hbm>>
      %dma_wait3A_35 = arith.constant 0 : i32
      %dma_wait3A_36 = tpu.memref_slice %dma_wait3A_34[%mul3A_0, %dma_wait3A_35] : memref<10112x64xf32, #tpu.memory_space<hbm>> -> memref<632x64xf32, #tpu.memory_space<hbm>>
      %dma_wait3A_37 = arith.constant 0 : i32
      %dma_wait3A_38 = tpu.memref_slice %arg7[%mul3A_0, %dma_wait3A_37] : memref<10112x64xf32, #tpu.memory_space<vmem_shared>> -> memref<632x64xf32, #tpu.memory_space<vmem_shared>>
      tpu.wait_dma2 semaphore(%run_scoped3A : memref<!tpu.dma_semaphore, #tpu.memory_space<semaphore_mem>>) src(%dma_wait3A_38 : memref<632x64xf32, #tpu.memory_space<vmem_shared>>) dst(%dma_wait3A_36 : memref<632x64xf32, #tpu.memory_space<hbm>>)
      tpu.yield
    }) : () -> ()
    return
  }
}

#map = affine_map<(d0, d1) -> (0, 0, 0)>
module attributes {stable_mosaic.version = 14 : i64} {
  func.func @_sc_agg(%arg0: i32, %arg1: i32, %arg2: memref<2x10112x64xf32, #tpu.memory_space<hbm>>, %arg3: memref<16x160x128xi32, #tpu.memory_space<hbm>>, %arg4: memref<16x160x128xi32, #tpu.memory_space<hbm>>, %arg5: memref<2x10112x64xf32, #tpu.memory_space<hbm>>, %arg6: memref<10112x64xf32, #tpu.memory_space<vmem_shared>>, %arg7: memref<10112x64xf32, #tpu.memory_space<vmem_shared>>, %arg8: memref<40x128xi32, #tpu.memory_space<vmem>>, %arg9: memref<40x128xi32, #tpu.memory_space<vmem>>, %arg10: memref<128x64xf32, #tpu.memory_space<vmem>>, %arg11: memref<128x64xf32, #tpu.memory_space<vmem>>, %arg12: memref<!tpu.dma_semaphore, #tpu.memory_space<semaphore_mem>>, %arg13: memref<!tpu.dma_semaphore, #tpu.memory_space<semaphore_mem>>, %arg14: memref<!tpu.dma_semaphore, #tpu.memory_space<semaphore_mem>>, %arg15: memref<!tpu.dma_semaphore, #tpu.memory_space<semaphore_mem>>) attributes {dimension_semantics = [#tpu.dimension_semantics<core_parallel>, #tpu.dimension_semantics<subcore_parallel>], iteration_bounds = array<i64: 2, 16>, scalar_prefetch = 0 : i64, scratch_operands = 10 : i64, tpu.core_type = #tpu.core_type<sc_vector_subcore>, window_params = [{transform_indices = #map}, {transform_indices = #map}, {transform_indices = #map}, {transform_indices = #map}]} {
    %mul3A = arith.constant 632 : i32
    %mul3A_0 = arith.muli %arg1, %mul3A : i32
    "tpu.region"() ({
      %run_scoped3A = tpu.sem_alloc : memref<!tpu.dma_semaphore, #tpu.memory_space<semaphore_mem>>
      %dma_start3A = arith.constant 0 : i32
      %dma_start3A_25 = tpu.memref_slice %arg6[%mul3A_0, %dma_start3A] : memref<10112x64xf32, #tpu.memory_space<vmem_shared>> -> memref<632x64xf32, #tpu.memory_space<vmem_shared>>
      %dma_start3A_26 = arith.constant 0 : i32
      %dma_start3A_27 = arith.constant 0 : i32
      %dma_start3A_28 = tpu.memref_slice %arg2[%arg0, %dma_start3A_26, %dma_start3A_27] : memref<2x10112x64xf32, #tpu.memory_space<hbm>> -> memref<1x10112x64xf32, #tpu.memory_space<hbm>>
      %dma_start3A_29 = tpu.memref_squeeze %dma_start3A_28 : memref<1x10112x64xf32, #tpu.memory_space<hbm>> -> memref<10112x64xf32, #tpu.memory_space<hbm>>
      %dma_start3A_30 = arith.constant 0 : i32
      %dma_start3A_31 = tpu.memref_slice %dma_start3A_29[%mul3A_0, %dma_start3A_30] : memref<10112x64xf32, #tpu.memory_space<hbm>> -> memref<632x64xf32, #tpu.memory_space<hbm>>
      tpu.enqueue_dma source(%dma_start3A_31 : memref<632x64xf32, #tpu.memory_space<hbm>>) target(%dma_start3A_25 : memref<632x64xf32, #tpu.memory_space<vmem_shared>>) target_semaphore(%run_scoped3A : memref<!tpu.dma_semaphore, #tpu.memory_space<semaphore_mem>>)
      %dma_wait3A = arith.constant 0 : i32
      %dma_wait3A_32 = tpu.memref_slice %arg6[%mul3A_0, %dma_wait3A] : memref<10112x64xf32, #tpu.memory_space<vmem_shared>> -> memref<632x64xf32, #tpu.memory_space<vmem_shared>>
      %dma_wait3A_33 = arith.constant 0 : i32
      %dma_wait3A_34 = arith.constant 0 : i32
      %dma_wait3A_35 = tpu.memref_slice %arg2[%arg0, %dma_wait3A_33, %dma_wait3A_34] : memref<2x10112x64xf32, #tpu.memory_space<hbm>> -> memref<1x10112x64xf32, #tpu.memory_space<hbm>>
      %dma_wait3A_36 = tpu.memref_squeeze %dma_wait3A_35 : memref<1x10112x64xf32, #tpu.memory_space<hbm>> -> memref<10112x64xf32, #tpu.memory_space<hbm>>
      %dma_wait3A_37 = arith.constant 0 : i32
      %dma_wait3A_38 = tpu.memref_slice %dma_wait3A_36[%mul3A_0, %dma_wait3A_37] : memref<10112x64xf32, #tpu.memory_space<hbm>> -> memref<632x64xf32, #tpu.memory_space<hbm>>
      tpu.wait_dma2 semaphore(%run_scoped3A : memref<!tpu.dma_semaphore, #tpu.memory_space<semaphore_mem>>) src(%dma_wait3A_38 : memref<632x64xf32, #tpu.memory_space<hbm>>) dst(%dma_wait3A_32 : memref<632x64xf32, #tpu.memory_space<vmem_shared>>)
      tpu.yield
    }) : () -> ()
    "tpu.region"() ({
      %run_scoped3A = tpu.sem_alloc : memref<!tpu.dma_semaphore, #tpu.memory_space<semaphore_mem>>
      %dma_start3A = arith.constant 0 : i32
      %dma_start3A_25 = tpu.memref_slice %arg7[%mul3A_0, %dma_start3A] : memref<10112x64xf32, #tpu.memory_space<vmem_shared>> -> memref<632x64xf32, #tpu.memory_space<vmem_shared>>
      %dma_start3A_26 = arith.constant 0 : i32
      %dma_start3A_27 = arith.constant 0 : i32
      %dma_start3A_28 = tpu.memref_slice %arg2[%arg0, %dma_start3A_26, %dma_start3A_27] : memref<2x10112x64xf32, #tpu.memory_space<hbm>> -> memref<1x10112x64xf32, #tpu.memory_space<hbm>>
      %dma_start3A_29 = tpu.memref_squeeze %dma_start3A_28 : memref<1x10112x64xf32, #tpu.memory_space<hbm>> -> memref<10112x64xf32, #tpu.memory_space<hbm>>
      %dma_start3A_30 = arith.constant 0 : i32
      %dma_start3A_31 = tpu.memref_slice %dma_start3A_29[%mul3A_0, %dma_start3A_30] : memref<10112x64xf32, #tpu.memory_space<hbm>> -> memref<632x64xf32, #tpu.memory_space<hbm>>
      tpu.enqueue_dma source(%dma_start3A_31 : memref<632x64xf32, #tpu.memory_space<hbm>>) target(%dma_start3A_25 : memref<632x64xf32, #tpu.memory_space<vmem_shared>>) target_semaphore(%run_scoped3A : memref<!tpu.dma_semaphore, #tpu.memory_space<semaphore_mem>>)
      %dma_wait3A = arith.constant 0 : i32
      %dma_wait3A_32 = tpu.memref_slice %arg7[%mul3A_0, %dma_wait3A] : memref<10112x64xf32, #tpu.memory_space<vmem_shared>> -> memref<632x64xf32, #tpu.memory_space<vmem_shared>>
      %dma_wait3A_33 = arith.constant 0 : i32
      %dma_wait3A_34 = arith.constant 0 : i32
      %dma_wait3A_35 = tpu.memref_slice %arg2[%arg0, %dma_wait3A_33, %dma_wait3A_34] : memref<2x10112x64xf32, #tpu.memory_space<hbm>> -> memref<1x10112x64xf32, #tpu.memory_space<hbm>>
      %dma_wait3A_36 = tpu.memref_squeeze %dma_wait3A_35 : memref<1x10112x64xf32, #tpu.memory_space<hbm>> -> memref<10112x64xf32, #tpu.memory_space<hbm>>
      %dma_wait3A_37 = arith.constant 0 : i32
      %dma_wait3A_38 = tpu.memref_slice %dma_wait3A_36[%mul3A_0, %dma_wait3A_37] : memref<10112x64xf32, #tpu.memory_space<hbm>> -> memref<632x64xf32, #tpu.memory_space<hbm>>
      tpu.wait_dma2 semaphore(%run_scoped3A : memref<!tpu.dma_semaphore, #tpu.memory_space<semaphore_mem>>) src(%dma_wait3A_38 : memref<632x64xf32, #tpu.memory_space<hbm>>) dst(%dma_wait3A_32 : memref<632x64xf32, #tpu.memory_space<vmem_shared>>)
      tpu.yield
    }) : () -> ()
    %barrier3A = arith.constant 0 : index
    tpu.barrier barrier_id(%barrier3A)
    "tpu.region"() ({
      %run_scoped3A = tpu.sem_alloc : memref<!tpu.dma_semaphore, #tpu.memory_space<semaphore_mem>>
      %dma_start3A = arith.constant 0 : i32
      %dma_start3A_25 = arith.constant 0 : i32
      %dma_start3A_26 = tpu.memref_slice %arg3[%arg1, %dma_start3A, %dma_start3A_25] : memref<16x160x128xi32, #tpu.memory_space<hbm>> -> memref<1x160x128xi32, #tpu.memory_space<hbm>>
      %dma_start3A_27 = tpu.memref_squeeze %dma_start3A_26 : memref<1x160x128xi32, #tpu.memory_space<hbm>> -> memref<160x128xi32, #tpu.memory_space<hbm>>
      %dma_start3A_28 = arith.constant 0 : i32
      %dma_start3A_29 = arith.constant 0 : i32
      %dma_start3A_30 = tpu.memref_slice %dma_start3A_27[%dma_start3A_28, %dma_start3A_29] : memref<160x128xi32, #tpu.memory_space<hbm>> -> memref<40x128xi32, #tpu.memory_space<hbm>>
      %dma_start3A_31 = arith.constant 0 : i32
      %dma_start3A_32 = arith.constant 0 : i32
      %dma_start3A_33 = tpu.memref_slice %arg3[%arg1, %dma_start3A_31, %dma_start3A_32] : memref<16x160x128xi32, #tpu.memory_space<hbm>> -> memref<1x160x128xi32, #tpu.memory_space<hbm>>
      %dma_start3A_34 = tpu.memref_squeeze %dma_start3A_33 : memref<1x160x128xi32, #tpu.memory_space<hbm>> -> memref<160x128xi32, #tpu.memory_space<hbm>>
      %dma_start3A_35 = arith.constant 0 : i32
      %dma_start3A_36 = arith.constant 0 : i32
      %dma_start3A_37 = tpu.memref_slice %dma_start3A_34[%dma_start3A_35, %dma_start3A_36] : memref<160x128xi32, #tpu.memory_space<hbm>> -> memref<40x128xi32, #tpu.memory_space<hbm>>
      tpu.enqueue_dma source(%dma_start3A_37 : memref<40x128xi32, #tpu.memory_space<hbm>>) target(%arg8 : memref<40x128xi32, #tpu.memory_space<vmem>>) target_semaphore(%run_scoped3A : memref<!tpu.dma_semaphore, #tpu.memory_space<semaphore_mem>>)
      %dma_wait3A = arith.constant 0 : i32
      %dma_wait3A_38 = arith.constant 0 : i32
      %dma_wait3A_39 = tpu.memref_slice %arg3[%arg1, %dma_wait3A, %dma_wait3A_38] : memref<16x160x128xi32, #tpu.memory_space<hbm>> -> memref<1x160x128xi32, #tpu.memory_space<hbm>>
      %dma_wait3A_40 = tpu.memref_squeeze %dma_wait3A_39 : memref<1x160x128xi32, #tpu.memory_space<hbm>> -> memref<160x128xi32, #tpu.memory_space<hbm>>
      %dma_wait3A_41 = arith.constant 0 : i32
      %dma_wait3A_42 = arith.constant 0 : i32
      %dma_wait3A_43 = tpu.memref_slice %dma_wait3A_40[%dma_wait3A_41, %dma_wait3A_42] : memref<160x128xi32, #tpu.memory_space<hbm>> -> memref<40x128xi32, #tpu.memory_space<hbm>>
      %dma_wait3A_44 = arith.constant 0 : i32
      %dma_wait3A_45 = arith.constant 0 : i32
      %dma_wait3A_46 = tpu.memref_slice %arg3[%arg1, %dma_wait3A_44, %dma_wait3A_45] : memref<16x160x128xi32, #tpu.memory_space<hbm>> -> memref<1x160x128xi32, #tpu.memory_space<hbm>>
      %dma_wait3A_47 = tpu.memref_squeeze %dma_wait3A_46 : memref<1x160x128xi32, #tpu.memory_space<hbm>> -> memref<160x128xi32, #tpu.memory_space<hbm>>
      %dma_wait3A_48 = arith.constant 0 : i32
      %dma_wait3A_49 = arith.constant 0 : i32
      %dma_wait3A_50 = tpu.memref_slice %dma_wait3A_47[%dma_wait3A_48, %dma_wait3A_49] : memref<160x128xi32, #tpu.memory_space<hbm>> -> memref<40x128xi32, #tpu.memory_space<hbm>>
      tpu.wait_dma2 semaphore(%run_scoped3A : memref<!tpu.dma_semaphore, #tpu.memory_space<semaphore_mem>>) src(%dma_wait3A_50 : memref<40x128xi32, #tpu.memory_space<hbm>>) dst(%arg8 : memref<40x128xi32, #tpu.memory_space<vmem>>)
      tpu.yield
    }) : () -> ()
    "tpu.region"() ({
      %run_scoped3A = tpu.sem_alloc : memref<!tpu.dma_semaphore, #tpu.memory_space<semaphore_mem>>
      %dma_start3A = arith.constant 0 : i32
      %dma_start3A_25 = arith.constant 0 : i32
      %dma_start3A_26 = tpu.memref_slice %arg4[%arg1, %dma_start3A, %dma_start3A_25] : memref<16x160x128xi32, #tpu.memory_space<hbm>> -> memref<1x160x128xi32, #tpu.memory_space<hbm>>
      %dma_start3A_27 = tpu.memref_squeeze %dma_start3A_26 : memref<1x160x128xi32, #tpu.memory_space<hbm>> -> memref<160x128xi32, #tpu.memory_space<hbm>>
      %dma_start3A_28 = arith.constant 0 : i32
      %dma_start3A_29 = arith.constant 0 : i32
      %dma_start3A_30 = tpu.memref_slice %dma_start3A_27[%dma_start3A_28, %dma_start3A_29] : memref<160x128xi32, #tpu.memory_space<hbm>> -> memref<40x128xi32, #tpu.memory_space<hbm>>
      %dma_start3A_31 = arith.constant 0 : i32
      %dma_start3A_32 = arith.constant 0 : i32
      %dma_start3A_33 = tpu.memref_slice %arg4[%arg1, %dma_start3A_31, %dma_start3A_32] : memref<16x160x128xi32, #tpu.memory_space<hbm>> -> memref<1x160x128xi32, #tpu.memory_space<hbm>>
      %dma_start3A_34 = tpu.memref_squeeze %dma_start3A_33 : memref<1x160x128xi32, #tpu.memory_space<hbm>> -> memref<160x128xi32, #tpu.memory_space<hbm>>
      %dma_start3A_35 = arith.constant 0 : i32
      %dma_start3A_36 = arith.constant 0 : i32
      %dma_start3A_37 = tpu.memref_slice %dma_start3A_34[%dma_start3A_35, %dma_start3A_36] : memref<160x128xi32, #tpu.memory_space<hbm>> -> memref<40x128xi32, #tpu.memory_space<hbm>>
      tpu.enqueue_dma source(%dma_start3A_37 : memref<40x128xi32, #tpu.memory_space<hbm>>) target(%arg9 : memref<40x128xi32, #tpu.memory_space<vmem>>) target_semaphore(%run_scoped3A : memref<!tpu.dma_semaphore, #tpu.memory_space<semaphore_mem>>)
      %dma_wait3A = arith.constant 0 : i32
      %dma_wait3A_38 = arith.constant 0 : i32
      %dma_wait3A_39 = tpu.memref_slice %arg4[%arg1, %dma_wait3A, %dma_wait3A_38] : memref<16x160x128xi32, #tpu.memory_space<hbm>> -> memref<1x160x128xi32, #tpu.memory_space<hbm>>
      %dma_wait3A_40 = tpu.memref_squeeze %dma_wait3A_39 : memref<1x160x128xi32, #tpu.memory_space<hbm>> -> memref<160x128xi32, #tpu.memory_space<hbm>>
      %dma_wait3A_41 = arith.constant 0 : i32
      %dma_wait3A_42 = arith.constant 0 : i32
      %dma_wait3A_43 = tpu.memref_slice %dma_wait3A_40[%dma_wait3A_41, %dma_wait3A_42] : memref<160x128xi32, #tpu.memory_space<hbm>> -> memref<40x128xi32, #tpu.memory_space<hbm>>
      %dma_wait3A_44 = arith.constant 0 : i32
      %dma_wait3A_45 = arith.constant 0 : i32
      %dma_wait3A_46 = tpu.memref_slice %arg4[%arg1, %dma_wait3A_44, %dma_wait3A_45] : memref<16x160x128xi32, #tpu.memory_space<hbm>> -> memref<1x160x128xi32, #tpu.memory_space<hbm>>
      %dma_wait3A_47 = tpu.memref_squeeze %dma_wait3A_46 : memref<1x160x128xi32, #tpu.memory_space<hbm>> -> memref<160x128xi32, #tpu.memory_space<hbm>>
      %dma_wait3A_48 = arith.constant 0 : i32
      %dma_wait3A_49 = arith.constant 0 : i32
      %dma_wait3A_50 = tpu.memref_slice %dma_wait3A_47[%dma_wait3A_48, %dma_wait3A_49] : memref<160x128xi32, #tpu.memory_space<hbm>> -> memref<40x128xi32, #tpu.memory_space<hbm>>
      tpu.wait_dma2 semaphore(%run_scoped3A : memref<!tpu.dma_semaphore, #tpu.memory_space<semaphore_mem>>) src(%dma_wait3A_50 : memref<40x128xi32, #tpu.memory_space<hbm>>) dst(%arg9 : memref<40x128xi32, #tpu.memory_space<vmem>>)
      tpu.yield
    }) : () -> ()
    %scan3A = arith.constant 0 : i32
    %scan3A_1 = arith.constant 0 : i32
    %scan3A_2 = arith.constant 20 : i32
    %scan3A_3 = arith.addi %scan3A_1, %scan3A_2 : i32
    %scan3A_4 = arith.constant 1 : i32
    scf.for %scan3A_25 = %scan3A_1 to %scan3A_3 step %scan3A_4  : i32 {
      %mul3A_26 = arith.constant 2 : i32
      %mul3A_27 = arith.muli %mul3A_26, %scan3A_25 : i32
      %dma_start3A = arith.constant 0 : i32
      %dma_start3A_28 = tpu.memref_slice %arg8[%mul3A_27, %dma_start3A] : memref<40x128xi32, #tpu.memory_space<vmem>> -> memref<1x128xi32, #tpu.memory_space<vmem>>
      %dma_start3A_29 = tpu.memref_squeeze %dma_start3A_28 : memref<1x128xi32, #tpu.memory_space<vmem>> -> memref<128xi32, #tpu.memory_space<vmem>>
      %dma_start3A_30 = arith.constant 0 : i32
      %dma_start3A_31 = arith.constant 0 : i32
      %dma_start3A_32 = tpu.memref_slice %arg6[%dma_start3A_30, %dma_start3A_31] : memref<10112x64xf32, #tpu.memory_space<vmem_shared>> -> memref<10112x64xf32, #tpu.memory_space<vmem_shared>>
      tpu.enqueue_indirect_dma source(%dma_start3A_32 : memref<10112x64xf32, #tpu.memory_space<vmem_shared>>) target(%arg10 : memref<128x64xf32, #tpu.memory_space<vmem>>) offsets(%dma_start3A_29 : memref<128xi32, #tpu.memory_space<vmem>>) semaphore(%arg12 : memref<!tpu.dma_semaphore, #tpu.memory_space<semaphore_mem>>)
      %add3A = arith.constant 1 : i32
      %add3A_33 = arith.addi %mul3A_27, %add3A : i32
      %dma_start3A_34 = arith.constant 0 : i32
      %dma_start3A_35 = tpu.memref_slice %arg8[%add3A_33, %dma_start3A_34] : memref<40x128xi32, #tpu.memory_space<vmem>> -> memref<1x128xi32, #tpu.memory_space<vmem>>
      %dma_start3A_36 = tpu.memref_squeeze %dma_start3A_35 : memref<1x128xi32, #tpu.memory_space<vmem>> -> memref<128xi32, #tpu.memory_space<vmem>>
      %dma_start3A_37 = arith.constant 0 : i32
      %dma_start3A_38 = arith.constant 0 : i32
      %dma_start3A_39 = tpu.memref_slice %arg6[%dma_start3A_37, %dma_start3A_38] : memref<10112x64xf32, #tpu.memory_space<vmem_shared>> -> memref<10112x64xf32, #tpu.memory_space<vmem_shared>>
      tpu.enqueue_indirect_dma source(%dma_start3A_39 : memref<10112x64xf32, #tpu.memory_space<vmem_shared>>) target(%arg11 : memref<128x64xf32, #tpu.memory_space<vmem>>) offsets(%dma_start3A_36 : memref<128xi32, #tpu.memory_space<vmem>>) semaphore(%arg13 : memref<!tpu.dma_semaphore, #tpu.memory_space<semaphore_mem>>)
      %dma_wait3A = arith.constant 0 : i32
      %dma_wait3A_40 = tpu.memref_slice %arg8[%mul3A_27, %dma_wait3A] : memref<40x128xi32, #tpu.memory_space<vmem>> -> memref<1x128xi32, #tpu.memory_space<vmem>>
      %dma_wait3A_41 = tpu.memref_squeeze %dma_wait3A_40 : memref<1x128xi32, #tpu.memory_space<vmem>> -> memref<128xi32, #tpu.memory_space<vmem>>
      %dma_wait3A_42 = arith.constant 0 : i32
      %dma_wait3A_43 = arith.constant 0 : i32
      %dma_wait3A_44 = tpu.memref_slice %arg6[%dma_wait3A_42, %dma_wait3A_43] : memref<10112x64xf32, #tpu.memory_space<vmem_shared>> -> memref<10112x64xf32, #tpu.memory_space<vmem_shared>>
      tpu.wait_indirect_dma semaphore(%arg12 : memref<!tpu.dma_semaphore, #tpu.memory_space<semaphore_mem>>) src(%dma_wait3A_44 : memref<10112x64xf32, #tpu.memory_space<vmem_shared>>) dst(%arg10 : memref<128x64xf32, #tpu.memory_space<vmem>>)
      %dma_start3A_45 = arith.constant 0 : i32
      %dma_start3A_46 = tpu.memref_slice %arg9[%mul3A_27, %dma_start3A_45] : memref<40x128xi32, #tpu.memory_space<vmem>> -> memref<1x128xi32, #tpu.memory_space<vmem>>
      %dma_start3A_47 = tpu.memref_squeeze %dma_start3A_46 : memref<1x128xi32, #tpu.memory_space<vmem>> -> memref<128xi32, #tpu.memory_space<vmem>>
      %dma_start3A_48 = arith.constant 0 : i32
      %dma_start3A_49 = arith.constant 0 : i32
      %dma_start3A_50 = tpu.memref_slice %arg7[%dma_start3A_48, %dma_start3A_49] : memref<10112x64xf32, #tpu.memory_space<vmem_shared>> -> memref<10112x64xf32, #tpu.memory_space<vmem_shared>>
      tpu.enqueue_indirect_dma source(%arg10 : memref<128x64xf32, #tpu.memory_space<vmem>>) target(%dma_start3A_50 : memref<10112x64xf32, #tpu.memory_space<vmem_shared>>) offsets(%dma_start3A_47 : memref<128xi32, #tpu.memory_space<vmem>>) semaphore(%arg14 : memref<!tpu.dma_semaphore, #tpu.memory_space<semaphore_mem>>) {add = true}
      %dma_wait3A_51 = arith.constant 0 : i32
      %dma_wait3A_52 = tpu.memref_slice %arg8[%add3A_33, %dma_wait3A_51] : memref<40x128xi32, #tpu.memory_space<vmem>> -> memref<1x128xi32, #tpu.memory_space<vmem>>
      %dma_wait3A_53 = tpu.memref_squeeze %dma_wait3A_52 : memref<1x128xi32, #tpu.memory_space<vmem>> -> memref<128xi32, #tpu.memory_space<vmem>>
      %dma_wait3A_54 = arith.constant 0 : i32
      %dma_wait3A_55 = arith.constant 0 : i32
      %dma_wait3A_56 = tpu.memref_slice %arg6[%dma_wait3A_54, %dma_wait3A_55] : memref<10112x64xf32, #tpu.memory_space<vmem_shared>> -> memref<10112x64xf32, #tpu.memory_space<vmem_shared>>
      tpu.wait_indirect_dma semaphore(%arg13 : memref<!tpu.dma_semaphore, #tpu.memory_space<semaphore_mem>>) src(%dma_wait3A_56 : memref<10112x64xf32, #tpu.memory_space<vmem_shared>>) dst(%arg11 : memref<128x64xf32, #tpu.memory_space<vmem>>)
      %add3A_57 = arith.constant 1 : i32
      %add3A_58 = arith.addi %mul3A_27, %add3A_57 : i32
      %dma_start3A_59 = arith.constant 0 : i32
      %dma_start3A_60 = tpu.memref_slice %arg9[%add3A_58, %dma_start3A_59] : memref<40x128xi32, #tpu.memory_space<vmem>> -> memref<1x128xi32, #tpu.memory_space<vmem>>
      %dma_start3A_61 = tpu.memref_squeeze %dma_start3A_60 : memref<1x128xi32, #tpu.memory_space<vmem>> -> memref<128xi32, #tpu.memory_space<vmem>>
      %dma_start3A_62 = arith.constant 0 : i32
      %dma_start3A_63 = arith.constant 0 : i32
      %dma_start3A_64 = tpu.memref_slice %arg7[%dma_start3A_62, %dma_start3A_63] : memref<10112x64xf32, #tpu.memory_space<vmem_shared>> -> memref<10112x64xf32, #tpu.memory_space<vmem_shared>>
      tpu.enqueue_indirect_dma source(%arg11 : memref<128x64xf32, #tpu.memory_space<vmem>>) target(%dma_start3A_64 : memref<10112x64xf32, #tpu.memory_space<vmem_shared>>) offsets(%dma_start3A_61 : memref<128xi32, #tpu.memory_space<vmem>>) semaphore(%arg15 : memref<!tpu.dma_semaphore, #tpu.memory_space<semaphore_mem>>) {add = true}
      %dma_wait3A_65 = arith.constant 0 : i32
      %dma_wait3A_66 = tpu.memref_slice %arg9[%mul3A_27, %dma_wait3A_65] : memref<40x128xi32, #tpu.memory_space<vmem>> -> memref<1x128xi32, #tpu.memory_space<vmem>>
      %dma_wait3A_67 = tpu.memref_squeeze %dma_wait3A_66 : memref<1x128xi32, #tpu.memory_space<vmem>> -> memref<128xi32, #tpu.memory_space<vmem>>
      %dma_wait3A_68 = arith.constant 0 : i32
      %dma_wait3A_69 = arith.constant 0 : i32
      %dma_wait3A_70 = tpu.memref_slice %arg7[%dma_wait3A_68, %dma_wait3A_69] : memref<10112x64xf32, #tpu.memory_space<vmem_shared>> -> memref<10112x64xf32, #tpu.memory_space<vmem_shared>>
      tpu.wait_indirect_dma semaphore(%arg14 : memref<!tpu.dma_semaphore, #tpu.memory_space<semaphore_mem>>) src(%arg10 : memref<128x64xf32, #tpu.memory_space<vmem>>) dst(%dma_wait3A_70 : memref<10112x64xf32, #tpu.memory_space<vmem_shared>>)
      %dma_wait3A_71 = arith.constant 0 : i32
      %dma_wait3A_72 = tpu.memref_slice %arg9[%add3A_58, %dma_wait3A_71] : memref<40x128xi32, #tpu.memory_space<vmem>> -> memref<1x128xi32, #tpu.memory_space<vmem>>
      %dma_wait3A_73 = tpu.memref_squeeze %dma_wait3A_72 : memref<1x128xi32, #tpu.memory_space<vmem>> -> memref<128xi32, #tpu.memory_space<vmem>>
      %dma_wait3A_74 = arith.constant 0 : i32
      %dma_wait3A_75 = arith.constant 0 : i32
      %dma_wait3A_76 = tpu.memref_slice %arg7[%dma_wait3A_74, %dma_wait3A_75] : memref<10112x64xf32, #tpu.memory_space<vmem_shared>> -> memref<10112x64xf32, #tpu.memory_space<vmem_shared>>
      tpu.wait_indirect_dma semaphore(%arg15 : memref<!tpu.dma_semaphore, #tpu.memory_space<semaphore_mem>>) src(%arg11 : memref<128x64xf32, #tpu.memory_space<vmem>>) dst(%dma_wait3A_76 : memref<10112x64xf32, #tpu.memory_space<vmem_shared>>)
    }
    %scan3A_5 = arith.constant 20 : i32
    "tpu.region"() ({
      %run_scoped3A = tpu.sem_alloc : memref<!tpu.dma_semaphore, #tpu.memory_space<semaphore_mem>>
      %dma_start3A = arith.constant 0 : i32
      %dma_start3A_25 = arith.constant 0 : i32
      %dma_start3A_26 = tpu.memref_slice %arg3[%arg1, %dma_start3A, %dma_start3A_25] : memref<16x160x128xi32, #tpu.memory_space<hbm>> -> memref<1x160x128xi32, #tpu.memory_space<hbm>>
      %dma_start3A_27 = tpu.memref_squeeze %dma_start3A_26 : memref<1x160x128xi32, #tpu.memory_space<hbm>> -> memref<160x128xi32, #tpu.memory_space<hbm>>
      %dma_start3A_28 = arith.constant 40 : i32
      %dma_start3A_29 = arith.constant 0 : i32
      %dma_start3A_30 = tpu.memref_slice %dma_start3A_27[%dma_start3A_28, %dma_start3A_29] : memref<160x128xi32, #tpu.memory_space<hbm>> -> memref<40x128xi32, #tpu.memory_space<hbm>>
      %dma_start3A_31 = arith.constant 0 : i32
      %dma_start3A_32 = arith.constant 0 : i32
      %dma_start3A_33 = tpu.memref_slice %arg3[%arg1, %dma_start3A_31, %dma_start3A_32] : memref<16x160x128xi32, #tpu.memory_space<hbm>> -> memref<1x160x128xi32, #tpu.memory_space<hbm>>
      %dma_start3A_34 = tpu.memref_squeeze %dma_start3A_33 : memref<1x160x128xi32, #tpu.memory_space<hbm>> -> memref<160x128xi32, #tpu.memory_space<hbm>>
      %dma_start3A_35 = arith.constant 40 : i32
      %dma_start3A_36 = arith.constant 0 : i32
      %dma_start3A_37 = tpu.memref_slice %dma_start3A_34[%dma_start3A_35, %dma_start3A_36] : memref<160x128xi32, #tpu.memory_space<hbm>> -> memref<40x128xi32, #tpu.memory_space<hbm>>
      tpu.enqueue_dma source(%dma_start3A_37 : memref<40x128xi32, #tpu.memory_space<hbm>>) target(%arg8 : memref<40x128xi32, #tpu.memory_space<vmem>>) target_semaphore(%run_scoped3A : memref<!tpu.dma_semaphore, #tpu.memory_space<semaphore_mem>>)
      %dma_wait3A = arith.constant 0 : i32
      %dma_wait3A_38 = arith.constant 0 : i32
      %dma_wait3A_39 = tpu.memref_slice %arg3[%arg1, %dma_wait3A, %dma_wait3A_38] : memref<16x160x128xi32, #tpu.memory_space<hbm>> -> memref<1x160x128xi32, #tpu.memory_space<hbm>>
      %dma_wait3A_40 = tpu.memref_squeeze %dma_wait3A_39 : memref<1x160x128xi32, #tpu.memory_space<hbm>> -> memref<160x128xi32, #tpu.memory_space<hbm>>
      %dma_wait3A_41 = arith.constant 40 : i32
      %dma_wait3A_42 = arith.constant 0 : i32
      %dma_wait3A_43 = tpu.memref_slice %dma_wait3A_40[%dma_wait3A_41, %dma_wait3A_42] : memref<160x128xi32, #tpu.memory_space<hbm>> -> memref<40x128xi32, #tpu.memory_space<hbm>>
      %dma_wait3A_44 = arith.constant 0 : i32
      %dma_wait3A_45 = arith.constant 0 : i32
      %dma_wait3A_46 = tpu.memref_slice %arg3[%arg1, %dma_wait3A_44, %dma_wait3A_45] : memref<16x160x128xi32, #tpu.memory_space<hbm>> -> memref<1x160x128xi32, #tpu.memory_space<hbm>>
      %dma_wait3A_47 = tpu.memref_squeeze %dma_wait3A_46 : memref<1x160x128xi32, #tpu.memory_space<hbm>> -> memref<160x128xi32, #tpu.memory_space<hbm>>
      %dma_wait3A_48 = arith.constant 40 : i32
      %dma_wait3A_49 = arith.constant 0 : i32
      %dma_wait3A_50 = tpu.memref_slice %dma_wait3A_47[%dma_wait3A_48, %dma_wait3A_49] : memref<160x128xi32, #tpu.memory_space<hbm>> -> memref<40x128xi32, #tpu.memory_space<hbm>>
      tpu.wait_dma2 semaphore(%run_scoped3A : memref<!tpu.dma_semaphore, #tpu.memory_space<semaphore_mem>>) src(%dma_wait3A_50 : memref<40x128xi32, #tpu.memory_space<hbm>>) dst(%arg8 : memref<40x128xi32, #tpu.memory_space<vmem>>)
      tpu.yield
    }) : () -> ()
    "tpu.region"() ({
      %run_scoped3A = tpu.sem_alloc : memref<!tpu.dma_semaphore, #tpu.memory_space<semaphore_mem>>
      %dma_start3A = arith.constant 0 : i32
      %dma_start3A_25 = arith.constant 0 : i32
      %dma_start3A_26 = tpu.memref_slice %arg4[%arg1, %dma_start3A, %dma_start3A_25] : memref<16x160x128xi32, #tpu.memory_space<hbm>> -> memref<1x160x128xi32, #tpu.memory_space<hbm>>
      %dma_start3A_27 = tpu.memref_squeeze %dma_start3A_26 : memref<1x160x128xi32, #tpu.memory_space<hbm>> -> memref<160x128xi32, #tpu.memory_space<hbm>>
      %dma_start3A_28 = arith.constant 40 : i32
      %dma_start3A_29 = arith.constant 0 : i32
      %dma_start3A_30 = tpu.memref_slice %dma_start3A_27[%dma_start3A_28, %dma_start3A_29] : memref<160x128xi32, #tpu.memory_space<hbm>> -> memref<40x128xi32, #tpu.memory_space<hbm>>
      %dma_start3A_31 = arith.constant 0 : i32
      %dma_start3A_32 = arith.constant 0 : i32
      %dma_start3A_33 = tpu.memref_slice %arg4[%arg1, %dma_start3A_31, %dma_start3A_32] : memref<16x160x128xi32, #tpu.memory_space<hbm>> -> memref<1x160x128xi32, #tpu.memory_space<hbm>>
      %dma_start3A_34 = tpu.memref_squeeze %dma_start3A_33 : memref<1x160x128xi32, #tpu.memory_space<hbm>> -> memref<160x128xi32, #tpu.memory_space<hbm>>
      %dma_start3A_35 = arith.constant 40 : i32
      %dma_start3A_36 = arith.constant 0 : i32
      %dma_start3A_37 = tpu.memref_slice %dma_start3A_34[%dma_start3A_35, %dma_start3A_36] : memref<160x128xi32, #tpu.memory_space<hbm>> -> memref<40x128xi32, #tpu.memory_space<hbm>>
      tpu.enqueue_dma source(%dma_start3A_37 : memref<40x128xi32, #tpu.memory_space<hbm>>) target(%arg9 : memref<40x128xi32, #tpu.memory_space<vmem>>) target_semaphore(%run_scoped3A : memref<!tpu.dma_semaphore, #tpu.memory_space<semaphore_mem>>)
      %dma_wait3A = arith.constant 0 : i32
      %dma_wait3A_38 = arith.constant 0 : i32
      %dma_wait3A_39 = tpu.memref_slice %arg4[%arg1, %dma_wait3A, %dma_wait3A_38] : memref<16x160x128xi32, #tpu.memory_space<hbm>> -> memref<1x160x128xi32, #tpu.memory_space<hbm>>
      %dma_wait3A_40 = tpu.memref_squeeze %dma_wait3A_39 : memref<1x160x128xi32, #tpu.memory_space<hbm>> -> memref<160x128xi32, #tpu.memory_space<hbm>>
      %dma_wait3A_41 = arith.constant 40 : i32
      %dma_wait3A_42 = arith.constant 0 : i32
      %dma_wait3A_43 = tpu.memref_slice %dma_wait3A_40[%dma_wait3A_41, %dma_wait3A_42] : memref<160x128xi32, #tpu.memory_space<hbm>> -> memref<40x128xi32, #tpu.memory_space<hbm>>
      %dma_wait3A_44 = arith.constant 0 : i32
      %dma_wait3A_45 = arith.constant 0 : i32
      %dma_wait3A_46 = tpu.memref_slice %arg4[%arg1, %dma_wait3A_44, %dma_wait3A_45] : memref<16x160x128xi32, #tpu.memory_space<hbm>> -> memref<1x160x128xi32, #tpu.memory_space<hbm>>
      %dma_wait3A_47 = tpu.memref_squeeze %dma_wait3A_46 : memref<1x160x128xi32, #tpu.memory_space<hbm>> -> memref<160x128xi32, #tpu.memory_space<hbm>>
      %dma_wait3A_48 = arith.constant 40 : i32
      %dma_wait3A_49 = arith.constant 0 : i32
      %dma_wait3A_50 = tpu.memref_slice %dma_wait3A_47[%dma_wait3A_48, %dma_wait3A_49] : memref<160x128xi32, #tpu.memory_space<hbm>> -> memref<40x128xi32, #tpu.memory_space<hbm>>
      tpu.wait_dma2 semaphore(%run_scoped3A : memref<!tpu.dma_semaphore, #tpu.memory_space<semaphore_mem>>) src(%dma_wait3A_50 : memref<40x128xi32, #tpu.memory_space<hbm>>) dst(%arg9 : memref<40x128xi32, #tpu.memory_space<vmem>>)
      tpu.yield
    }) : () -> ()
    %scan3A_6 = arith.constant 0 : i32
    %scan3A_7 = arith.constant 0 : i32
    %scan3A_8 = arith.constant 20 : i32
    %scan3A_9 = arith.addi %scan3A_7, %scan3A_8 : i32
    %scan3A_10 = arith.constant 1 : i32
    scf.for %scan3A_25 = %scan3A_7 to %scan3A_9 step %scan3A_10  : i32 {
      %mul3A_26 = arith.constant 2 : i32
      %mul3A_27 = arith.muli %mul3A_26, %scan3A_25 : i32
      %dma_start3A = arith.constant 0 : i32
      %dma_start3A_28 = tpu.memref_slice %arg8[%mul3A_27, %dma_start3A] : memref<40x128xi32, #tpu.memory_space<vmem>> -> memref<1x128xi32, #tpu.memory_space<vmem>>
      %dma_start3A_29 = tpu.memref_squeeze %dma_start3A_28 : memref<1x128xi32, #tpu.memory_space<vmem>> -> memref<128xi32, #tpu.memory_space<vmem>>
      %dma_start3A_30 = arith.constant 0 : i32
      %dma_start3A_31 = arith.constant 0 : i32
      %dma_start3A_32 = tpu.memref_slice %arg6[%dma_start3A_30, %dma_start3A_31] : memref<10112x64xf32, #tpu.memory_space<vmem_shared>> -> memref<10112x64xf32, #tpu.memory_space<vmem_shared>>
      tpu.enqueue_indirect_dma source(%dma_start3A_32 : memref<10112x64xf32, #tpu.memory_space<vmem_shared>>) target(%arg10 : memref<128x64xf32, #tpu.memory_space<vmem>>) offsets(%dma_start3A_29 : memref<128xi32, #tpu.memory_space<vmem>>) semaphore(%arg12 : memref<!tpu.dma_semaphore, #tpu.memory_space<semaphore_mem>>)
      %add3A = arith.constant 1 : i32
      %add3A_33 = arith.addi %mul3A_27, %add3A : i32
      %dma_start3A_34 = arith.constant 0 : i32
      %dma_start3A_35 = tpu.memref_slice %arg8[%add3A_33, %dma_start3A_34] : memref<40x128xi32, #tpu.memory_space<vmem>> -> memref<1x128xi32, #tpu.memory_space<vmem>>
      %dma_start3A_36 = tpu.memref_squeeze %dma_start3A_35 : memref<1x128xi32, #tpu.memory_space<vmem>> -> memref<128xi32, #tpu.memory_space<vmem>>
      %dma_start3A_37 = arith.constant 0 : i32
      %dma_start3A_38 = arith.constant 0 : i32
      %dma_start3A_39 = tpu.memref_slice %arg6[%dma_start3A_37, %dma_start3A_38] : memref<10112x64xf32, #tpu.memory_space<vmem_shared>> -> memref<10112x64xf32, #tpu.memory_space<vmem_shared>>
      tpu.enqueue_indirect_dma source(%dma_start3A_39 : memref<10112x64xf32, #tpu.memory_space<vmem_shared>>) target(%arg11 : memref<128x64xf32, #tpu.memory_space<vmem>>) offsets(%dma_start3A_36 : memref<128xi32, #tpu.memory_space<vmem>>) semaphore(%arg13 : memref<!tpu.dma_semaphore, #tpu.memory_space<semaphore_mem>>)
      %dma_wait3A = arith.constant 0 : i32
      %dma_wait3A_40 = tpu.memref_slice %arg8[%mul3A_27, %dma_wait3A] : memref<40x128xi32, #tpu.memory_space<vmem>> -> memref<1x128xi32, #tpu.memory_space<vmem>>
      %dma_wait3A_41 = tpu.memref_squeeze %dma_wait3A_40 : memref<1x128xi32, #tpu.memory_space<vmem>> -> memref<128xi32, #tpu.memory_space<vmem>>
      %dma_wait3A_42 = arith.constant 0 : i32
      %dma_wait3A_43 = arith.constant 0 : i32
      %dma_wait3A_44 = tpu.memref_slice %arg6[%dma_wait3A_42, %dma_wait3A_43] : memref<10112x64xf32, #tpu.memory_space<vmem_shared>> -> memref<10112x64xf32, #tpu.memory_space<vmem_shared>>
      tpu.wait_indirect_dma semaphore(%arg12 : memref<!tpu.dma_semaphore, #tpu.memory_space<semaphore_mem>>) src(%dma_wait3A_44 : memref<10112x64xf32, #tpu.memory_space<vmem_shared>>) dst(%arg10 : memref<128x64xf32, #tpu.memory_space<vmem>>)
      %dma_start3A_45 = arith.constant 0 : i32
      %dma_start3A_46 = tpu.memref_slice %arg9[%mul3A_27, %dma_start3A_45] : memref<40x128xi32, #tpu.memory_space<vmem>> -> memref<1x128xi32, #tpu.memory_space<vmem>>
      %dma_start3A_47 = tpu.memref_squeeze %dma_start3A_46 : memref<1x128xi32, #tpu.memory_space<vmem>> -> memref<128xi32, #tpu.memory_space<vmem>>
      %dma_start3A_48 = arith.constant 0 : i32
      %dma_start3A_49 = arith.constant 0 : i32
      %dma_start3A_50 = tpu.memref_slice %arg7[%dma_start3A_48, %dma_start3A_49] : memref<10112x64xf32, #tpu.memory_space<vmem_shared>> -> memref<10112x64xf32, #tpu.memory_space<vmem_shared>>
      tpu.enqueue_indirect_dma source(%arg10 : memref<128x64xf32, #tpu.memory_space<vmem>>) target(%dma_start3A_50 : memref<10112x64xf32, #tpu.memory_space<vmem_shared>>) offsets(%dma_start3A_47 : memref<128xi32, #tpu.memory_space<vmem>>) semaphore(%arg14 : memref<!tpu.dma_semaphore, #tpu.memory_space<semaphore_mem>>) {add = true}
      %dma_wait3A_51 = arith.constant 0 : i32
      %dma_wait3A_52 = tpu.memref_slice %arg8[%add3A_33, %dma_wait3A_51] : memref<40x128xi32, #tpu.memory_space<vmem>> -> memref<1x128xi32, #tpu.memory_space<vmem>>
      %dma_wait3A_53 = tpu.memref_squeeze %dma_wait3A_52 : memref<1x128xi32, #tpu.memory_space<vmem>> -> memref<128xi32, #tpu.memory_space<vmem>>
      %dma_wait3A_54 = arith.constant 0 : i32
      %dma_wait3A_55 = arith.constant 0 : i32
      %dma_wait3A_56 = tpu.memref_slice %arg6[%dma_wait3A_54, %dma_wait3A_55] : memref<10112x64xf32, #tpu.memory_space<vmem_shared>> -> memref<10112x64xf32, #tpu.memory_space<vmem_shared>>
      tpu.wait_indirect_dma semaphore(%arg13 : memref<!tpu.dma_semaphore, #tpu.memory_space<semaphore_mem>>) src(%dma_wait3A_56 : memref<10112x64xf32, #tpu.memory_space<vmem_shared>>) dst(%arg11 : memref<128x64xf32, #tpu.memory_space<vmem>>)
      %add3A_57 = arith.constant 1 : i32
      %add3A_58 = arith.addi %mul3A_27, %add3A_57 : i32
      %dma_start3A_59 = arith.constant 0 : i32
      %dma_start3A_60 = tpu.memref_slice %arg9[%add3A_58, %dma_start3A_59] : memref<40x128xi32, #tpu.memory_space<vmem>> -> memref<1x128xi32, #tpu.memory_space<vmem>>
      %dma_start3A_61 = tpu.memref_squeeze %dma_start3A_60 : memref<1x128xi32, #tpu.memory_space<vmem>> -> memref<128xi32, #tpu.memory_space<vmem>>
      %dma_start3A_62 = arith.constant 0 : i32
      %dma_start3A_63 = arith.constant 0 : i32
      %dma_start3A_64 = tpu.memref_slice %arg7[%dma_start3A_62, %dma_start3A_63] : memref<10112x64xf32, #tpu.memory_space<vmem_shared>> -> memref<10112x64xf32, #tpu.memory_space<vmem_shared>>
      tpu.enqueue_indirect_dma source(%arg11 : memref<128x64xf32, #tpu.memory_space<vmem>>) target(%dma_start3A_64 : memref<10112x64xf32, #tpu.memory_space<vmem_shared>>) offsets(%dma_start3A_61 : memref<128xi32, #tpu.memory_space<vmem>>) semaphore(%arg15 : memref<!tpu.dma_semaphore, #tpu.memory_space<semaphore_mem>>) {add = true}
      %dma_wait3A_65 = arith.constant 0 : i32
      %dma_wait3A_66 = tpu.memref_slice %arg9[%mul3A_27, %dma_wait3A_65] : memref<40x128xi32, #tpu.memory_space<vmem>> -> memref<1x128xi32, #tpu.memory_space<vmem>>
      %dma_wait3A_67 = tpu.memref_squeeze %dma_wait3A_66 : memref<1x128xi32, #tpu.memory_space<vmem>> -> memref<128xi32, #tpu.memory_space<vmem>>
      %dma_wait3A_68 = arith.constant 0 : i32
      %dma_wait3A_69 = arith.constant 0 : i32
      %dma_wait3A_70 = tpu.memref_slice %arg7[%dma_wait3A_68, %dma_wait3A_69] : memref<10112x64xf32, #tpu.memory_space<vmem_shared>> -> memref<10112x64xf32, #tpu.memory_space<vmem_shared>>
      tpu.wait_indirect_dma semaphore(%arg14 : memref<!tpu.dma_semaphore, #tpu.memory_space<semaphore_mem>>) src(%arg10 : memref<128x64xf32, #tpu.memory_space<vmem>>) dst(%dma_wait3A_70 : memref<10112x64xf32, #tpu.memory_space<vmem_shared>>)
      %dma_wait3A_71 = arith.constant 0 : i32
      %dma_wait3A_72 = tpu.memref_slice %arg9[%add3A_58, %dma_wait3A_71] : memref<40x128xi32, #tpu.memory_space<vmem>> -> memref<1x128xi32, #tpu.memory_space<vmem>>
      %dma_wait3A_73 = tpu.memref_squeeze %dma_wait3A_72 : memref<1x128xi32, #tpu.memory_space<vmem>> -> memref<128xi32, #tpu.memory_space<vmem>>
      %dma_wait3A_74 = arith.constant 0 : i32
      %dma_wait3A_75 = arith.constant 0 : i32
      %dma_wait3A_76 = tpu.memref_slice %arg7[%dma_wait3A_74, %dma_wait3A_75] : memref<10112x64xf32, #tpu.memory_space<vmem_shared>> -> memref<10112x64xf32, #tpu.memory_space<vmem_shared>>
      tpu.wait_indirect_dma semaphore(%arg15 : memref<!tpu.dma_semaphore, #tpu.memory_space<semaphore_mem>>) src(%arg11 : memref<128x64xf32, #tpu.memory_space<vmem>>) dst(%dma_wait3A_76 : memref<10112x64xf32, #tpu.memory_space<vmem_shared>>)
    }
    %scan3A_11 = arith.constant 20 : i32
    "tpu.region"() ({
      %run_scoped3A = tpu.sem_alloc : memref<!tpu.dma_semaphore, #tpu.memory_space<semaphore_mem>>
      %dma_start3A = arith.constant 0 : i32
      %dma_start3A_25 = arith.constant 0 : i32
      %dma_start3A_26 = tpu.memref_slice %arg3[%arg1, %dma_start3A, %dma_start3A_25] : memref<16x160x128xi32, #tpu.memory_space<hbm>> -> memref<1x160x128xi32, #tpu.memory_space<hbm>>
      %dma_start3A_27 = tpu.memref_squeeze %dma_start3A_26 : memref<1x160x128xi32, #tpu.memory_space<hbm>> -> memref<160x128xi32, #tpu.memory_space<hbm>>
      %dma_start3A_28 = arith.constant 80 : i32
      %dma_start3A_29 = arith.constant 0 : i32
      %dma_start3A_30 = tpu.memref_slice %dma_start3A_27[%dma_start3A_28, %dma_start3A_29] : memref<160x128xi32, #tpu.memory_space<hbm>> -> memref<40x128xi32, #tpu.memory_space<hbm>>
      %dma_start3A_31 = arith.constant 0 : i32
      %dma_start3A_32 = arith.constant 0 : i32
      %dma_start3A_33 = tpu.memref_slice %arg3[%arg1, %dma_start3A_31, %dma_start3A_32] : memref<16x160x128xi32, #tpu.memory_space<hbm>> -> memref<1x160x128xi32, #tpu.memory_space<hbm>>
      %dma_start3A_34 = tpu.memref_squeeze %dma_start3A_33 : memref<1x160x128xi32, #tpu.memory_space<hbm>> -> memref<160x128xi32, #tpu.memory_space<hbm>>
      %dma_start3A_35 = arith.constant 80 : i32
      %dma_start3A_36 = arith.constant 0 : i32
      %dma_start3A_37 = tpu.memref_slice %dma_start3A_34[%dma_start3A_35, %dma_start3A_36] : memref<160x128xi32, #tpu.memory_space<hbm>> -> memref<40x128xi32, #tpu.memory_space<hbm>>
      tpu.enqueue_dma source(%dma_start3A_37 : memref<40x128xi32, #tpu.memory_space<hbm>>) target(%arg8 : memref<40x128xi32, #tpu.memory_space<vmem>>) target_semaphore(%run_scoped3A : memref<!tpu.dma_semaphore, #tpu.memory_space<semaphore_mem>>)
      %dma_wait3A = arith.constant 0 : i32
      %dma_wait3A_38 = arith.constant 0 : i32
      %dma_wait3A_39 = tpu.memref_slice %arg3[%arg1, %dma_wait3A, %dma_wait3A_38] : memref<16x160x128xi32, #tpu.memory_space<hbm>> -> memref<1x160x128xi32, #tpu.memory_space<hbm>>
      %dma_wait3A_40 = tpu.memref_squeeze %dma_wait3A_39 : memref<1x160x128xi32, #tpu.memory_space<hbm>> -> memref<160x128xi32, #tpu.memory_space<hbm>>
      %dma_wait3A_41 = arith.constant 80 : i32
      %dma_wait3A_42 = arith.constant 0 : i32
      %dma_wait3A_43 = tpu.memref_slice %dma_wait3A_40[%dma_wait3A_41, %dma_wait3A_42] : memref<160x128xi32, #tpu.memory_space<hbm>> -> memref<40x128xi32, #tpu.memory_space<hbm>>
      %dma_wait3A_44 = arith.constant 0 : i32
      %dma_wait3A_45 = arith.constant 0 : i32
      %dma_wait3A_46 = tpu.memref_slice %arg3[%arg1, %dma_wait3A_44, %dma_wait3A_45] : memref<16x160x128xi32, #tpu.memory_space<hbm>> -> memref<1x160x128xi32, #tpu.memory_space<hbm>>
      %dma_wait3A_47 = tpu.memref_squeeze %dma_wait3A_46 : memref<1x160x128xi32, #tpu.memory_space<hbm>> -> memref<160x128xi32, #tpu.memory_space<hbm>>
      %dma_wait3A_48 = arith.constant 80 : i32
      %dma_wait3A_49 = arith.constant 0 : i32
      %dma_wait3A_50 = tpu.memref_slice %dma_wait3A_47[%dma_wait3A_48, %dma_wait3A_49] : memref<160x128xi32, #tpu.memory_space<hbm>> -> memref<40x128xi32, #tpu.memory_space<hbm>>
      tpu.wait_dma2 semaphore(%run_scoped3A : memref<!tpu.dma_semaphore, #tpu.memory_space<semaphore_mem>>) src(%dma_wait3A_50 : memref<40x128xi32, #tpu.memory_space<hbm>>) dst(%arg8 : memref<40x128xi32, #tpu.memory_space<vmem>>)
      tpu.yield
    }) : () -> ()
    "tpu.region"() ({
      %run_scoped3A = tpu.sem_alloc : memref<!tpu.dma_semaphore, #tpu.memory_space<semaphore_mem>>
      %dma_start3A = arith.constant 0 : i32
      %dma_start3A_25 = arith.constant 0 : i32
      %dma_start3A_26 = tpu.memref_slice %arg4[%arg1, %dma_start3A, %dma_start3A_25] : memref<16x160x128xi32, #tpu.memory_space<hbm>> -> memref<1x160x128xi32, #tpu.memory_space<hbm>>
      %dma_start3A_27 = tpu.memref_squeeze %dma_start3A_26 : memref<1x160x128xi32, #tpu.memory_space<hbm>> -> memref<160x128xi32, #tpu.memory_space<hbm>>
      %dma_start3A_28 = arith.constant 80 : i32
      %dma_start3A_29 = arith.constant 0 : i32
      %dma_start3A_30 = tpu.memref_slice %dma_start3A_27[%dma_start3A_28, %dma_start3A_29] : memref<160x128xi32, #tpu.memory_space<hbm>> -> memref<40x128xi32, #tpu.memory_space<hbm>>
      %dma_start3A_31 = arith.constant 0 : i32
      %dma_start3A_32 = arith.constant 0 : i32
      %dma_start3A_33 = tpu.memref_slice %arg4[%arg1, %dma_start3A_31, %dma_start3A_32] : memref<16x160x128xi32, #tpu.memory_space<hbm>> -> memref<1x160x128xi32, #tpu.memory_space<hbm>>
      %dma_start3A_34 = tpu.memref_squeeze %dma_start3A_33 : memref<1x160x128xi32, #tpu.memory_space<hbm>> -> memref<160x128xi32, #tpu.memory_space<hbm>>
      %dma_start3A_35 = arith.constant 80 : i32
      %dma_start3A_36 = arith.constant 0 : i32
      %dma_start3A_37 = tpu.memref_slice %dma_start3A_34[%dma_start3A_35, %dma_start3A_36] : memref<160x128xi32, #tpu.memory_space<hbm>> -> memref<40x128xi32, #tpu.memory_space<hbm>>
      tpu.enqueue_dma source(%dma_start3A_37 : memref<40x128xi32, #tpu.memory_space<hbm>>) target(%arg9 : memref<40x128xi32, #tpu.memory_space<vmem>>) target_semaphore(%run_scoped3A : memref<!tpu.dma_semaphore, #tpu.memory_space<semaphore_mem>>)
      %dma_wait3A = arith.constant 0 : i32
      %dma_wait3A_38 = arith.constant 0 : i32
      %dma_wait3A_39 = tpu.memref_slice %arg4[%arg1, %dma_wait3A, %dma_wait3A_38] : memref<16x160x128xi32, #tpu.memory_space<hbm>> -> memref<1x160x128xi32, #tpu.memory_space<hbm>>
      %dma_wait3A_40 = tpu.memref_squeeze %dma_wait3A_39 : memref<1x160x128xi32, #tpu.memory_space<hbm>> -> memref<160x128xi32, #tpu.memory_space<hbm>>
      %dma_wait3A_41 = arith.constant 80 : i32
      %dma_wait3A_42 = arith.constant 0 : i32
      %dma_wait3A_43 = tpu.memref_slice %dma_wait3A_40[%dma_wait3A_41, %dma_wait3A_42] : memref<160x128xi32, #tpu.memory_space<hbm>> -> memref<40x128xi32, #tpu.memory_space<hbm>>
      %dma_wait3A_44 = arith.constant 0 : i32
      %dma_wait3A_45 = arith.constant 0 : i32
      %dma_wait3A_46 = tpu.memref_slice %arg4[%arg1, %dma_wait3A_44, %dma_wait3A_45] : memref<16x160x128xi32, #tpu.memory_space<hbm>> -> memref<1x160x128xi32, #tpu.memory_space<hbm>>
      %dma_wait3A_47 = tpu.memref_squeeze %dma_wait3A_46 : memref<1x160x128xi32, #tpu.memory_space<hbm>> -> memref<160x128xi32, #tpu.memory_space<hbm>>
      %dma_wait3A_48 = arith.constant 80 : i32
      %dma_wait3A_49 = arith.constant 0 : i32
      %dma_wait3A_50 = tpu.memref_slice %dma_wait3A_47[%dma_wait3A_48, %dma_wait3A_49] : memref<160x128xi32, #tpu.memory_space<hbm>> -> memref<40x128xi32, #tpu.memory_space<hbm>>
      tpu.wait_dma2 semaphore(%run_scoped3A : memref<!tpu.dma_semaphore, #tpu.memory_space<semaphore_mem>>) src(%dma_wait3A_50 : memref<40x128xi32, #tpu.memory_space<hbm>>) dst(%arg9 : memref<40x128xi32, #tpu.memory_space<vmem>>)
      tpu.yield
    }) : () -> ()
    %scan3A_12 = arith.constant 0 : i32
    %scan3A_13 = arith.constant 0 : i32
    %scan3A_14 = arith.constant 20 : i32
    %scan3A_15 = arith.addi %scan3A_13, %scan3A_14 : i32
    %scan3A_16 = arith.constant 1 : i32
    scf.for %scan3A_25 = %scan3A_13 to %scan3A_15 step %scan3A_16  : i32 {
      %mul3A_26 = arith.constant 2 : i32
      %mul3A_27 = arith.muli %mul3A_26, %scan3A_25 : i32
      %dma_start3A = arith.constant 0 : i32
      %dma_start3A_28 = tpu.memref_slice %arg8[%mul3A_27, %dma_start3A] : memref<40x128xi32, #tpu.memory_space<vmem>> -> memref<1x128xi32, #tpu.memory_space<vmem>>
      %dma_start3A_29 = tpu.memref_squeeze %dma_start3A_28 : memref<1x128xi32, #tpu.memory_space<vmem>> -> memref<128xi32, #tpu.memory_space<vmem>>
      %dma_start3A_30 = arith.constant 0 : i32
      %dma_start3A_31 = arith.constant 0 : i32
      %dma_start3A_32 = tpu.memref_slice %arg6[%dma_start3A_30, %dma_start3A_31] : memref<10112x64xf32, #tpu.memory_space<vmem_shared>> -> memref<10112x64xf32, #tpu.memory_space<vmem_shared>>
      tpu.enqueue_indirect_dma source(%dma_start3A_32 : memref<10112x64xf32, #tpu.memory_space<vmem_shared>>) target(%arg10 : memref<128x64xf32, #tpu.memory_space<vmem>>) offsets(%dma_start3A_29 : memref<128xi32, #tpu.memory_space<vmem>>) semaphore(%arg12 : memref<!tpu.dma_semaphore, #tpu.memory_space<semaphore_mem>>)
      %add3A = arith.constant 1 : i32
      %add3A_33 = arith.addi %mul3A_27, %add3A : i32
      %dma_start3A_34 = arith.constant 0 : i32
      %dma_start3A_35 = tpu.memref_slice %arg8[%add3A_33, %dma_start3A_34] : memref<40x128xi32, #tpu.memory_space<vmem>> -> memref<1x128xi32, #tpu.memory_space<vmem>>
      %dma_start3A_36 = tpu.memref_squeeze %dma_start3A_35 : memref<1x128xi32, #tpu.memory_space<vmem>> -> memref<128xi32, #tpu.memory_space<vmem>>
      %dma_start3A_37 = arith.constant 0 : i32
      %dma_start3A_38 = arith.constant 0 : i32
      %dma_start3A_39 = tpu.memref_slice %arg6[%dma_start3A_37, %dma_start3A_38] : memref<10112x64xf32, #tpu.memory_space<vmem_shared>> -> memref<10112x64xf32, #tpu.memory_space<vmem_shared>>
      tpu.enqueue_indirect_dma source(%dma_start3A_39 : memref<10112x64xf32, #tpu.memory_space<vmem_shared>>) target(%arg11 : memref<128x64xf32, #tpu.memory_space<vmem>>) offsets(%dma_start3A_36 : memref<128xi32, #tpu.memory_space<vmem>>) semaphore(%arg13 : memref<!tpu.dma_semaphore, #tpu.memory_space<semaphore_mem>>)
      %dma_wait3A = arith.constant 0 : i32
      %dma_wait3A_40 = tpu.memref_slice %arg8[%mul3A_27, %dma_wait3A] : memref<40x128xi32, #tpu.memory_space<vmem>> -> memref<1x128xi32, #tpu.memory_space<vmem>>
      %dma_wait3A_41 = tpu.memref_squeeze %dma_wait3A_40 : memref<1x128xi32, #tpu.memory_space<vmem>> -> memref<128xi32, #tpu.memory_space<vmem>>
      %dma_wait3A_42 = arith.constant 0 : i32
      %dma_wait3A_43 = arith.constant 0 : i32
      %dma_wait3A_44 = tpu.memref_slice %arg6[%dma_wait3A_42, %dma_wait3A_43] : memref<10112x64xf32, #tpu.memory_space<vmem_shared>> -> memref<10112x64xf32, #tpu.memory_space<vmem_shared>>
      tpu.wait_indirect_dma semaphore(%arg12 : memref<!tpu.dma_semaphore, #tpu.memory_space<semaphore_mem>>) src(%dma_wait3A_44 : memref<10112x64xf32, #tpu.memory_space<vmem_shared>>) dst(%arg10 : memref<128x64xf32, #tpu.memory_space<vmem>>)
      %dma_start3A_45 = arith.constant 0 : i32
      %dma_start3A_46 = tpu.memref_slice %arg9[%mul3A_27, %dma_start3A_45] : memref<40x128xi32, #tpu.memory_space<vmem>> -> memref<1x128xi32, #tpu.memory_space<vmem>>
      %dma_start3A_47 = tpu.memref_squeeze %dma_start3A_46 : memref<1x128xi32, #tpu.memory_space<vmem>> -> memref<128xi32, #tpu.memory_space<vmem>>
      %dma_start3A_48 = arith.constant 0 : i32
      %dma_start3A_49 = arith.constant 0 : i32
      %dma_start3A_50 = tpu.memref_slice %arg7[%dma_start3A_48, %dma_start3A_49] : memref<10112x64xf32, #tpu.memory_space<vmem_shared>> -> memref<10112x64xf32, #tpu.memory_space<vmem_shared>>
      tpu.enqueue_indirect_dma source(%arg10 : memref<128x64xf32, #tpu.memory_space<vmem>>) target(%dma_start3A_50 : memref<10112x64xf32, #tpu.memory_space<vmem_shared>>) offsets(%dma_start3A_47 : memref<128xi32, #tpu.memory_space<vmem>>) semaphore(%arg14 : memref<!tpu.dma_semaphore, #tpu.memory_space<semaphore_mem>>) {add = true}
      %dma_wait3A_51 = arith.constant 0 : i32
      %dma_wait3A_52 = tpu.memref_slice %arg8[%add3A_33, %dma_wait3A_51] : memref<40x128xi32, #tpu.memory_space<vmem>> -> memref<1x128xi32, #tpu.memory_space<vmem>>
      %dma_wait3A_53 = tpu.memref_squeeze %dma_wait3A_52 : memref<1x128xi32, #tpu.memory_space<vmem>> -> memref<128xi32, #tpu.memory_space<vmem>>
      %dma_wait3A_54 = arith.constant 0 : i32
      %dma_wait3A_55 = arith.constant 0 : i32
      %dma_wait3A_56 = tpu.memref_slice %arg6[%dma_wait3A_54, %dma_wait3A_55] : memref<10112x64xf32, #tpu.memory_space<vmem_shared>> -> memref<10112x64xf32, #tpu.memory_space<vmem_shared>>
      tpu.wait_indirect_dma semaphore(%arg13 : memref<!tpu.dma_semaphore, #tpu.memory_space<semaphore_mem>>) src(%dma_wait3A_56 : memref<10112x64xf32, #tpu.memory_space<vmem_shared>>) dst(%arg11 : memref<128x64xf32, #tpu.memory_space<vmem>>)
      %add3A_57 = arith.constant 1 : i32
      %add3A_58 = arith.addi %mul3A_27, %add3A_57 : i32
      %dma_start3A_59 = arith.constant 0 : i32
      %dma_start3A_60 = tpu.memref_slice %arg9[%add3A_58, %dma_start3A_59] : memref<40x128xi32, #tpu.memory_space<vmem>> -> memref<1x128xi32, #tpu.memory_space<vmem>>
      %dma_start3A_61 = tpu.memref_squeeze %dma_start3A_60 : memref<1x128xi32, #tpu.memory_space<vmem>> -> memref<128xi32, #tpu.memory_space<vmem>>
      %dma_start3A_62 = arith.constant 0 : i32
      %dma_start3A_63 = arith.constant 0 : i32
      %dma_start3A_64 = tpu.memref_slice %arg7[%dma_start3A_62, %dma_start3A_63] : memref<10112x64xf32, #tpu.memory_space<vmem_shared>> -> memref<10112x64xf32, #tpu.memory_space<vmem_shared>>
      tpu.enqueue_indirect_dma source(%arg11 : memref<128x64xf32, #tpu.memory_space<vmem>>) target(%dma_start3A_64 : memref<10112x64xf32, #tpu.memory_space<vmem_shared>>) offsets(%dma_start3A_61 : memref<128xi32, #tpu.memory_space<vmem>>) semaphore(%arg15 : memref<!tpu.dma_semaphore, #tpu.memory_space<semaphore_mem>>) {add = true}
      %dma_wait3A_65 = arith.constant 0 : i32
      %dma_wait3A_66 = tpu.memref_slice %arg9[%mul3A_27, %dma_wait3A_65] : memref<40x128xi32, #tpu.memory_space<vmem>> -> memref<1x128xi32, #tpu.memory_space<vmem>>
      %dma_wait3A_67 = tpu.memref_squeeze %dma_wait3A_66 : memref<1x128xi32, #tpu.memory_space<vmem>> -> memref<128xi32, #tpu.memory_space<vmem>>
      %dma_wait3A_68 = arith.constant 0 : i32
      %dma_wait3A_69 = arith.constant 0 : i32
      %dma_wait3A_70 = tpu.memref_slice %arg7[%dma_wait3A_68, %dma_wait3A_69] : memref<10112x64xf32, #tpu.memory_space<vmem_shared>> -> memref<10112x64xf32, #tpu.memory_space<vmem_shared>>
      tpu.wait_indirect_dma semaphore(%arg14 : memref<!tpu.dma_semaphore, #tpu.memory_space<semaphore_mem>>) src(%arg10 : memref<128x64xf32, #tpu.memory_space<vmem>>) dst(%dma_wait3A_70 : memref<10112x64xf32, #tpu.memory_space<vmem_shared>>)
      %dma_wait3A_71 = arith.constant 0 : i32
      %dma_wait3A_72 = tpu.memref_slice %arg9[%add3A_58, %dma_wait3A_71] : memref<40x128xi32, #tpu.memory_space<vmem>> -> memref<1x128xi32, #tpu.memory_space<vmem>>
      %dma_wait3A_73 = tpu.memref_squeeze %dma_wait3A_72 : memref<1x128xi32, #tpu.memory_space<vmem>> -> memref<128xi32, #tpu.memory_space<vmem>>
      %dma_wait3A_74 = arith.constant 0 : i32
      %dma_wait3A_75 = arith.constant 0 : i32
      %dma_wait3A_76 = tpu.memref_slice %arg7[%dma_wait3A_74, %dma_wait3A_75] : memref<10112x64xf32, #tpu.memory_space<vmem_shared>> -> memref<10112x64xf32, #tpu.memory_space<vmem_shared>>
      tpu.wait_indirect_dma semaphore(%arg15 : memref<!tpu.dma_semaphore, #tpu.memory_space<semaphore_mem>>) src(%arg11 : memref<128x64xf32, #tpu.memory_space<vmem>>) dst(%dma_wait3A_76 : memref<10112x64xf32, #tpu.memory_space<vmem_shared>>)
    }
    %scan3A_17 = arith.constant 20 : i32
    "tpu.region"() ({
      %run_scoped3A = tpu.sem_alloc : memref<!tpu.dma_semaphore, #tpu.memory_space<semaphore_mem>>
      %dma_start3A = arith.constant 0 : i32
      %dma_start3A_25 = arith.constant 0 : i32
      %dma_start3A_26 = tpu.memref_slice %arg3[%arg1, %dma_start3A, %dma_start3A_25] : memref<16x160x128xi32, #tpu.memory_space<hbm>> -> memref<1x160x128xi32, #tpu.memory_space<hbm>>
      %dma_start3A_27 = tpu.memref_squeeze %dma_start3A_26 : memref<1x160x128xi32, #tpu.memory_space<hbm>> -> memref<160x128xi32, #tpu.memory_space<hbm>>
      %dma_start3A_28 = arith.constant 120 : i32
      %dma_start3A_29 = arith.constant 0 : i32
      %dma_start3A_30 = tpu.memref_slice %dma_start3A_27[%dma_start3A_28, %dma_start3A_29] : memref<160x128xi32, #tpu.memory_space<hbm>> -> memref<40x128xi32, #tpu.memory_space<hbm>>
      %dma_start3A_31 = arith.constant 0 : i32
      %dma_start3A_32 = arith.constant 0 : i32
      %dma_start3A_33 = tpu.memref_slice %arg3[%arg1, %dma_start3A_31, %dma_start3A_32] : memref<16x160x128xi32, #tpu.memory_space<hbm>> -> memref<1x160x128xi32, #tpu.memory_space<hbm>>
      %dma_start3A_34 = tpu.memref_squeeze %dma_start3A_33 : memref<1x160x128xi32, #tpu.memory_space<hbm>> -> memref<160x128xi32, #tpu.memory_space<hbm>>
      %dma_start3A_35 = arith.constant 120 : i32
      %dma_start3A_36 = arith.constant 0 : i32
      %dma_start3A_37 = tpu.memref_slice %dma_start3A_34[%dma_start3A_35, %dma_start3A_36] : memref<160x128xi32, #tpu.memory_space<hbm>> -> memref<40x128xi32, #tpu.memory_space<hbm>>
      tpu.enqueue_dma source(%dma_start3A_37 : memref<40x128xi32, #tpu.memory_space<hbm>>) target(%arg8 : memref<40x128xi32, #tpu.memory_space<vmem>>) target_semaphore(%run_scoped3A : memref<!tpu.dma_semaphore, #tpu.memory_space<semaphore_mem>>)
      %dma_wait3A = arith.constant 0 : i32
      %dma_wait3A_38 = arith.constant 0 : i32
      %dma_wait3A_39 = tpu.memref_slice %arg3[%arg1, %dma_wait3A, %dma_wait3A_38] : memref<16x160x128xi32, #tpu.memory_space<hbm>> -> memref<1x160x128xi32, #tpu.memory_space<hbm>>
      %dma_wait3A_40 = tpu.memref_squeeze %dma_wait3A_39 : memref<1x160x128xi32, #tpu.memory_space<hbm>> -> memref<160x128xi32, #tpu.memory_space<hbm>>
      %dma_wait3A_41 = arith.constant 120 : i32
      %dma_wait3A_42 = arith.constant 0 : i32
      %dma_wait3A_43 = tpu.memref_slice %dma_wait3A_40[%dma_wait3A_41, %dma_wait3A_42] : memref<160x128xi32, #tpu.memory_space<hbm>> -> memref<40x128xi32, #tpu.memory_space<hbm>>
      %dma_wait3A_44 = arith.constant 0 : i32
      %dma_wait3A_45 = arith.constant 0 : i32
      %dma_wait3A_46 = tpu.memref_slice %arg3[%arg1, %dma_wait3A_44, %dma_wait3A_45] : memref<16x160x128xi32, #tpu.memory_space<hbm>> -> memref<1x160x128xi32, #tpu.memory_space<hbm>>
      %dma_wait3A_47 = tpu.memref_squeeze %dma_wait3A_46 : memref<1x160x128xi32, #tpu.memory_space<hbm>> -> memref<160x128xi32, #tpu.memory_space<hbm>>
      %dma_wait3A_48 = arith.constant 120 : i32
      %dma_wait3A_49 = arith.constant 0 : i32
      %dma_wait3A_50 = tpu.memref_slice %dma_wait3A_47[%dma_wait3A_48, %dma_wait3A_49] : memref<160x128xi32, #tpu.memory_space<hbm>> -> memref<40x128xi32, #tpu.memory_space<hbm>>
      tpu.wait_dma2 semaphore(%run_scoped3A : memref<!tpu.dma_semaphore, #tpu.memory_space<semaphore_mem>>) src(%dma_wait3A_50 : memref<40x128xi32, #tpu.memory_space<hbm>>) dst(%arg8 : memref<40x128xi32, #tpu.memory_space<vmem>>)
      tpu.yield
    }) : () -> ()
    "tpu.region"() ({
      %run_scoped3A = tpu.sem_alloc : memref<!tpu.dma_semaphore, #tpu.memory_space<semaphore_mem>>
      %dma_start3A = arith.constant 0 : i32
      %dma_start3A_25 = arith.constant 0 : i32
      %dma_start3A_26 = tpu.memref_slice %arg4[%arg1, %dma_start3A, %dma_start3A_25] : memref<16x160x128xi32, #tpu.memory_space<hbm>> -> memref<1x160x128xi32, #tpu.memory_space<hbm>>
      %dma_start3A_27 = tpu.memref_squeeze %dma_start3A_26 : memref<1x160x128xi32, #tpu.memory_space<hbm>> -> memref<160x128xi32, #tpu.memory_space<hbm>>
      %dma_start3A_28 = arith.constant 120 : i32
      %dma_start3A_29 = arith.constant 0 : i32
      %dma_start3A_30 = tpu.memref_slice %dma_start3A_27[%dma_start3A_28, %dma_start3A_29] : memref<160x128xi32, #tpu.memory_space<hbm>> -> memref<40x128xi32, #tpu.memory_space<hbm>>
      %dma_start3A_31 = arith.constant 0 : i32
      %dma_start3A_32 = arith.constant 0 : i32
      %dma_start3A_33 = tpu.memref_slice %arg4[%arg1, %dma_start3A_31, %dma_start3A_32] : memref<16x160x128xi32, #tpu.memory_space<hbm>> -> memref<1x160x128xi32, #tpu.memory_space<hbm>>
      %dma_start3A_34 = tpu.memref_squeeze %dma_start3A_33 : memref<1x160x128xi32, #tpu.memory_space<hbm>> -> memref<160x128xi32, #tpu.memory_space<hbm>>
      %dma_start3A_35 = arith.constant 120 : i32
      %dma_start3A_36 = arith.constant 0 : i32
      %dma_start3A_37 = tpu.memref_slice %dma_start3A_34[%dma_start3A_35, %dma_start3A_36] : memref<160x128xi32, #tpu.memory_space<hbm>> -> memref<40x128xi32, #tpu.memory_space<hbm>>
      tpu.enqueue_dma source(%dma_start3A_37 : memref<40x128xi32, #tpu.memory_space<hbm>>) target(%arg9 : memref<40x128xi32, #tpu.memory_space<vmem>>) target_semaphore(%run_scoped3A : memref<!tpu.dma_semaphore, #tpu.memory_space<semaphore_mem>>)
      %dma_wait3A = arith.constant 0 : i32
      %dma_wait3A_38 = arith.constant 0 : i32
      %dma_wait3A_39 = tpu.memref_slice %arg4[%arg1, %dma_wait3A, %dma_wait3A_38] : memref<16x160x128xi32, #tpu.memory_space<hbm>> -> memref<1x160x128xi32, #tpu.memory_space<hbm>>
      %dma_wait3A_40 = tpu.memref_squeeze %dma_wait3A_39 : memref<1x160x128xi32, #tpu.memory_space<hbm>> -> memref<160x128xi32, #tpu.memory_space<hbm>>
      %dma_wait3A_41 = arith.constant 120 : i32
      %dma_wait3A_42 = arith.constant 0 : i32
      %dma_wait3A_43 = tpu.memref_slice %dma_wait3A_40[%dma_wait3A_41, %dma_wait3A_42] : memref<160x128xi32, #tpu.memory_space<hbm>> -> memref<40x128xi32, #tpu.memory_space<hbm>>
      %dma_wait3A_44 = arith.constant 0 : i32
      %dma_wait3A_45 = arith.constant 0 : i32
      %dma_wait3A_46 = tpu.memref_slice %arg4[%arg1, %dma_wait3A_44, %dma_wait3A_45] : memref<16x160x128xi32, #tpu.memory_space<hbm>> -> memref<1x160x128xi32, #tpu.memory_space<hbm>>
      %dma_wait3A_47 = tpu.memref_squeeze %dma_wait3A_46 : memref<1x160x128xi32, #tpu.memory_space<hbm>> -> memref<160x128xi32, #tpu.memory_space<hbm>>
      %dma_wait3A_48 = arith.constant 120 : i32
      %dma_wait3A_49 = arith.constant 0 : i32
      %dma_wait3A_50 = tpu.memref_slice %dma_wait3A_47[%dma_wait3A_48, %dma_wait3A_49] : memref<160x128xi32, #tpu.memory_space<hbm>> -> memref<40x128xi32, #tpu.memory_space<hbm>>
      tpu.wait_dma2 semaphore(%run_scoped3A : memref<!tpu.dma_semaphore, #tpu.memory_space<semaphore_mem>>) src(%dma_wait3A_50 : memref<40x128xi32, #tpu.memory_space<hbm>>) dst(%arg9 : memref<40x128xi32, #tpu.memory_space<vmem>>)
      tpu.yield
    }) : () -> ()
    %scan3A_18 = arith.constant 0 : i32
    %scan3A_19 = arith.constant 0 : i32
    %scan3A_20 = arith.constant 20 : i32
    %scan3A_21 = arith.addi %scan3A_19, %scan3A_20 : i32
    %scan3A_22 = arith.constant 1 : i32
    scf.for %scan3A_25 = %scan3A_19 to %scan3A_21 step %scan3A_22  : i32 {
      %mul3A_26 = arith.constant 2 : i32
      %mul3A_27 = arith.muli %mul3A_26, %scan3A_25 : i32
      %dma_start3A = arith.constant 0 : i32
      %dma_start3A_28 = tpu.memref_slice %arg8[%mul3A_27, %dma_start3A] : memref<40x128xi32, #tpu.memory_space<vmem>> -> memref<1x128xi32, #tpu.memory_space<vmem>>
      %dma_start3A_29 = tpu.memref_squeeze %dma_start3A_28 : memref<1x128xi32, #tpu.memory_space<vmem>> -> memref<128xi32, #tpu.memory_space<vmem>>
      %dma_start3A_30 = arith.constant 0 : i32
      %dma_start3A_31 = arith.constant 0 : i32
      %dma_start3A_32 = tpu.memref_slice %arg6[%dma_start3A_30, %dma_start3A_31] : memref<10112x64xf32, #tpu.memory_space<vmem_shared>> -> memref<10112x64xf32, #tpu.memory_space<vmem_shared>>
      tpu.enqueue_indirect_dma source(%dma_start3A_32 : memref<10112x64xf32, #tpu.memory_space<vmem_shared>>) target(%arg10 : memref<128x64xf32, #tpu.memory_space<vmem>>) offsets(%dma_start3A_29 : memref<128xi32, #tpu.memory_space<vmem>>) semaphore(%arg12 : memref<!tpu.dma_semaphore, #tpu.memory_space<semaphore_mem>>)
      %add3A = arith.constant 1 : i32
      %add3A_33 = arith.addi %mul3A_27, %add3A : i32
      %dma_start3A_34 = arith.constant 0 : i32
      %dma_start3A_35 = tpu.memref_slice %arg8[%add3A_33, %dma_start3A_34] : memref<40x128xi32, #tpu.memory_space<vmem>> -> memref<1x128xi32, #tpu.memory_space<vmem>>
      %dma_start3A_36 = tpu.memref_squeeze %dma_start3A_35 : memref<1x128xi32, #tpu.memory_space<vmem>> -> memref<128xi32, #tpu.memory_space<vmem>>
      %dma_start3A_37 = arith.constant 0 : i32
      %dma_start3A_38 = arith.constant 0 : i32
      %dma_start3A_39 = tpu.memref_slice %arg6[%dma_start3A_37, %dma_start3A_38] : memref<10112x64xf32, #tpu.memory_space<vmem_shared>> -> memref<10112x64xf32, #tpu.memory_space<vmem_shared>>
      tpu.enqueue_indirect_dma source(%dma_start3A_39 : memref<10112x64xf32, #tpu.memory_space<vmem_shared>>) target(%arg11 : memref<128x64xf32, #tpu.memory_space<vmem>>) offsets(%dma_start3A_36 : memref<128xi32, #tpu.memory_space<vmem>>) semaphore(%arg13 : memref<!tpu.dma_semaphore, #tpu.memory_space<semaphore_mem>>)
      %dma_wait3A = arith.constant 0 : i32
      %dma_wait3A_40 = tpu.memref_slice %arg8[%mul3A_27, %dma_wait3A] : memref<40x128xi32, #tpu.memory_space<vmem>> -> memref<1x128xi32, #tpu.memory_space<vmem>>
      %dma_wait3A_41 = tpu.memref_squeeze %dma_wait3A_40 : memref<1x128xi32, #tpu.memory_space<vmem>> -> memref<128xi32, #tpu.memory_space<vmem>>
      %dma_wait3A_42 = arith.constant 0 : i32
      %dma_wait3A_43 = arith.constant 0 : i32
      %dma_wait3A_44 = tpu.memref_slice %arg6[%dma_wait3A_42, %dma_wait3A_43] : memref<10112x64xf32, #tpu.memory_space<vmem_shared>> -> memref<10112x64xf32, #tpu.memory_space<vmem_shared>>
      tpu.wait_indirect_dma semaphore(%arg12 : memref<!tpu.dma_semaphore, #tpu.memory_space<semaphore_mem>>) src(%dma_wait3A_44 : memref<10112x64xf32, #tpu.memory_space<vmem_shared>>) dst(%arg10 : memref<128x64xf32, #tpu.memory_space<vmem>>)
      %dma_start3A_45 = arith.constant 0 : i32
      %dma_start3A_46 = tpu.memref_slice %arg9[%mul3A_27, %dma_start3A_45] : memref<40x128xi32, #tpu.memory_space<vmem>> -> memref<1x128xi32, #tpu.memory_space<vmem>>
      %dma_start3A_47 = tpu.memref_squeeze %dma_start3A_46 : memref<1x128xi32, #tpu.memory_space<vmem>> -> memref<128xi32, #tpu.memory_space<vmem>>
      %dma_start3A_48 = arith.constant 0 : i32
      %dma_start3A_49 = arith.constant 0 : i32
      %dma_start3A_50 = tpu.memref_slice %arg7[%dma_start3A_48, %dma_start3A_49] : memref<10112x64xf32, #tpu.memory_space<vmem_shared>> -> memref<10112x64xf32, #tpu.memory_space<vmem_shared>>
      tpu.enqueue_indirect_dma source(%arg10 : memref<128x64xf32, #tpu.memory_space<vmem>>) target(%dma_start3A_50 : memref<10112x64xf32, #tpu.memory_space<vmem_shared>>) offsets(%dma_start3A_47 : memref<128xi32, #tpu.memory_space<vmem>>) semaphore(%arg14 : memref<!tpu.dma_semaphore, #tpu.memory_space<semaphore_mem>>) {add = true}
      %dma_wait3A_51 = arith.constant 0 : i32
      %dma_wait3A_52 = tpu.memref_slice %arg8[%add3A_33, %dma_wait3A_51] : memref<40x128xi32, #tpu.memory_space<vmem>> -> memref<1x128xi32, #tpu.memory_space<vmem>>
      %dma_wait3A_53 = tpu.memref_squeeze %dma_wait3A_52 : memref<1x128xi32, #tpu.memory_space<vmem>> -> memref<128xi32, #tpu.memory_space<vmem>>
      %dma_wait3A_54 = arith.constant 0 : i32
      %dma_wait3A_55 = arith.constant 0 : i32
      %dma_wait3A_56 = tpu.memref_slice %arg6[%dma_wait3A_54, %dma_wait3A_55] : memref<10112x64xf32, #tpu.memory_space<vmem_shared>> -> memref<10112x64xf32, #tpu.memory_space<vmem_shared>>
      tpu.wait_indirect_dma semaphore(%arg13 : memref<!tpu.dma_semaphore, #tpu.memory_space<semaphore_mem>>) src(%dma_wait3A_56 : memref<10112x64xf32, #tpu.memory_space<vmem_shared>>) dst(%arg11 : memref<128x64xf32, #tpu.memory_space<vmem>>)
      %add3A_57 = arith.constant 1 : i32
      %add3A_58 = arith.addi %mul3A_27, %add3A_57 : i32
      %dma_start3A_59 = arith.constant 0 : i32
      %dma_start3A_60 = tpu.memref_slice %arg9[%add3A_58, %dma_start3A_59] : memref<40x128xi32, #tpu.memory_space<vmem>> -> memref<1x128xi32, #tpu.memory_space<vmem>>
      %dma_start3A_61 = tpu.memref_squeeze %dma_start3A_60 : memref<1x128xi32, #tpu.memory_space<vmem>> -> memref<128xi32, #tpu.memory_space<vmem>>
      %dma_start3A_62 = arith.constant 0 : i32
      %dma_start3A_63 = arith.constant 0 : i32
      %dma_start3A_64 = tpu.memref_slice %arg7[%dma_start3A_62, %dma_start3A_63] : memref<10112x64xf32, #tpu.memory_space<vmem_shared>> -> memref<10112x64xf32, #tpu.memory_space<vmem_shared>>
      tpu.enqueue_indirect_dma source(%arg11 : memref<128x64xf32, #tpu.memory_space<vmem>>) target(%dma_start3A_64 : memref<10112x64xf32, #tpu.memory_space<vmem_shared>>) offsets(%dma_start3A_61 : memref<128xi32, #tpu.memory_space<vmem>>) semaphore(%arg15 : memref<!tpu.dma_semaphore, #tpu.memory_space<semaphore_mem>>) {add = true}
      %dma_wait3A_65 = arith.constant 0 : i32
      %dma_wait3A_66 = tpu.memref_slice %arg9[%mul3A_27, %dma_wait3A_65] : memref<40x128xi32, #tpu.memory_space<vmem>> -> memref<1x128xi32, #tpu.memory_space<vmem>>
      %dma_wait3A_67 = tpu.memref_squeeze %dma_wait3A_66 : memref<1x128xi32, #tpu.memory_space<vmem>> -> memref<128xi32, #tpu.memory_space<vmem>>
      %dma_wait3A_68 = arith.constant 0 : i32
      %dma_wait3A_69 = arith.constant 0 : i32
      %dma_wait3A_70 = tpu.memref_slice %arg7[%dma_wait3A_68, %dma_wait3A_69] : memref<10112x64xf32, #tpu.memory_space<vmem_shared>> -> memref<10112x64xf32, #tpu.memory_space<vmem_shared>>
      tpu.wait_indirect_dma semaphore(%arg14 : memref<!tpu.dma_semaphore, #tpu.memory_space<semaphore_mem>>) src(%arg10 : memref<128x64xf32, #tpu.memory_space<vmem>>) dst(%dma_wait3A_70 : memref<10112x64xf32, #tpu.memory_space<vmem_shared>>)
      %dma_wait3A_71 = arith.constant 0 : i32
      %dma_wait3A_72 = tpu.memref_slice %arg9[%add3A_58, %dma_wait3A_71] : memref<40x128xi32, #tpu.memory_space<vmem>> -> memref<1x128xi32, #tpu.memory_space<vmem>>
      %dma_wait3A_73 = tpu.memref_squeeze %dma_wait3A_72 : memref<1x128xi32, #tpu.memory_space<vmem>> -> memref<128xi32, #tpu.memory_space<vmem>>
      %dma_wait3A_74 = arith.constant 0 : i32
      %dma_wait3A_75 = arith.constant 0 : i32
      %dma_wait3A_76 = tpu.memref_slice %arg7[%dma_wait3A_74, %dma_wait3A_75] : memref<10112x64xf32, #tpu.memory_space<vmem_shared>> -> memref<10112x64xf32, #tpu.memory_space<vmem_shared>>
      tpu.wait_indirect_dma semaphore(%arg15 : memref<!tpu.dma_semaphore, #tpu.memory_space<semaphore_mem>>) src(%arg11 : memref<128x64xf32, #tpu.memory_space<vmem>>) dst(%dma_wait3A_76 : memref<10112x64xf32, #tpu.memory_space<vmem_shared>>)
    }
    %scan3A_23 = arith.constant 20 : i32
    %barrier3A_24 = arith.constant 0 : index
    tpu.barrier barrier_id(%barrier3A_24)
    "tpu.region"() ({
      %run_scoped3A = tpu.sem_alloc : memref<!tpu.dma_semaphore, #tpu.memory_space<semaphore_mem>>
      %dma_start3A = arith.constant 0 : i32
      %dma_start3A_25 = arith.constant 0 : i32
      %dma_start3A_26 = tpu.memref_slice %arg5[%arg0, %dma_start3A, %dma_start3A_25] : memref<2x10112x64xf32, #tpu.memory_space<hbm>> -> memref<1x10112x64xf32, #tpu.memory_space<hbm>>
      %dma_start3A_27 = tpu.memref_squeeze %dma_start3A_26 : memref<1x10112x64xf32, #tpu.memory_space<hbm>> -> memref<10112x64xf32, #tpu.memory_space<hbm>>
      %dma_start3A_28 = arith.constant 0 : i32
      %dma_start3A_29 = tpu.memref_slice %dma_start3A_27[%mul3A_0, %dma_start3A_28] : memref<10112x64xf32, #tpu.memory_space<hbm>> -> memref<632x64xf32, #tpu.memory_space<hbm>>
      %dma_start3A_30 = arith.constant 0 : i32
      %dma_start3A_31 = tpu.memref_slice %arg7[%mul3A_0, %dma_start3A_30] : memref<10112x64xf32, #tpu.memory_space<vmem_shared>> -> memref<632x64xf32, #tpu.memory_space<vmem_shared>>
      tpu.enqueue_dma source(%dma_start3A_31 : memref<632x64xf32, #tpu.memory_space<vmem_shared>>) target(%dma_start3A_29 : memref<632x64xf32, #tpu.memory_space<hbm>>) target_semaphore(%run_scoped3A : memref<!tpu.dma_semaphore, #tpu.memory_space<semaphore_mem>>)
      %dma_wait3A = arith.constant 0 : i32
      %dma_wait3A_32 = arith.constant 0 : i32
      %dma_wait3A_33 = tpu.memref_slice %arg5[%arg0, %dma_wait3A, %dma_wait3A_32] : memref<2x10112x64xf32, #tpu.memory_space<hbm>> -> memref<1x10112x64xf32, #tpu.memory_space<hbm>>
      %dma_wait3A_34 = tpu.memref_squeeze %dma_wait3A_33 : memref<1x10112x64xf32, #tpu.memory_space<hbm>> -> memref<10112x64xf32, #tpu.memory_space<hbm>>
      %dma_wait3A_35 = arith.constant 0 : i32
      %dma_wait3A_36 = tpu.memref_slice %dma_wait3A_34[%mul3A_0, %dma_wait3A_35] : memref<10112x64xf32, #tpu.memory_space<hbm>> -> memref<632x64xf32, #tpu.memory_space<hbm>>
      %dma_wait3A_37 = arith.constant 0 : i32
      %dma_wait3A_38 = tpu.memref_slice %arg7[%mul3A_0, %dma_wait3A_37] : memref<10112x64xf32, #tpu.memory_space<vmem_shared>> -> memref<632x64xf32, #tpu.memory_space<vmem_shared>>
      tpu.wait_dma2 semaphore(%run_scoped3A : memref<!tpu.dma_semaphore, #tpu.memory_space<semaphore_mem>>) src(%dma_wait3A_38 : memref<632x64xf32, #tpu.memory_space<vmem_shared>>) dst(%dma_wait3A_36 : memref<632x64xf32, #tpu.memory_space<hbm>>)
      tpu.yield
    }) : () -> ()
    return
  }
}

module attributes {stable_mosaic.version = 14 : i64} {
  func.func @_tc_layer_body(%arg0: memref<2x10112x64xf32, #tpu.memory_space<vmem>>, %arg1: memref<128x128xf32, #tpu.memory_space<vmem>>, %arg2: memref<1x128xf32, #tpu.memory_space<vmem>>, %arg3: memref<1x128xf32, #tpu.memory_space<vmem>>, %arg4: memref<1x128xf32, #tpu.memory_space<vmem>>, %arg5: memref<128x128xf32, #tpu.memory_space<vmem>>, %arg6: memref<1x128xf32, #tpu.memory_space<vmem>>, %arg7: memref<2x10112x64xf32, #tpu.memory_space<vmem>>) attributes {dimension_semantics = [], scalar_prefetch = 0 : i64, scratch_operands = 0 : i64, tpu.core_type = #tpu.core_type<tc>} {
    %get3A = arith.constant 0 : index
    %get3A_0 = arith.constant 0 : index
    %get3A_1 = arith.constant 0 : index
    %get3A_2 = vector.load %arg0[%get3A, %get3A_0, %get3A_1] : memref<2x10112x64xf32, #tpu.memory_space<vmem>>, vector<2x10112x64xf32>
    %get3A_3 = arith.constant 0 : index
    %get3A_4 = arith.constant 0 : index
    %get3A_5 = vector.load %arg1[%get3A_3, %get3A_4] : memref<128x128xf32, #tpu.memory_space<vmem>>, vector<128x128xf32>
    %get3A_6 = arith.constant 0 : index
    %get3A_7 = arith.constant 0 : index
    %get3A_8 = vector.load %arg2[%get3A_6, %get3A_7] : memref<1x128xf32, #tpu.memory_space<vmem>>, vector<1x128xf32>
    %get3A_9 = arith.constant 0 : index
    %get3A_10 = arith.constant 0 : index
    %get3A_11 = vector.load %arg3[%get3A_9, %get3A_10] : memref<1x128xf32, #tpu.memory_space<vmem>>, vector<1x128xf32>
    %get3A_12 = arith.constant 0 : index
    %get3A_13 = arith.constant 0 : index
    %get3A_14 = vector.load %arg4[%get3A_12, %get3A_13] : memref<1x128xf32, #tpu.memory_space<vmem>>, vector<1x128xf32>
    %get3A_15 = arith.constant 0 : index
    %get3A_16 = arith.constant 0 : index
    %get3A_17 = vector.load %arg5[%get3A_15, %get3A_16] : memref<128x128xf32, #tpu.memory_space<vmem>>, vector<128x128xf32>
    %get3A_18 = arith.constant 0 : index
    %get3A_19 = arith.constant 0 : index
    %get3A_20 = vector.load %arg6[%get3A_18, %get3A_19] : memref<1x128xf32, #tpu.memory_space<vmem>>, vector<1x128xf32>
    %slice3A = vector.extract_strided_slice %get3A_2 {offsets = [0, 0, 0], sizes = [1, 10000, 64], strides = [1, 1, 1]} : vector<2x10112x64xf32> to vector<1x10000x64xf32>
    %squeeze3A = vector.shape_cast %slice3A : vector<1x10000x64xf32> to vector<10000x64xf32>
    %slice3A_21 = vector.extract_strided_slice %get3A_2 {offsets = [1, 0, 0], sizes = [1, 10000, 64], strides = [1, 1, 1]} : vector<2x10112x64xf32> to vector<1x10000x64xf32>
    %squeeze3A_22 = vector.shape_cast %slice3A_21 : vector<1x10000x64xf32> to vector<10000x64xf32>
    %concatenate3A = tpu.concatenate %squeeze3A, %squeeze3A_22 in 1 : vector<10000x64xf32>, vector<10000x64xf32> -> vector<10000x128xf32>
    %dot_general3A = arith.constant dense<0.000000e+00> : vector<10000x128xf32>
    %dot_general3A_23 = tpu.matmul %concatenate3A, %get3A_5, %dot_general3A {dimension_numbers = #tpu.dot_dimension_numbers<[1], [0], [0], [1], [0, 0, 1, 1], [], []>, transpose_lhs_hint = false} : vector<10000x128xf32>, vector<128x128xf32>, vector<10000x128xf32> -> vector<10000x128xf32>
    %add3A = vector.broadcast %get3A_8 : vector<1x128xf32> to vector<10000x128xf32>
    %add3A_24 = arith.addf %dot_general3A_23, %add3A : vector<10000x128xf32>
    %reduce_sum3A = arith.constant dense<0.000000e+00> : vector<128xf32>
    %reduce_sum3A_25 = vector.multi_reduction <add>, %add3A_24, %reduce_sum3A [0] : vector<10000x128xf32> to vector<128xf32>
    %broadcast_in_dim3A = vector.shape_cast %reduce_sum3A_25 : vector<128xf32> to vector<1x128xf32>
    %div3A = arith.constant 1.000000e+04 : f32
    %div3A_26 = vector.broadcast %div3A : f32 to vector<1x128xf32>
    %div3A_27 = arith.divf %broadcast_in_dim3A, %div3A_26 : vector<1x128xf32>
    %mul3A = arith.mulf %add3A_24, %add3A_24 : vector<10000x128xf32>
    %reduce_sum3A_28 = arith.constant dense<0.000000e+00> : vector<128xf32>
    %reduce_sum3A_29 = vector.multi_reduction <add>, %mul3A, %reduce_sum3A_28 [0] : vector<10000x128xf32> to vector<128xf32>
    %broadcast_in_dim3A_30 = vector.shape_cast %reduce_sum3A_29 : vector<128xf32> to vector<1x128xf32>
    %div3A_31 = arith.constant 1.000000e+04 : f32
    %div3A_32 = vector.broadcast %div3A_31 : f32 to vector<1x128xf32>
    %div3A_33 = arith.divf %broadcast_in_dim3A_30, %div3A_32 : vector<1x128xf32>
    %mul3A_34 = arith.mulf %div3A_27, %div3A_27 : vector<1x128xf32>
    %sub3A = arith.subf %div3A_33, %mul3A_34 : vector<1x128xf32>
    %sub3A_35 = vector.broadcast %div3A_27 : vector<1x128xf32> to vector<10000x128xf32>
    %sub3A_36 = arith.subf %add3A_24, %sub3A_35 : vector<10000x128xf32>
    %mul3A_37 = vector.broadcast %get3A_11 : vector<1x128xf32> to vector<10000x128xf32>
    %mul3A_38 = arith.mulf %mul3A_37, %sub3A_36 : vector<10000x128xf32>
    %add3A_39 = arith.constant 9.99999974E-6 : f32
    %add3A_40 = vector.broadcast %add3A_39 : f32 to vector<1x128xf32>
    %add3A_41 = arith.addf %sub3A, %add3A_40 : vector<1x128xf32>
    %rsqrt3A = math.rsqrt %add3A_41 : vector<1x128xf32>
    %mul3A_42 = vector.broadcast %rsqrt3A : vector<1x128xf32> to vector<10000x128xf32>
    %mul3A_43 = arith.mulf %mul3A_38, %mul3A_42 : vector<10000x128xf32>
    %add3A_44 = vector.broadcast %get3A_14 : vector<1x128xf32> to vector<10000x128xf32>
    %add3A_45 = arith.addf %mul3A_43, %add3A_44 : vector<10000x128xf32>
    %max3A = arith.constant 0.000000e+00 : f32
    %max3A_46 = vector.broadcast %max3A : f32 to vector<10000x128xf32>
    %max3A_47 = arith.maximumf %add3A_45, %max3A_46 : vector<10000x128xf32>
    %dot_general3A_48 = arith.constant dense<0.000000e+00> : vector<10000x128xf32>
    %dot_general3A_49 = tpu.matmul %max3A_47, %get3A_17, %dot_general3A_48 {dimension_numbers = #tpu.dot_dimension_numbers<[1], [0], [0], [1], [0, 0, 1, 1], [], []>, transpose_lhs_hint = false} : vector<10000x128xf32>, vector<128x128xf32>, vector<10000x128xf32> -> vector<10000x128xf32>
    %add3A_50 = vector.broadcast %get3A_20 : vector<1x128xf32> to vector<10000x128xf32>
    %add3A_51 = arith.addf %dot_general3A_49, %add3A_50 : vector<10000x128xf32>
    %max3A_52 = arith.constant 0.000000e+00 : f32
    %max3A_53 = vector.broadcast %max3A_52 : f32 to vector<10000x128xf32>
    %max3A_54 = arith.maximumf %add3A_51, %max3A_53 : vector<10000x128xf32>
    %broadcast_in_dim3A_55 = arith.constant 0.000000e+00 : f32
    %broadcast_in_dim3A_56 = vector.broadcast %broadcast_in_dim3A_55 : f32 to vector<112x128xf32>
    %concatenate3A_57 = tpu.concatenate %max3A_54, %broadcast_in_dim3A_56 in 0 : vector<10000x128xf32>, vector<112x128xf32> -> vector<10112x128xf32>
    %slice3A_58 = vector.extract_strided_slice %concatenate3A_57 {offsets = [0, 0], sizes = [10112, 64], strides = [1, 1]} : vector<10112x128xf32> to vector<10112x64xf32>
    %swap3A = arith.constant 0 : index
    %swap3A_59 = arith.constant 0 : index
    %swap3A_60 = arith.constant 0 : index
    %swap3A_61 = vector.load %arg7[%swap3A, %swap3A_59, %swap3A_60] : memref<2x10112x64xf32, #tpu.memory_space<vmem>>, vector<1x10112x64xf32>
    %swap3A_62 = vector.shape_cast %swap3A_61 : vector<1x10112x64xf32> to vector<10112x64xf32>
    %swap3A_63 = vector.shape_cast %slice3A_58 : vector<10112x64xf32> to vector<1x10112x64xf32>
    tpu.vector_store %arg7[%swap3A, %swap3A_59, %swap3A_60], %swap3A_63 {strides = array<i32>} : memref<2x10112x64xf32, #tpu.memory_space<vmem>>, vector<1x10112x64xf32>,
    %slice3A_64 = vector.extract_strided_slice %concatenate3A_57 {offsets = [0, 64], sizes = [10112, 64], strides = [1, 1]} : vector<10112x128xf32> to vector<10112x64xf32>
    %swap3A_65 = arith.constant 1 : index
    %swap3A_66 = arith.constant 0 : index
    %swap3A_67 = arith.constant 0 : index
    %swap3A_68 = vector.load %arg7[%swap3A_65, %swap3A_66, %swap3A_67] : memref<2x10112x64xf32, #tpu.memory_space<vmem>>, vector<1x10112x64xf32>
    %swap3A_69 = vector.shape_cast %swap3A_68 : vector<1x10112x64xf32> to vector<10112x64xf32>
    %swap3A_70 = vector.shape_cast %slice3A_64 : vector<10112x64xf32> to vector<1x10112x64xf32>
    tpu.vector_store %arg7[%swap3A_65, %swap3A_66, %swap3A_67], %swap3A_70 {strides = array<i32>} : memref<2x10112x64xf32, #tpu.memory_space<vmem>>, vector<1x10112x64xf32>,
    return
  }
}

module attributes {stable_mosaic.version = 14 : i64} {
  func.func @_tc_layer3_body(%arg0: memref<2x10112x64xf32, #tpu.memory_space<vmem>>, %arg1: memref<128x128xf32, #tpu.memory_space<vmem>>, %arg2: memref<1x128xf32, #tpu.memory_space<vmem>>, %arg3: memref<1x128xf32, #tpu.memory_space<vmem>>, %arg4: memref<1x128xf32, #tpu.memory_space<vmem>>, %arg5: memref<128x128xf32, #tpu.memory_space<vmem>>, %arg6: memref<1x128xf32, #tpu.memory_space<vmem>>, %arg7: memref<1x10000xi32, #tpu.memory_space<vmem>>, %arg8: memref<128x128xf32, #tpu.memory_space<vmem>>, %arg9: memref<1x128xf32, #tpu.memory_space<vmem>>, %arg10: memref<128x128xf32, #tpu.memory_space<vmem>>, %arg11: memref<1x128xf32, #tpu.memory_space<vmem>>, %arg12: memref<64x128xf32, #tpu.memory_space<vmem>>) attributes {dimension_semantics = [], scalar_prefetch = 0 : i64, scratch_operands = 0 : i64, tpu.core_type = #tpu.core_type<tc>} {
    %get3A = arith.constant 0 : index
    %get3A_0 = arith.constant 0 : index
    %get3A_1 = arith.constant 0 : index
    %get3A_2 = vector.load %arg0[%get3A, %get3A_0, %get3A_1] : memref<2x10112x64xf32, #tpu.memory_space<vmem>>, vector<2x10112x64xf32>
    %get3A_3 = arith.constant 0 : index
    %get3A_4 = arith.constant 0 : index
    %get3A_5 = vector.load %arg1[%get3A_3, %get3A_4] : memref<128x128xf32, #tpu.memory_space<vmem>>, vector<128x128xf32>
    %get3A_6 = arith.constant 0 : index
    %get3A_7 = arith.constant 0 : index
    %get3A_8 = vector.load %arg2[%get3A_6, %get3A_7] : memref<1x128xf32, #tpu.memory_space<vmem>>, vector<1x128xf32>
    %get3A_9 = arith.constant 0 : index
    %get3A_10 = arith.constant 0 : index
    %get3A_11 = vector.load %arg3[%get3A_9, %get3A_10] : memref<1x128xf32, #tpu.memory_space<vmem>>, vector<1x128xf32>
    %get3A_12 = arith.constant 0 : index
    %get3A_13 = arith.constant 0 : index
    %get3A_14 = vector.load %arg4[%get3A_12, %get3A_13] : memref<1x128xf32, #tpu.memory_space<vmem>>, vector<1x128xf32>
    %get3A_15 = arith.constant 0 : index
    %get3A_16 = arith.constant 0 : index
    %get3A_17 = vector.load %arg5[%get3A_15, %get3A_16] : memref<128x128xf32, #tpu.memory_space<vmem>>, vector<128x128xf32>
    %get3A_18 = arith.constant 0 : index
    %get3A_19 = arith.constant 0 : index
    %get3A_20 = vector.load %arg6[%get3A_18, %get3A_19] : memref<1x128xf32, #tpu.memory_space<vmem>>, vector<1x128xf32>
    %slice3A = vector.extract_strided_slice %get3A_2 {offsets = [0, 0, 0], sizes = [1, 10000, 64], strides = [1, 1, 1]} : vector<2x10112x64xf32> to vector<1x10000x64xf32>
    %squeeze3A = vector.shape_cast %slice3A : vector<1x10000x64xf32> to vector<10000x64xf32>
    %slice3A_21 = vector.extract_strided_slice %get3A_2 {offsets = [1, 0, 0], sizes = [1, 10000, 64], strides = [1, 1, 1]} : vector<2x10112x64xf32> to vector<1x10000x64xf32>
    %squeeze3A_22 = vector.shape_cast %slice3A_21 : vector<1x10000x64xf32> to vector<10000x64xf32>
    %concatenate3A = tpu.concatenate %squeeze3A, %squeeze3A_22 in 1 : vector<10000x64xf32>, vector<10000x64xf32> -> vector<10000x128xf32>
    %dot_general3A = arith.constant dense<0.000000e+00> : vector<10000x128xf32>
    %dot_general3A_23 = tpu.matmul %concatenate3A, %get3A_5, %dot_general3A {dimension_numbers = #tpu.dot_dimension_numbers<[1], [0], [0], [1], [0, 0, 1, 1], [], []>, transpose_lhs_hint = false} : vector<10000x128xf32>, vector<128x128xf32>, vector<10000x128xf32> -> vector<10000x128xf32>
    %add3A = vector.broadcast %get3A_8 : vector<1x128xf32> to vector<10000x128xf32>
    %add3A_24 = arith.addf %dot_general3A_23, %add3A : vector<10000x128xf32>
    %reduce_sum3A = arith.constant dense<0.000000e+00> : vector<128xf32>
    %reduce_sum3A_25 = vector.multi_reduction <add>, %add3A_24, %reduce_sum3A [0] : vector<10000x128xf32> to vector<128xf32>
    %broadcast_in_dim3A = vector.shape_cast %reduce_sum3A_25 : vector<128xf32> to vector<1x128xf32>
    %div3A = arith.constant 1.000000e+04 : f32
    %div3A_26 = vector.broadcast %div3A : f32 to vector<1x128xf32>
    %div3A_27 = arith.divf %broadcast_in_dim3A, %div3A_26 : vector<1x128xf32>
    %mul3A = arith.mulf %add3A_24, %add3A_24 : vector<10000x128xf32>
    %reduce_sum3A_28 = arith.constant dense<0.000000e+00> : vector<128xf32>
    %reduce_sum3A_29 = vector.multi_reduction <add>, %mul3A, %reduce_sum3A_28 [0] : vector<10000x128xf32> to vector<128xf32>
    %broadcast_in_dim3A_30 = vector.shape_cast %reduce_sum3A_29 : vector<128xf32> to vector<1x128xf32>
    %div3A_31 = arith.constant 1.000000e+04 : f32
    %div3A_32 = vector.broadcast %div3A_31 : f32 to vector<1x128xf32>
    %div3A_33 = arith.divf %broadcast_in_dim3A_30, %div3A_32 : vector<1x128xf32>
    %mul3A_34 = arith.mulf %div3A_27, %div3A_27 : vector<1x128xf32>
    %sub3A = arith.subf %div3A_33, %mul3A_34 : vector<1x128xf32>
    %sub3A_35 = vector.broadcast %div3A_27 : vector<1x128xf32> to vector<10000x128xf32>
    %sub3A_36 = arith.subf %add3A_24, %sub3A_35 : vector<10000x128xf32>
    %mul3A_37 = vector.broadcast %get3A_11 : vector<1x128xf32> to vector<10000x128xf32>
    %mul3A_38 = arith.mulf %mul3A_37, %sub3A_36 : vector<10000x128xf32>
    %add3A_39 = arith.constant 9.99999974E-6 : f32
    %add3A_40 = vector.broadcast %add3A_39 : f32 to vector<1x128xf32>
    %add3A_41 = arith.addf %sub3A, %add3A_40 : vector<1x128xf32>
    %rsqrt3A = math.rsqrt %add3A_41 : vector<1x128xf32>
    %mul3A_42 = vector.broadcast %rsqrt3A : vector<1x128xf32> to vector<10000x128xf32>
    %mul3A_43 = arith.mulf %mul3A_38, %mul3A_42 : vector<10000x128xf32>
    %add3A_44 = vector.broadcast %get3A_14 : vector<1x128xf32> to vector<10000x128xf32>
    %add3A_45 = arith.addf %mul3A_43, %add3A_44 : vector<10000x128xf32>
    %max3A = arith.constant 0.000000e+00 : f32
    %max3A_46 = vector.broadcast %max3A : f32 to vector<10000x128xf32>
    %max3A_47 = arith.maximumf %add3A_45, %max3A_46 : vector<10000x128xf32>
    %dot_general3A_48 = arith.constant dense<0.000000e+00> : vector<10000x128xf32>
    %dot_general3A_49 = tpu.matmul %max3A_47, %get3A_17, %dot_general3A_48 {dimension_numbers = #tpu.dot_dimension_numbers<[1], [0], [0], [1], [0, 0, 1, 1], [], []>, transpose_lhs_hint = false} : vector<10000x128xf32>, vector<128x128xf32>, vector<10000x128xf32> -> vector<10000x128xf32>
    %add3A_50 = vector.broadcast %get3A_20 : vector<1x128xf32> to vector<10000x128xf32>
    %add3A_51 = arith.addf %dot_general3A_49, %add3A_50 : vector<10000x128xf32>
    %max3A_52 = arith.constant 0.000000e+00 : f32
    %max3A_53 = vector.broadcast %max3A_52 : f32 to vector<10000x128xf32>
    %max3A_54 = arith.maximumf %add3A_51, %max3A_53 : vector<10000x128xf32>
    %iota3A = tpu.iota {dimensions = array<i32: 0>} : vector<64x10000xi32>
    %get3A_55 = arith.constant 0 : index
    %get3A_56 = arith.constant 0 : index
    %get3A_57 = vector.load %arg7[%get3A_55, %get3A_56] : memref<1x10000xi32, #tpu.memory_space<vmem>>, vector<1x10000xi32>
    %eq3A = vector.broadcast %get3A_57 : vector<1x10000xi32> to vector<64x10000xi32>
    %eq3A_58 = arith.cmpi eq, %iota3A, %eq3A : vector<64x10000xi32>
    %convert_element_type3A = arith.extui %eq3A_58 : vector<64x10000xi1> to vector<64x10000xi32>
    %convert_element_type3A_59 = arith.sitofp %convert_element_type3A : vector<64x10000xi32> to vector<64x10000xf32>
    %dot_general3A_60 = arith.constant dense<0.000000e+00> : vector<64x128xf32>
    %dot_general3A_61 = tpu.matmul %convert_element_type3A_59, %max3A_54, %dot_general3A_60 {dimension_numbers = #tpu.dot_dimension_numbers<[1], [0], [0], [1], [0, 0, 1, 1], [], []>, transpose_lhs_hint = false} : vector<64x10000xf32>, vector<10000x128xf32>, vector<64x128xf32> -> vector<64x128xf32>
    %get3A_62 = arith.constant 0 : index
    %get3A_63 = arith.constant 0 : index
    %get3A_64 = vector.load %arg8[%get3A_62, %get3A_63] : memref<128x128xf32, #tpu.memory_space<vmem>>, vector<128x128xf32>
    %dot_general3A_65 = arith.constant dense<0.000000e+00> : vector<64x128xf32>
    %dot_general3A_66 = tpu.matmul %dot_general3A_61, %get3A_64, %dot_general3A_65 {dimension_numbers = #tpu.dot_dimension_numbers<[1], [0], [0], [1], [0, 0, 1, 1], [], []>, transpose_lhs_hint = false} : vector<64x128xf32>, vector<128x128xf32>, vector<64x128xf32> -> vector<64x128xf32>
    %get3A_67 = arith.constant 0 : index
    %get3A_68 = arith.constant 0 : index
    %get3A_69 = vector.load %arg9[%get3A_67, %get3A_68] : memref<1x128xf32, #tpu.memory_space<vmem>>, vector<1x128xf32>
    %add3A_70 = vector.broadcast %get3A_69 : vector<1x128xf32> to vector<64x128xf32>
    %add3A_71 = arith.addf %dot_general3A_66, %add3A_70 : vector<64x128xf32>
    %max3A_72 = arith.constant 0.000000e+00 : f32
    %max3A_73 = vector.broadcast %max3A_72 : f32 to vector<64x128xf32>
    %max3A_74 = arith.maximumf %add3A_71, %max3A_73 : vector<64x128xf32>
    %get3A_75 = arith.constant 0 : index
    %get3A_76 = arith.constant 0 : index
    %get3A_77 = vector.load %arg10[%get3A_75, %get3A_76] : memref<128x128xf32, #tpu.memory_space<vmem>>, vector<128x128xf32>
    %dot_general3A_78 = arith.constant dense<0.000000e+00> : vector<64x128xf32>
    %dot_general3A_79 = tpu.matmul %max3A_74, %get3A_77, %dot_general3A_78 {dimension_numbers = #tpu.dot_dimension_numbers<[1], [0], [0], [1], [0, 0, 1, 1], [], []>, transpose_lhs_hint = false} : vector<64x128xf32>, vector<128x128xf32>, vector<64x128xf32> -> vector<64x128xf32>
    %get3A_80 = arith.constant 0 : index
    %get3A_81 = arith.constant 0 : index
    %get3A_82 = vector.load %arg11[%get3A_80, %get3A_81] : memref<1x128xf32, #tpu.memory_space<vmem>>, vector<1x128xf32>
    %add3A_83 = vector.broadcast %get3A_82 : vector<1x128xf32> to vector<64x128xf32>
    %add3A_84 = arith.addf %dot_general3A_79, %add3A_83 : vector<64x128xf32>
    %swap3A = arith.constant 0 : index
    %swap3A_85 = arith.constant 0 : index
    %swap3A_86 = vector.load %arg12[%swap3A, %swap3A_85] : memref<64x128xf32, #tpu.memory_space<vmem>>, vector<64x128xf32>
    tpu.vector_store %arg12[%swap3A, %swap3A_85], %add3A_84 {strides = array<i32>} : memref<64x128xf32, #tpu.memory_space<vmem>>, vector<64x128xf32>,
    return
  }
}

</mosaic_0001>

<sc_bundles>
// kernel: kernel.11.cloned.1.call-start
scs
__scs_entry_jumppad:
0x0: {  	(pc) =	sbr.rel $0x88, $3  }
0x1: {  	(tag) =	ssettag $0x0;
	lr =	simm.s32 $0x1  }
0x2: {  	[smem:$0x3F88] =	sst lr;
	_ =	strace $0xD0000000  }
0x3: {  	_ = 	snop  }
0x4: {  	_ = 	snop  }
0x5: {  	_ = 	snop  }
0x6: {  	_ = 	snop  }
0x7: {  	_ = 	snop  }
__scs_overlays_trampoline_lowered:
0x8: {  	[smem:$0x3F97] =	sst s0  }
0x9: {  	[smem:$0x3F98] =	sst s1  }
0xa: {  	[smem:$0x3F99] =	sst s2  }
0xb: {  	[smem:$0x3F9A] =	sst s3  }
0xc: {  	[smem:$0x3F9B] =	sst s4  }
0xd: {  	[smem:$0x3F9C] =	sst s5  }
0xe: {  	[smem:$0x3F9D] =	sst s6  }
0xf: {  	[smem:$0x3F9E] =	sst s7  }
0x10: {  	[smem:$0x3F9F] =	sst s8  }
0x11: {  	[smem:$0x3FA0] =	sst s9;
	s0 =	simm.s32 @!p0 $0x0  }
0x12: {  	s1 =	sld [smem:$0x3F86];
	s0 =	simm.s32 @p0 $0x1  }
0x13: {  	[smem:$0x3FA1] =	sst s0;
	s0 =	simm.s32 @!p1 $0x0  }
0x14: {  	s2 =	sld [smem:$0x3F85];
	s0 =	simm.s32 @p1 $0x1  }
0x15: {  	[smem:$0x3FA2] =	sst s0;
	s0 =	simm.s32 @!p2 $0x0  }
0x16: {  	s3 =	sld [smem:$0x3FDB];
	s0 =	simm.s32 @p2 $0x1  }
0x17: {  	s4 =	simm.s32 $0x1BF5;
	[smem:$0x3FA4] =	sst s0  }
0x18: {  	s0 =	sld [smem:$0x3F87];
	_ =	swait.ge [sflag:s4], $0x0  }
0x19: {  	s7 =	sld [smem:$0x3F88]  }
0x1a: {  	s8 =	sadd.s32 $0xFFFFE003, lr  }
0x1b: {  	s9 =	sadd.s32 $0xFFFFFEF7, lr;
	s5 =	simm.s32 $0xFFFFFFFF;
	p2 =	slt.u32 s8, $0xFFFFF086  }
0x1c: {  	p1 =	slt.u32 s9, $0xF7A;
	s5 =	simm.s32 @!p2 $0x0  }
0x1d: {  	s5 =	simm.s32 @p1 $0x1;
	p0 =	seq.s32 s7, s2  }
0x1e: {  	s7 =	smul.u32 @!p0 $0xF7A, s2;
	p2 =	seq.s32 @!p0 s5, $0x0  }
0x1f: {  	s9 =	smul.u32 $0xF7A, s1;
	s8 =	simm.s32 @!p0 $0x1BF5;
	p2 =	por !p2, p0  }
0x20: {  	[sflag:s8] =	ssyncset.s32 @!p0 $0xFFFFF086;
	s6 =	sadd.s32 @!p0 s3, s7;
	s7 =	simm.s32 @!p0 $0x108  }
0x21: {  	s3 =	sadd.s32 s3, s9;
	s6 =	sadd.s32 @!p0 $0x88, s6;
	s7 =	simm.s32 @p2 $0x1082  }
0x22: {  	[simem:s7], [sflag:s8] =	dma.local @!p0 [hbm:s6], $0xF7A  }
0x23: {  	s9 =	sor.u32 $0xD0000000, s2;
	s6 =	simm.s32 $0x108;
	_ =	swait.ge @!p0 [sflag:s8], $0x0  }
0x24: {  	s3 =	sadd.s32 $0x88, s3;
	s6 =	simm.s32 @!p1 $0x1082;
	[sflag:s4] =	ssyncset.s32 $0xFFFFF086  }
0x25: {  	[simem:s6], [sflag:s4] =	dma.local [hbm:s3], $0xF7A  }
0x26: {  	[smem:$0x3F88] =	sst s1;
	(tag) =	ssettag s2;
	_ =	strace s9  }
0x27: {  	s1 =	sld [smem:$0x3F98]  }
0x28: {  	s2 =	sld [smem:$0x3F99]  }
0x29: {  	s4 =	sld [smem:$0x3F9B]  }
0x2a: {  	p0 =	seq.s32 s5, $0x0;
	s5 =	sld [smem:$0x3F9C]  }
0x2b: {  	s6 =	sld [smem:$0x3F9D]  }
0x2c: {  	s7 =	sld [smem:$0x3F9E]  }
0x2d: {  	s3 =	simm.s32 $0x108;
	s8 =	sld [smem:$0x3F9F]  }
0x2e: {  	s3 =	simm.s32 @!p0 $0x1082;
	s9 =	sld [smem:$0x3FA0]  }
0x2f: {  	lr =	sadd.s32 s0, s3;
	s0 =	sld [smem:$0x3F97]  }
0x30: {  	s3 =	sld [smem:$0x3F9A]  }
0x31: {  	[smem:$0x3FA3] =	sst s10  }
0x32: {  	s10 =	sld [smem:$0x3FA1];
	_ =	sdelay $0x3  }
0x33: {  	p0 =	seq.s32 s10, $0x1;
	s10 =	sld [smem:$0x3FA3];
	_ =	sdelay $0x3  }
0x34: {  	[smem:$0x3FA3] =	sst s10  }
0x35: {  	s10 =	sld [smem:$0x3FA2];
	_ =	sdelay $0x3  }
0x36: {  	p1 =	seq.s32 s10, $0x1;
	s10 =	sld [smem:$0x3FA3];
	_ =	sdelay $0x3  }
0x37: {  	[smem:$0x3FA3] =	sst s10  }
0x38: {  	s10 =	sld [smem:$0x3FA4]  }
0x39: {  	_ = 	snop;
	(pc) =	sbr.ind lr, $3  }
0x3a: {  	_ = 	snop  }
0x3b: {  	_ = 	snop  }
0x3c: {  	p2 =	seq.s32 s10, $0x1;
	s10 =	sld [smem:$0x3FA3]  }
0x3d: {  	_ =	shalt  }
0x3e: {  	_ =	shalt  }
0x3f: {  	_ =	shalt  }
0x40: {  	_ =	shalt  }
0x41: {  	_ =	shalt  }
0x42: {  	_ =	shalt  }
0x43: {  	_ =	shalt  }
0x44: {  	_ =	shalt  }
0x45: {  	_ =	shalt  }
0x46: {  	_ =	shalt  }
0x47: {  	_ =	shalt  }
0x48: {  	_ =	shalt  }
0x49: {  	_ =	shalt  }
0x4a: {  	_ =	shalt  }
0x4b: {  	_ =	shalt  }
0x4c: {  	_ =	shalt  }
0x4d: {  	_ =	shalt  }
0x4e: {  	_ =	shalt  }
0x4f: {  	_ =	shalt  }
0x50: {  	_ =	shalt  }
0x51: {  	_ =	shalt  }
0x52: {  	_ =	shalt  }
0x53: {  	_ =	shalt  }
0x54: {  	_ =	shalt  }
0x55: {  	_ =	shalt  }
0x56: {  	_ =	shalt  }
0x57: {  	_ =	shalt  }
0x58: {  	_ =	shalt  }
0x59: {  	_ =	shalt  }
0x5a: {  	_ =	shalt  }
0x5b: {  	_ =	shalt  }
0x5c: {  	_ =	shalt  }
0x5d: {  	_ =	shalt  }
0x5e: {  	_ =	shalt  }
0x5f: {  	_ =	shalt  }
0x60: {  	_ =	shalt  }
0x61: {  	_ =	shalt  }
0x62: {  	_ =	shalt  }
0x63: {  	_ =	shalt  }
0x64: {  	_ =	shalt  }
0x65: {  	_ =	shalt  }
0x66: {  	_ =	shalt  }
0x67: {  	_ =	shalt  }
0x68: {  	_ =	shalt  }
0x69: {  	_ =	shalt  }
0x6a: {  	_ =	shalt  }
0x6b: {  	_ =	shalt  }
0x6c: {  	_ =	shalt  }
0x6d: {  	_ =	shalt  }
0x6e: {  	_ =	shalt  }
0x6f: {  	_ =	shalt  }
0x70: {  	_ =	shalt  }
0x71: {  	_ =	shalt  }
0x72: {  	_ =	shalt  }
0x73: {  	_ =	shalt  }
0x74: {  	_ =	shalt  }
0x75: {  	_ =	shalt  }
0x76: {  	_ =	shalt  }
0x77: {  	_ =	shalt  }
0x78: {  	_ =	shalt  }
0x79: {  	_ =	shalt  }
0x7a: {  	_ =	shalt  }
0x7b: {  	_ =	shalt  }
0x7c: {  	_ =	shalt  }
0x7d: {  	_ =	shalt  }
0x7e: {  	_ =	shalt  }
0x7f: {  	_ =	shalt  }
0x80: {  	_ =	shalt  }
0x81: {  	_ =	shalt  }
0x82: {  	_ =	shalt  }
0x83: {  	_ =	shalt  }
0x84: {  	_ =	shalt  }
0x85: {  	_ =	shalt  }
0x86: {  	_ =	shalt  }
0x87: {  	_ =	shalt  }
.Lfunc_end0:
.L_simem_size_0:
called_computation.1_lowered:
.L_overlay_start_0:
0x88: {  	s2 =	sld [smem:$0x3FD9]  }
0x89: {  	s3 =	sld [smem:$0x3FFE];
	_ =	sdelay $0x1  }
0x8a: {  	s1 =	srdreg.scid  }
0x8b: {  	s0 =	sand.u32 $0x1, s1  }
0x8c: {  	s16 =	sshll.u32 s0, $0xA;
	s2 =	sadd.s32 s3, s2  }
0x8d: {  	s2 =	sadd.s32 s2, s16  }
0x8e: {  	[smem:$0x3FAF] =	sst s2  }
0x8f: {  	_ = 	snop  }
0x90: {  	(tm) =	ssettm $0x1  }
0x91: {  	s17 =	sld [smem:$0x3FFB];
	_ =	sdelay $0x3  }
0x92: {  	_ =	strace s17  }
0x93: {  	s2 =	sld [smem:$0x3FFC];
	_ =	sdelay $0x3  }
0x94: {  	_ =	strace s2  }
0x95: {  	s2 =	sld [smem:$0x3FFD];
	_ =	sdelay $0x3  }
0x96: {  	_ =	strace s2  }
0x97: {  	_ =	strace $0x8FFFFFFF  }
0x98: {  	s18 =	sld [smem:$0x3FDB];
	_ =	sdelay $0x1  }
0x99: {  	s19 =	simm.s32 $_scs_section_size  }
0x9a: {  	s4 =	simm.s32 $_size__tile_overlayer_lowered;
	s5 =	simm.s32 $_tile_overlayer_lowered  }
0x9b: {  	s22 =	simm.s32 $0x1BFF;
	s21 =	sshll.u32 s5, $0x1;
	s2 =	sadd.s32 s19, s18  }
0x9c: {  	s6 =	simm.s32 $0x0;
	s20 =	sshll.u32 s4, $0x1;
	s4 =	sadd.s32 s21, s2  }
0x9d: {  	[timem:s6], [sflag:s22] =	dma.local [hbm:s4], s20  }
0x9e: {  	_ =	swait.ge [sflag:s22], s20  }
0x9f: {  	s3 =	ssub.s32 $0x0, s20;
	[sflag:s22] =	ssyncset.done $0x0  }
0xa0: {  	[sflag:s22] =	ssyncadd.s32 s3;
	_ =	sdelay $0x1  }
0xa1: {  	s23 =	simm.s32 $0x1B8B  }
0xa2: {  	_ =	swait.ge [sflag:s23], $0x1  }
0xa3: {  	[sflag:s23] =	ssyncset.done $0x0  }
0xa4: {  	s25 =	simm.s32 $0x1B8E;
	s24 =	sld [smem:$0x3FFE];
	[sflag:s23] =	ssyncadd.s32 $0xFFFFFFFF  }
0xa5: {  	s26 =	simm.s32 $execute0_lowered;
	[smem:$0x3FD2] =	sst s25  }
0xa6: {  	s4 =	sshll.u32 s26, $0x1;
	_ =	strace $0x80000049;
	[dreg:$0x1] =	wrdreg $0xFFFFFFFF  }
0xa7: {  	s28 =	simm.s32 $_size_execute0_lowered;
	s2 =	sadd.s32 s2, s4;
	[dreg:$0x0] =	wrdreg $0x0  }
0xa8: {  	s4 =	sshll.u32 s28, $0x1;
	[dreg:$0x2] =	wrdreg s2  }
0xa9: {  	[dreg:$0x3] =	wrdreg s4  }
0xaa: {  	[dreg:$0x4] =	wrdreg $0xC0  }
0xab: {  	_ =	task [dreg:s6], $0x5FFFF  }
0xac: {  	[dreg:$0x1] =	wrdreg $0xFFFFFFFF  }
0xad: {  	[dreg:$0x0] =	wrdreg $0x60  }
0xae: {  	[dreg:$0x2] =	wrdreg s24  }
0xaf: {  	[dreg:$0x3] =	wrdreg $0x0  }
0xb0: {  	[dreg:$0x4] =	wrdreg $0x9E000  }
0xb1: {  	[dreg:$0x5] =	wrdreg $0x9  }
0xb2: {  	_ =	task.clear_ibuf [dreg:s6], $0x6FFFF;
	_ =	strace $0x90000049  }
0xb3: {  	s29 =	simm.s32 $0x9;
	_ =	strace $0x8000004B  }
0xb4: {  	_ =	swait.ge [sflag:s29], $0x1  }
0xb5: {  	[sflag:s29] =	ssyncadd.s32 $0xFFFFFFFF  }
0xb6: {  	_ =	strace $0x9000004B  }
0xb7: {  	_ =	sfence  }
0xb8: {  	s30 =	sld [smem:$0x0];
	_ =	sdelay $0x2  }
0xb9: {  	s31 =	sshll.u32 s1, $0xD;
	s1 =	sshrl.u32 s1, $0x2  }
0xba: {  	s3 =	sand.u32 $0x4000, s31;
	s1 =	sadd.s32 s1, s30  }
0xbb: {  	s0 =	sor.u32 s3, s0;
	s1 =	sshll.u32 s1, $0x11  }
0xbc: {  	s0 =	sor.u32 s1, s0  }
0xbd: {  	s0 =	sadd.s32 $0x8F2B, s0  }
0xbe: {  	[sflag:s0] =	ssyncadd.remote.s32 $0x1  }
0xbf: {  	_ =	sfence.sel $0xFFFF  }
0xc0: {  	[dreg:$0x0] =	wrdreg $0xFFFFFFFF;
	(pc) =	sbr.abs _section_cstart, $3  }
0xc1: {  	[dreg:$0x1] =	wrdreg $0xFFFFFFFF  }
0xc2: {  	_ =	task.clear_ibuf [dreg:s6], $0x2FFFF;
	_ =	strace $0x9FFFFFFF  }
0xc3: {  	(tm) =	ssettm $0x7FFFFFFF  }
tec
execute0_lowered:
.L_overlay_start_1:
0x0: {  	(tag) =	ssettag $0x1  }
0x1: {  	s5 =	rddreg [dreg:$0x0]  }
0x2: {  	s2 =	rddreg [dreg:$0x1]  }
0x3: {  	s0 =	stileid.u32;
	s1 =	srdreg.scid  }
0x4: {  	s3 =	rddreg [dreg:$0x2];
	s4 =	simm.s32 $0x0;
	s15 =	simm.s32 $0x80  }
0x5: {  	s16 =	simm.s32 $0x16400;
	s17 =	simm.s32 $0x1A400;
	s18 =	simm.s32 $0x1  }
0x6: {  	s19 =	simm.s32 $0x2;
	s20 =	simm.s32 $0x3;
	s6 =	smul.u32 $0xA00, s0  }
0x7: {  	s7 =	sand.u32 $0x1, s1;
	s1 =	rddreg [dreg:$0x3];
	s9 =	smul.u32 $0x13C00, s0  }
0x8: {  	s21 =	simm.s32 $0x4;
	[smem:$0x7FF] =	sst s4;
	s22 =	smul.u32 $0x2780, s0  }
0x9: {  	s31 =	sshll.u32 s0, $0x6;
	s8 =	smul.u32 $0x27800, s7;
	s7 =	ssub.s32 $0x2, s7  }
0xa: {  	_ =	strace $0x8000004A;
	s10 =	sshrl.u32 s7, $0x1;
	s11 =	sadd.s32 s6, s5  }
0xb: {  	s13 =	sadd.s32 s9, s2;
	s6 =	sor.u32 $0x1C05, s31;
	s14 =	sadd.s32 s9, s3  }
0xc: {  	s12 =	sadd.s32 s8, s5;
	s10 =	ssub.s32 s7, s10;
	s7 =	sadd.s32 $0x4000, s11  }
0xd: {  	s8 =	sadd.s32 $0xE000, s11;
	s11 =	simm.s32 $0x5;
	s5 =	sadd.s32 s22, s12  }
0xe: {  	s23 =	sadd.s32 $0x67000, s12;
	s9 =	smax.u32 s10, $0x1;
	s10 =	sshrl.u32 s13, $0x3  }
0xf: {  	s12 =	sshrl.u32 s14, $0x3;
	s13 =	simm.s32 $0x13C00;
	s14 =	simm.s32 $0x15000  }
0x10: {  	s5 =	sadd.s32 $0x18000, s5;
	s22 =	sadd.s32 s22, s23;
	s23 =	simm.s32 $0x0  }
.LBB2_1:
0x11: {  	[spmem:s10], [sflag:s6] =	dma.local [hbm:s5], $0x2780  }
0x12: {  	_ =	swait.ge [sflag:s11], $0x2780  }
0x13: {  	[sflag:s11] =	ssyncset.done $0x0  }
0x14: {  	[sflag:s11] =	ssyncadd.s32 $0xFFFFD880  }
0x15: {  	[spmem:s12], [sflag:s6] =	dma.local [hbm:s5], $0x2780  }
0x16: {  	_ =	swait.ge [sflag:s11], $0x2780  }
0x17: {  	[sflag:s11] =	ssyncset.done $0x0  }
0x18: {  	[sflag:s11] =	ssyncadd.s32 $0xFFFFD880  }
0x19: {  	[bflag:$0x0] =	sbarrier.arrive $0xFFFF  }
0x1a: {  	[tilespmem:s13], [sflag:$0x5] =	stream.linear.gather [hbm4b:s7+s4], $0x1400, $0x38;
	[tilespmem:$0x1E400] =	vst v63  }
0x1b: {  	_ =	swait.ge [sflag:s11], $0x1400  }
0x1c: {  	[sflag:s11] =	ssyncset.done $0x0  }
0x1d: {  	[sflag:s11] =	ssyncadd.s32 $0xFFFFEC00  }
0x1e: {  	[tilespmem:s14], [sflag:$0x5] =	stream.linear.gather [hbm4b:s8+s4], $0x1400, $0x38;
	[tilespmem:$0x1E400] =	vst v63  }
0x1f: {  	_ =	swait.ge [sflag:s11], $0x1400  }
0x20: {  	[sflag:s11] =	ssyncset.done $0x0  }
0x21: {  	s24 =	simm.s32 $0x13C00;
	[sflag:s11] =	ssyncadd.s32 $0xFFFFEC00  }
0x22: {  	[tilespmem:s16], [sflag:$0x1] =	stream.indirect.gather [spmem:s2], $0x40, s24, s15, $0xb8;
	[tilespmem:$0x1E400] =	vst v63  }
0x23: {  	s29 =	simm.s32 $0x13C80  }
0x24: {  	[tilespmem:s17], [sflag:$0x2] =	stream.indirect.gather [spmem:s2], $0x40, s29, s15, $0xb8;
	[tilespmem:$0x1E400] =	vst v63  }
0x25: {  	_ =	swait.ge [sflag:s18], $0x2000  }
0x26: {  	[sflag:s18] =	ssyncset.done $0x0  }
0x27: {  	s30 =	simm.s32 $0x15000;
	[sflag:s18] =	ssyncadd.s32 $0xFFFFE000  }
0x28: {  	[spmem:s3] =	stream.indirect.scatter.add.f32 [tilespmem:s16], [sflag:$0x3], $0x40, s30, s15, $0xb8;
	[tilespmem:$0x1E400] =	vst v63  }
0x29: {  	_ =	swait.ge [sflag:s19], $0x2000  }
0x2a: {  	[sflag:s19] =	ssyncset.done $0x0  }
0x2b: {  	s31 =	simm.s32 $0x15080;
	[sflag:s19] =	ssyncadd.s32 $0xFFFFE000  }
0x2c: {  	[spmem:s3] =	stream.indirect.scatter.add.f32 [tilespmem:s17], [sflag:$0x4], $0x40, s31, s15, $0xb8;
	[tilespmem:$0x1E400] =	vst v63  }
0x2d: {  	_ =	swait.ge [sflag:s20], $0x2000  }
0x2e: {  	[sflag:s20] =	ssyncset.done $0x0  }
0x2f: {  	[sflag:s20] =	ssyncadd.s32 $0xFFFFE000  }
0x30: {  	_ =	swait.ge [sflag:s21], $0x2000  }
0x31: {  	s25 =	simm.s32 $0x800;
	s24 =	simm.s32 $0x100;
	[sflag:s21] =	ssyncset.done $0x0  }
.LBB2_2:
0x32: {  	s26 =	sadd.s32 $0x13C00, s24  }
0x33: {  	[sflag:s21] =	ssyncadd.s32 $0xFFFFE000;
	s28 =	smov.u32 s25;
	s29 =	sadd.s32 $0x400, s25  }
0x34: {  	[tilespmem:s16], [sflag:$0x1] =	stream.indirect.gather [spmem:s2], $0x40, s26, s15, $0xb8;
	[tilespmem:$0x1E400] =	vst v63  }
0x35: {  	p0 =	sne.s32 s25, $0x4C00;
	s25 =	sadd.s32 $0x13C80, s24  }
0x36: {  	[tilespmem:s17], [sflag:$0x2] =	stream.indirect.gather [spmem:s2], $0x40, s25, s15, $0xb8;
	[tilespmem:$0x1E400] =	vst v63  }
0x37: {  	_ =	swait.ge [sflag:s18], $0x2000  }
0x38: {  	[sflag:s18] =	ssyncset.done $0x0  }
0x39: {  	s25 =	sadd.s32 $0x15000, s24;
	[sflag:s18] =	ssyncadd.s32 $0xFFFFE000  }
0x3a: {  	[spmem:s3] =	stream.indirect.scatter.add.f32 [tilespmem:s16], [sflag:$0x3], $0x40, s25, s15, $0xb8;
	[tilespmem:$0x1E400] =	vst v63  }
0x3b: {  	_ =	swait.ge [sflag:s19], $0x2000  }
0x3c: {  	[sflag:s19] =	ssyncset.done $0x0  }
0x3d: {  	s24 =	sadd.s32 $0x15080, s24;
	[sflag:s19] =	ssyncadd.s32 $0xFFFFE000  }
0x3e: {  	[spmem:s3] =	stream.indirect.scatter.add.f32 [tilespmem:s17], [sflag:$0x4], $0x40, s24, s15, $0xb8;
	[tilespmem:$0x1E400] =	vst v63  }
.Ltmp0:
0x3f: {  	_ =	swait.ge [sflag:s20], $0x2000;
	(pc) =	sbr.rel @p0 .LBB2_2-.Ltmp0, $4  }
0x40: {  	[sflag:s20] =	ssyncset.done $0x0  }
0x41: {  	[sflag:s20] =	ssyncadd.s32 $0xFFFFE000  }
0x42: {  	_ =	swait.ge [sflag:s21], $0x2000  }
0x43: {  	s25 =	smov.u32 s29;
	s24 =	sshra.s32 s28, $0x2;
	[sflag:s21] =	ssyncset.done $0x0  }
0x44: {  	s25 =	sadd.s32 $0x13C00, s24;
	[sflag:s21] =	ssyncadd.s32 $0xFFFFE000  }
0x45: {  	[tilespmem:s16], [sflag:$0x1] =	stream.indirect.gather [spmem:s2], $0x40, s25, s15, $0xb8;
	[tilespmem:$0x1E400] =	vst v63  }
0x46: {  	s26 =	sadd.s32 $0x13C80, s24  }
0x47: {  	[tilespmem:s17], [sflag:$0x2] =	stream.indirect.gather [spmem:s2], $0x40, s26, s15, $0xb8;
	[tilespmem:$0x1E400] =	vst v63  }
0x48: {  	_ =	swait.ge [sflag:s18], $0x2000  }
0x49: {  	[sflag:s18] =	ssyncset.done $0x0  }
0x4a: {  	s28 =	sadd.s32 $0x15000, s24;
	[sflag:s18] =	ssyncadd.s32 $0xFFFFE000  }
0x4b: {  	[spmem:s3] =	stream.indirect.scatter.add.f32 [tilespmem:s16], [sflag:$0x3], $0x40, s28, s15, $0xb8;
	[tilespmem:$0x1E400] =	vst v63  }
0x4c: {  	_ =	swait.ge [sflag:s19], $0x2000  }
0x4d: {  	[sflag:s19] =	ssyncset.done $0x0  }
0x4e: {  	s29 =	sadd.s32 $0x15080, s24;
	[sflag:s19] =	ssyncadd.s32 $0xFFFFE000  }
0x4f: {  	[spmem:s3] =	stream.indirect.scatter.add.f32 [tilespmem:s17], [sflag:$0x4], $0x40, s29, s15, $0xb8;
	[tilespmem:$0x1E400] =	vst v63  }
0x50: {  	_ =	swait.ge [sflag:s20], $0x2000  }
0x51: {  	[sflag:s20] =	ssyncset.done $0x0  }
0x52: {  	[sflag:s20] =	ssyncadd.s32 $0xFFFFE000  }
0x53: {  	_ =	swait.ge [sflag:s21], $0x2000  }
0x54: {  	[sflag:s21] =	ssyncset.done $0x0  }
0x55: {  	s30 =	sadd.s32 $0x280, s7;
	s31 =	simm.s32 $0x0;
	[sflag:s21] =	ssyncadd.s32 $0xFFFFE000  }
0x56: {  	[tilespmem:s13], [sflag:$0x5] =	stream.linear.gather [hbm4b:s30+s31], $0x1400, $0x38;
	[tilespmem:$0x1E400] =	vst v63  }
0x57: {  	_ =	swait.ge [sflag:s11], $0x1400  }
0x58: {  	[sflag:s11] =	ssyncset.done $0x0  }
0x59: {  	s26 =	sadd.s32 $0x280, s8;
	[sflag:s11] =	ssyncadd.s32 $0xFFFFEC00  }
0x5a: {  	[tilespmem:s14], [sflag:$0x5] =	stream.linear.gather [hbm4b:s26+s31], $0x1400, $0x38;
	[tilespmem:$0x1E400] =	vst v63  }
0x5b: {  	_ =	swait.ge [sflag:s11], $0x1400  }
0x5c: {  	[sflag:s11] =	ssyncset.done $0x0  }
0x5d: {  	s28 =	simm.s32 $0x13C00;
	[sflag:s11] =	ssyncadd.s32 $0xFFFFEC00  }
0x5e: {  	[tilespmem:s16], [sflag:$0x1] =	stream.indirect.gather [spmem:s2], $0x40, s28, s15, $0xb8;
	[tilespmem:$0x1E400] =	vst v63  }
0x5f: {  	s29 =	simm.s32 $0x13C80  }
0x60: {  	[tilespmem:s17], [sflag:$0x2] =	stream.indirect.gather [spmem:s2], $0x40, s29, s15, $0xb8;
	[tilespmem:$0x1E400] =	vst v63  }
0x61: {  	_ =	swait.ge [sflag:s18], $0x2000  }
0x62: {  	[sflag:s18] =	ssyncset.done $0x0  }
0x63: {  	s30 =	simm.s32 $0x15000;
	[sflag:s18] =	ssyncadd.s32 $0xFFFFE000  }
0x64: {  	[spmem:s3] =	stream.indirect.scatter.add.f32 [tilespmem:s16], [sflag:$0x3], $0x40, s30, s15, $0xb8;
	[tilespmem:$0x1E400] =	vst v63  }
0x65: {  	_ =	swait.ge [sflag:s19], $0x2000  }
0x66: {  	[sflag:s19] =	ssyncset.done $0x0  }
0x67: {  	s31 =	simm.s32 $0x15080;
	[sflag:s19] =	ssyncadd.s32 $0xFFFFE000  }
0x68: {  	[spmem:s3] =	stream.indirect.scatter.add.f32 [tilespmem:s17], [sflag:$0x4], $0x40, s31, s15, $0xb8;
	[tilespmem:$0x1E400] =	vst v63  }
0x69: {  	_ =	swait.ge [sflag:s20], $0x2000  }
0x6a: {  	[sflag:s20] =	ssyncset.done $0x0  }
0x6b: {  	[sflag:s20] =	ssyncadd.s32 $0xFFFFE000  }
0x6c: {  	_ =	swait.ge [sflag:s21], $0x2000  }
0x6d: {  	s24 =	simm.s32 $0x100;
	s25 =	simm.s32 $0x800;
	[sflag:s21] =	ssyncset.done $0x0  }
.LBB2_4:
0x6e: {  	s26 =	sadd.s32 $0x13C00, s24  }
0x6f: {  	[sflag:s21] =	ssyncadd.s32 $0xFFFFE000;
	s28 =	smov.u32 s25;
	s29 =	sadd.s32 $0x400, s25  }
0x70: {  	[tilespmem:s16], [sflag:$0x1] =	stream.indirect.gather [spmem:s2], $0x40, s26, s15, $0xb8;
	[tilespmem:$0x1E400] =	vst v63  }
0x71: {  	p0 =	sne.s32 s25, $0x4C00;
	s25 =	sadd.s32 $0x13C80, s24  }
0x72: {  	[tilespmem:s17], [sflag:$0x2] =	stream.indirect.gather [spmem:s2], $0x40, s25, s15, $0xb8;
	[tilespmem:$0x1E400] =	vst v63  }
0x73: {  	_ =	swait.ge [sflag:s18], $0x2000  }
0x74: {  	[sflag:s18] =	ssyncset.done $0x0  }
0x75: {  	s25 =	sadd.s32 $0x15000, s24;
	[sflag:s18] =	ssyncadd.s32 $0xFFFFE000  }
0x76: {  	[spmem:s3] =	stream.indirect.scatter.add.f32 [tilespmem:s16], [sflag:$0x3], $0x40, s25, s15, $0xb8;
	[tilespmem:$0x1E400] =	vst v63  }
0x77: {  	_ =	swait.ge [sflag:s19], $0x2000  }
0x78: {  	[sflag:s19] =	ssyncset.done $0x0  }
0x79: {  	s24 =	sadd.s32 $0x15080, s24;
	[sflag:s19] =	ssyncadd.s32 $0xFFFFE000  }
0x7a: {  	[spmem:s3] =	stream.indirect.scatter.add.f32 [tilespmem:s17], [sflag:$0x4], $0x40, s24, s15, $0xb8;
	[tilespmem:$0x1E400] =	vst v63  }
.Ltmp1:
0x7b: {  	_ =	swait.ge [sflag:s20], $0x2000;
	(pc) =	sbr.rel @p0 .LBB2_4-.Ltmp1, $4  }
0x7c: {  	[sflag:s20] =	ssyncset.done $0x0  }
0x7d: {  	[sflag:s20] =	ssyncadd.s32 $0xFFFFE000  }
0x7e: {  	_ =	swait.ge [sflag:s21], $0x2000  }
0x7f: {  	s25 =	smov.u32 s29;
	s24 =	sshra.s32 s28, $0x2;
	[sflag:s21] =	ssyncset.done $0x0  }
0x80: {  	s25 =	sadd.s32 $0x13C00, s24;
	[sflag:s21] =	ssyncadd.s32 $0xFFFFE000  }
0x81: {  	[tilespmem:s16], [sflag:$0x1] =	stream.indirect.gather [spmem:s2], $0x40, s25, s15, $0xb8;
	[tilespmem:$0x1E400] =	vst v63  }
0x82: {  	s26 =	sadd.s32 $0x13C80, s24  }
0x83: {  	[tilespmem:s17], [sflag:$0x2] =	stream.indirect.gather [spmem:s2], $0x40, s26, s15, $0xb8;
	[tilespmem:$0x1E400] =	vst v63  }
0x84: {  	_ =	swait.ge [sflag:s18], $0x2000  }
0x85: {  	[sflag:s18] =	ssyncset.done $0x0  }
0x86: {  	s28 =	sadd.s32 $0x15000, s24;
	[sflag:s18] =	ssyncadd.s32 $0xFFFFE000  }
0x87: {  	[spmem:s3] =	stream.indirect.scatter.add.f32 [tilespmem:s16], [sflag:$0x3], $0x40, s28, s15, $0xb8;
	[tilespmem:$0x1E400] =	vst v63  }
0x88: {  	_ =	swait.ge [sflag:s19], $0x2000  }
0x89: {  	[sflag:s19] =	ssyncset.done $0x0  }
0x8a: {  	s29 =	sadd.s32 $0x15080, s24;
	[sflag:s19] =	ssyncadd.s32 $0xFFFFE000  }
0x8b: {  	[spmem:s3] =	stream.indirect.scatter.add.f32 [tilespmem:s17], [sflag:$0x4], $0x40, s29, s15, $0xb8;
	[tilespmem:$0x1E400] =	vst v63  }
0x8c: {  	_ =	swait.ge [sflag:s20], $0x2000  }
0x8d: {  	[sflag:s20] =	ssyncset.done $0x0  }
0x8e: {  	[sflag:s20] =	ssyncadd.s32 $0xFFFFE000  }
0x8f: {  	_ =	swait.ge [sflag:s21], $0x2000  }
0x90: {  	[sflag:s21] =	ssyncset.done $0x0  }
0x91: {  	s30 =	sadd.s32 $0x500, s7;
	s31 =	simm.s32 $0x0;
	[sflag:s21] =	ssyncadd.s32 $0xFFFFE000  }
0x92: {  	[tilespmem:s13], [sflag:$0x5] =	stream.linear.gather [hbm4b:s30+s31], $0x1400, $0x38;
	[tilespmem:$0x1E400] =	vst v63  }
0x93: {  	_ =	swait.ge [sflag:s11], $0x1400  }
0x94: {  	[sflag:s11] =	ssyncset.done $0x0  }
0x95: {  	s26 =	sadd.s32 $0x500, s8;
	[sflag:s11] =	ssyncadd.s32 $0xFFFFEC00  }
0x96: {  	[tilespmem:s14], [sflag:$0x5] =	stream.linear.gather [hbm4b:s26+s31], $0x1400, $0x38;
	[tilespmem:$0x1E400] =	vst v63  }
0x97: {  	_ =	swait.ge [sflag:s11], $0x1400  }
0x98: {  	[sflag:s11] =	ssyncset.done $0x0  }
0x99: {  	s28 =	simm.s32 $0x13C00;
	[sflag:s11] =	ssyncadd.s32 $0xFFFFEC00  }
0x9a: {  	[tilespmem:s16], [sflag:$0x1] =	stream.indirect.gather [spmem:s2], $0x40, s28, s15, $0xb8;
	[tilespmem:$0x1E400] =	vst v63  }
0x9b: {  	s29 =	simm.s32 $0x13C80  }
0x9c: {  	[tilespmem:s17], [sflag:$0x2] =	stream.indirect.gather [spmem:s2], $0x40, s29, s15, $0xb8;
	[tilespmem:$0x1E400] =	vst v63  }
0x9d: {  	_ =	swait.ge [sflag:s18], $0x2000  }
0x9e: {  	[sflag:s18] =	ssyncset.done $0x0  }
0x9f: {  	s30 =	simm.s32 $0x15000;
	[sflag:s18] =	ssyncadd.s32 $0xFFFFE000  }
0xa0: {  	[spmem:s3] =	stream.indirect.scatter.add.f32 [tilespmem:s16], [sflag:$0x3], $0x40, s30, s15, $0xb8;
	[tilespmem:$0x1E400] =	vst v63  }
0xa1: {  	_ =	swait.ge [sflag:s19], $0x2000  }
0xa2: {  	[sflag:s19] =	ssyncset.done $0x0  }
0xa3: {  	s31 =	simm.s32 $0x15080;
	[sflag:s19] =	ssyncadd.s32 $0xFFFFE000  }
0xa4: {  	[spmem:s3] =	stream.indirect.scatter.add.f32 [tilespmem:s17], [sflag:$0x4], $0x40, s31, s15, $0xb8;
	[tilespmem:$0x1E400] =	vst v63  }
0xa5: {  	_ =	swait.ge [sflag:s20], $0x2000  }
0xa6: {  	[sflag:s20] =	ssyncset.done $0x0  }
0xa7: {  	[sflag:s20] =	ssyncadd.s32 $0xFFFFE000  }
0xa8: {  	_ =	swait.ge [sflag:s21], $0x2000  }
0xa9: {  	s24 =	simm.s32 $0x100;
	s25 =	simm.s32 $0x800;
	[sflag:s21] =	ssyncset.done $0x0  }
.LBB2_6:
0xaa: {  	s26 =	sadd.s32 $0x13C00, s24  }
0xab: {  	[sflag:s21] =	ssyncadd.s32 $0xFFFFE000;
	s28 =	smov.u32 s25;
	s29 =	sadd.s32 $0x400, s25  }
0xac: {  	[tilespmem:s16], [sflag:$0x1] =	stream.indirect.gather [spmem:s2], $0x40, s26, s15, $0xb8;
	[tilespmem:$0x1E400] =	vst v63  }
0xad: {  	p0 =	sne.s32 s25, $0x4C00;
	s25 =	sadd.s32 $0x13C80, s24  }
0xae: {  	[tilespmem:s17], [sflag:$0x2] =	stream.indirect.gather [spmem:s2], $0x40, s25, s15, $0xb8;
	[tilespmem:$0x1E400] =	vst v63  }
0xaf: {  	_ =	swait.ge [sflag:s18], $0x2000  }
0xb0: {  	[sflag:s18] =	ssyncset.done $0x0  }
0xb1: {  	s25 =	sadd.s32 $0x15000, s24;
	[sflag:s18] =	ssyncadd.s32 $0xFFFFE000  }
0xb2: {  	[spmem:s3] =	stream.indirect.scatter.add.f32 [tilespmem:s16], [sflag:$0x3], $0x40, s25, s15, $0xb8;
	[tilespmem:$0x1E400] =	vst v63  }
0xb3: {  	_ =	swait.ge [sflag:s19], $0x2000  }
0xb4: {  	[sflag:s19] =	ssyncset.done $0x0  }
0xb5: {  	s24 =	sadd.s32 $0x15080, s24;
	[sflag:s19] =	ssyncadd.s32 $0xFFFFE000  }
0xb6: {  	[spmem:s3] =	stream.indirect.scatter.add.f32 [tilespmem:s17], [sflag:$0x4], $0x40, s24, s15, $0xb8;
	[tilespmem:$0x1E400] =	vst v63  }
.Ltmp2:
0xb7: {  	_ =	swait.ge [sflag:s20], $0x2000;
	(pc) =	sbr.rel @p0 .LBB2_6-.Ltmp2, $4  }
0xb8: {  	[sflag:s20] =	ssyncset.done $0x0  }
0xb9: {  	[sflag:s20] =	ssyncadd.s32 $0xFFFFE000  }
0xba: {  	_ =	swait.ge [sflag:s21], $0x2000  }
0xbb: {  	s25 =	smov.u32 s29;
	s24 =	sshra.s32 s28, $0x2;
	[sflag:s21] =	ssyncset.done $0x0  }
0xbc: {  	s25 =	sadd.s32 $0x13C00, s24;
	[sflag:s21] =	ssyncadd.s32 $0xFFFFE000  }
0xbd: {  	[tilespmem:s16], [sflag:$0x1] =	stream.indirect.gather [spmem:s2], $0x40, s25, s15, $0xb8;
	[tilespmem:$0x1E400] =	vst v63  }
0xbe: {  	s26 =	sadd.s32 $0x13C80, s24  }
0xbf: {  	[tilespmem:s17], [sflag:$0x2] =	stream.indirect.gather [spmem:s2], $0x40, s26, s15, $0xb8;
	[tilespmem:$0x1E400] =	vst v63  }
0xc0: {  	_ =	swait.ge [sflag:s18], $0x2000  }
0xc1: {  	[sflag:s18] =	ssyncset.done $0x0  }
0xc2: {  	s28 =	sadd.s32 $0x15000, s24;
	[sflag:s18] =	ssyncadd.s32 $0xFFFFE000  }
0xc3: {  	[spmem:s3] =	stream.indirect.scatter.add.f32 [tilespmem:s16], [sflag:$0x3], $0x40, s28, s15, $0xb8;
	[tilespmem:$0x1E400] =	vst v63  }
0xc4: {  	_ =	swait.ge [sflag:s19], $0x2000  }
0xc5: {  	[sflag:s19] =	ssyncset.done $0x0  }
0xc6: {  	s29 =	sadd.s32 $0x15080, s24;
	[sflag:s19] =	ssyncadd.s32 $0xFFFFE000  }
0xc7: {  	[spmem:s3] =	stream.indirect.scatter.add.f32 [tilespmem:s17], [sflag:$0x4], $0x40, s29, s15, $0xb8;
	[tilespmem:$0x1E400] =	vst v63  }
0xc8: {  	_ =	swait.ge [sflag:s20], $0x2000  }
0xc9: {  	[sflag:s20] =	ssyncset.done $0x0  }
0xca: {  	[sflag:s20] =	ssyncadd.s32 $0xFFFFE000  }
0xcb: {  	_ =	swait.ge [sflag:s21], $0x2000  }
0xcc: {  	[sflag:s21] =	ssyncset.done $0x0  }
0xcd: {  	s30 =	sadd.s32 $0x780, s7;
	s31 =	simm.s32 $0x0;
	[sflag:s21] =	ssyncadd.s32 $0xFFFFE000  }
0xce: {  	[tilespmem:s13], [sflag:$0x5] =	stream.linear.gather [hbm4b:s30+s31], $0x1400, $0x38;
	[tilespmem:$0x1E400] =	vst v63  }
0xcf: {  	_ =	swait.ge [sflag:s11], $0x1400  }
0xd0: {  	[sflag:s11] =	ssyncset.done $0x0  }
0xd1: {  	s26 =	sadd.s32 $0x780, s8;
	[sflag:s11] =	ssyncadd.s32 $0xFFFFEC00  }
0xd2: {  	[tilespmem:s14], [sflag:$0x5] =	stream.linear.gather [hbm4b:s26+s31], $0x1400, $0x38;
	[tilespmem:$0x1E400] =	vst v63  }
0xd3: {  	_ =	swait.ge [sflag:s11], $0x1400  }
0xd4: {  	[sflag:s11] =	ssyncset.done $0x0  }
0xd5: {  	s28 =	simm.s32 $0x13C00;
	[sflag:s11] =	ssyncadd.s32 $0xFFFFEC00  }
0xd6: {  	[tilespmem:s16], [sflag:$0x1] =	stream.indirect.gather [spmem:s2], $0x40, s28, s15, $0xb8;
	[tilespmem:$0x1E400] =	vst v63  }
0xd7: {  	s29 =	simm.s32 $0x13C80  }
0xd8: {  	[tilespmem:s17], [sflag:$0x2] =	stream.indirect.gather [spmem:s2], $0x40, s29, s15, $0xb8;
	[tilespmem:$0x1E400] =	vst v63  }
0xd9: {  	_ =	swait.ge [sflag:s18], $0x2000  }
0xda: {  	[sflag:s18] =	ssyncset.done $0x0  }
0xdb: {  	s30 =	simm.s32 $0x15000;
	[sflag:s18] =	ssyncadd.s32 $0xFFFFE000  }
0xdc: {  	[spmem:s3] =	stream.indirect.scatter.add.f32 [tilespmem:s16], [sflag:$0x3], $0x40, s30, s15, $0xb8;
	[tilespmem:$0x1E400] =	vst v63  }
0xdd: {  	_ =	swait.ge [sflag:s19], $0x2000  }
0xde: {  	[sflag:s19] =	ssyncset.done $0x0  }
0xdf: {  	s31 =	simm.s32 $0x15080;
	[sflag:s19] =	ssyncadd.s32 $0xFFFFE000  }
0xe0: {  	[spmem:s3] =	stream.indirect.scatter.add.f32 [tilespmem:s17], [sflag:$0x4], $0x40, s31, s15, $0xb8;
	[tilespmem:$0x1E400] =	vst v63  }
0xe1: {  	_ =	swait.ge [sflag:s20], $0x2000  }
0xe2: {  	[sflag:s20] =	ssyncset.done $0x0  }
0xe3: {  	[sflag:s20] =	ssyncadd.s32 $0xFFFFE000  }
0xe4: {  	_ =	swait.ge [sflag:s21], $0x2000  }
0xe5: {  	s24 =	simm.s32 $0x100;
	s25 =	simm.s32 $0x800;
	[sflag:s21] =	ssyncset.done $0x0  }
.LBB2_8:
0xe6: {  	s26 =	sadd.s32 $0x13C00, s24  }
0xe7: {  	[sflag:s21] =	ssyncadd.s32 $0xFFFFE000;
	s28 =	smov.u32 s25;
	s29 =	sadd.s32 $0x400, s25  }
0xe8: {  	[tilespmem:s16], [sflag:$0x1] =	stream.indirect.gather [spmem:s2], $0x40, s26, s15, $0xb8;
	[tilespmem:$0x1E400] =	vst v63  }
0xe9: {  	p0 =	sne.s32 s25, $0x4C00;
	s25 =	sadd.s32 $0x13C80, s24  }
0xea: {  	[tilespmem:s17], [sflag:$0x2] =	stream.indirect.gather [spmem:s2], $0x40, s25, s15, $0xb8;
	[tilespmem:$0x1E400] =	vst v63  }
0xeb: {  	_ =	swait.ge [sflag:s18], $0x2000  }
0xec: {  	[sflag:s18] =	ssyncset.done $0x0  }
0xed: {  	s25 =	sadd.s32 $0x15000, s24;
	[sflag:s18] =	ssyncadd.s32 $0xFFFFE000  }
0xee: {  	[spmem:s3] =	stream.indirect.scatter.add.f32 [tilespmem:s16], [sflag:$0x3], $0x40, s25, s15, $0xb8;
	[tilespmem:$0x1E400] =	vst v63  }
0xef: {  	_ =	swait.ge [sflag:s19], $0x2000  }
0xf0: {  	[sflag:s19] =	ssyncset.done $0x0  }
0xf1: {  	s24 =	sadd.s32 $0x15080, s24;
	[sflag:s19] =	ssyncadd.s32 $0xFFFFE000  }
0xf2: {  	[spmem:s3] =	stream.indirect.scatter.add.f32 [tilespmem:s17], [sflag:$0x4], $0x40, s24, s15, $0xb8;
	[tilespmem:$0x1E400] =	vst v63  }
.Ltmp3:
0xf3: {  	_ =	swait.ge [sflag:s20], $0x2000;
	(pc) =	sbr.rel @p0 .LBB2_8-.Ltmp3, $4  }
0xf4: {  	[sflag:s20] =	ssyncset.done $0x0  }
0xf5: {  	[sflag:s20] =	ssyncadd.s32 $0xFFFFE000  }
0xf6: {  	_ =	swait.ge [sflag:s21], $0x2000  }
0xf7: {  	s25 =	smov.u32 s29;
	s24 =	sshra.s32 s28, $0x2;
	[sflag:s21] =	ssyncset.done $0x0  }
0xf8: {  	s25 =	sadd.s32 $0x13C00, s24;
	[sflag:s21] =	ssyncadd.s32 $0xFFFFE000  }
0xf9: {  	[tilespmem:s16], [sflag:$0x1] =	stream.indirect.gather [spmem:s2], $0x40, s25, s15, $0xb8;
	[tilespmem:$0x1E400] =	vst v63  }
0xfa: {  	s29 =	sadd.s32 $0x13C80, s24  }
0xfb: {  	[tilespmem:s17], [sflag:$0x2] =	stream.indirect.gather [spmem:s2], $0x40, s29, s15, $0xb8;
	[tilespmem:$0x1E400] =	vst v63  }
0xfc: {  	_ =	swait.ge [sflag:s18], $0x2000  }
0xfd: {  	[sflag:s18] =	ssyncset.done $0x0  }
0xfe: {  	s30 =	sadd.s32 $0x15000, s24;
	[sflag:s18] =	ssyncadd.s32 $0xFFFFE000  }
0xff: {  	[spmem:s3] =	stream.indirect.scatter.add.f32 [tilespmem:s16], [sflag:$0x3], $0x40, s30, s15, $0xb8;
	[tilespmem:$0x1E400] =	vst v63  }
0x100: {  	_ =	swait.ge [sflag:s19], $0x2000  }
0x101: {  	[sflag:s19] =	ssyncset.done $0x0  }
0x102: {  	s31 =	sadd.s32 $0x15080, s24;
	[sflag:s19] =	ssyncadd.s32 $0xFFFFE000  }
0x103: {  	[spmem:s3] =	stream.indirect.scatter.add.f32 [tilespmem:s17], [sflag:$0x4], $0x40, s31, s15, $0xb8;
	[tilespmem:$0x1E400] =	vst v63  }
0x104: {  	_ =	swait.ge [sflag:s20], $0x2000  }
0x105: {  	[sflag:s20] =	ssyncset.done $0x0  }
0x106: {  	[sflag:s20] =	ssyncadd.s32 $0xFFFFE000  }
0x107: {  	_ =	swait.ge [sflag:s21], $0x2000  }
0x108: {  	s23 =	sadd.s32 $0x1, s23;
	[sflag:s21] =	ssyncset.done $0x0  }
0x109: {  	p0 =	sne.s32 s23, s9;
	[sflag:s21] =	ssyncadd.s32 $0xFFFFE000  }
.Ltmp4:
0x10a: {  	[bflag:$0x0] =	sbarrier.arrive $0xFFFF;
	(pc) =	sbr.rel @p0 .LBB2_1-.Ltmp4, $4  }
0x10b: {  	[hbm:s22], [sflag:s6] =	dma.local [spmem:s12], $0x2780  }
0x10c: {  	_ =	swait.ge [sflag:s11], $0x2780  }
0x10d: {  	[sflag:s11] =	ssyncset.done $0x0  }
0x10e: {  	[sflag:s11] =	ssyncadd.s32 $0xFFFFD880  }
0x10f: {  	_ =	sfence.sel $0x180000  }
0x110: {  	[bflag:$0x0] =	sbarrier.arrive $0xFFFF  }
0x111: {  	p0 =	sne.s32 s0, $0x0;
	_ =	strace $0x9000004A  }
0x112: {  	s0 =	sadd.s32 @!p0 $0x100000, s1;
	[bflag:$0x2] =	sbarrier.arrive $0xFFFF  }
0x113: {  	[sflag:s0] =	ssyncadd.tile.s32 @!p0 $0x1;
	_ =	shalt  }
.Lfunc_end2:
_tile_overlayer_lowered:
.L_overlay_start_2:
0x114: {  	(tag) =	ssettag $0x2  }
0x115: {  	s0 =	rddreg [dreg:$0x0];
	s2 =	stileid.u32  }
0x116: {  	s1 =	rddreg [dreg:$0x1];
	p0 =	sne.s32 s2, $0x0  }
0x117: {  	s3 =	rddreg [dreg:$0x2];
	[bflag:$0x3] =	sbarrier.arrive $0xFFFF;
	s2 =	simm.s32 @!p0 $0x1C05  }
0x118: {  	[timem:s3], [sflag:s2] =	dma.local @!p0 [hbm:s0], s1  }
0x119: {  	s0 =	simm.s32 @!p0 $0x5  }
0x11a: {  	_ =	swait.ge @!p0 [sflag:s0], s1  }
0x11b: {  	s1 =	ssub.s32 @!p0 $0x0, s1;
	[sflag:s0] =	ssyncset.done @!p0 $0x0  }
0x11c: {  	[sflag:s0] =	ssyncadd.s32 @!p0 s1  }
0x11d: {  	[bflag:$0x3] =	sbarrier.arrive $0xFFFF  }
0x11e: {  	_ =	shalt  }

// kernel: kernel.14.cloned.1.call-start
scs
__scs_entry_jumppad:
0x0: {  	(pc) =	sbr.rel $0x88, $3  }
0x1: {  	(tag) =	ssettag $0x0;
	lr =	simm.s32 $0x1  }
0x2: {  	[smem:$0x3F88] =	sst lr;
	_ =	strace $0xD0000000  }
0x3: {  	_ = 	snop  }
0x4: {  	_ = 	snop  }
0x5: {  	_ = 	snop  }
0x6: {  	_ = 	snop  }
0x7: {  	_ = 	snop  }
__scs_overlays_trampoline_lowered:
0x8: {  	[smem:$0x3F97] =	sst s0  }
0x9: {  	[smem:$0x3F98] =	sst s1  }
0xa: {  	[smem:$0x3F99] =	sst s2  }
0xb: {  	[smem:$0x3F9A] =	sst s3  }
0xc: {  	[smem:$0x3F9B] =	sst s4  }
0xd: {  	[smem:$0x3F9C] =	sst s5  }
0xe: {  	[smem:$0x3F9D] =	sst s6  }
0xf: {  	[smem:$0x3F9E] =	sst s7  }
0x10: {  	[smem:$0x3F9F] =	sst s8  }
0x11: {  	[smem:$0x3FA0] =	sst s9;
	s0 =	simm.s32 @!p0 $0x0  }
0x12: {  	s1 =	sld [smem:$0x3F86];
	s0 =	simm.s32 @p0 $0x1  }
0x13: {  	[smem:$0x3FA1] =	sst s0;
	s0 =	simm.s32 @!p1 $0x0  }
0x14: {  	s2 =	sld [smem:$0x3F85];
	s0 =	simm.s32 @p1 $0x1  }
0x15: {  	[smem:$0x3FA2] =	sst s0;
	s0 =	simm.s32 @!p2 $0x0  }
0x16: {  	s3 =	sld [smem:$0x3FDB];
	s0 =	simm.s32 @p2 $0x1  }
0x17: {  	s4 =	simm.s32 $0x1BF5;
	[smem:$0x3FA4] =	sst s0  }
0x18: {  	s0 =	sld [smem:$0x3F87];
	_ =	swait.ge [sflag:s4], $0x0  }
0x19: {  	s7 =	sld [smem:$0x3F88]  }
0x1a: {  	s8 =	sadd.s32 $0xFFFFE003, lr  }
0x1b: {  	s9 =	sadd.s32 $0xFFFFFEF7, lr;
	s5 =	simm.s32 $0xFFFFFFFF;
	p2 =	slt.u32 s8, $0xFFFFF086  }
0x1c: {  	p1 =	slt.u32 s9, $0xF7A;
	s5 =	simm.s32 @!p2 $0x0  }
0x1d: {  	s5 =	simm.s32 @p1 $0x1;
	p0 =	seq.s32 s7, s2  }
0x1e: {  	s7 =	smul.u32 @!p0 $0xF7A, s2;
	p2 =	seq.s32 @!p0 s5, $0x0  }
0x1f: {  	s9 =	smul.u32 $0xF7A, s1;
	s8 =	simm.s32 @!p0 $0x1BF5;
	p2 =	por !p2, p0  }
0x20: {  	[sflag:s8] =	ssyncset.s32 @!p0 $0xFFFFF086;
	s6 =	sadd.s32 @!p0 s3, s7;
	s7 =	simm.s32 @!p0 $0x108  }
0x21: {  	s3 =	sadd.s32 s3, s9;
	s6 =	sadd.s32 @!p0 $0x88, s6;
	s7 =	simm.s32 @p2 $0x1082  }
0x22: {  	[simem:s7], [sflag:s8] =	dma.local @!p0 [hbm:s6], $0xF7A  }
0x23: {  	s9 =	sor.u32 $0xD0000000, s2;
	s6 =	simm.s32 $0x108;
	_ =	swait.ge @!p0 [sflag:s8], $0x0  }
0x24: {  	s3 =	sadd.s32 $0x88, s3;
	s6 =	simm.s32 @!p1 $0x1082;
	[sflag:s4] =	ssyncset.s32 $0xFFFFF086  }
0x25: {  	[simem:s6], [sflag:s4] =	dma.local [hbm:s3], $0xF7A  }
0x26: {  	[smem:$0x3F88] =	sst s1;
	(tag) =	ssettag s2;
	_ =	strace s9  }
0x27: {  	s1 =	sld [smem:$0x3F98]  }
0x28: {  	s2 =	sld [smem:$0x3F99]  }
0x29: {  	s4 =	sld [smem:$0x3F9B]  }
0x2a: {  	p0 =	seq.s32 s5, $0x0;
	s5 =	sld [smem:$0x3F9C]  }
0x2b: {  	s6 =	sld [smem:$0x3F9D]  }
0x2c: {  	s7 =	sld [smem:$0x3F9E]  }
0x2d: {  	s3 =	simm.s32 $0x108;
	s8 =	sld [smem:$0x3F9F]  }
0x2e: {  	s3 =	simm.s32 @!p0 $0x1082;
	s9 =	sld [smem:$0x3FA0]  }
0x2f: {  	lr =	sadd.s32 s0, s3;
	s0 =	sld [smem:$0x3F97]  }
0x30: {  	s3 =	sld [smem:$0x3F9A]  }
0x31: {  	[smem:$0x3FA3] =	sst s10  }
0x32: {  	s10 =	sld [smem:$0x3FA1];
	_ =	sdelay $0x3  }
0x33: {  	p0 =	seq.s32 s10, $0x1;
	s10 =	sld [smem:$0x3FA3];
	_ =	sdelay $0x3  }
0x34: {  	[smem:$0x3FA3] =	sst s10  }
0x35: {  	s10 =	sld [smem:$0x3FA2];
	_ =	sdelay $0x3  }
0x36: {  	p1 =	seq.s32 s10, $0x1;
	s10 =	sld [smem:$0x3FA3];
	_ =	sdelay $0x3  }
0x37: {  	[smem:$0x3FA3] =	sst s10  }
0x38: {  	s10 =	sld [smem:$0x3FA4]  }
0x39: {  	_ = 	snop;
	(pc) =	sbr.ind lr, $3  }
0x3a: {  	_ = 	snop  }
0x3b: {  	_ = 	snop  }
0x3c: {  	p2 =	seq.s32 s10, $0x1;
	s10 =	sld [smem:$0x3FA3]  }
0x3d: {  	_ =	shalt  }
0x3e: {  	_ =	shalt  }
0x3f: {  	_ =	shalt  }
0x40: {  	_ =	shalt  }
0x41: {  	_ =	shalt  }
0x42: {  	_ =	shalt  }
0x43: {  	_ =	shalt  }
0x44: {  	_ =	shalt  }
0x45: {  	_ =	shalt  }
0x46: {  	_ =	shalt  }
0x47: {  	_ =	shalt  }
0x48: {  	_ =	shalt  }
0x49: {  	_ =	shalt  }
0x4a: {  	_ =	shalt  }
0x4b: {  	_ =	shalt  }
0x4c: {  	_ =	shalt  }
0x4d: {  	_ =	shalt  }
0x4e: {  	_ =	shalt  }
0x4f: {  	_ =	shalt  }
0x50: {  	_ =	shalt  }
0x51: {  	_ =	shalt  }
0x52: {  	_ =	shalt  }
0x53: {  	_ =	shalt  }
0x54: {  	_ =	shalt  }
0x55: {  	_ =	shalt  }
0x56: {  	_ =	shalt  }
0x57: {  	_ =	shalt  }
0x58: {  	_ =	shalt  }
0x59: {  	_ =	shalt  }
0x5a: {  	_ =	shalt  }
0x5b: {  	_ =	shalt  }
0x5c: {  	_ =	shalt  }
0x5d: {  	_ =	shalt  }
0x5e: {  	_ =	shalt  }
0x5f: {  	_ =	shalt  }
0x60: {  	_ =	shalt  }
0x61: {  	_ =	shalt  }
0x62: {  	_ =	shalt  }
0x63: {  	_ =	shalt  }
0x64: {  	_ =	shalt  }
0x65: {  	_ =	shalt  }
0x66: {  	_ =	shalt  }
0x67: {  	_ =	shalt  }
0x68: {  	_ =	shalt  }
0x69: {  	_ =	shalt  }
0x6a: {  	_ =	shalt  }
0x6b: {  	_ =	shalt  }
0x6c: {  	_ =	shalt  }
0x6d: {  	_ =	shalt  }
0x6e: {  	_ =	shalt  }
0x6f: {  	_ =	shalt  }
0x70: {  	_ =	shalt  }
0x71: {  	_ =	shalt  }
0x72: {  	_ =	shalt  }
0x73: {  	_ =	shalt  }
0x74: {  	_ =	shalt  }
0x75: {  	_ =	shalt  }
0x76: {  	_ =	shalt  }
0x77: {  	_ =	shalt  }
0x78: {  	_ =	shalt  }
0x79: {  	_ =	shalt  }
0x7a: {  	_ =	shalt  }
0x7b: {  	_ =	shalt  }
0x7c: {  	_ =	shalt  }
0x7d: {  	_ =	shalt  }
0x7e: {  	_ =	shalt  }
0x7f: {  	_ =	shalt  }
0x80: {  	_ =	shalt  }
0x81: {  	_ =	shalt  }
0x82: {  	_ =	shalt  }
0x83: {  	_ =	shalt  }
0x84: {  	_ =	shalt  }
0x85: {  	_ =	shalt  }
0x86: {  	_ =	shalt  }
0x87: {  	_ =	shalt  }
.Lfunc_end0:
.L_simem_size_0:
called_computation.2_lowered:
.L_overlay_start_0:
0x88: {  	s2 =	sld [smem:$0x3FD9]  }
0x89: {  	s3 =	sld [smem:$0x3FFE];
	_ =	sdelay $0x1  }
0x8a: {  	s1 =	srdreg.scid  }
0x8b: {  	s0 =	sand.u32 $0x1, s1  }
0x8c: {  	s16 =	sshll.u32 s0, $0xA;
	s2 =	sadd.s32 s3, s2  }
0x8d: {  	s2 =	sadd.s32 s2, s16  }
0x8e: {  	[smem:$0x3FAF] =	sst s2  }
0x8f: {  	_ = 	snop  }
0x90: {  	(tm) =	ssettm $0x1  }
0x91: {  	s17 =	sld [smem:$0x3FFB];
	_ =	sdelay $0x3  }
0x92: {  	_ =	strace s17  }
0x93: {  	s2 =	sld [smem:$0x3FFC];
	_ =	sdelay $0x3  }
0x94: {  	_ =	strace s2  }
0x95: {  	s2 =	sld [smem:$0x3FFD];
	_ =	sdelay $0x3  }
0x96: {  	_ =	strace s2  }
0x97: {  	_ =	strace $0x8FFFFFFF  }
0x98: {  	s18 =	sld [smem:$0x3FDB];
	_ =	sdelay $0x1  }
0x99: {  	s19 =	simm.s32 $_scs_section_size  }
0x9a: {  	s4 =	simm.s32 $_size__tile_overlayer_lowered;
	s5 =	simm.s32 $_tile_overlayer_lowered  }
0x9b: {  	s22 =	simm.s32 $0x1BFF;
	s21 =	sshll.u32 s5, $0x1;
	s2 =	sadd.s32 s19, s18  }
0x9c: {  	s6 =	simm.s32 $0x0;
	s20 =	sshll.u32 s4, $0x1;
	s4 =	sadd.s32 s21, s2  }
0x9d: {  	[timem:s6], [sflag:s22] =	dma.local [hbm:s4], s20  }
0x9e: {  	_ =	swait.ge [sflag:s22], s20  }
0x9f: {  	s3 =	ssub.s32 $0x0, s20;
	[sflag:s22] =	ssyncset.done $0x0  }
0xa0: {  	[sflag:s22] =	ssyncadd.s32 s3;
	_ =	sdelay $0x1  }
0xa1: {  	s23 =	simm.s32 $0x1B8B  }
0xa2: {  	_ =	swait.ge [sflag:s23], $0x1  }
0xa3: {  	[sflag:s23] =	ssyncset.done $0x0  }
0xa4: {  	s25 =	simm.s32 $0x1B8E;
	s24 =	sld [smem:$0x3FFE];
	[sflag:s23] =	ssyncadd.s32 $0xFFFFFFFF  }
0xa5: {  	s26 =	simm.s32 $execute0_lowered;
	[smem:$0x3FD2] =	sst s25  }
0xa6: {  	s4 =	sshll.u32 s26, $0x1;
	_ =	strace $0x8000004C;
	[dreg:$0x1] =	wrdreg $0xFFFFFFFF  }
0xa7: {  	s28 =	simm.s32 $_size_execute0_lowered;
	s2 =	sadd.s32 s2, s4;
	[dreg:$0x0] =	wrdreg $0x0  }
0xa8: {  	s4 =	sshll.u32 s28, $0x1;
	[dreg:$0x2] =	wrdreg s2  }
0xa9: {  	[dreg:$0x3] =	wrdreg s4  }
0xaa: {  	[dreg:$0x4] =	wrdreg $0xC0  }
0xab: {  	_ =	task [dreg:s6], $0x5FFFF  }
0xac: {  	[dreg:$0x1] =	wrdreg $0xFFFFFFFF  }
0xad: {  	[dreg:$0x0] =	wrdreg $0x60  }
0xae: {  	[dreg:$0x2] =	wrdreg s24  }
0xaf: {  	[dreg:$0x3] =	wrdreg $0x0  }
0xb0: {  	[dreg:$0x4] =	wrdreg $0x9E000  }
0xb1: {  	[dreg:$0x5] =	wrdreg $0x9  }
0xb2: {  	_ =	task.clear_ibuf [dreg:s6], $0x6FFFF;
	_ =	strace $0x9000004C  }
0xb3: {  	s29 =	simm.s32 $0x9;
	_ =	strace $0x8000004E  }
0xb4: {  	_ =	swait.ge [sflag:s29], $0x1  }
0xb5: {  	[sflag:s29] =	ssyncadd.s32 $0xFFFFFFFF  }
0xb6: {  	_ =	strace $0x9000004E  }
0xb7: {  	_ =	sfence  }
0xb8: {  	s30 =	sld [smem:$0x0];
	_ =	sdelay $0x2  }
0xb9: {  	s31 =	sshll.u32 s1, $0xD;
	s1 =	sshrl.u32 s1, $0x2  }
0xba: {  	s3 =	sand.u32 $0x4000, s31;
	s1 =	sadd.s32 s1, s30  }
0xbb: {  	s0 =	sor.u32 s3, s0;
	s1 =	sshll.u32 s1, $0x11  }
0xbc: {  	s0 =	sor.u32 s1, s0  }
0xbd: {  	s0 =	sadd.s32 $0x8F2B, s0  }
0xbe: {  	[sflag:s0] =	ssyncadd.remote.s32 $0x1  }
0xbf: {  	_ =	sfence.sel $0xFFFF  }
0xc0: {  	[dreg:$0x0] =	wrdreg $0xFFFFFFFF;
	(pc) =	sbr.abs _section_cstart, $3  }
0xc1: {  	[dreg:$0x1] =	wrdreg $0xFFFFFFFF  }
0xc2: {  	_ =	task.clear_ibuf [dreg:s6], $0x2FFFF;
	_ =	strace $0x9FFFFFFF  }
0xc3: {  	(tm) =	ssettm $0x7FFFFFFF  }
tec
execute0_lowered:
.L_overlay_start_1:
0x0: {  	(tag) =	ssettag $0x1  }
0x1: {  	s5 =	rddreg [dreg:$0x0]  }
0x2: {  	s2 =	rddreg [dreg:$0x1]  }
0x3: {  	s0 =	stileid.u32;
	s1 =	srdreg.scid  }
0x4: {  	s3 =	rddreg [dreg:$0x2];
	s4 =	simm.s32 $0x0;
	s15 =	simm.s32 $0x80  }
0x5: {  	s16 =	simm.s32 $0x16400;
	s17 =	simm.s32 $0x1A400;
	s18 =	simm.s32 $0x1  }
0x6: {  	s19 =	simm.s32 $0x2;
	s20 =	simm.s32 $0x3;
	s6 =	smul.u32 $0xA00, s0  }
0x7: {  	s7 =	sand.u32 $0x1, s1;
	s1 =	rddreg [dreg:$0x3];
	s9 =	smul.u32 $0x13C00, s0  }
0x8: {  	s21 =	simm.s32 $0x4;
	[smem:$0x7FF] =	sst s4;
	s22 =	smul.u32 $0x2780, s0  }
0x9: {  	s31 =	sshll.u32 s0, $0x6;
	s8 =	smul.u32 $0x27800, s7;
	s7 =	ssub.s32 $0x2, s7  }
0xa: {  	_ =	strace $0x8000004D;
	s10 =	sshrl.u32 s7, $0x1;
	s11 =	sadd.s32 s6, s5  }
0xb: {  	s13 =	sadd.s32 s9, s2;
	s6 =	sor.u32 $0x1C05, s31;
	s14 =	sadd.s32 s9, s3  }
0xc: {  	s12 =	sadd.s32 s8, s5;
	s10 =	ssub.s32 s7, s10;
	s7 =	sadd.s32 $0x4000, s11  }
0xd: {  	s8 =	sadd.s32 $0xE000, s11;
	s11 =	simm.s32 $0x5;
	s5 =	sadd.s32 s22, s12  }
0xe: {  	s23 =	sadd.s32 $0x67000, s12;
	s9 =	smax.u32 s10, $0x1;
	s10 =	sshrl.u32 s13, $0x3  }
0xf: {  	s12 =	sshrl.u32 s14, $0x3;
	s13 =	simm.s32 $0x13C00;
	s14 =	simm.s32 $0x15000  }
0x10: {  	s5 =	sadd.s32 $0x18000, s5;
	s22 =	sadd.s32 s22, s23;
	s23 =	simm.s32 $0x0  }
.LBB2_1:
0x11: {  	[spmem:s10], [sflag:s6] =	dma.local [hbm:s5], $0x2780  }
0x12: {  	_ =	swait.ge [sflag:s11], $0x2780  }
0x13: {  	[sflag:s11] =	ssyncset.done $0x0  }
0x14: {  	[sflag:s11] =	ssyncadd.s32 $0xFFFFD880  }
0x15: {  	[spmem:s12], [sflag:s6] =	dma.local [hbm:s5], $0x2780  }
0x16: {  	_ =	swait.ge [sflag:s11], $0x2780  }
0x17: {  	[sflag:s11] =	ssyncset.done $0x0  }
0x18: {  	[sflag:s11] =	ssyncadd.s32 $0xFFFFD880  }
0x19: {  	[bflag:$0x0] =	sbarrier.arrive $0xFFFF  }
0x1a: {  	[tilespmem:s13], [sflag:$0x5] =	stream.linear.gather [hbm4b:s7+s4], $0x1400, $0x38;
	[tilespmem:$0x1E400] =	vst v63  }
0x1b: {  	_ =	swait.ge [sflag:s11], $0x1400  }
0x1c: {  	[sflag:s11] =	ssyncset.done $0x0  }
0x1d: {  	[sflag:s11] =	ssyncadd.s32 $0xFFFFEC00  }
0x1e: {  	[tilespmem:s14], [sflag:$0x5] =	stream.linear.gather [hbm4b:s8+s4], $0x1400, $0x38;
	[tilespmem:$0x1E400] =	vst v63  }
0x1f: {  	_ =	swait.ge [sflag:s11], $0x1400  }
0x20: {  	[sflag:s11] =	ssyncset.done $0x0  }
0x21: {  	s24 =	simm.s32 $0x13C00;
	[sflag:s11] =	ssyncadd.s32 $0xFFFFEC00  }
0x22: {  	[tilespmem:s16], [sflag:$0x1] =	stream.indirect.gather [spmem:s2], $0x40, s24, s15, $0xb8;
	[tilespmem:$0x1E400] =	vst v63  }
0x23: {  	s29 =	simm.s32 $0x13C80  }
0x24: {  	[tilespmem:s17], [sflag:$0x2] =	stream.indirect.gather [spmem:s2], $0x40, s29, s15, $0xb8;
	[tilespmem:$0x1E400] =	vst v63  }
0x25: {  	_ =	swait.ge [sflag:s18], $0x2000  }
0x26: {  	[sflag:s18] =	ssyncset.done $0x0  }
0x27: {  	s30 =	simm.s32 $0x15000;
	[sflag:s18] =	ssyncadd.s32 $0xFFFFE000  }
0x28: {  	[spmem:s3] =	stream.indirect.scatter.add.f32 [tilespmem:s16], [sflag:$0x3], $0x40, s30, s15, $0xb8;
	[tilespmem:$0x1E400] =	vst v63  }
0x29: {  	_ =	swait.ge [sflag:s19], $0x2000  }
0x2a: {  	[sflag:s19] =	ssyncset.done $0x0  }
0x2b: {  	s31 =	simm.s32 $0x15080;
	[sflag:s19] =	ssyncadd.s32 $0xFFFFE000  }
0x2c: {  	[spmem:s3] =	stream.indirect.scatter.add.f32 [tilespmem:s17], [sflag:$0x4], $0x40, s31, s15, $0xb8;
	[tilespmem:$0x1E400] =	vst v63  }
0x2d: {  	_ =	swait.ge [sflag:s20], $0x2000  }
0x2e: {  	[sflag:s20] =	ssyncset.done $0x0  }
0x2f: {  	[sflag:s20] =	ssyncadd.s32 $0xFFFFE000  }
0x30: {  	_ =	swait.ge [sflag:s21], $0x2000  }
0x31: {  	s25 =	simm.s32 $0x800;
	s24 =	simm.s32 $0x100;
	[sflag:s21] =	ssyncset.done $0x0  }
.LBB2_2:
0x32: {  	s26 =	sadd.s32 $0x13C00, s24  }
0x33: {  	[sflag:s21] =	ssyncadd.s32 $0xFFFFE000;
	s28 =	smov.u32 s25;
	s29 =	sadd.s32 $0x400, s25  }
0x34: {  	[tilespmem:s16], [sflag:$0x1] =	stream.indirect.gather [spmem:s2], $0x40, s26, s15, $0xb8;
	[tilespmem:$0x1E400] =	vst v63  }
0x35: {  	p0 =	sne.s32 s25, $0x4C00;
	s25 =	sadd.s32 $0x13C80, s24  }
0x36: {  	[tilespmem:s17], [sflag:$0x2] =	stream.indirect.gather [spmem:s2], $0x40, s25, s15, $0xb8;
	[tilespmem:$0x1E400] =	vst v63  }
0x37: {  	_ =	swait.ge [sflag:s18], $0x2000  }
0x38: {  	[sflag:s18] =	ssyncset.done $0x0  }
0x39: {  	s25 =	sadd.s32 $0x15000, s24;
	[sflag:s18] =	ssyncadd.s32 $0xFFFFE000  }
0x3a: {  	[spmem:s3] =	stream.indirect.scatter.add.f32 [tilespmem:s16], [sflag:$0x3], $0x40, s25, s15, $0xb8;
	[tilespmem:$0x1E400] =	vst v63  }
0x3b: {  	_ =	swait.ge [sflag:s19], $0x2000  }
0x3c: {  	[sflag:s19] =	ssyncset.done $0x0  }
0x3d: {  	s24 =	sadd.s32 $0x15080, s24;
	[sflag:s19] =	ssyncadd.s32 $0xFFFFE000  }
0x3e: {  	[spmem:s3] =	stream.indirect.scatter.add.f32 [tilespmem:s17], [sflag:$0x4], $0x40, s24, s15, $0xb8;
	[tilespmem:$0x1E400] =	vst v63  }
.Ltmp0:
0x3f: {  	_ =	swait.ge [sflag:s20], $0x2000;
	(pc) =	sbr.rel @p0 .LBB2_2-.Ltmp0, $4  }
0x40: {  	[sflag:s20] =	ssyncset.done $0x0  }
0x41: {  	[sflag:s20] =	ssyncadd.s32 $0xFFFFE000  }
0x42: {  	_ =	swait.ge [sflag:s21], $0x2000  }
0x43: {  	s25 =	smov.u32 s29;
	s24 =	sshra.s32 s28, $0x2;
	[sflag:s21] =	ssyncset.done $0x0  }
0x44: {  	s25 =	sadd.s32 $0x13C00, s24;
	[sflag:s21] =	ssyncadd.s32 $0xFFFFE000  }
0x45: {  	[tilespmem:s16], [sflag:$0x1] =	stream.indirect.gather [spmem:s2], $0x40, s25, s15, $0xb8;
	[tilespmem:$0x1E400] =	vst v63  }
0x46: {  	s26 =	sadd.s32 $0x13C80, s24  }
0x47: {  	[tilespmem:s17], [sflag:$0x2] =	stream.indirect.gather [spmem:s2], $0x40, s26, s15, $0xb8;
	[tilespmem:$0x1E400] =	vst v63  }
0x48: {  	_ =	swait.ge [sflag:s18], $0x2000  }
0x49: {  	[sflag:s18] =	ssyncset.done $0x0  }
0x4a: {  	s28 =	sadd.s32 $0x15000, s24;
	[sflag:s18] =	ssyncadd.s32 $0xFFFFE000  }
0x4b: {  	[spmem:s3] =	stream.indirect.scatter.add.f32 [tilespmem:s16], [sflag:$0x3], $0x40, s28, s15, $0xb8;
	[tilespmem:$0x1E400] =	vst v63  }
0x4c: {  	_ =	swait.ge [sflag:s19], $0x2000  }
0x4d: {  	[sflag:s19] =	ssyncset.done $0x0  }
0x4e: {  	s29 =	sadd.s32 $0x15080, s24;
	[sflag:s19] =	ssyncadd.s32 $0xFFFFE000  }
0x4f: {  	[spmem:s3] =	stream.indirect.scatter.add.f32 [tilespmem:s17], [sflag:$0x4], $0x40, s29, s15, $0xb8;
	[tilespmem:$0x1E400] =	vst v63  }
0x50: {  	_ =	swait.ge [sflag:s20], $0x2000  }
0x51: {  	[sflag:s20] =	ssyncset.done $0x0  }
0x52: {  	[sflag:s20] =	ssyncadd.s32 $0xFFFFE000  }
0x53: {  	_ =	swait.ge [sflag:s21], $0x2000  }
0x54: {  	[sflag:s21] =	ssyncset.done $0x0  }
0x55: {  	s30 =	sadd.s32 $0x280, s7;
	s31 =	simm.s32 $0x0;
	[sflag:s21] =	ssyncadd.s32 $0xFFFFE000  }
0x56: {  	[tilespmem:s13], [sflag:$0x5] =	stream.linear.gather [hbm4b:s30+s31], $0x1400, $0x38;
	[tilespmem:$0x1E400] =	vst v63  }
0x57: {  	_ =	swait.ge [sflag:s11], $0x1400  }
0x58: {  	[sflag:s11] =	ssyncset.done $0x0  }
0x59: {  	s26 =	sadd.s32 $0x280, s8;
	[sflag:s11] =	ssyncadd.s32 $0xFFFFEC00  }
0x5a: {  	[tilespmem:s14], [sflag:$0x5] =	stream.linear.gather [hbm4b:s26+s31], $0x1400, $0x38;
	[tilespmem:$0x1E400] =	vst v63  }
0x5b: {  	_ =	swait.ge [sflag:s11], $0x1400  }
0x5c: {  	[sflag:s11] =	ssyncset.done $0x0  }
0x5d: {  	s28 =	simm.s32 $0x13C00;
	[sflag:s11] =	ssyncadd.s32 $0xFFFFEC00  }
0x5e: {  	[tilespmem:s16], [sflag:$0x1] =	stream.indirect.gather [spmem:s2], $0x40, s28, s15, $0xb8;
	[tilespmem:$0x1E400] =	vst v63  }
0x5f: {  	s29 =	simm.s32 $0x13C80  }
0x60: {  	[tilespmem:s17], [sflag:$0x2] =	stream.indirect.gather [spmem:s2], $0x40, s29, s15, $0xb8;
	[tilespmem:$0x1E400] =	vst v63  }
0x61: {  	_ =	swait.ge [sflag:s18], $0x2000  }
0x62: {  	[sflag:s18] =	ssyncset.done $0x0  }
0x63: {  	s30 =	simm.s32 $0x15000;
	[sflag:s18] =	ssyncadd.s32 $0xFFFFE000  }
0x64: {  	[spmem:s3] =	stream.indirect.scatter.add.f32 [tilespmem:s16], [sflag:$0x3], $0x40, s30, s15, $0xb8;
	[tilespmem:$0x1E400] =	vst v63  }
0x65: {  	_ =	swait.ge [sflag:s19], $0x2000  }
0x66: {  	[sflag:s19] =	ssyncset.done $0x0  }
0x67: {  	s31 =	simm.s32 $0x15080;
	[sflag:s19] =	ssyncadd.s32 $0xFFFFE000  }
0x68: {  	[spmem:s3] =	stream.indirect.scatter.add.f32 [tilespmem:s17], [sflag:$0x4], $0x40, s31, s15, $0xb8;
	[tilespmem:$0x1E400] =	vst v63  }
0x69: {  	_ =	swait.ge [sflag:s20], $0x2000  }
0x6a: {  	[sflag:s20] =	ssyncset.done $0x0  }
0x6b: {  	[sflag:s20] =	ssyncadd.s32 $0xFFFFE000  }
0x6c: {  	_ =	swait.ge [sflag:s21], $0x2000  }
0x6d: {  	s24 =	simm.s32 $0x100;
	s25 =	simm.s32 $0x800;
	[sflag:s21] =	ssyncset.done $0x0  }
.LBB2_4:
0x6e: {  	s26 =	sadd.s32 $0x13C00, s24  }
0x6f: {  	[sflag:s21] =	ssyncadd.s32 $0xFFFFE000;
	s28 =	smov.u32 s25;
	s29 =	sadd.s32 $0x400, s25  }
0x70: {  	[tilespmem:s16], [sflag:$0x1] =	stream.indirect.gather [spmem:s2], $0x40, s26, s15, $0xb8;
	[tilespmem:$0x1E400] =	vst v63  }
0x71: {  	p0 =	sne.s32 s25, $0x4C00;
	s25 =	sadd.s32 $0x13C80, s24  }
0x72: {  	[tilespmem:s17], [sflag:$0x2] =	stream.indirect.gather [spmem:s2], $0x40, s25, s15, $0xb8;
	[tilespmem:$0x1E400] =	vst v63  }
0x73: {  	_ =	swait.ge [sflag:s18], $0x2000  }
0x74: {  	[sflag:s18] =	ssyncset.done $0x0  }
0x75: {  	s25 =	sadd.s32 $0x15000, s24;
	[sflag:s18] =	ssyncadd.s32 $0xFFFFE000  }
0x76: {  	[spmem:s3] =	stream.indirect.scatter.add.f32 [tilespmem:s16], [sflag:$0x3], $0x40, s25, s15, $0xb8;
	[tilespmem:$0x1E400] =	vst v63  }
0x77: {  	_ =	swait.ge [sflag:s19], $0x2000  }
0x78: {  	[sflag:s19] =	ssyncset.done $0x0  }
0x79: {  	s24 =	sadd.s32 $0x15080, s24;
	[sflag:s19] =	ssyncadd.s32 $0xFFFFE000  }
0x7a: {  	[spmem:s3] =	stream.indirect.scatter.add.f32 [tilespmem:s17], [sflag:$0x4], $0x40, s24, s15, $0xb8;
	[tilespmem:$0x1E400] =	vst v63  }
.Ltmp1:
0x7b: {  	_ =	swait.ge [sflag:s20], $0x2000;
	(pc) =	sbr.rel @p0 .LBB2_4-.Ltmp1, $4  }
0x7c: {  	[sflag:s20] =	ssyncset.done $0x0  }
0x7d: {  	[sflag:s20] =	ssyncadd.s32 $0xFFFFE000  }
0x7e: {  	_ =	swait.ge [sflag:s21], $0x2000  }
0x7f: {  	s25 =	smov.u32 s29;
	s24 =	sshra.s32 s28, $0x2;
	[sflag:s21] =	ssyncset.done $0x0  }
0x80: {  	s25 =	sadd.s32 $0x13C00, s24;
	[sflag:s21] =	ssyncadd.s32 $0xFFFFE000  }
0x81: {  	[tilespmem:s16], [sflag:$0x1] =	stream.indirect.gather [spmem:s2], $0x40, s25, s15, $0xb8;
	[tilespmem:$0x1E400] =	vst v63  }
0x82: {  	s26 =	sadd.s32 $0x13C80, s24  }
0x83: {  	[tilespmem:s17], [sflag:$0x2] =	stream.indirect.gather [spmem:s2], $0x40, s26, s15, $0xb8;
	[tilespmem:$0x1E400] =	vst v63  }
0x84: {  	_ =	swait.ge [sflag:s18], $0x2000  }
0x85: {  	[sflag:s18] =	ssyncset.done $0x0  }
0x86: {  	s28 =	sadd.s32 $0x15000, s24;
	[sflag:s18] =	ssyncadd.s32 $0xFFFFE000  }
0x87: {  	[spmem:s3] =	stream.indirect.scatter.add.f32 [tilespmem:s16], [sflag:$0x3], $0x40, s28, s15, $0xb8;
	[tilespmem:$0x1E400] =	vst v63  }
0x88: {  	_ =	swait.ge [sflag:s19], $0x2000  }
0x89: {  	[sflag:s19] =	ssyncset.done $0x0  }
0x8a: {  	s29 =	sadd.s32 $0x15080, s24;
	[sflag:s19] =	ssyncadd.s32 $0xFFFFE000  }
0x8b: {  	[spmem:s3] =	stream.indirect.scatter.add.f32 [tilespmem:s17], [sflag:$0x4], $0x40, s29, s15, $0xb8;
	[tilespmem:$0x1E400] =	vst v63  }
0x8c: {  	_ =	swait.ge [sflag:s20], $0x2000  }
0x8d: {  	[sflag:s20] =	ssyncset.done $0x0  }
0x8e: {  	[sflag:s20] =	ssyncadd.s32 $0xFFFFE000  }
0x8f: {  	_ =	swait.ge [sflag:s21], $0x2000  }
0x90: {  	[sflag:s21] =	ssyncset.done $0x0  }
0x91: {  	s30 =	sadd.s32 $0x500, s7;
	s31 =	simm.s32 $0x0;
	[sflag:s21] =	ssyncadd.s32 $0xFFFFE000  }
0x92: {  	[tilespmem:s13], [sflag:$0x5] =	stream.linear.gather [hbm4b:s30+s31], $0x1400, $0x38;
	[tilespmem:$0x1E400] =	vst v63  }
0x93: {  	_ =	swait.ge [sflag:s11], $0x1400  }
0x94: {  	[sflag:s11] =	ssyncset.done $0x0  }
0x95: {  	s26 =	sadd.s32 $0x500, s8;
	[sflag:s11] =	ssyncadd.s32 $0xFFFFEC00  }
0x96: {  	[tilespmem:s14], [sflag:$0x5] =	stream.linear.gather [hbm4b:s26+s31], $0x1400, $0x38;
	[tilespmem:$0x1E400] =	vst v63  }
0x97: {  	_ =	swait.ge [sflag:s11], $0x1400  }
0x98: {  	[sflag:s11] =	ssyncset.done $0x0  }
0x99: {  	s28 =	simm.s32 $0x13C00;
	[sflag:s11] =	ssyncadd.s32 $0xFFFFEC00  }
0x9a: {  	[tilespmem:s16], [sflag:$0x1] =	stream.indirect.gather [spmem:s2], $0x40, s28, s15, $0xb8;
	[tilespmem:$0x1E400] =	vst v63  }
0x9b: {  	s29 =	simm.s32 $0x13C80  }
0x9c: {  	[tilespmem:s17], [sflag:$0x2] =	stream.indirect.gather [spmem:s2], $0x40, s29, s15, $0xb8;
	[tilespmem:$0x1E400] =	vst v63  }
0x9d: {  	_ =	swait.ge [sflag:s18], $0x2000  }
0x9e: {  	[sflag:s18] =	ssyncset.done $0x0  }
0x9f: {  	s30 =	simm.s32 $0x15000;
	[sflag:s18] =	ssyncadd.s32 $0xFFFFE000  }
0xa0: {  	[spmem:s3] =	stream.indirect.scatter.add.f32 [tilespmem:s16], [sflag:$0x3], $0x40, s30, s15, $0xb8;
	[tilespmem:$0x1E400] =	vst v63  }
0xa1: {  	_ =	swait.ge [sflag:s19], $0x2000  }
0xa2: {  	[sflag:s19] =	ssyncset.done $0x0  }
0xa3: {  	s31 =	simm.s32 $0x15080;
	[sflag:s19] =	ssyncadd.s32 $0xFFFFE000  }
0xa4: {  	[spmem:s3] =	stream.indirect.scatter.add.f32 [tilespmem:s17], [sflag:$0x4], $0x40, s31, s15, $0xb8;
	[tilespmem:$0x1E400] =	vst v63  }
0xa5: {  	_ =	swait.ge [sflag:s20], $0x2000  }
0xa6: {  	[sflag:s20] =	ssyncset.done $0x0  }
0xa7: {  	[sflag:s20] =	ssyncadd.s32 $0xFFFFE000  }
0xa8: {  	_ =	swait.ge [sflag:s21], $0x2000  }
0xa9: {  	s24 =	simm.s32 $0x100;
	s25 =	simm.s32 $0x800;
	[sflag:s21] =	ssyncset.done $0x0  }
.LBB2_6:
0xaa: {  	s26 =	sadd.s32 $0x13C00, s24  }
0xab: {  	[sflag:s21] =	ssyncadd.s32 $0xFFFFE000;
	s28 =	smov.u32 s25;
	s29 =	sadd.s32 $0x400, s25  }
0xac: {  	[tilespmem:s16], [sflag:$0x1] =	stream.indirect.gather [spmem:s2], $0x40, s26, s15, $0xb8;
	[tilespmem:$0x1E400] =	vst v63  }
0xad: {  	p0 =	sne.s32 s25, $0x4C00;
	s25 =	sadd.s32 $0x13C80, s24  }
0xae: {  	[tilespmem:s17], [sflag:$0x2] =	stream.indirect.gather [spmem:s2], $0x40, s25, s15, $0xb8;
	[tilespmem:$0x1E400] =	vst v63  }
0xaf: {  	_ =	swait.ge [sflag:s18], $0x2000  }
0xb0: {  	[sflag:s18] =	ssyncset.done $0x0  }
0xb1: {  	s25 =	sadd.s32 $0x15000, s24;
	[sflag:s18] =	ssyncadd.s32 $0xFFFFE000  }
0xb2: {  	[spmem:s3] =	stream.indirect.scatter.add.f32 [tilespmem:s16], [sflag:$0x3], $0x40, s25, s15, $0xb8;
	[tilespmem:$0x1E400] =	vst v63  }
0xb3: {  	_ =	swait.ge [sflag:s19], $0x2000  }
0xb4: {  	[sflag:s19] =	ssyncset.done $0x0  }
0xb5: {  	s24 =	sadd.s32 $0x15080, s24;
	[sflag:s19] =	ssyncadd.s32 $0xFFFFE000  }
0xb6: {  	[spmem:s3] =	stream.indirect.scatter.add.f32 [tilespmem:s17], [sflag:$0x4], $0x40, s24, s15, $0xb8;
	[tilespmem:$0x1E400] =	vst v63  }
.Ltmp2:
0xb7: {  	_ =	swait.ge [sflag:s20], $0x2000;
	(pc) =	sbr.rel @p0 .LBB2_6-.Ltmp2, $4  }
0xb8: {  	[sflag:s20] =	ssyncset.done $0x0  }
0xb9: {  	[sflag:s20] =	ssyncadd.s32 $0xFFFFE000  }
0xba: {  	_ =	swait.ge [sflag:s21], $0x2000  }
0xbb: {  	s25 =	smov.u32 s29;
	s24 =	sshra.s32 s28, $0x2;
	[sflag:s21] =	ssyncset.done $0x0  }
0xbc: {  	s25 =	sadd.s32 $0x13C00, s24;
	[sflag:s21] =	ssyncadd.s32 $0xFFFFE000  }
0xbd: {  	[tilespmem:s16], [sflag:$0x1] =	stream.indirect.gather [spmem:s2], $0x40, s25, s15, $0xb8;
	[tilespmem:$0x1E400] =	vst v63  }
0xbe: {  	s26 =	sadd.s32 $0x13C80, s24  }
0xbf: {  	[tilespmem:s17], [sflag:$0x2] =	stream.indirect.gather [spmem:s2], $0x40, s26, s15, $0xb8;
	[tilespmem:$0x1E400] =	vst v63  }
0xc0: {  	_ =	swait.ge [sflag:s18], $0x2000  }
0xc1: {  	[sflag:s18] =	ssyncset.done $0x0  }
0xc2: {  	s28 =	sadd.s32 $0x15000, s24;
	[sflag:s18] =	ssyncadd.s32 $0xFFFFE000  }
0xc3: {  	[spmem:s3] =	stream.indirect.scatter.add.f32 [tilespmem:s16], [sflag:$0x3], $0x40, s28, s15, $0xb8;
	[tilespmem:$0x1E400] =	vst v63  }
0xc4: {  	_ =	swait.ge [sflag:s19], $0x2000  }
0xc5: {  	[sflag:s19] =	ssyncset.done $0x0  }
0xc6: {  	s29 =	sadd.s32 $0x15080, s24;
	[sflag:s19] =	ssyncadd.s32 $0xFFFFE000  }
0xc7: {  	[spmem:s3] =	stream.indirect.scatter.add.f32 [tilespmem:s17], [sflag:$0x4], $0x40, s29, s15, $0xb8;
	[tilespmem:$0x1E400] =	vst v63  }
0xc8: {  	_ =	swait.ge [sflag:s20], $0x2000  }
0xc9: {  	[sflag:s20] =	ssyncset.done $0x0  }
0xca: {  	[sflag:s20] =	ssyncadd.s32 $0xFFFFE000  }
0xcb: {  	_ =	swait.ge [sflag:s21], $0x2000  }
0xcc: {  	[sflag:s21] =	ssyncset.done $0x0  }
0xcd: {  	s30 =	sadd.s32 $0x780, s7;
	s31 =	simm.s32 $0x0;
	[sflag:s21] =	ssyncadd.s32 $0xFFFFE000  }
0xce: {  	[tilespmem:s13], [sflag:$0x5] =	stream.linear.gather [hbm4b:s30+s31], $0x1400, $0x38;
	[tilespmem:$0x1E400] =	vst v63  }
0xcf: {  	_ =	swait.ge [sflag:s11], $0x1400  }
0xd0: {  	[sflag:s11] =	ssyncset.done $0x0  }
0xd1: {  	s26 =	sadd.s32 $0x780, s8;
	[sflag:s11] =	ssyncadd.s32 $0xFFFFEC00  }
0xd2: {  	[tilespmem:s14], [sflag:$0x5] =	stream.linear.gather [hbm4b:s26+s31], $0x1400, $0x38;
	[tilespmem:$0x1E400] =	vst v63  }
0xd3: {  	_ =	swait.ge [sflag:s11], $0x1400  }
0xd4: {  	[sflag:s11] =	ssyncset.done $0x0  }
0xd5: {  	s28 =	simm.s32 $0x13C00;
	[sflag:s11] =	ssyncadd.s32 $0xFFFFEC00  }
0xd6: {  	[tilespmem:s16], [sflag:$0x1] =	stream.indirect.gather [spmem:s2], $0x40, s28, s15, $0xb8;
	[tilespmem:$0x1E400] =	vst v63  }
0xd7: {  	s29 =	simm.s32 $0x13C80  }
0xd8: {  	[tilespmem:s17], [sflag:$0x2] =	stream.indirect.gather [spmem:s2], $0x40, s29, s15, $0xb8;
	[tilespmem:$0x1E400] =	vst v63  }
0xd9: {  	_ =	swait.ge [sflag:s18], $0x2000  }
0xda: {  	[sflag:s18] =	ssyncset.done $0x0  }
0xdb: {  	s30 =	simm.s32 $0x15000;
	[sflag:s18] =	ssyncadd.s32 $0xFFFFE000  }
0xdc: {  	[spmem:s3] =	stream.indirect.scatter.add.f32 [tilespmem:s16], [sflag:$0x3], $0x40, s30, s15, $0xb8;
	[tilespmem:$0x1E400] =	vst v63  }
0xdd: {  	_ =	swait.ge [sflag:s19], $0x2000  }
0xde: {  	[sflag:s19] =	ssyncset.done $0x0  }
0xdf: {  	s31 =	simm.s32 $0x15080;
	[sflag:s19] =	ssyncadd.s32 $0xFFFFE000  }
0xe0: {  	[spmem:s3] =	stream.indirect.scatter.add.f32 [tilespmem:s17], [sflag:$0x4], $0x40, s31, s15, $0xb8;
	[tilespmem:$0x1E400] =	vst v63  }
0xe1: {  	_ =	swait.ge [sflag:s20], $0x2000  }
0xe2: {  	[sflag:s20] =	ssyncset.done $0x0  }
0xe3: {  	[sflag:s20] =	ssyncadd.s32 $0xFFFFE000  }
0xe4: {  	_ =	swait.ge [sflag:s21], $0x2000  }
0xe5: {  	s24 =	simm.s32 $0x100;
	s25 =	simm.s32 $0x800;
	[sflag:s21] =	ssyncset.done $0x0  }
.LBB2_8:
0xe6: {  	s26 =	sadd.s32 $0x13C00, s24  }
0xe7: {  	[sflag:s21] =	ssyncadd.s32 $0xFFFFE000;
	s28 =	smov.u32 s25;
	s29 =	sadd.s32 $0x400, s25  }
0xe8: {  	[tilespmem:s16], [sflag:$0x1] =	stream.indirect.gather [spmem:s2], $0x40, s26, s15, $0xb8;
	[tilespmem:$0x1E400] =	vst v63  }
0xe9: {  	p0 =	sne.s32 s25, $0x4C00;
	s25 =	sadd.s32 $0x13C80, s24  }
0xea: {  	[tilespmem:s17], [sflag:$0x2] =	stream.indirect.gather [spmem:s2], $0x40, s25, s15, $0xb8;
	[tilespmem:$0x1E400] =	vst v63  }
0xeb: {  	_ =	swait.ge [sflag:s18], $0x2000  }
0xec: {  	[sflag:s18] =	ssyncset.done $0x0  }
0xed: {  	s25 =	sadd.s32 $0x15000, s24;
	[sflag:s18] =	ssyncadd.s32 $0xFFFFE000  }
0xee: {  	[spmem:s3] =	stream.indirect.scatter.add.f32 [tilespmem:s16], [sflag:$0x3], $0x40, s25, s15, $0xb8;
	[tilespmem:$0x1E400] =	vst v63  }
0xef: {  	_ =	swait.ge [sflag:s19], $0x2000  }
0xf0: {  	[sflag:s19] =	ssyncset.done $0x0  }
0xf1: {  	s24 =	sadd.s32 $0x15080, s24;
	[sflag:s19] =	ssyncadd.s32 $0xFFFFE000  }
0xf2: {  	[spmem:s3] =	stream.indirect.scatter.add.f32 [tilespmem:s17], [sflag:$0x4], $0x40, s24, s15, $0xb8;
	[tilespmem:$0x1E400] =	vst v63  }
.Ltmp3:
0xf3: {  	_ =	swait.ge [sflag:s20], $0x2000;
	(pc) =	sbr.rel @p0 .LBB2_8-.Ltmp3, $4  }
0xf4: {  	[sflag:s20] =	ssyncset.done $0x0  }
0xf5: {  	[sflag:s20] =	ssyncadd.s32 $0xFFFFE000  }
0xf6: {  	_ =	swait.ge [sflag:s21], $0x2000  }
0xf7: {  	s25 =	smov.u32 s29;
	s24 =	sshra.s32 s28, $0x2;
	[sflag:s21] =	ssyncset.done $0x0  }
0xf8: {  	s25 =	sadd.s32 $0x13C00, s24;
	[sflag:s21] =	ssyncadd.s32 $0xFFFFE000  }
0xf9: {  	[tilespmem:s16], [sflag:$0x1] =	stream.indirect.gather [spmem:s2], $0x40, s25, s15, $0xb8;
	[tilespmem:$0x1E400] =	vst v63  }
0xfa: {  	s29 =	sadd.s32 $0x13C80, s24  }
0xfb: {  	[tilespmem:s17], [sflag:$0x2] =	stream.indirect.gather [spmem:s2], $0x40, s29, s15, $0xb8;
	[tilespmem:$0x1E400] =	vst v63  }
0xfc: {  	_ =	swait.ge [sflag:s18], $0x2000  }
0xfd: {  	[sflag:s18] =	ssyncset.done $0x0  }
0xfe: {  	s30 =	sadd.s32 $0x15000, s24;
	[sflag:s18] =	ssyncadd.s32 $0xFFFFE000  }
0xff: {  	[spmem:s3] =	stream.indirect.scatter.add.f32 [tilespmem:s16], [sflag:$0x3], $0x40, s30, s15, $0xb8;
	[tilespmem:$0x1E400] =	vst v63  }
0x100: {  	_ =	swait.ge [sflag:s19], $0x2000  }
0x101: {  	[sflag:s19] =	ssyncset.done $0x0  }
0x102: {  	s31 =	sadd.s32 $0x15080, s24;
	[sflag:s19] =	ssyncadd.s32 $0xFFFFE000  }
0x103: {  	[spmem:s3] =	stream.indirect.scatter.add.f32 [tilespmem:s17], [sflag:$0x4], $0x40, s31, s15, $0xb8;
	[tilespmem:$0x1E400] =	vst v63  }
0x104: {  	_ =	swait.ge [sflag:s20], $0x2000  }
0x105: {  	[sflag:s20] =	ssyncset.done $0x0  }
0x106: {  	[sflag:s20] =	ssyncadd.s32 $0xFFFFE000  }
0x107: {  	_ =	swait.ge [sflag:s21], $0x2000  }
0x108: {  	s23 =	sadd.s32 $0x1, s23;
	[sflag:s21] =	ssyncset.done $0x0  }
0x109: {  	p0 =	sne.s32 s23, s9;
	[sflag:s21] =	ssyncadd.s32 $0xFFFFE000  }
.Ltmp4:
0x10a: {  	[bflag:$0x0] =	sbarrier.arrive $0xFFFF;
	(pc) =	sbr.rel @p0 .LBB2_1-.Ltmp4, $4  }
0x10b: {  	[hbm:s22], [sflag:s6] =	dma.local [spmem:s12], $0x2780  }
0x10c: {  	_ =	swait.ge [sflag:s11], $0x2780  }
0x10d: {  	[sflag:s11] =	ssyncset.done $0x0  }
0x10e: {  	[sflag:s11] =	ssyncadd.s32 $0xFFFFD880  }
0x10f: {  	_ =	sfence.sel $0x180000  }
0x110: {  	[bflag:$0x0] =	sbarrier.arrive $0xFFFF  }
0x111: {  	p0 =	sne.s32 s0, $0x0;
	_ =	strace $0x9000004D  }
0x112: {  	s0 =	sadd.s32 @!p0 $0x100000, s1;
	[bflag:$0x2] =	sbarrier.arrive $0xFFFF  }
0x113: {  	[sflag:s0] =	ssyncadd.tile.s32 @!p0 $0x1;
	_ =	shalt  }
.Lfunc_end2:
_tile_overlayer_lowered:
.L_overlay_start_2:
0x114: {  	(tag) =	ssettag $0x2  }
0x115: {  	s0 =	rddreg [dreg:$0x0];
	s2 =	stileid.u32  }
0x116: {  	s1 =	rddreg [dreg:$0x1];
	p0 =	sne.s32 s2, $0x0  }
0x117: {  	s3 =	rddreg [dreg:$0x2];
	[bflag:$0x3] =	sbarrier.arrive $0xFFFF;
	s2 =	simm.s32 @!p0 $0x1C05  }
0x118: {  	[timem:s3], [sflag:s2] =	dma.local @!p0 [hbm:s0], s1  }
0x119: {  	s0 =	simm.s32 @!p0 $0x5  }
0x11a: {  	_ =	swait.ge @!p0 [sflag:s0], s1  }
0x11b: {  	s1 =	ssub.s32 @!p0 $0x0, s1;
	[sflag:s0] =	ssyncset.done @!p0 $0x0  }
0x11c: {  	[sflag:s0] =	ssyncadd.s32 @!p0 s1  }
0x11d: {  	[bflag:$0x3] =	sbarrier.arrive $0xFFFF  }
0x11e: {  	_ =	shalt  }

// kernel: kernel.8.cloned.1.call-start
scs
__scs_entry_jumppad:
0x0: {  	(pc) =	sbr.rel $0x88, $3  }
0x1: {  	(tag) =	ssettag $0x0;
	lr =	simm.s32 $0x1  }
0x2: {  	[smem:$0x3F88] =	sst lr;
	_ =	strace $0xD0000000  }
0x3: {  	_ = 	snop  }
0x4: {  	_ = 	snop  }
0x5: {  	_ = 	snop  }
0x6: {  	_ = 	snop  }
0x7: {  	_ = 	snop  }
__scs_overlays_trampoline_lowered:
0x8: {  	[smem:$0x3F97] =	sst s0  }
0x9: {  	[smem:$0x3F98] =	sst s1  }
0xa: {  	[smem:$0x3F99] =	sst s2  }
0xb: {  	[smem:$0x3F9A] =	sst s3  }
0xc: {  	[smem:$0x3F9B] =	sst s4  }
0xd: {  	[smem:$0x3F9C] =	sst s5  }
0xe: {  	[smem:$0x3F9D] =	sst s6  }
0xf: {  	[smem:$0x3F9E] =	sst s7  }
0x10: {  	[smem:$0x3F9F] =	sst s8  }
0x11: {  	[smem:$0x3FA0] =	sst s9;
	s0 =	simm.s32 @!p0 $0x0  }
0x12: {  	s1 =	sld [smem:$0x3F86];
	s0 =	simm.s32 @p0 $0x1  }
0x13: {  	[smem:$0x3FA1] =	sst s0;
	s0 =	simm.s32 @!p1 $0x0  }
0x14: {  	s2 =	sld [smem:$0x3F85];
	s0 =	simm.s32 @p1 $0x1  }
0x15: {  	[smem:$0x3FA2] =	sst s0;
	s0 =	simm.s32 @!p2 $0x0  }
0x16: {  	s3 =	sld [smem:$0x3FDB];
	s0 =	simm.s32 @p2 $0x1  }
0x17: {  	s4 =	simm.s32 $0x1BF5;
	[smem:$0x3FA4] =	sst s0  }
0x18: {  	s0 =	sld [smem:$0x3F87];
	_ =	swait.ge [sflag:s4], $0x0  }
0x19: {  	s7 =	sld [smem:$0x3F88]  }
0x1a: {  	s8 =	sadd.s32 $0xFFFFE003, lr  }
0x1b: {  	s9 =	sadd.s32 $0xFFFFFEF7, lr;
	s5 =	simm.s32 $0xFFFFFFFF;
	p2 =	slt.u32 s8, $0xFFFFF086  }
0x1c: {  	p1 =	slt.u32 s9, $0xF7A;
	s5 =	simm.s32 @!p2 $0x0  }
0x1d: {  	s5 =	simm.s32 @p1 $0x1;
	p0 =	seq.s32 s7, s2  }
0x1e: {  	s7 =	smul.u32 @!p0 $0xF7A, s2;
	p2 =	seq.s32 @!p0 s5, $0x0  }
0x1f: {  	s9 =	smul.u32 $0xF7A, s1;
	s8 =	simm.s32 @!p0 $0x1BF5;
	p2 =	por !p2, p0  }
0x20: {  	[sflag:s8] =	ssyncset.s32 @!p0 $0xFFFFF086;
	s6 =	sadd.s32 @!p0 s3, s7;
	s7 =	simm.s32 @!p0 $0x108  }
0x21: {  	s3 =	sadd.s32 s3, s9;
	s6 =	sadd.s32 @!p0 $0x88, s6;
	s7 =	simm.s32 @p2 $0x1082  }
0x22: {  	[simem:s7], [sflag:s8] =	dma.local @!p0 [hbm:s6], $0xF7A  }
0x23: {  	s9 =	sor.u32 $0xD0000000, s2;
	s6 =	simm.s32 $0x108;
	_ =	swait.ge @!p0 [sflag:s8], $0x0  }
0x24: {  	s3 =	sadd.s32 $0x88, s3;
	s6 =	simm.s32 @!p1 $0x1082;
	[sflag:s4] =	ssyncset.s32 $0xFFFFF086  }
0x25: {  	[simem:s6], [sflag:s4] =	dma.local [hbm:s3], $0xF7A  }
0x26: {  	[smem:$0x3F88] =	sst s1;
	(tag) =	ssettag s2;
	_ =	strace s9  }
0x27: {  	s1 =	sld [smem:$0x3F98]  }
0x28: {  	s2 =	sld [smem:$0x3F99]  }
0x29: {  	s4 =	sld [smem:$0x3F9B]  }
0x2a: {  	p0 =	seq.s32 s5, $0x0;
	s5 =	sld [smem:$0x3F9C]  }
0x2b: {  	s6 =	sld [smem:$0x3F9D]  }
0x2c: {  	s7 =	sld [smem:$0x3F9E]  }
0x2d: {  	s3 =	simm.s32 $0x108;
	s8 =	sld [smem:$0x3F9F]  }
0x2e: {  	s3 =	simm.s32 @!p0 $0x1082;
	s9 =	sld [smem:$0x3FA0]  }
0x2f: {  	lr =	sadd.s32 s0, s3;
	s0 =	sld [smem:$0x3F97]  }
0x30: {  	s3 =	sld [smem:$0x3F9A]  }
0x31: {  	[smem:$0x3FA3] =	sst s10  }
0x32: {  	s10 =	sld [smem:$0x3FA1];
	_ =	sdelay $0x3  }
0x33: {  	p0 =	seq.s32 s10, $0x1;
	s10 =	sld [smem:$0x3FA3];
	_ =	sdelay $0x3  }
0x34: {  	[smem:$0x3FA3] =	sst s10  }
0x35: {  	s10 =	sld [smem:$0x3FA2];
	_ =	sdelay $0x3  }
0x36: {  	p1 =	seq.s32 s10, $0x1;
	s10 =	sld [smem:$0x3FA3];
	_ =	sdelay $0x3  }
0x37: {  	[smem:$0x3FA3] =	sst s10  }
0x38: {  	s10 =	sld [smem:$0x3FA4]  }
0x39: {  	_ = 	snop;
	(pc) =	sbr.ind lr, $3  }
0x3a: {  	_ = 	snop  }
0x3b: {  	_ = 	snop  }
0x3c: {  	p2 =	seq.s32 s10, $0x1;
	s10 =	sld [smem:$0x3FA3]  }
0x3d: {  	_ =	shalt  }
0x3e: {  	_ =	shalt  }
0x3f: {  	_ =	shalt  }
0x40: {  	_ =	shalt  }
0x41: {  	_ =	shalt  }
0x42: {  	_ =	shalt  }
0x43: {  	_ =	shalt  }
0x44: {  	_ =	shalt  }
0x45: {  	_ =	shalt  }
0x46: {  	_ =	shalt  }
0x47: {  	_ =	shalt  }
0x48: {  	_ =	shalt  }
0x49: {  	_ =	shalt  }
0x4a: {  	_ =	shalt  }
0x4b: {  	_ =	shalt  }
0x4c: {  	_ =	shalt  }
0x4d: {  	_ =	shalt  }
0x4e: {  	_ =	shalt  }
0x4f: {  	_ =	shalt  }
0x50: {  	_ =	shalt  }
0x51: {  	_ =	shalt  }
0x52: {  	_ =	shalt  }
0x53: {  	_ =	shalt  }
0x54: {  	_ =	shalt  }
0x55: {  	_ =	shalt  }
0x56: {  	_ =	shalt  }
0x57: {  	_ =	shalt  }
0x58: {  	_ =	shalt  }
0x59: {  	_ =	shalt  }
0x5a: {  	_ =	shalt  }
0x5b: {  	_ =	shalt  }
0x5c: {  	_ =	shalt  }
0x5d: {  	_ =	shalt  }
0x5e: {  	_ =	shalt  }
0x5f: {  	_ =	shalt  }
0x60: {  	_ =	shalt  }
0x61: {  	_ =	shalt  }
0x62: {  	_ =	shalt  }
0x63: {  	_ =	shalt  }
0x64: {  	_ =	shalt  }
0x65: {  	_ =	shalt  }
0x66: {  	_ =	shalt  }
0x67: {  	_ =	shalt  }
0x68: {  	_ =	shalt  }
0x69: {  	_ =	shalt  }
0x6a: {  	_ =	shalt  }
0x6b: {  	_ =	shalt  }
0x6c: {  	_ =	shalt  }
0x6d: {  	_ =	shalt  }
0x6e: {  	_ =	shalt  }
0x6f: {  	_ =	shalt  }
0x70: {  	_ =	shalt  }
0x71: {  	_ =	shalt  }
0x72: {  	_ =	shalt  }
0x73: {  	_ =	shalt  }
0x74: {  	_ =	shalt  }
0x75: {  	_ =	shalt  }
0x76: {  	_ =	shalt  }
0x77: {  	_ =	shalt  }
0x78: {  	_ =	shalt  }
0x79: {  	_ =	shalt  }
0x7a: {  	_ =	shalt  }
0x7b: {  	_ =	shalt  }
0x7c: {  	_ =	shalt  }
0x7d: {  	_ =	shalt  }
0x7e: {  	_ =	shalt  }
0x7f: {  	_ =	shalt  }
0x80: {  	_ =	shalt  }
0x81: {  	_ =	shalt  }
0x82: {  	_ =	shalt  }
0x83: {  	_ =	shalt  }
0x84: {  	_ =	shalt  }
0x85: {  	_ =	shalt  }
0x86: {  	_ =	shalt  }
0x87: {  	_ =	shalt  }
.Lfunc_end0:
.L_simem_size_0:
called_computation_lowered:
.L_overlay_start_0:
0x88: {  	s2 =	sld [smem:$0x3FD9]  }
0x89: {  	s3 =	sld [smem:$0x3FFE];
	_ =	sdelay $0x1  }
0x8a: {  	s1 =	srdreg.scid  }
0x8b: {  	s0 =	sand.u32 $0x1, s1  }
0x8c: {  	s16 =	sshll.u32 s0, $0xA;
	s2 =	sadd.s32 s3, s2  }
0x8d: {  	s2 =	sadd.s32 s2, s16  }
0x8e: {  	[smem:$0x3FAF] =	sst s2  }
0x8f: {  	_ = 	snop  }
0x90: {  	(tm) =	ssettm $0x1  }
0x91: {  	s17 =	sld [smem:$0x3FFB];
	_ =	sdelay $0x3  }
0x92: {  	_ =	strace s17  }
0x93: {  	s2 =	sld [smem:$0x3FFC];
	_ =	sdelay $0x3  }
0x94: {  	_ =	strace s2  }
0x95: {  	s2 =	sld [smem:$0x3FFD];
	_ =	sdelay $0x3  }
0x96: {  	_ =	strace s2  }
0x97: {  	_ =	strace $0x8FFFFFFF  }
0x98: {  	s18 =	sld [smem:$0x3FDB];
	_ =	sdelay $0x1  }
0x99: {  	s19 =	simm.s32 $_scs_section_size  }
0x9a: {  	s4 =	simm.s32 $_size__tile_overlayer_lowered;
	s5 =	simm.s32 $_tile_overlayer_lowered  }
0x9b: {  	s22 =	simm.s32 $0x1BFF;
	s21 =	sshll.u32 s5, $0x1;
	s2 =	sadd.s32 s19, s18  }
0x9c: {  	s6 =	simm.s32 $0x0;
	s20 =	sshll.u32 s4, $0x1;
	s4 =	sadd.s32 s21, s2  }
0x9d: {  	[timem:s6], [sflag:s22] =	dma.local [hbm:s4], s20  }
0x9e: {  	_ =	swait.ge [sflag:s22], s20  }
0x9f: {  	s3 =	ssub.s32 $0x0, s20;
	[sflag:s22] =	ssyncset.done $0x0  }
0xa0: {  	[sflag:s22] =	ssyncadd.s32 s3;
	_ =	sdelay $0x1  }
0xa1: {  	s23 =	simm.s32 $0x1B8B  }
0xa2: {  	_ =	swait.ge [sflag:s23], $0x1  }
0xa3: {  	[sflag:s23] =	ssyncset.done $0x0  }
0xa4: {  	s25 =	simm.s32 $0x1B8E;
	s24 =	sld [smem:$0x3FFE];
	[sflag:s23] =	ssyncadd.s32 $0xFFFFFFFF  }
0xa5: {  	s26 =	simm.s32 $execute0_lowered;
	[smem:$0x3FD2] =	sst s25  }
0xa6: {  	s4 =	sshll.u32 s26, $0x1;
	_ =	strace $0x80000046;
	[dreg:$0x1] =	wrdreg $0xFFFFFFFF  }
0xa7: {  	s28 =	simm.s32 $_size_execute0_lowered;
	s2 =	sadd.s32 s2, s4;
	[dreg:$0x0] =	wrdreg $0x0  }
0xa8: {  	s4 =	sshll.u32 s28, $0x1;
	[dreg:$0x2] =	wrdreg s2  }
0xa9: {  	[dreg:$0x3] =	wrdreg s4  }
0xaa: {  	[dreg:$0x4] =	wrdreg $0xC0  }
0xab: {  	_ =	task [dreg:s6], $0x5FFFF  }
0xac: {  	[dreg:$0x1] =	wrdreg $0xFFFFFFFF  }
0xad: {  	[dreg:$0x0] =	wrdreg $0x60  }
0xae: {  	[dreg:$0x2] =	wrdreg s24  }
0xaf: {  	[dreg:$0x3] =	wrdreg $0x0  }
0xb0: {  	[dreg:$0x4] =	wrdreg $0x9E000  }
0xb1: {  	[dreg:$0x5] =	wrdreg $0x9  }
0xb2: {  	_ =	task.clear_ibuf [dreg:s6], $0x6FFFF;
	_ =	strace $0x90000046  }
0xb3: {  	s29 =	simm.s32 $0x9;
	_ =	strace $0x80000048  }
0xb4: {  	_ =	swait.ge [sflag:s29], $0x1  }
0xb5: {  	[sflag:s29] =	ssyncadd.s32 $0xFFFFFFFF  }
0xb6: {  	_ =	strace $0x90000048  }
0xb7: {  	_ =	sfence  }
0xb8: {  	s30 =	sld [smem:$0x0];
	_ =	sdelay $0x2  }
0xb9: {  	s31 =	sshll.u32 s1, $0xD;
	s1 =	sshrl.u32 s1, $0x2  }
0xba: {  	s3 =	sand.u32 $0x4000, s31;
	s1 =	sadd.s32 s1, s30  }
0xbb: {  	s0 =	sor.u32 s3, s0;
	s1 =	sshll.u32 s1, $0x11  }
0xbc: {  	s0 =	sor.u32 s1, s0  }
0xbd: {  	s0 =	sadd.s32 $0x8F2B, s0  }
0xbe: {  	[sflag:s0] =	ssyncadd.remote.s32 $0x1  }
0xbf: {  	_ =	sfence.sel $0xFFFF  }
0xc0: {  	[dreg:$0x0] =	wrdreg $0xFFFFFFFF;
	(pc) =	sbr.abs _section_cstart, $3  }
0xc1: {  	[dreg:$0x1] =	wrdreg $0xFFFFFFFF  }
0xc2: {  	_ =	task.clear_ibuf [dreg:s6], $0x2FFFF;
	_ =	strace $0x9FFFFFFF  }
0xc3: {  	(tm) =	ssettm $0x7FFFFFFF  }
tec
execute0_lowered:
.L_overlay_start_1:
0x0: {  	(tag) =	ssettag $0x1  }
0x1: {  	s5 =	rddreg [dreg:$0x0]  }
0x2: {  	s2 =	rddreg [dreg:$0x1]  }
0x3: {  	s0 =	stileid.u32;
	s1 =	srdreg.scid  }
0x4: {  	s3 =	rddreg [dreg:$0x2];
	s4 =	simm.s32 $0x0;
	s15 =	simm.s32 $0x80  }
0x5: {  	s16 =	simm.s32 $0x16400;
	s17 =	simm.s32 $0x1A400;
	s18 =	simm.s32 $0x1  }
0x6: {  	s19 =	simm.s32 $0x2;
	s20 =	simm.s32 $0x3;
	s6 =	smul.u32 $0xA00, s0  }
0x7: {  	s7 =	sand.u32 $0x1, s1;
	s1 =	rddreg [dreg:$0x3];
	s9 =	smul.u32 $0x13C00, s0  }
0x8: {  	s21 =	simm.s32 $0x4;
	[smem:$0x7FF] =	sst s4;
	s22 =	smul.u32 $0x2780, s0  }
0x9: {  	s31 =	sshll.u32 s0, $0x6;
	s8 =	smul.u32 $0x27800, s7;
	s7 =	ssub.s32 $0x2, s7  }
0xa: {  	_ =	strace $0x80000047;
	s10 =	sshrl.u32 s7, $0x1;
	s11 =	sadd.s32 s6, s5  }
0xb: {  	s13 =	sadd.s32 s9, s2;
	s6 =	sor.u32 $0x1C05, s31;
	s14 =	sadd.s32 s9, s3  }
0xc: {  	s12 =	sadd.s32 s8, s5;
	s10 =	ssub.s32 s7, s10;
	s7 =	sadd.s32 $0x4000, s11  }
0xd: {  	s8 =	sadd.s32 $0xE000, s11;
	s11 =	simm.s32 $0x5;
	s5 =	sadd.s32 s22, s12  }
0xe: {  	s23 =	sadd.s32 $0x67000, s12;
	s9 =	smax.u32 s10, $0x1;
	s10 =	sshrl.u32 s13, $0x3  }
0xf: {  	s12 =	sshrl.u32 s14, $0x3;
	s13 =	simm.s32 $0x13C00;
	s14 =	simm.s32 $0x15000  }
0x10: {  	s5 =	sadd.s32 $0x18000, s5;
	s22 =	sadd.s32 s22, s23;
	s23 =	simm.s32 $0x0  }
.LBB2_1:
0x11: {  	[spmem:s10], [sflag:s6] =	dma.local [hbm:s5], $0x2780  }
0x12: {  	_ =	swait.ge [sflag:s11], $0x2780  }
0x13: {  	[sflag:s11] =	ssyncset.done $0x0  }
0x14: {  	[sflag:s11] =	ssyncadd.s32 $0xFFFFD880  }
0x15: {  	[spmem:s12], [sflag:s6] =	dma.local [hbm:s5], $0x2780  }
0x16: {  	_ =	swait.ge [sflag:s11], $0x2780  }
0x17: {  	[sflag:s11] =	ssyncset.done $0x0  }
0x18: {  	[sflag:s11] =	ssyncadd.s32 $0xFFFFD880  }
0x19: {  	[bflag:$0x0] =	sbarrier.arrive $0xFFFF  }
0x1a: {  	[tilespmem:s13], [sflag:$0x5] =	stream.linear.gather [hbm4b:s7+s4], $0x1400, $0x38;
	[tilespmem:$0x1E400] =	vst v63  }
0x1b: {  	_ =	swait.ge [sflag:s11], $0x1400  }
0x1c: {  	[sflag:s11] =	ssyncset.done $0x0  }
0x1d: {  	[sflag:s11] =	ssyncadd.s32 $0xFFFFEC00  }
0x1e: {  	[tilespmem:s14], [sflag:$0x5] =	stream.linear.gather [hbm4b:s8+s4], $0x1400, $0x38;
	[tilespmem:$0x1E400] =	vst v63  }
0x1f: {  	_ =	swait.ge [sflag:s11], $0x1400  }
0x20: {  	[sflag:s11] =	ssyncset.done $0x0  }
0x21: {  	s24 =	simm.s32 $0x13C00;
	[sflag:s11] =	ssyncadd.s32 $0xFFFFEC00  }
0x22: {  	[tilespmem:s16], [sflag:$0x1] =	stream.indirect.gather [spmem:s2], $0x40, s24, s15, $0xb8;
	[tilespmem:$0x1E400] =	vst v63  }
0x23: {  	s29 =	simm.s32 $0x13C80  }
0x24: {  	[tilespmem:s17], [sflag:$0x2] =	stream.indirect.gather [spmem:s2], $0x40, s29, s15, $0xb8;
	[tilespmem:$0x1E400] =	vst v63  }
0x25: {  	_ =	swait.ge [sflag:s18], $0x2000  }
0x26: {  	[sflag:s18] =	ssyncset.done $0x0  }
0x27: {  	s30 =	simm.s32 $0x15000;
	[sflag:s18] =	ssyncadd.s32 $0xFFFFE000  }
0x28: {  	[spmem:s3] =	stream.indirect.scatter.add.f32 [tilespmem:s16], [sflag:$0x3], $0x40, s30, s15, $0xb8;
	[tilespmem:$0x1E400] =	vst v63  }
0x29: {  	_ =	swait.ge [sflag:s19], $0x2000  }
0x2a: {  	[sflag:s19] =	ssyncset.done $0x0  }
0x2b: {  	s31 =	simm.s32 $0x15080;
	[sflag:s19] =	ssyncadd.s32 $0xFFFFE000  }
0x2c: {  	[spmem:s3] =	stream.indirect.scatter.add.f32 [tilespmem:s17], [sflag:$0x4], $0x40, s31, s15, $0xb8;
	[tilespmem:$0x1E400] =	vst v63  }
0x2d: {  	_ =	swait.ge [sflag:s20], $0x2000  }
0x2e: {  	[sflag:s20] =	ssyncset.done $0x0  }
0x2f: {  	[sflag:s20] =	ssyncadd.s32 $0xFFFFE000  }
0x30: {  	_ =	swait.ge [sflag:s21], $0x2000  }
0x31: {  	s25 =	simm.s32 $0x800;
	s24 =	simm.s32 $0x100;
	[sflag:s21] =	ssyncset.done $0x0  }
.LBB2_2:
0x32: {  	s26 =	sadd.s32 $0x13C00, s24  }
0x33: {  	[sflag:s21] =	ssyncadd.s32 $0xFFFFE000;
	s28 =	smov.u32 s25;
	s29 =	sadd.s32 $0x400, s25  }
0x34: {  	[tilespmem:s16], [sflag:$0x1] =	stream.indirect.gather [spmem:s2], $0x40, s26, s15, $0xb8;
	[tilespmem:$0x1E400] =	vst v63  }
0x35: {  	p0 =	sne.s32 s25, $0x4C00;
	s25 =	sadd.s32 $0x13C80, s24  }
0x36: {  	[tilespmem:s17], [sflag:$0x2] =	stream.indirect.gather [spmem:s2], $0x40, s25, s15, $0xb8;
	[tilespmem:$0x1E400] =	vst v63  }
0x37: {  	_ =	swait.ge [sflag:s18], $0x2000  }
0x38: {  	[sflag:s18] =	ssyncset.done $0x0  }
0x39: {  	s25 =	sadd.s32 $0x15000, s24;
	[sflag:s18] =	ssyncadd.s32 $0xFFFFE000  }
0x3a: {  	[spmem:s3] =	stream.indirect.scatter.add.f32 [tilespmem:s16], [sflag:$0x3], $0x40, s25, s15, $0xb8;
	[tilespmem:$0x1E400] =	vst v63  }
0x3b: {  	_ =	swait.ge [sflag:s19], $0x2000  }
0x3c: {  	[sflag:s19] =	ssyncset.done $0x0  }
0x3d: {  	s24 =	sadd.s32 $0x15080, s24;
	[sflag:s19] =	ssyncadd.s32 $0xFFFFE000  }
0x3e: {  	[spmem:s3] =	stream.indirect.scatter.add.f32 [tilespmem:s17], [sflag:$0x4], $0x40, s24, s15, $0xb8;
	[tilespmem:$0x1E400] =	vst v63  }
.Ltmp0:
0x3f: {  	_ =	swait.ge [sflag:s20], $0x2000;
	(pc) =	sbr.rel @p0 .LBB2_2-.Ltmp0, $4  }
0x40: {  	[sflag:s20] =	ssyncset.done $0x0  }
0x41: {  	[sflag:s20] =	ssyncadd.s32 $0xFFFFE000  }
0x42: {  	_ =	swait.ge [sflag:s21], $0x2000  }
0x43: {  	s25 =	smov.u32 s29;
	s24 =	sshra.s32 s28, $0x2;
	[sflag:s21] =	ssyncset.done $0x0  }
0x44: {  	s25 =	sadd.s32 $0x13C00, s24;
	[sflag:s21] =	ssyncadd.s32 $0xFFFFE000  }
0x45: {  	[tilespmem:s16], [sflag:$0x1] =	stream.indirect.gather [spmem:s2], $0x40, s25, s15, $0xb8;
	[tilespmem:$0x1E400] =	vst v63  }
0x46: {  	s26 =	sadd.s32 $0x13C80, s24  }
0x47: {  	[tilespmem:s17], [sflag:$0x2] =	stream.indirect.gather [spmem:s2], $0x40, s26, s15, $0xb8;
	[tilespmem:$0x1E400] =	vst v63  }
0x48: {  	_ =	swait.ge [sflag:s18], $0x2000  }
0x49: {  	[sflag:s18] =	ssyncset.done $0x0  }
0x4a: {  	s28 =	sadd.s32 $0x15000, s24;
	[sflag:s18] =	ssyncadd.s32 $0xFFFFE000  }
0x4b: {  	[spmem:s3] =	stream.indirect.scatter.add.f32 [tilespmem:s16], [sflag:$0x3], $0x40, s28, s15, $0xb8;
	[tilespmem:$0x1E400] =	vst v63  }
0x4c: {  	_ =	swait.ge [sflag:s19], $0x2000  }
0x4d: {  	[sflag:s19] =	ssyncset.done $0x0  }
0x4e: {  	s29 =	sadd.s32 $0x15080, s24;
	[sflag:s19] =	ssyncadd.s32 $0xFFFFE000  }
0x4f: {  	[spmem:s3] =	stream.indirect.scatter.add.f32 [tilespmem:s17], [sflag:$0x4], $0x40, s29, s15, $0xb8;
	[tilespmem:$0x1E400] =	vst v63  }
0x50: {  	_ =	swait.ge [sflag:s20], $0x2000  }
0x51: {  	[sflag:s20] =	ssyncset.done $0x0  }
0x52: {  	[sflag:s20] =	ssyncadd.s32 $0xFFFFE000  }
0x53: {  	_ =	swait.ge [sflag:s21], $0x2000  }
0x54: {  	[sflag:s21] =	ssyncset.done $0x0  }
0x55: {  	s30 =	sadd.s32 $0x280, s7;
	s31 =	simm.s32 $0x0;
	[sflag:s21] =	ssyncadd.s32 $0xFFFFE000  }
0x56: {  	[tilespmem:s13], [sflag:$0x5] =	stream.linear.gather [hbm4b:s30+s31], $0x1400, $0x38;
	[tilespmem:$0x1E400] =	vst v63  }
0x57: {  	_ =	swait.ge [sflag:s11], $0x1400  }
0x58: {  	[sflag:s11] =	ssyncset.done $0x0  }
0x59: {  	s26 =	sadd.s32 $0x280, s8;
	[sflag:s11] =	ssyncadd.s32 $0xFFFFEC00  }
0x5a: {  	[tilespmem:s14], [sflag:$0x5] =	stream.linear.gather [hbm4b:s26+s31], $0x1400, $0x38;
	[tilespmem:$0x1E400] =	vst v63  }
0x5b: {  	_ =	swait.ge [sflag:s11], $0x1400  }
0x5c: {  	[sflag:s11] =	ssyncset.done $0x0  }
0x5d: {  	s28 =	simm.s32 $0x13C00;
	[sflag:s11] =	ssyncadd.s32 $0xFFFFEC00  }
0x5e: {  	[tilespmem:s16], [sflag:$0x1] =	stream.indirect.gather [spmem:s2], $0x40, s28, s15, $0xb8;
	[tilespmem:$0x1E400] =	vst v63  }
0x5f: {  	s29 =	simm.s32 $0x13C80  }
0x60: {  	[tilespmem:s17], [sflag:$0x2] =	stream.indirect.gather [spmem:s2], $0x40, s29, s15, $0xb8;
	[tilespmem:$0x1E400] =	vst v63  }
0x61: {  	_ =	swait.ge [sflag:s18], $0x2000  }
0x62: {  	[sflag:s18] =	ssyncset.done $0x0  }
0x63: {  	s30 =	simm.s32 $0x15000;
	[sflag:s18] =	ssyncadd.s32 $0xFFFFE000  }
0x64: {  	[spmem:s3] =	stream.indirect.scatter.add.f32 [tilespmem:s16], [sflag:$0x3], $0x40, s30, s15, $0xb8;
	[tilespmem:$0x1E400] =	vst v63  }
0x65: {  	_ =	swait.ge [sflag:s19], $0x2000  }
0x66: {  	[sflag:s19] =	ssyncset.done $0x0  }
0x67: {  	s31 =	simm.s32 $0x15080;
	[sflag:s19] =	ssyncadd.s32 $0xFFFFE000  }
0x68: {  	[spmem:s3] =	stream.indirect.scatter.add.f32 [tilespmem:s17], [sflag:$0x4], $0x40, s31, s15, $0xb8;
	[tilespmem:$0x1E400] =	vst v63  }
0x69: {  	_ =	swait.ge [sflag:s20], $0x2000  }
0x6a: {  	[sflag:s20] =	ssyncset.done $0x0  }
0x6b: {  	[sflag:s20] =	ssyncadd.s32 $0xFFFFE000  }
0x6c: {  	_ =	swait.ge [sflag:s21], $0x2000  }
0x6d: {  	s24 =	simm.s32 $0x100;
	s25 =	simm.s32 $0x800;
	[sflag:s21] =	ssyncset.done $0x0  }
.LBB2_4:
0x6e: {  	s26 =	sadd.s32 $0x13C00, s24  }
0x6f: {  	[sflag:s21] =	ssyncadd.s32 $0xFFFFE000;
	s28 =	smov.u32 s25;
	s29 =	sadd.s32 $0x400, s25  }
0x70: {  	[tilespmem:s16], [sflag:$0x1] =	stream.indirect.gather [spmem:s2], $0x40, s26, s15, $0xb8;
	[tilespmem:$0x1E400] =	vst v63  }
0x71: {  	p0 =	sne.s32 s25, $0x4C00;
	s25 =	sadd.s32 $0x13C80, s24  }
0x72: {  	[tilespmem:s17], [sflag:$0x2] =	stream.indirect.gather [spmem:s2], $0x40, s25, s15, $0xb8;
	[tilespmem:$0x1E400] =	vst v63  }
0x73: {  	_ =	swait.ge [sflag:s18], $0x2000  }
0x74: {  	[sflag:s18] =	ssyncset.done $0x0  }
0x75: {  	s25 =	sadd.s32 $0x15000, s24;
	[sflag:s18] =	ssyncadd.s32 $0xFFFFE000  }
0x76: {  	[spmem:s3] =	stream.indirect.scatter.add.f32 [tilespmem:s16], [sflag:$0x3], $0x40, s25, s15, $0xb8;
	[tilespmem:$0x1E400] =	vst v63  }
0x77: {  	_ =	swait.ge [sflag:s19], $0x2000  }
0x78: {  	[sflag:s19] =	ssyncset.done $0x0  }
0x79: {  	s24 =	sadd.s32 $0x15080, s24;
	[sflag:s19] =	ssyncadd.s32 $0xFFFFE000  }
0x7a: {  	[spmem:s3] =	stream.indirect.scatter.add.f32 [tilespmem:s17], [sflag:$0x4], $0x40, s24, s15, $0xb8;
	[tilespmem:$0x1E400] =	vst v63  }
.Ltmp1:
0x7b: {  	_ =	swait.ge [sflag:s20], $0x2000;
	(pc) =	sbr.rel @p0 .LBB2_4-.Ltmp1, $4  }
0x7c: {  	[sflag:s20] =	ssyncset.done $0x0  }
0x7d: {  	[sflag:s20] =	ssyncadd.s32 $0xFFFFE000  }
0x7e: {  	_ =	swait.ge [sflag:s21], $0x2000  }
0x7f: {  	s25 =	smov.u32 s29;
	s24 =	sshra.s32 s28, $0x2;
	[sflag:s21] =	ssyncset.done $0x0  }
0x80: {  	s25 =	sadd.s32 $0x13C00, s24;
	[sflag:s21] =	ssyncadd.s32 $0xFFFFE000  }
0x81: {  	[tilespmem:s16], [sflag:$0x1] =	stream.indirect.gather [spmem:s2], $0x40, s25, s15, $0xb8;
	[tilespmem:$0x1E400] =	vst v63  }
0x82: {  	s26 =	sadd.s32 $0x13C80, s24  }
0x83: {  	[tilespmem:s17], [sflag:$0x2] =	stream.indirect.gather [spmem:s2], $0x40, s26, s15, $0xb8;
	[tilespmem:$0x1E400] =	vst v63  }
0x84: {  	_ =	swait.ge [sflag:s18], $0x2000  }
0x85: {  	[sflag:s18] =	ssyncset.done $0x0  }
0x86: {  	s28 =	sadd.s32 $0x15000, s24;
	[sflag:s18] =	ssyncadd.s32 $0xFFFFE000  }
0x87: {  	[spmem:s3] =	stream.indirect.scatter.add.f32 [tilespmem:s16], [sflag:$0x3], $0x40, s28, s15, $0xb8;
	[tilespmem:$0x1E400] =	vst v63  }
0x88: {  	_ =	swait.ge [sflag:s19], $0x2000  }
0x89: {  	[sflag:s19] =	ssyncset.done $0x0  }
0x8a: {  	s29 =	sadd.s32 $0x15080, s24;
	[sflag:s19] =	ssyncadd.s32 $0xFFFFE000  }
0x8b: {  	[spmem:s3] =	stream.indirect.scatter.add.f32 [tilespmem:s17], [sflag:$0x4], $0x40, s29, s15, $0xb8;
	[tilespmem:$0x1E400] =	vst v63  }
0x8c: {  	_ =	swait.ge [sflag:s20], $0x2000  }
0x8d: {  	[sflag:s20] =	ssyncset.done $0x0  }
0x8e: {  	[sflag:s20] =	ssyncadd.s32 $0xFFFFE000  }
0x8f: {  	_ =	swait.ge [sflag:s21], $0x2000  }
0x90: {  	[sflag:s21] =	ssyncset.done $0x0  }
0x91: {  	s30 =	sadd.s32 $0x500, s7;
	s31 =	simm.s32 $0x0;
	[sflag:s21] =	ssyncadd.s32 $0xFFFFE000  }
0x92: {  	[tilespmem:s13], [sflag:$0x5] =	stream.linear.gather [hbm4b:s30+s31], $0x1400, $0x38;
	[tilespmem:$0x1E400] =	vst v63  }
0x93: {  	_ =	swait.ge [sflag:s11], $0x1400  }
0x94: {  	[sflag:s11] =	ssyncset.done $0x0  }
0x95: {  	s26 =	sadd.s32 $0x500, s8;
	[sflag:s11] =	ssyncadd.s32 $0xFFFFEC00  }
0x96: {  	[tilespmem:s14], [sflag:$0x5] =	stream.linear.gather [hbm4b:s26+s31], $0x1400, $0x38;
	[tilespmem:$0x1E400] =	vst v63  }
0x97: {  	_ =	swait.ge [sflag:s11], $0x1400  }
0x98: {  	[sflag:s11] =	ssyncset.done $0x0  }
0x99: {  	s28 =	simm.s32 $0x13C00;
	[sflag:s11] =	ssyncadd.s32 $0xFFFFEC00  }
0x9a: {  	[tilespmem:s16], [sflag:$0x1] =	stream.indirect.gather [spmem:s2], $0x40, s28, s15, $0xb8;
	[tilespmem:$0x1E400] =	vst v63  }
0x9b: {  	s29 =	simm.s32 $0x13C80  }
0x9c: {  	[tilespmem:s17], [sflag:$0x2] =	stream.indirect.gather [spmem:s2], $0x40, s29, s15, $0xb8;
	[tilespmem:$0x1E400] =	vst v63  }
0x9d: {  	_ =	swait.ge [sflag:s18], $0x2000  }
0x9e: {  	[sflag:s18] =	ssyncset.done $0x0  }
0x9f: {  	s30 =	simm.s32 $0x15000;
	[sflag:s18] =	ssyncadd.s32 $0xFFFFE000  }
0xa0: {  	[spmem:s3] =	stream.indirect.scatter.add.f32 [tilespmem:s16], [sflag:$0x3], $0x40, s30, s15, $0xb8;
	[tilespmem:$0x1E400] =	vst v63  }
0xa1: {  	_ =	swait.ge [sflag:s19], $0x2000  }
0xa2: {  	[sflag:s19] =	ssyncset.done $0x0  }
0xa3: {  	s31 =	simm.s32 $0x15080;
	[sflag:s19] =	ssyncadd.s32 $0xFFFFE000  }
0xa4: {  	[spmem:s3] =	stream.indirect.scatter.add.f32 [tilespmem:s17], [sflag:$0x4], $0x40, s31, s15, $0xb8;
	[tilespmem:$0x1E400] =	vst v63  }
0xa5: {  	_ =	swait.ge [sflag:s20], $0x2000  }
0xa6: {  	[sflag:s20] =	ssyncset.done $0x0  }
0xa7: {  	[sflag:s20] =	ssyncadd.s32 $0xFFFFE000  }
0xa8: {  	_ =	swait.ge [sflag:s21], $0x2000  }
0xa9: {  	s24 =	simm.s32 $0x100;
	s25 =	simm.s32 $0x800;
	[sflag:s21] =	ssyncset.done $0x0  }
.LBB2_6:
0xaa: {  	s26 =	sadd.s32 $0x13C00, s24  }
0xab: {  	[sflag:s21] =	ssyncadd.s32 $0xFFFFE000;
	s28 =	smov.u32 s25;
	s29 =	sadd.s32 $0x400, s25  }
0xac: {  	[tilespmem:s16], [sflag:$0x1] =	stream.indirect.gather [spmem:s2], $0x40, s26, s15, $0xb8;
	[tilespmem:$0x1E400] =	vst v63  }
0xad: {  	p0 =	sne.s32 s25, $0x4C00;
	s25 =	sadd.s32 $0x13C80, s24  }
0xae: {  	[tilespmem:s17], [sflag:$0x2] =	stream.indirect.gather [spmem:s2], $0x40, s25, s15, $0xb8;
	[tilespmem:$0x1E400] =	vst v63  }
0xaf: {  	_ =	swait.ge [sflag:s18], $0x2000  }
0xb0: {  	[sflag:s18] =	ssyncset.done $0x0  }
0xb1: {  	s25 =	sadd.s32 $0x15000, s24;
	[sflag:s18] =	ssyncadd.s32 $0xFFFFE000  }
0xb2: {  	[spmem:s3] =	stream.indirect.scatter.add.f32 [tilespmem:s16], [sflag:$0x3], $0x40, s25, s15, $0xb8;
	[tilespmem:$0x1E400] =	vst v63  }
0xb3: {  	_ =	swait.ge [sflag:s19], $0x2000  }
0xb4: {  	[sflag:s19] =	ssyncset.done $0x0  }
0xb5: {  	s24 =	sadd.s32 $0x15080, s24;
	[sflag:s19] =	ssyncadd.s32 $0xFFFFE000  }
0xb6: {  	[spmem:s3] =	stream.indirect.scatter.add.f32 [tilespmem:s17], [sflag:$0x4], $0x40, s24, s15, $0xb8;
	[tilespmem:$0x1E400] =	vst v63  }
.Ltmp2:
0xb7: {  	_ =	swait.ge [sflag:s20], $0x2000;
	(pc) =	sbr.rel @p0 .LBB2_6-.Ltmp2, $4  }
0xb8: {  	[sflag:s20] =	ssyncset.done $0x0  }
0xb9: {  	[sflag:s20] =	ssyncadd.s32 $0xFFFFE000  }
0xba: {  	_ =	swait.ge [sflag:s21], $0x2000  }
0xbb: {  	s25 =	smov.u32 s29;
	s24 =	sshra.s32 s28, $0x2;
	[sflag:s21] =	ssyncset.done $0x0  }
0xbc: {  	s25 =	sadd.s32 $0x13C00, s24;
	[sflag:s21] =	ssyncadd.s32 $0xFFFFE000  }
0xbd: {  	[tilespmem:s16], [sflag:$0x1] =	stream.indirect.gather [spmem:s2], $0x40, s25, s15, $0xb8;
	[tilespmem:$0x1E400] =	vst v63  }
0xbe: {  	s26 =	sadd.s32 $0x13C80, s24  }
0xbf: {  	[tilespmem:s17], [sflag:$0x2] =	stream.indirect.gather [spmem:s2], $0x40, s26, s15, $0xb8;
	[tilespmem:$0x1E400] =	vst v63  }
0xc0: {  	_ =	swait.ge [sflag:s18], $0x2000  }
0xc1: {  	[sflag:s18] =	ssyncset.done $0x0  }
0xc2: {  	s28 =	sadd.s32 $0x15000, s24;
	[sflag:s18] =	ssyncadd.s32 $0xFFFFE000  }
0xc3: {  	[spmem:s3] =	stream.indirect.scatter.add.f32 [tilespmem:s16], [sflag:$0x3], $0x40, s28, s15, $0xb8;
	[tilespmem:$0x1E400] =	vst v63  }
0xc4: {  	_ =	swait.ge [sflag:s19], $0x2000  }
0xc5: {  	[sflag:s19] =	ssyncset.done $0x0  }
0xc6: {  	s29 =	sadd.s32 $0x15080, s24;
	[sflag:s19] =	ssyncadd.s32 $0xFFFFE000  }
0xc7: {  	[spmem:s3] =	stream.indirect.scatter.add.f32 [tilespmem:s17], [sflag:$0x4], $0x40, s29, s15, $0xb8;
	[tilespmem:$0x1E400] =	vst v63  }
0xc8: {  	_ =	swait.ge [sflag:s20], $0x2000  }
0xc9: {  	[sflag:s20] =	ssyncset.done $0x0  }
0xca: {  	[sflag:s20] =	ssyncadd.s32 $0xFFFFE000  }
0xcb: {  	_ =	swait.ge [sflag:s21], $0x2000  }
0xcc: {  	[sflag:s21] =	ssyncset.done $0x0  }
0xcd: {  	s30 =	sadd.s32 $0x780, s7;
	s31 =	simm.s32 $0x0;
	[sflag:s21] =	ssyncadd.s32 $0xFFFFE000  }
0xce: {  	[tilespmem:s13], [sflag:$0x5] =	stream.linear.gather [hbm4b:s30+s31], $0x1400, $0x38;
	[tilespmem:$0x1E400] =	vst v63  }
0xcf: {  	_ =	swait.ge [sflag:s11], $0x1400  }
0xd0: {  	[sflag:s11] =	ssyncset.done $0x0  }
0xd1: {  	s26 =	sadd.s32 $0x780, s8;
	[sflag:s11] =	ssyncadd.s32 $0xFFFFEC00  }
0xd2: {  	[tilespmem:s14], [sflag:$0x5] =	stream.linear.gather [hbm4b:s26+s31], $0x1400, $0x38;
	[tilespmem:$0x1E400] =	vst v63  }
0xd3: {  	_ =	swait.ge [sflag:s11], $0x1400  }
0xd4: {  	[sflag:s11] =	ssyncset.done $0x0  }
0xd5: {  	s28 =	simm.s32 $0x13C00;
	[sflag:s11] =	ssyncadd.s32 $0xFFFFEC00  }
0xd6: {  	[tilespmem:s16], [sflag:$0x1] =	stream.indirect.gather [spmem:s2], $0x40, s28, s15, $0xb8;
	[tilespmem:$0x1E400] =	vst v63  }
0xd7: {  	s29 =	simm.s32 $0x13C80  }
0xd8: {  	[tilespmem:s17], [sflag:$0x2] =	stream.indirect.gather [spmem:s2], $0x40, s29, s15, $0xb8;
	[tilespmem:$0x1E400] =	vst v63  }
0xd9: {  	_ =	swait.ge [sflag:s18], $0x2000  }
0xda: {  	[sflag:s18] =	ssyncset.done $0x0  }
0xdb: {  	s30 =	simm.s32 $0x15000;
	[sflag:s18] =	ssyncadd.s32 $0xFFFFE000  }
0xdc: {  	[spmem:s3] =	stream.indirect.scatter.add.f32 [tilespmem:s16], [sflag:$0x3], $0x40, s30, s15, $0xb8;
	[tilespmem:$0x1E400] =	vst v63  }
0xdd: {  	_ =	swait.ge [sflag:s19], $0x2000  }
0xde: {  	[sflag:s19] =	ssyncset.done $0x0  }
0xdf: {  	s31 =	simm.s32 $0x15080;
	[sflag:s19] =	ssyncadd.s32 $0xFFFFE000  }
0xe0: {  	[spmem:s3] =	stream.indirect.scatter.add.f32 [tilespmem:s17], [sflag:$0x4], $0x40, s31, s15, $0xb8;
	[tilespmem:$0x1E400] =	vst v63  }
0xe1: {  	_ =	swait.ge [sflag:s20], $0x2000  }
0xe2: {  	[sflag:s20] =	ssyncset.done $0x0  }
0xe3: {  	[sflag:s20] =	ssyncadd.s32 $0xFFFFE000  }
0xe4: {  	_ =	swait.ge [sflag:s21], $0x2000  }
0xe5: {  	s24 =	simm.s32 $0x100;
	s25 =	simm.s32 $0x800;
	[sflag:s21] =	ssyncset.done $0x0  }
.LBB2_8:
0xe6: {  	s26 =	sadd.s32 $0x13C00, s24  }
0xe7: {  	[sflag:s21] =	ssyncadd.s32 $0xFFFFE000;
	s28 =	smov.u32 s25;
	s29 =	sadd.s32 $0x400, s25  }
0xe8: {  	[tilespmem:s16], [sflag:$0x1] =	stream.indirect.gather [spmem:s2], $0x40, s26, s15, $0xb8;
	[tilespmem:$0x1E400] =	vst v63  }
0xe9: {  	p0 =	sne.s32 s25, $0x4C00;
	s25 =	sadd.s32 $0x13C80, s24  }
0xea: {  	[tilespmem:s17], [sflag:$0x2] =	stream.indirect.gather [spmem:s2], $0x40, s25, s15, $0xb8;
	[tilespmem:$0x1E400] =	vst v63  }
0xeb: {  	_ =	swait.ge [sflag:s18], $0x2000  }
0xec: {  	[sflag:s18] =	ssyncset.done $0x0  }
0xed: {  	s25 =	sadd.s32 $0x15000, s24;
	[sflag:s18] =	ssyncadd.s32 $0xFFFFE000  }
0xee: {  	[spmem:s3] =	stream.indirect.scatter.add.f32 [tilespmem:s16], [sflag:$0x3], $0x40, s25, s15, $0xb8;
	[tilespmem:$0x1E400] =	vst v63  }
0xef: {  	_ =	swait.ge [sflag:s19], $0x2000  }
0xf0: {  	[sflag:s19] =	ssyncset.done $0x0  }
0xf1: {  	s24 =	sadd.s32 $0x15080, s24;
	[sflag:s19] =	ssyncadd.s32 $0xFFFFE000  }
0xf2: {  	[spmem:s3] =	stream.indirect.scatter.add.f32 [tilespmem:s17], [sflag:$0x4], $0x40, s24, s15, $0xb8;
	[tilespmem:$0x1E400] =	vst v63  }
.Ltmp3:
0xf3: {  	_ =	swait.ge [sflag:s20], $0x2000;
	(pc) =	sbr.rel @p0 .LBB2_8-.Ltmp3, $4  }
0xf4: {  	[sflag:s20] =	ssyncset.done $0x0  }
0xf5: {  	[sflag:s20] =	ssyncadd.s32 $0xFFFFE000  }
0xf6: {  	_ =	swait.ge [sflag:s21], $0x2000  }
0xf7: {  	s25 =	smov.u32 s29;
	s24 =	sshra.s32 s28, $0x2;
	[sflag:s21] =	ssyncset.done $0x0  }
0xf8: {  	s25 =	sadd.s32 $0x13C00, s24;
	[sflag:s21] =	ssyncadd.s32 $0xFFFFE000  }
0xf9: {  	[tilespmem:s16], [sflag:$0x1] =	stream.indirect.gather [spmem:s2], $0x40, s25, s15, $0xb8;
	[tilespmem:$0x1E400] =	vst v63  }
0xfa: {  	s29 =	sadd.s32 $0x13C80, s24  }
0xfb: {  	[tilespmem:s17], [sflag:$0x2] =	stream.indirect.gather [spmem:s2], $0x40, s29, s15, $0xb8;
	[tilespmem:$0x1E400] =	vst v63  }
0xfc: {  	_ =	swait.ge [sflag:s18], $0x2000  }
0xfd: {  	[sflag:s18] =	ssyncset.done $0x0  }
0xfe: {  	s30 =	sadd.s32 $0x15000, s24;
	[sflag:s18] =	ssyncadd.s32 $0xFFFFE000  }
0xff: {  	[spmem:s3] =	stream.indirect.scatter.add.f32 [tilespmem:s16], [sflag:$0x3], $0x40, s30, s15, $0xb8;
	[tilespmem:$0x1E400] =	vst v63  }
0x100: {  	_ =	swait.ge [sflag:s19], $0x2000  }
0x101: {  	[sflag:s19] =	ssyncset.done $0x0  }
0x102: {  	s31 =	sadd.s32 $0x15080, s24;
	[sflag:s19] =	ssyncadd.s32 $0xFFFFE000  }
0x103: {  	[spmem:s3] =	stream.indirect.scatter.add.f32 [tilespmem:s17], [sflag:$0x4], $0x40, s31, s15, $0xb8;
	[tilespmem:$0x1E400] =	vst v63  }
0x104: {  	_ =	swait.ge [sflag:s20], $0x2000  }
0x105: {  	[sflag:s20] =	ssyncset.done $0x0  }
0x106: {  	[sflag:s20] =	ssyncadd.s32 $0xFFFFE000  }
0x107: {  	_ =	swait.ge [sflag:s21], $0x2000  }
0x108: {  	s23 =	sadd.s32 $0x1, s23;
	[sflag:s21] =	ssyncset.done $0x0  }
0x109: {  	p0 =	sne.s32 s23, s9;
	[sflag:s21] =	ssyncadd.s32 $0xFFFFE000  }
.Ltmp4:
0x10a: {  	[bflag:$0x0] =	sbarrier.arrive $0xFFFF;
	(pc) =	sbr.rel @p0 .LBB2_1-.Ltmp4, $4  }
0x10b: {  	[hbm:s22], [sflag:s6] =	dma.local [spmem:s12], $0x2780  }
0x10c: {  	_ =	swait.ge [sflag:s11], $0x2780  }
0x10d: {  	[sflag:s11] =	ssyncset.done $0x0  }
0x10e: {  	[sflag:s11] =	ssyncadd.s32 $0xFFFFD880  }
0x10f: {  	_ =	sfence.sel $0x180000  }
0x110: {  	[bflag:$0x0] =	sbarrier.arrive $0xFFFF  }
0x111: {  	p0 =	sne.s32 s0, $0x0;
	_ =	strace $0x90000047  }
0x112: {  	s0 =	sadd.s32 @!p0 $0x100000, s1;
	[bflag:$0x2] =	sbarrier.arrive $0xFFFF  }
0x113: {  	[sflag:s0] =	ssyncadd.tile.s32 @!p0 $0x1;
	_ =	shalt  }
.Lfunc_end2:
_tile_overlayer_lowered:
.L_overlay_start_2:
0x114: {  	(tag) =	ssettag $0x2  }
0x115: {  	s0 =	rddreg [dreg:$0x0];
	s2 =	stileid.u32  }
0x116: {  	s1 =	rddreg [dreg:$0x1];
	p0 =	sne.s32 s2, $0x0  }
0x117: {  	s3 =	rddreg [dreg:$0x2];
	[bflag:$0x3] =	sbarrier.arrive $0xFFFF;
	s2 =	simm.s32 @!p0 $0x1C05  }
0x118: {  	[timem:s3], [sflag:s2] =	dma.local @!p0 [hbm:s0], s1  }
0x119: {  	s0 =	simm.s32 @!p0 $0x5  }
0x11a: {  	_ =	swait.ge @!p0 [sflag:s0], s1  }
0x11b: {  	s1 =	ssub.s32 @!p0 $0x0, s1;
	[sflag:s0] =	ssyncset.done @!p0 $0x0  }
0x11c: {  	[sflag:s0] =	ssyncadd.s32 @!p0 s1  }
0x11d: {  	[bflag:$0x3] =	sbarrier.arrive $0xFFFF  }
0x11e: {  	_ =	shalt  }

</sc_bundles>
